<compile_context>
chip_gen: v7x
topology: tpu7x:2x2x1
jax: 0.10.2.dev20260603
libtpu: 0.0.44.dev20260713+nightly
codegen_flags: <defaults>
</compile_context>

<pallas_src>
import jax
import jax.numpy as jnp
from jax import lax
from jax.experimental import pallas as pl
from jax.experimental.pallas import tpu as pltpu
from jax.experimental.pallas import tpu_sc as plsc

_B, _C, _H, _W = 64, 768, 24, 24
_NC, _NS = 2, 16
_NW = _NC * _NS
_BATCH_PER_W = _B // _NW
_HCHUNK = 2
_NCHUNK_B = _H // _HCHUNK
_NT = _BATCH_PER_W * _NCHUNK_B
_NB = 3
_NTRIPLE = _NT // _NB
_NVPAIR = _C // 32


def _sc_body(y_hbm, out_hbm, buf0, buf1, buf2, si0, si1, si2, so0, so1, so2):
    wid = lax.axis_index("s") * _NC + lax.axis_index("c")
    b0 = wid * _BATCH_PER_W
    bufs = (buf0, buf1, buf2)
    isems = (si0, si1, si2)
    osems = (so0, so1, so2)

    def chunk_slice(ref, t):
        b = b0 + t // _NCHUNK_B
        h0 = (t % _NCHUNK_B) * _HCHUNK
        return ref.at[b, pl.ds(h0, _HCHUNK)]

    def rev_rows(buf):
        def row(r, carry):
            i = r // _W
            k = r % _W
            for v in range(_NVPAIR):
                lo = pl.ds(16 * v, 16)
                hi = pl.ds(_C - 16 * (v + 1), 16)
                a = buf[i, k, lo]
                z = buf[i, k, hi]
                buf[i, k, lo] = lax.rev(z, (0,))
                buf[i, k, hi] = lax.rev(a, (0,))
            return carry

        lax.fori_loop(0, _HCHUNK * _W, row, 0)

    def triple(p, carry):
        for q in range(_NB):
            t = _NB * p + q

            @pl.when(p >= 1)
            def _():
                pltpu.make_async_copy(
                    bufs[q], chunk_slice(out_hbm, t - _NB), osems[q]
                ).wait()

            pltpu.async_copy(chunk_slice(y_hbm, t), bufs[q], isems[q])
        for q in range(_NB):
            t = _NB * p + q
            pltpu.make_async_copy(
                chunk_slice(y_hbm, t), bufs[q], isems[q]
            ).wait()
            rev_rows(bufs[q])
            pltpu.async_copy(bufs[q], chunk_slice(out_hbm, t), osems[q])
        return carry

    lax.fori_loop(0, _NTRIPLE, triple, 0)
    for q in range(_NB):
        t = _NT - _NB + q
        pltpu.make_async_copy(
            bufs[q], chunk_slice(out_hbm, t), osems[q]
        ).wait()


def kernel(input):
    y = input.transpose(0, 2, 3, 1)
    run = pl.kernel(
        _sc_body,
        out_type=jax.ShapeDtypeStruct((_B, _H, _W, _C), jnp.float32),
        mesh=plsc.VectorSubcoreMesh(core_axis_name="c", subcore_axis_name="s"),
        scratch_types=[
            pltpu.VMEM((_HCHUNK, _W, _C), jnp.float32),
            pltpu.VMEM((_HCHUNK, _W, _C), jnp.float32),
            pltpu.VMEM((_HCHUNK, _W, _C), jnp.float32),
            pltpu.SemaphoreType.DMA,
            pltpu.SemaphoreType.DMA,
            pltpu.SemaphoreType.DMA,
            pltpu.SemaphoreType.DMA,
            pltpu.SemaphoreType.DMA,
            pltpu.SemaphoreType.DMA,
        ],
    )
    out = run(y)
    return out.transpose(0, 3, 1, 2)

# --- scband reference (transcript-rebuilt; emitter-appended) ---
"""Pipeline reference for scband-permute2d-90477781057990 (READ-ONLY COPY).

The authoritative reference and input builder live on the scoring server;
editing this copy changes nothing except your own understanding.
"""

import jax, jax.numpy as jnp
import numpy as np

NUM_CHANNELS = 768

def setup_inputs(seed: int = 0) -> dict:
    key = jax.random.key(seed)
    x = jax.random.normal(key, (64, NUM_CHANNELS, 24, 24), dtype=jnp.float32)
    return {"input": x}

def reference(input):
    # Permute2d with shuffle=False: indices = arange(C-1, -1, -1) (channel reversal)
    # forward (reverse=False) gathers channels by `indices`.
    assert input.ndim == 4, 'Input must be 4D'
    C = input.shape[1]
    indices = jnp.arange(C - 1, -1, -1, dtype=jnp.int32)
    return jnp.take(input, indices, axis=1)

if __name__ == "__main__":
    import jax
    _d = setup_inputs()
    print(jax.jit(kernel)(*tuple(_d.values())))

</pallas_src>

<mosaic_0001>
#map = affine_map<(d0, d1) -> (0, 0, 0, 0)>
module attributes {stable_mosaic.version = 14 : i64} {
  func.func @_sc_body(%arg0: i32, %arg1: i32, %arg2: memref<64x24x24x768xf32, #tpu.memory_space<hbm>>, %arg3: memref<64x24x24x768xf32, #tpu.memory_space<hbm>>, %arg4: memref<2x24x768xf32, #tpu.memory_space<vmem>>, %arg5: memref<2x24x768xf32, #tpu.memory_space<vmem>>, %arg6: memref<2x24x768xf32, #tpu.memory_space<vmem>>, %arg7: memref<!tpu.dma_semaphore, #tpu.memory_space<semaphore_mem>>, %arg8: memref<!tpu.dma_semaphore, #tpu.memory_space<semaphore_mem>>, %arg9: memref<!tpu.dma_semaphore, #tpu.memory_space<semaphore_mem>>, %arg10: memref<!tpu.dma_semaphore, #tpu.memory_space<semaphore_mem>>, %arg11: memref<!tpu.dma_semaphore, #tpu.memory_space<semaphore_mem>>, %arg12: memref<!tpu.dma_semaphore, #tpu.memory_space<semaphore_mem>>) attributes {dimension_semantics = [#tpu.dimension_semantics<core_parallel>, #tpu.dimension_semantics<subcore_parallel>], iteration_bounds = array<i64: 2, 16>, scalar_prefetch = 0 : i64, scratch_operands = 9 : i64, tpu.core_type = #tpu.core_type<sc_vector_subcore>, window_params = [{transform_indices = #map}, {transform_indices = #map}]} {
    %mul3A = arith.constant 2 : i32
    %mul3A_0 = arith.muli %arg1, %mul3A : i32
    %add3A = arith.addi %mul3A_0, %arg0 : i32
    %mul3A_1 = arith.constant 2 : i32
    %mul3A_2 = arith.muli %add3A, %mul3A_1 : i32
    %scan3A = arith.constant 0 : i32
    %scan3A_3 = arith.constant 0 : i32
    %scan3A_4 = arith.constant 8 : i32
    %scan3A_5 = arith.addi %scan3A_3, %scan3A_4 : i32
    %scan3A_6 = arith.constant 1 : i32
    scf.for %scan3A_43 = %scan3A_3 to %scan3A_5 step %scan3A_6  : i32 {
      %mul3A_44 = arith.constant 3 : i32
      %mul3A_45 = arith.muli %mul3A_44, %scan3A_43 : i32
      %add3A_46 = arith.constant 0 : i32
      %add3A_47 = arith.addi %mul3A_45, %add3A_46 : i32
      %ge3A = arith.constant 1 : i32
      %ge3A_48 = arith.cmpi sge, %scan3A_43, %ge3A : i32
      %convert_element_type3A = arith.extui %ge3A_48 : i1 to i32
      %cond3A = arith.constant 0 : i32
      %cond3A_49 = arith.cmpi ne, %convert_element_type3A, %cond3A : i32
      scf.if %cond3A_49 {
        %sub3A_546 = arith.constant 3 : i32
        %sub3A_547 = arith.subi %add3A_47, %sub3A_546 : i32
        %jit3A_548 = arith.constant 12 : i32
        %div3A_549 = arith.divsi %sub3A_547, %jit3A_548 : i32
        %sign3A_550 = arith.constant 0 : i32
        %sign3A_551 = arith.cmpi sgt, %sub3A_547, %sign3A_550 : i32
        %sign3A_552 = arith.extui %sign3A_551 : i1 to i32
        %sign3A_553 = arith.constant 0 : i32
        %sign3A_554 = arith.cmpi slt, %sub3A_547, %sign3A_553 : i32
        %sign3A_555 = arith.extui %sign3A_554 : i1 to i32
        %sign3A_556 = arith.subi %sign3A_552, %sign3A_555 : i32
        %sign3A_557 = arith.constant 0 : i32
        %sign3A_558 = arith.cmpi sgt, %jit3A_548, %sign3A_557 : i32
        %sign3A_559 = arith.extui %sign3A_558 : i1 to i32
        %sign3A_560 = arith.constant 0 : i32
        %sign3A_561 = arith.cmpi slt, %jit3A_548, %sign3A_560 : i32
        %sign3A_562 = arith.extui %sign3A_561 : i1 to i32
        %sign3A_563 = arith.subi %sign3A_559, %sign3A_562 : i32
        %ne3A_564 = arith.cmpi ne, %sign3A_556, %sign3A_563 : i32
        %rem3A_565 = arith.remsi %sub3A_547, %jit3A_548 : i32
        %ne3A_566 = arith.constant 0 : i32
        %ne3A_567 = arith.cmpi ne, %rem3A_565, %ne3A_566 : i32
        %and3A_568 = arith.andi %ne3A_564, %ne3A_567 : i1
        %sub3A_569 = arith.constant 1 : i32
        %sub3A_570 = arith.subi %div3A_549, %sub3A_569 : i32
        %select_n3A_571 = arith.select %and3A_568, %sub3A_570, %div3A_549 : i32
        %add3A_572 = arith.addi %mul3A_2, %select_n3A_571 : i32
        %jit3A_573 = arith.constant 12 : i32
        %eq3A_574 = arith.constant 0 : i32
        %eq3A_575 = arith.cmpi eq, %jit3A_573, %eq3A_574 : i32
        %jit3A_576 = arith.constant 1 : i32
        %select_n3A_577 = arith.select %eq3A_575, %jit3A_576, %jit3A_573 : i32
        %rem3A_578 = arith.remsi %sub3A_547, %select_n3A_577 : i32
        %ne3A_579 = arith.constant 0 : i32
        %ne3A_580 = arith.cmpi ne, %rem3A_578, %ne3A_579 : i32
        %lt3A_581 = arith.constant 0 : i32
        %lt3A_582 = arith.cmpi slt, %rem3A_578, %lt3A_581 : i32
        %lt3A_583 = arith.constant 0 : i32
        %lt3A_584 = arith.cmpi slt, %select_n3A_577, %lt3A_583 : i32
        %ne3A_585 = arith.xori %lt3A_582, %lt3A_584 : i1
        %and3A_586 = arith.andi %ne3A_585, %ne3A_580 : i1
        %add3A_587 = arith.addi %rem3A_578, %select_n3A_577 : i32
        %select_n3A_588 = arith.select %and3A_586, %add3A_587, %rem3A_578 : i32
        %mul3A_589 = arith.constant 2 : i32
        %mul3A_590 = arith.muli %select_n3A_588, %mul3A_589 : i32
        %dma_wait3A_591 = arith.constant 0 : i32
        %dma_wait3A_592 = arith.constant 0 : i32
        %dma_wait3A_593 = tpu.memref_slice %arg3[%add3A_572, %mul3A_590, %dma_wait3A_591, %dma_wait3A_592] : memref<64x24x24x768xf32, #tpu.memory_space<hbm>> -> memref<1x2x24x768xf32, #tpu.memory_space<hbm>>
        %dma_wait3A_594 = tpu.memref_squeeze %dma_wait3A_593 : memref<1x2x24x768xf32, #tpu.memory_space<hbm>> -> memref<2x24x768xf32, #tpu.memory_space<hbm>>
        %dma_wait3A_595 = arith.constant 0 : i32
        %dma_wait3A_596 = arith.constant 0 : i32
        %dma_wait3A_597 = tpu.memref_slice %arg3[%add3A_572, %mul3A_590, %dma_wait3A_595, %dma_wait3A_596] : memref<64x24x24x768xf32, #tpu.memory_space<hbm>> -> memref<1x2x24x768xf32, #tpu.memory_space<hbm>>
        %dma_wait3A_598 = tpu.memref_squeeze %dma_wait3A_597 : memref<1x2x24x768xf32, #tpu.memory_space<hbm>> -> memref<2x24x768xf32, #tpu.memory_space<hbm>>
        tpu.wait_dma2 semaphore(%arg10 : memref<!tpu.dma_semaphore, #tpu.memory_space<semaphore_mem>>) src(%arg4 : memref<2x24x768xf32, #tpu.memory_space<vmem>>) dst(%dma_wait3A_598 : memref<2x24x768xf32, #tpu.memory_space<hbm>>)
      } else {
      }
      %jit3A = arith.constant 12 : i32
      %div3A = arith.divsi %add3A_47, %jit3A : i32
      %sign3A = arith.constant 0 : i32
      %sign3A_50 = arith.cmpi sgt, %add3A_47, %sign3A : i32
      %sign3A_51 = arith.extui %sign3A_50 : i1 to i32
      %sign3A_52 = arith.constant 0 : i32
      %sign3A_53 = arith.cmpi slt, %add3A_47, %sign3A_52 : i32
      %sign3A_54 = arith.extui %sign3A_53 : i1 to i32
      %sign3A_55 = arith.subi %sign3A_51, %sign3A_54 : i32
      %sign3A_56 = arith.constant 0 : i32
      %sign3A_57 = arith.cmpi sgt, %jit3A, %sign3A_56 : i32
      %sign3A_58 = arith.extui %sign3A_57 : i1 to i32
      %sign3A_59 = arith.constant 0 : i32
      %sign3A_60 = arith.cmpi slt, %jit3A, %sign3A_59 : i32
      %sign3A_61 = arith.extui %sign3A_60 : i1 to i32
      %sign3A_62 = arith.subi %sign3A_58, %sign3A_61 : i32
      %ne3A = arith.cmpi ne, %sign3A_55, %sign3A_62 : i32
      %rem3A = arith.remsi %add3A_47, %jit3A : i32
      %ne3A_63 = arith.constant 0 : i32
      %ne3A_64 = arith.cmpi ne, %rem3A, %ne3A_63 : i32
      %and3A = arith.andi %ne3A, %ne3A_64 : i1
      %sub3A = arith.constant 1 : i32
      %sub3A_65 = arith.subi %div3A, %sub3A : i32
      %select_n3A = arith.select %and3A, %sub3A_65, %div3A : i32
      %add3A_66 = arith.addi %mul3A_2, %select_n3A : i32
      %jit3A_67 = arith.constant 12 : i32
      %eq3A = arith.constant 0 : i32
      %eq3A_68 = arith.cmpi eq, %jit3A_67, %eq3A : i32
      %jit3A_69 = arith.constant 1 : i32
      %select_n3A_70 = arith.select %eq3A_68, %jit3A_69, %jit3A_67 : i32
      %rem3A_71 = arith.remsi %add3A_47, %select_n3A_70 : i32
      %ne3A_72 = arith.constant 0 : i32
      %ne3A_73 = arith.cmpi ne, %rem3A_71, %ne3A_72 : i32
      %lt3A = arith.constant 0 : i32
      %lt3A_74 = arith.cmpi slt, %rem3A_71, %lt3A : i32
      %lt3A_75 = arith.constant 0 : i32
      %lt3A_76 = arith.cmpi slt, %select_n3A_70, %lt3A_75 : i32
      %ne3A_77 = arith.xori %lt3A_74, %lt3A_76 : i1
      %and3A_78 = arith.andi %ne3A_77, %ne3A_73 : i1
      %add3A_79 = arith.addi %rem3A_71, %select_n3A_70 : i32
      %select_n3A_80 = arith.select %and3A_78, %add3A_79, %rem3A_71 : i32
      %mul3A_81 = arith.constant 2 : i32
      %mul3A_82 = arith.muli %select_n3A_80, %mul3A_81 : i32
      %dma_start3A = arith.constant 0 : i32
      %dma_start3A_83 = arith.constant 0 : i32
      %dma_start3A_84 = tpu.memref_slice %arg2[%add3A_66, %mul3A_82, %dma_start3A, %dma_start3A_83] : memref<64x24x24x768xf32, #tpu.memory_space<hbm>> -> memref<1x2x24x768xf32, #tpu.memory_space<hbm>>
      %dma_start3A_85 = tpu.memref_squeeze %dma_start3A_84 : memref<1x2x24x768xf32, #tpu.memory_space<hbm>> -> memref<2x24x768xf32, #tpu.memory_space<hbm>>
      %dma_start3A_86 = arith.constant 0 : i32
      %dma_start3A_87 = arith.constant 0 : i32
      %dma_start3A_88 = tpu.memref_slice %arg2[%add3A_66, %mul3A_82, %dma_start3A_86, %dma_start3A_87] : memref<64x24x24x768xf32, #tpu.memory_space<hbm>> -> memref<1x2x24x768xf32, #tpu.memory_space<hbm>>
      %dma_start3A_89 = tpu.memref_squeeze %dma_start3A_88 : memref<1x2x24x768xf32, #tpu.memory_space<hbm>> -> memref<2x24x768xf32, #tpu.memory_space<hbm>>
      tpu.enqueue_dma source(%dma_start3A_89 : memref<2x24x768xf32, #tpu.memory_space<hbm>>) target(%arg4 : memref<2x24x768xf32, #tpu.memory_space<vmem>>) target_semaphore(%arg7 : memref<!tpu.dma_semaphore, #tpu.memory_space<semaphore_mem>>)
      %mul3A_90 = arith.constant 3 : i32
      %mul3A_91 = arith.muli %mul3A_90, %scan3A_43 : i32
      %add3A_92 = arith.constant 1 : i32
      %add3A_93 = arith.addi %mul3A_91, %add3A_92 : i32
      %ge3A_94 = arith.constant 1 : i32
      %ge3A_95 = arith.cmpi sge, %scan3A_43, %ge3A_94 : i32
      %convert_element_type3A_96 = arith.extui %ge3A_95 : i1 to i32
      %cond3A_97 = arith.constant 0 : i32
      %cond3A_98 = arith.cmpi ne, %convert_element_type3A_96, %cond3A_97 : i32
      scf.if %cond3A_98 {
        %sub3A_546 = arith.constant 3 : i32
        %sub3A_547 = arith.subi %add3A_93, %sub3A_546 : i32
        %jit3A_548 = arith.constant 12 : i32
        %div3A_549 = arith.divsi %sub3A_547, %jit3A_548 : i32
        %sign3A_550 = arith.constant 0 : i32
        %sign3A_551 = arith.cmpi sgt, %sub3A_547, %sign3A_550 : i32
        %sign3A_552 = arith.extui %sign3A_551 : i1 to i32
        %sign3A_553 = arith.constant 0 : i32
        %sign3A_554 = arith.cmpi slt, %sub3A_547, %sign3A_553 : i32
        %sign3A_555 = arith.extui %sign3A_554 : i1 to i32
        %sign3A_556 = arith.subi %sign3A_552, %sign3A_555 : i32
        %sign3A_557 = arith.constant 0 : i32
        %sign3A_558 = arith.cmpi sgt, %jit3A_548, %sign3A_557 : i32
        %sign3A_559 = arith.extui %sign3A_558 : i1 to i32
        %sign3A_560 = arith.constant 0 : i32
        %sign3A_561 = arith.cmpi slt, %jit3A_548, %sign3A_560 : i32
        %sign3A_562 = arith.extui %sign3A_561 : i1 to i32
        %sign3A_563 = arith.subi %sign3A_559, %sign3A_562 : i32
        %ne3A_564 = arith.cmpi ne, %sign3A_556, %sign3A_563 : i32
        %rem3A_565 = arith.remsi %sub3A_547, %jit3A_548 : i32
        %ne3A_566 = arith.constant 0 : i32
        %ne3A_567 = arith.cmpi ne, %rem3A_565, %ne3A_566 : i32
        %and3A_568 = arith.andi %ne3A_564, %ne3A_567 : i1
        %sub3A_569 = arith.constant 1 : i32
        %sub3A_570 = arith.subi %div3A_549, %sub3A_569 : i32
        %select_n3A_571 = arith.select %and3A_568, %sub3A_570, %div3A_549 : i32
        %add3A_572 = arith.addi %mul3A_2, %select_n3A_571 : i32
        %jit3A_573 = arith.constant 12 : i32
        %eq3A_574 = arith.constant 0 : i32
        %eq3A_575 = arith.cmpi eq, %jit3A_573, %eq3A_574 : i32
        %jit3A_576 = arith.constant 1 : i32
        %select_n3A_577 = arith.select %eq3A_575, %jit3A_576, %jit3A_573 : i32
        %rem3A_578 = arith.remsi %sub3A_547, %select_n3A_577 : i32
        %ne3A_579 = arith.constant 0 : i32
        %ne3A_580 = arith.cmpi ne, %rem3A_578, %ne3A_579 : i32
        %lt3A_581 = arith.constant 0 : i32
        %lt3A_582 = arith.cmpi slt, %rem3A_578, %lt3A_581 : i32
        %lt3A_583 = arith.constant 0 : i32
        %lt3A_584 = arith.cmpi slt, %select_n3A_577, %lt3A_583 : i32
        %ne3A_585 = arith.xori %lt3A_582, %lt3A_584 : i1
        %and3A_586 = arith.andi %ne3A_585, %ne3A_580 : i1
        %add3A_587 = arith.addi %rem3A_578, %select_n3A_577 : i32
        %select_n3A_588 = arith.select %and3A_586, %add3A_587, %rem3A_578 : i32
        %mul3A_589 = arith.constant 2 : i32
        %mul3A_590 = arith.muli %select_n3A_588, %mul3A_589 : i32
        %dma_wait3A_591 = arith.constant 0 : i32
        %dma_wait3A_592 = arith.constant 0 : i32
        %dma_wait3A_593 = tpu.memref_slice %arg3[%add3A_572, %mul3A_590, %dma_wait3A_591, %dma_wait3A_592] : memref<64x24x24x768xf32, #tpu.memory_space<hbm>> -> memref<1x2x24x768xf32, #tpu.memory_space<hbm>>
        %dma_wait3A_594 = tpu.memref_squeeze %dma_wait3A_593 : memref<1x2x24x768xf32, #tpu.memory_space<hbm>> -> memref<2x24x768xf32, #tpu.memory_space<hbm>>
        %dma_wait3A_595 = arith.constant 0 : i32
        %dma_wait3A_596 = arith.constant 0 : i32
        %dma_wait3A_597 = tpu.memref_slice %arg3[%add3A_572, %mul3A_590, %dma_wait3A_595, %dma_wait3A_596] : memref<64x24x24x768xf32, #tpu.memory_space<hbm>> -> memref<1x2x24x768xf32, #tpu.memory_space<hbm>>
        %dma_wait3A_598 = tpu.memref_squeeze %dma_wait3A_597 : memref<1x2x24x768xf32, #tpu.memory_space<hbm>> -> memref<2x24x768xf32, #tpu.memory_space<hbm>>
        tpu.wait_dma2 semaphore(%arg11 : memref<!tpu.dma_semaphore, #tpu.memory_space<semaphore_mem>>) src(%arg5 : memref<2x24x768xf32, #tpu.memory_space<vmem>>) dst(%dma_wait3A_598 : memref<2x24x768xf32, #tpu.memory_space<hbm>>)
      } else {
      }
      %jit3A_99 = arith.constant 12 : i32
      %div3A_100 = arith.divsi %add3A_93, %jit3A_99 : i32
      %sign3A_101 = arith.constant 0 : i32
      %sign3A_102 = arith.cmpi sgt, %add3A_93, %sign3A_101 : i32
      %sign3A_103 = arith.extui %sign3A_102 : i1 to i32
      %sign3A_104 = arith.constant 0 : i32
      %sign3A_105 = arith.cmpi slt, %add3A_93, %sign3A_104 : i32
      %sign3A_106 = arith.extui %sign3A_105 : i1 to i32
      %sign3A_107 = arith.subi %sign3A_103, %sign3A_106 : i32
      %sign3A_108 = arith.constant 0 : i32
      %sign3A_109 = arith.cmpi sgt, %jit3A_99, %sign3A_108 : i32
      %sign3A_110 = arith.extui %sign3A_109 : i1 to i32
      %sign3A_111 = arith.constant 0 : i32
      %sign3A_112 = arith.cmpi slt, %jit3A_99, %sign3A_111 : i32
      %sign3A_113 = arith.extui %sign3A_112 : i1 to i32
      %sign3A_114 = arith.subi %sign3A_110, %sign3A_113 : i32
      %ne3A_115 = arith.cmpi ne, %sign3A_107, %sign3A_114 : i32
      %rem3A_116 = arith.remsi %add3A_93, %jit3A_99 : i32
      %ne3A_117 = arith.constant 0 : i32
      %ne3A_118 = arith.cmpi ne, %rem3A_116, %ne3A_117 : i32
      %and3A_119 = arith.andi %ne3A_115, %ne3A_118 : i1
      %sub3A_120 = arith.constant 1 : i32
      %sub3A_121 = arith.subi %div3A_100, %sub3A_120 : i32
      %select_n3A_122 = arith.select %and3A_119, %sub3A_121, %div3A_100 : i32
      %add3A_123 = arith.addi %mul3A_2, %select_n3A_122 : i32
      %jit3A_124 = arith.constant 12 : i32
      %eq3A_125 = arith.constant 0 : i32
      %eq3A_126 = arith.cmpi eq, %jit3A_124, %eq3A_125 : i32
      %jit3A_127 = arith.constant 1 : i32
      %select_n3A_128 = arith.select %eq3A_126, %jit3A_127, %jit3A_124 : i32
      %rem3A_129 = arith.remsi %add3A_93, %select_n3A_128 : i32
      %ne3A_130 = arith.constant 0 : i32
      %ne3A_131 = arith.cmpi ne, %rem3A_129, %ne3A_130 : i32
      %lt3A_132 = arith.constant 0 : i32
      %lt3A_133 = arith.cmpi slt, %rem3A_129, %lt3A_132 : i32
      %lt3A_134 = arith.constant 0 : i32
      %lt3A_135 = arith.cmpi slt, %select_n3A_128, %lt3A_134 : i32
      %ne3A_136 = arith.xori %lt3A_133, %lt3A_135 : i1
      %and3A_137 = arith.andi %ne3A_136, %ne3A_131 : i1
      %add3A_138 = arith.addi %rem3A_129, %select_n3A_128 : i32
      %select_n3A_139 = arith.select %and3A_137, %add3A_138, %rem3A_129 : i32
      %mul3A_140 = arith.constant 2 : i32
      %mul3A_141 = arith.muli %select_n3A_139, %mul3A_140 : i32
      %dma_start3A_142 = arith.constant 0 : i32
      %dma_start3A_143 = arith.constant 0 : i32
      %dma_start3A_144 = tpu.memref_slice %arg2[%add3A_123, %mul3A_141, %dma_start3A_142, %dma_start3A_143] : memref<64x24x24x768xf32, #tpu.memory_space<hbm>> -> memref<1x2x24x768xf32, #tpu.memory_space<hbm>>
      %dma_start3A_145 = tpu.memref_squeeze %dma_start3A_144 : memref<1x2x24x768xf32, #tpu.memory_space<hbm>> -> memref<2x24x768xf32, #tpu.memory_space<hbm>>
      %dma_start3A_146 = arith.constant 0 : i32
      %dma_start3A_147 = arith.constant 0 : i32
      %dma_start3A_148 = tpu.memref_slice %arg2[%add3A_123, %mul3A_141, %dma_start3A_146, %dma_start3A_147] : memref<64x24x24x768xf32, #tpu.memory_space<hbm>> -> memref<1x2x24x768xf32, #tpu.memory_space<hbm>>
      %dma_start3A_149 = tpu.memref_squeeze %dma_start3A_148 : memref<1x2x24x768xf32, #tpu.memory_space<hbm>> -> memref<2x24x768xf32, #tpu.memory_space<hbm>>
      tpu.enqueue_dma source(%dma_start3A_149 : memref<2x24x768xf32, #tpu.memory_space<hbm>>) target(%arg5 : memref<2x24x768xf32, #tpu.memory_space<vmem>>) target_semaphore(%arg8 : memref<!tpu.dma_semaphore, #tpu.memory_space<semaphore_mem>>)
      %mul3A_150 = arith.constant 3 : i32
      %mul3A_151 = arith.muli %mul3A_150, %scan3A_43 : i32
      %add3A_152 = arith.constant 2 : i32
      %add3A_153 = arith.addi %mul3A_151, %add3A_152 : i32
      %ge3A_154 = arith.constant 1 : i32
      %ge3A_155 = arith.cmpi sge, %scan3A_43, %ge3A_154 : i32
      %convert_element_type3A_156 = arith.extui %ge3A_155 : i1 to i32
      %cond3A_157 = arith.constant 0 : i32
      %cond3A_158 = arith.cmpi ne, %convert_element_type3A_156, %cond3A_157 : i32
      scf.if %cond3A_158 {
        %sub3A_546 = arith.constant 3 : i32
        %sub3A_547 = arith.subi %add3A_153, %sub3A_546 : i32
        %jit3A_548 = arith.constant 12 : i32
        %div3A_549 = arith.divsi %sub3A_547, %jit3A_548 : i32
        %sign3A_550 = arith.constant 0 : i32
        %sign3A_551 = arith.cmpi sgt, %sub3A_547, %sign3A_550 : i32
        %sign3A_552 = arith.extui %sign3A_551 : i1 to i32
        %sign3A_553 = arith.constant 0 : i32
        %sign3A_554 = arith.cmpi slt, %sub3A_547, %sign3A_553 : i32
        %sign3A_555 = arith.extui %sign3A_554 : i1 to i32
        %sign3A_556 = arith.subi %sign3A_552, %sign3A_555 : i32
        %sign3A_557 = arith.constant 0 : i32
        %sign3A_558 = arith.cmpi sgt, %jit3A_548, %sign3A_557 : i32
        %sign3A_559 = arith.extui %sign3A_558 : i1 to i32
        %sign3A_560 = arith.constant 0 : i32
        %sign3A_561 = arith.cmpi slt, %jit3A_548, %sign3A_560 : i32
        %sign3A_562 = arith.extui %sign3A_561 : i1 to i32
        %sign3A_563 = arith.subi %sign3A_559, %sign3A_562 : i32
        %ne3A_564 = arith.cmpi ne, %sign3A_556, %sign3A_563 : i32
        %rem3A_565 = arith.remsi %sub3A_547, %jit3A_548 : i32
        %ne3A_566 = arith.constant 0 : i32
        %ne3A_567 = arith.cmpi ne, %rem3A_565, %ne3A_566 : i32
        %and3A_568 = arith.andi %ne3A_564, %ne3A_567 : i1
        %sub3A_569 = arith.constant 1 : i32
        %sub3A_570 = arith.subi %div3A_549, %sub3A_569 : i32
        %select_n3A_571 = arith.select %and3A_568, %sub3A_570, %div3A_549 : i32
        %add3A_572 = arith.addi %mul3A_2, %select_n3A_571 : i32
        %jit3A_573 = arith.constant 12 : i32
        %eq3A_574 = arith.constant 0 : i32
        %eq3A_575 = arith.cmpi eq, %jit3A_573, %eq3A_574 : i32
        %jit3A_576 = arith.constant 1 : i32
        %select_n3A_577 = arith.select %eq3A_575, %jit3A_576, %jit3A_573 : i32
        %rem3A_578 = arith.remsi %sub3A_547, %select_n3A_577 : i32
        %ne3A_579 = arith.constant 0 : i32
        %ne3A_580 = arith.cmpi ne, %rem3A_578, %ne3A_579 : i32
        %lt3A_581 = arith.constant 0 : i32
        %lt3A_582 = arith.cmpi slt, %rem3A_578, %lt3A_581 : i32
        %lt3A_583 = arith.constant 0 : i32
        %lt3A_584 = arith.cmpi slt, %select_n3A_577, %lt3A_583 : i32
        %ne3A_585 = arith.xori %lt3A_582, %lt3A_584 : i1
        %and3A_586 = arith.andi %ne3A_585, %ne3A_580 : i1
        %add3A_587 = arith.addi %rem3A_578, %select_n3A_577 : i32
        %select_n3A_588 = arith.select %and3A_586, %add3A_587, %rem3A_578 : i32
        %mul3A_589 = arith.constant 2 : i32
        %mul3A_590 = arith.muli %select_n3A_588, %mul3A_589 : i32
        %dma_wait3A_591 = arith.constant 0 : i32
        %dma_wait3A_592 = arith.constant 0 : i32
        %dma_wait3A_593 = tpu.memref_slice %arg3[%add3A_572, %mul3A_590, %dma_wait3A_591, %dma_wait3A_592] : memref<64x24x24x768xf32, #tpu.memory_space<hbm>> -> memref<1x2x24x768xf32, #tpu.memory_space<hbm>>
        %dma_wait3A_594 = tpu.memref_squeeze %dma_wait3A_593 : memref<1x2x24x768xf32, #tpu.memory_space<hbm>> -> memref<2x24x768xf32, #tpu.memory_space<hbm>>
        %dma_wait3A_595 = arith.constant 0 : i32
        %dma_wait3A_596 = arith.constant 0 : i32
        %dma_wait3A_597 = tpu.memref_slice %arg3[%add3A_572, %mul3A_590, %dma_wait3A_595, %dma_wait3A_596] : memref<64x24x24x768xf32, #tpu.memory_space<hbm>> -> memref<1x2x24x768xf32, #tpu.memory_space<hbm>>
        %dma_wait3A_598 = tpu.memref_squeeze %dma_wait3A_597 : memref<1x2x24x768xf32, #tpu.memory_space<hbm>> -> memref<2x24x768xf32, #tpu.memory_space<hbm>>
        tpu.wait_dma2 semaphore(%arg12 : memref<!tpu.dma_semaphore, #tpu.memory_space<semaphore_mem>>) src(%arg6 : memref<2x24x768xf32, #tpu.memory_space<vmem>>) dst(%dma_wait3A_598 : memref<2x24x768xf32, #tpu.memory_space<hbm>>)
      } else {
      }
      %jit3A_159 = arith.constant 12 : i32
      %div3A_160 = arith.divsi %add3A_153, %jit3A_159 : i32
      %sign3A_161 = arith.constant 0 : i32
      %sign3A_162 = arith.cmpi sgt, %add3A_153, %sign3A_161 : i32
      %sign3A_163 = arith.extui %sign3A_162 : i1 to i32
      %sign3A_164 = arith.constant 0 : i32
      %sign3A_165 = arith.cmpi slt, %add3A_153, %sign3A_164 : i32
      %sign3A_166 = arith.extui %sign3A_165 : i1 to i32
      %sign3A_167 = arith.subi %sign3A_163, %sign3A_166 : i32
      %sign3A_168 = arith.constant 0 : i32
      %sign3A_169 = arith.cmpi sgt, %jit3A_159, %sign3A_168 : i32
      %sign3A_170 = arith.extui %sign3A_169 : i1 to i32
      %sign3A_171 = arith.constant 0 : i32
      %sign3A_172 = arith.cmpi slt, %jit3A_159, %sign3A_171 : i32
      %sign3A_173 = arith.extui %sign3A_172 : i1 to i32
      %sign3A_174 = arith.subi %sign3A_170, %sign3A_173 : i32
      %ne3A_175 = arith.cmpi ne, %sign3A_167, %sign3A_174 : i32
      %rem3A_176 = arith.remsi %add3A_153, %jit3A_159 : i32
      %ne3A_177 = arith.constant 0 : i32
      %ne3A_178 = arith.cmpi ne, %rem3A_176, %ne3A_177 : i32
      %and3A_179 = arith.andi %ne3A_175, %ne3A_178 : i1
      %sub3A_180 = arith.constant 1 : i32
      %sub3A_181 = arith.subi %div3A_160, %sub3A_180 : i32
      %select_n3A_182 = arith.select %and3A_179, %sub3A_181, %div3A_160 : i32
      %add3A_183 = arith.addi %mul3A_2, %select_n3A_182 : i32
      %jit3A_184 = arith.constant 12 : i32
      %eq3A_185 = arith.constant 0 : i32
      %eq3A_186 = arith.cmpi eq, %jit3A_184, %eq3A_185 : i32
      %jit3A_187 = arith.constant 1 : i32
      %select_n3A_188 = arith.select %eq3A_186, %jit3A_187, %jit3A_184 : i32
      %rem3A_189 = arith.remsi %add3A_153, %select_n3A_188 : i32
      %ne3A_190 = arith.constant 0 : i32
      %ne3A_191 = arith.cmpi ne, %rem3A_189, %ne3A_190 : i32
      %lt3A_192 = arith.constant 0 : i32
      %lt3A_193 = arith.cmpi slt, %rem3A_189, %lt3A_192 : i32
      %lt3A_194 = arith.constant 0 : i32
      %lt3A_195 = arith.cmpi slt, %select_n3A_188, %lt3A_194 : i32
      %ne3A_196 = arith.xori %lt3A_193, %lt3A_195 : i1
      %and3A_197 = arith.andi %ne3A_196, %ne3A_191 : i1
      %add3A_198 = arith.addi %rem3A_189, %select_n3A_188 : i32
      %select_n3A_199 = arith.select %and3A_197, %add3A_198, %rem3A_189 : i32
      %mul3A_200 = arith.constant 2 : i32
      %mul3A_201 = arith.muli %select_n3A_199, %mul3A_200 : i32
      %dma_start3A_202 = arith.constant 0 : i32
      %dma_start3A_203 = arith.constant 0 : i32
      %dma_start3A_204 = tpu.memref_slice %arg2[%add3A_183, %mul3A_201, %dma_start3A_202, %dma_start3A_203] : memref<64x24x24x768xf32, #tpu.memory_space<hbm>> -> memref<1x2x24x768xf32, #tpu.memory_space<hbm>>
      %dma_start3A_205 = tpu.memref_squeeze %dma_start3A_204 : memref<1x2x24x768xf32, #tpu.memory_space<hbm>> -> memref<2x24x768xf32, #tpu.memory_space<hbm>>
      %dma_start3A_206 = arith.constant 0 : i32
      %dma_start3A_207 = arith.constant 0 : i32
      %dma_start3A_208 = tpu.memref_slice %arg2[%add3A_183, %mul3A_201, %dma_start3A_206, %dma_start3A_207] : memref<64x24x24x768xf32, #tpu.memory_space<hbm>> -> memref<1x2x24x768xf32, #tpu.memory_space<hbm>>
      %dma_start3A_209 = tpu.memref_squeeze %dma_start3A_208 : memref<1x2x24x768xf32, #tpu.memory_space<hbm>> -> memref<2x24x768xf32, #tpu.memory_space<hbm>>
      tpu.enqueue_dma source(%dma_start3A_209 : memref<2x24x768xf32, #tpu.memory_space<hbm>>) target(%arg6 : memref<2x24x768xf32, #tpu.memory_space<vmem>>) target_semaphore(%arg9 : memref<!tpu.dma_semaphore, #tpu.memory_space<semaphore_mem>>)
      %mul3A_210 = arith.constant 3 : i32
      %mul3A_211 = arith.muli %mul3A_210, %scan3A_43 : i32
      %add3A_212 = arith.constant 0 : i32
      %add3A_213 = arith.addi %mul3A_211, %add3A_212 : i32
      %jit3A_214 = arith.constant 12 : i32
      %div3A_215 = arith.divsi %add3A_213, %jit3A_214 : i32
      %sign3A_216 = arith.constant 0 : i32
      %sign3A_217 = arith.cmpi sgt, %add3A_213, %sign3A_216 : i32
      %sign3A_218 = arith.extui %sign3A_217 : i1 to i32
      %sign3A_219 = arith.constant 0 : i32
      %sign3A_220 = arith.cmpi slt, %add3A_213, %sign3A_219 : i32
      %sign3A_221 = arith.extui %sign3A_220 : i1 to i32
      %sign3A_222 = arith.subi %sign3A_218, %sign3A_221 : i32
      %sign3A_223 = arith.constant 0 : i32
      %sign3A_224 = arith.cmpi sgt, %jit3A_214, %sign3A_223 : i32
      %sign3A_225 = arith.extui %sign3A_224 : i1 to i32
      %sign3A_226 = arith.constant 0 : i32
      %sign3A_227 = arith.cmpi slt, %jit3A_214, %sign3A_226 : i32
      %sign3A_228 = arith.extui %sign3A_227 : i1 to i32
      %sign3A_229 = arith.subi %sign3A_225, %sign3A_228 : i32
      %ne3A_230 = arith.cmpi ne, %sign3A_222, %sign3A_229 : i32
      %rem3A_231 = arith.remsi %add3A_213, %jit3A_214 : i32
      %ne3A_232 = arith.constant 0 : i32
      %ne3A_233 = arith.cmpi ne, %rem3A_231, %ne3A_232 : i32
      %and3A_234 = arith.andi %ne3A_230, %ne3A_233 : i1
      %sub3A_235 = arith.constant 1 : i32
      %sub3A_236 = arith.subi %div3A_215, %sub3A_235 : i32
      %select_n3A_237 = arith.select %and3A_234, %sub3A_236, %div3A_215 : i32
      %add3A_238 = arith.addi %mul3A_2, %select_n3A_237 : i32
      %jit3A_239 = arith.constant 12 : i32
      %eq3A_240 = arith.constant 0 : i32
      %eq3A_241 = arith.cmpi eq, %jit3A_239, %eq3A_240 : i32
      %jit3A_242 = arith.constant 1 : i32
      %select_n3A_243 = arith.select %eq3A_241, %jit3A_242, %jit3A_239 : i32
      %rem3A_244 = arith.remsi %add3A_213, %select_n3A_243 : i32
      %ne3A_245 = arith.constant 0 : i32
      %ne3A_246 = arith.cmpi ne, %rem3A_244, %ne3A_245 : i32
      %lt3A_247 = arith.constant 0 : i32
      %lt3A_248 = arith.cmpi slt, %rem3A_244, %lt3A_247 : i32
      %lt3A_249 = arith.constant 0 : i32
      %lt3A_250 = arith.cmpi slt, %select_n3A_243, %lt3A_249 : i32
      %ne3A_251 = arith.xori %lt3A_248, %lt3A_250 : i1
      %and3A_252 = arith.andi %ne3A_251, %ne3A_246 : i1
      %add3A_253 = arith.addi %rem3A_244, %select_n3A_243 : i32
      %select_n3A_254 = arith.select %and3A_252, %add3A_253, %rem3A_244 : i32
      %mul3A_255 = arith.constant 2 : i32
      %mul3A_256 = arith.muli %select_n3A_254, %mul3A_255 : i32
      %dma_wait3A_257 = arith.constant 0 : i32
      %dma_wait3A_258 = arith.constant 0 : i32
      %dma_wait3A_259 = tpu.memref_slice %arg2[%add3A_238, %mul3A_256, %dma_wait3A_257, %dma_wait3A_258] : memref<64x24x24x768xf32, #tpu.memory_space<hbm>> -> memref<1x2x24x768xf32, #tpu.memory_space<hbm>>
      %dma_wait3A_260 = tpu.memref_squeeze %dma_wait3A_259 : memref<1x2x24x768xf32, #tpu.memory_space<hbm>> -> memref<2x24x768xf32, #tpu.memory_space<hbm>>
      %dma_wait3A_261 = arith.constant 0 : i32
      %dma_wait3A_262 = arith.constant 0 : i32
      %dma_wait3A_263 = tpu.memref_slice %arg2[%add3A_238, %mul3A_256, %dma_wait3A_261, %dma_wait3A_262] : memref<64x24x24x768xf32, #tpu.memory_space<hbm>> -> memref<1x2x24x768xf32, #tpu.memory_space<hbm>>
      %dma_wait3A_264 = tpu.memref_squeeze %dma_wait3A_263 : memref<1x2x24x768xf32, #tpu.memory_space<hbm>> -> memref<2x24x768xf32, #tpu.memory_space<hbm>>
      tpu.wait_dma2 semaphore(%arg7 : memref<!tpu.dma_semaphore, #tpu.memory_space<semaphore_mem>>) src(%dma_wait3A_264 : memref<2x24x768xf32, #tpu.memory_space<hbm>>) dst(%arg4 : memref<2x24x768xf32, #tpu.memory_space<vmem>>)
      %scan3A_265 = arith.constant 0 : i32
      %scan3A_266 = arith.constant 0 : i32
      %scan3A_267 = arith.constant 48 : i32
      %scan3A_268 = arith.addi %scan3A_266, %scan3A_267 : i32
      %scan3A_269 = arith.constant 1 : i32
      scf.for %scan3A_546 = %scan3A_266 to %scan3A_268 step %scan3A_269  : i32 {
        %jit3A_547 = arith.constant 24 : i32
        %div3A_548 = arith.divsi %scan3A_546, %jit3A_547 : i32
        %sign3A_549 = arith.constant 0 : i32
        %sign3A_550 = arith.cmpi sgt, %scan3A_546, %sign3A_549 : i32
        %sign3A_551 = arith.extui %sign3A_550 : i1 to i32
        %sign3A_552 = arith.constant 0 : i32
        %sign3A_553 = arith.cmpi slt, %scan3A_546, %sign3A_552 : i32
        %sign3A_554 = arith.extui %sign3A_553 : i1 to i32
        %sign3A_555 = arith.subi %sign3A_551, %sign3A_554 : i32
        %sign3A_556 = arith.constant 0 : i32
        %sign3A_557 = arith.cmpi sgt, %jit3A_547, %sign3A_556 : i32
        %sign3A_558 = arith.extui %sign3A_557 : i1 to i32
        %sign3A_559 = arith.constant 0 : i32
        %sign3A_560 = arith.cmpi slt, %jit3A_547, %sign3A_559 : i32
        %sign3A_561 = arith.extui %sign3A_560 : i1 to i32
        %sign3A_562 = arith.subi %sign3A_558, %sign3A_561 : i32
        %ne3A_563 = arith.cmpi ne, %sign3A_555, %sign3A_562 : i32
        %rem3A_564 = arith.remsi %scan3A_546, %jit3A_547 : i32
        %ne3A_565 = arith.constant 0 : i32
        %ne3A_566 = arith.cmpi ne, %rem3A_564, %ne3A_565 : i32
        %and3A_567 = arith.andi %ne3A_563, %ne3A_566 : i1
        %sub3A_568 = arith.constant 1 : i32
        %sub3A_569 = arith.subi %div3A_548, %sub3A_568 : i32
        %select_n3A_570 = arith.select %and3A_567, %sub3A_569, %div3A_548 : i32
        %jit3A_571 = arith.constant 24 : i32
        %eq3A_572 = arith.constant 0 : i32
        %eq3A_573 = arith.cmpi eq, %jit3A_571, %eq3A_572 : i32
        %jit3A_574 = arith.constant 1 : i32
        %select_n3A_575 = arith.select %eq3A_573, %jit3A_574, %jit3A_571 : i32
        %rem3A_576 = arith.remsi %scan3A_546, %select_n3A_575 : i32
        %ne3A_577 = arith.constant 0 : i32
        %ne3A_578 = arith.cmpi ne, %rem3A_576, %ne3A_577 : i32
        %lt3A_579 = arith.constant 0 : i32
        %lt3A_580 = arith.cmpi slt, %rem3A_576, %lt3A_579 : i32
        %lt3A_581 = arith.constant 0 : i32
        %lt3A_582 = arith.cmpi slt, %select_n3A_575, %lt3A_581 : i32
        %ne3A_583 = arith.xori %lt3A_580, %lt3A_582 : i1
        %and3A_584 = arith.andi %ne3A_583, %ne3A_578 : i1
        %add3A_585 = arith.addi %rem3A_576, %select_n3A_575 : i32
        %select_n3A_586 = arith.select %and3A_584, %add3A_585, %rem3A_576 : i32
        %get3A = arith.index_cast %select_n3A_570 : i32 to index
        %get3A_587 = arith.index_cast %select_n3A_586 : i32 to index
        %get3A_588 = arith.constant 0 : index
        %get3A_589 = tpu.vector_load %arg4[%get3A, %get3A_587, %get3A_588] {strides = array<i32>} : memref<2x24x768xf32, #tpu.memory_space<vmem>>, vector<1x1x16xf32>,
        %get3A_590 = vector.shape_cast %get3A_589 : vector<1x1x16xf32> to vector<16xf32>
        %get3A_591 = arith.index_cast %select_n3A_570 : i32 to index
        %get3A_592 = arith.index_cast %select_n3A_586 : i32 to index
        %get3A_593 = arith.constant 752 : index
        %get3A_594 = tpu.vector_load %arg4[%get3A_591, %get3A_592, %get3A_593] {strides = array<i32>} : memref<2x24x768xf32, #tpu.memory_space<vmem>>, vector<1x1x16xf32>,
        %get3A_595 = vector.shape_cast %get3A_594 : vector<1x1x16xf32> to vector<16xf32>
        %rev3A = arith.constant 15 : i32
        %rev3A_596 = vector.broadcast %rev3A : i32 to vector<16xi32>
        %rev3A_597 = tpu.iota {dimensions = array<i32: 0>} : vector<16xi32>
        %rev3A_598 = arith.subi %rev3A_596, %rev3A_597 : vector<16xi32>
        %rev3A_599 = tpu.dynamic_gather %get3A_595[%rev3A_598] in [0] : vector<16xf32>, vector<16xi32> -> vector<16xf32>
        %swap3A = arith.index_cast %select_n3A_570 : i32 to index
        %swap3A_600 = arith.index_cast %select_n3A_586 : i32 to index
        %swap3A_601 = arith.constant 0 : index
        %swap3A_602 = tpu.vector_load %arg4[%swap3A, %swap3A_600, %swap3A_601] {strides = array<i32>} : memref<2x24x768xf32, #tpu.memory_space<vmem>>, vector<1x1x16xf32>,
        %swap3A_603 = vector.shape_cast %swap3A_602 : vector<1x1x16xf32> to vector<16xf32>
        %swap3A_604 = vector.shape_cast %rev3A_599 : vector<16xf32> to vector<1x1x16xf32>
        tpu.vector_store %arg4[%swap3A, %swap3A_600, %swap3A_601], %swap3A_604 {strides = array<i32>} : memref<2x24x768xf32, #tpu.memory_space<vmem>>, vector<1x1x16xf32>,
        %rev3A_605 = arith.constant 15 : i32
        %rev3A_606 = vector.broadcast %rev3A_605 : i32 to vector<16xi32>
        %rev3A_607 = tpu.iota {dimensions = array<i32: 0>} : vector<16xi32>
        %rev3A_608 = arith.subi %rev3A_606, %rev3A_607 : vector<16xi32>
        %rev3A_609 = tpu.dynamic_gather %get3A_590[%rev3A_608] in [0] : vector<16xf32>, vector<16xi32> -> vector<16xf32>
        %swap3A_610 = arith.index_cast %select_n3A_570 : i32 to index
        %swap3A_611 = arith.index_cast %select_n3A_586 : i32 to index
        %swap3A_612 = arith.constant 752 : index
        %swap3A_613 = tpu.vector_load %arg4[%swap3A_610, %swap3A_611, %swap3A_612] {strides = array<i32>} : memref<2x24x768xf32, #tpu.memory_space<vmem>>, vector<1x1x16xf32>,
        %swap3A_614 = vector.shape_cast %swap3A_613 : vector<1x1x16xf32> to vector<16xf32>
        %swap3A_615 = vector.shape_cast %rev3A_609 : vector<16xf32> to vector<1x1x16xf32>
        tpu.vector_store %arg4[%swap3A_610, %swap3A_611, %swap3A_612], %swap3A_615 {strides = array<i32>} : memref<2x24x768xf32, #tpu.memory_space<vmem>>, vector<1x1x16xf32>,
        %get3A_616 = arith.index_cast %select_n3A_570 : i32 to index
        %get3A_617 = arith.index_cast %select_n3A_586 : i32 to index
        %get3A_618 = arith.constant 16 : index
        %get3A_619 = tpu.vector_load %arg4[%get3A_616, %get3A_617, %get3A_618] {strides = array<i32>} : memref<2x24x768xf32, #tpu.memory_space<vmem>>, vector<1x1x16xf32>,
        %get3A_620 = vector.shape_cast %get3A_619 : vector<1x1x16xf32> to vector<16xf32>
        %get3A_621 = arith.index_cast %select_n3A_570 : i32 to index
        %get3A_622 = arith.index_cast %select_n3A_586 : i32 to index
        %get3A_623 = arith.constant 736 : index
        %get3A_624 = tpu.vector_load %arg4[%get3A_621, %get3A_622, %get3A_623] {strides = array<i32>} : memref<2x24x768xf32, #tpu.memory_space<vmem>>, vector<1x1x16xf32>,
        %get3A_625 = vector.shape_cast %get3A_624 : vector<1x1x16xf32> to vector<16xf32>
        %rev3A_626 = arith.constant 15 : i32
        %rev3A_627 = vector.broadcast %rev3A_626 : i32 to vector<16xi32>
        %rev3A_628 = tpu.iota {dimensions = array<i32: 0>} : vector<16xi32>
        %rev3A_629 = arith.subi %rev3A_627, %rev3A_628 : vector<16xi32>
        %rev3A_630 = tpu.dynamic_gather %get3A_625[%rev3A_629] in [0] : vector<16xf32>, vector<16xi32> -> vector<16xf32>
        %swap3A_631 = arith.index_cast %select_n3A_570 : i32 to index
        %swap3A_632 = arith.index_cast %select_n3A_586 : i32 to index
        %swap3A_633 = arith.constant 16 : index
        %swap3A_634 = tpu.vector_load %arg4[%swap3A_631, %swap3A_632, %swap3A_633] {strides = array<i32>} : memref<2x24x768xf32, #tpu.memory_space<vmem>>, vector<1x1x16xf32>,
        %swap3A_635 = vector.shape_cast %swap3A_634 : vector<1x1x16xf32> to vector<16xf32>
        %swap3A_636 = vector.shape_cast %rev3A_630 : vector<16xf32> to vector<1x1x16xf32>
        tpu.vector_store %arg4[%swap3A_631, %swap3A_632, %swap3A_633], %swap3A_636 {strides = array<i32>} : memref<2x24x768xf32, #tpu.memory_space<vmem>>, vector<1x1x16xf32>,
        %rev3A_637 = arith.constant 15 : i32
        %rev3A_638 = vector.broadcast %rev3A_637 : i32 to vector<16xi32>
        %rev3A_639 = tpu.iota {dimensions = array<i32: 0>} : vector<16xi32>
        %rev3A_640 = arith.subi %rev3A_638, %rev3A_639 : vector<16xi32>
        %rev3A_641 = tpu.dynamic_gather %get3A_620[%rev3A_640] in [0] : vector<16xf32>, vector<16xi32> -> vector<16xf32>
        %swap3A_642 = arith.index_cast %select_n3A_570 : i32 to index
        %swap3A_643 = arith.index_cast %select_n3A_586 : i32 to index
        %swap3A_644 = arith.constant 736 : index
        %swap3A_645 = tpu.vector_load %arg4[%swap3A_642, %swap3A_643, %swap3A_644] {strides = array<i32>} : memref<2x24x768xf32, #tpu.memory_space<vmem>>, vector<1x1x16xf32>,
        %swap3A_646 = vector.shape_cast %swap3A_645 : vector<1x1x16xf32> to vector<16xf32>
        %swap3A_647 = vector.shape_cast %rev3A_641 : vector<16xf32> to vector<1x1x16xf32>
        tpu.vector_store %arg4[%swap3A_642, %swap3A_643, %swap3A_644], %swap3A_647 {strides = array<i32>} : memref<2x24x768xf32, #tpu.memory_space<vmem>>, vector<1x1x16xf32>,
        %get3A_648 = arith.index_cast %select_n3A_570 : i32 to index
        %get3A_649 = arith.index_cast %select_n3A_586 : i32 to index
        %get3A_650 = arith.constant 32 : index
        %get3A_651 = tpu.vector_load %arg4[%get3A_648, %get3A_649, %get3A_650] {strides = array<i32>} : memref<2x24x768xf32, #tpu.memory_space<vmem>>, vector<1x1x16xf32>,
        %get3A_652 = vector.shape_cast %get3A_651 : vector<1x1x16xf32> to vector<16xf32>
        %get3A_653 = arith.index_cast %select_n3A_570 : i32 to index
        %get3A_654 = arith.index_cast %select_n3A_586 : i32 to index
        %get3A_655 = arith.constant 720 : index
        %get3A_656 = tpu.vector_load %arg4[%get3A_653, %get3A_654, %get3A_655] {strides = array<i32>} : memref<2x24x768xf32, #tpu.memory_space<vmem>>, vector<1x1x16xf32>,
        %get3A_657 = vector.shape_cast %get3A_656 : vector<1x1x16xf32> to vector<16xf32>
        %rev3A_658 = arith.constant 15 : i32
        %rev3A_659 = vector.broadcast %rev3A_658 : i32 to vector<16xi32>
        %rev3A_660 = tpu.iota {dimensions = array<i32: 0>} : vector<16xi32>
        %rev3A_661 = arith.subi %rev3A_659, %rev3A_660 : vector<16xi32>
        %rev3A_662 = tpu.dynamic_gather %get3A_657[%rev3A_661] in [0] : vector<16xf32>, vector<16xi32> -> vector<16xf32>
        %swap3A_663 = arith.index_cast %select_n3A_570 : i32 to index
        %swap3A_664 = arith.index_cast %select_n3A_586 : i32 to index
        %swap3A_665 = arith.constant 32 : index
        %swap3A_666 = tpu.vector_load %arg4[%swap3A_663, %swap3A_664, %swap3A_665] {strides = array<i32>} : memref<2x24x768xf32, #tpu.memory_space<vmem>>, vector<1x1x16xf32>,
        %swap3A_667 = vector.shape_cast %swap3A_666 : vector<1x1x16xf32> to vector<16xf32>
        %swap3A_668 = vector.shape_cast %rev3A_662 : vector<16xf32> to vector<1x1x16xf32>
        tpu.vector_store %arg4[%swap3A_663, %swap3A_664, %swap3A_665], %swap3A_668 {strides = array<i32>} : memref<2x24x768xf32, #tpu.memory_space<vmem>>, vector<1x1x16xf32>,
        %rev3A_669 = arith.constant 15 : i32
        %rev3A_670 = vector.broadcast %rev3A_669 : i32 to vector<16xi32>
        %rev3A_671 = tpu.iota {dimensions = array<i32: 0>} : vector<16xi32>
        %rev3A_672 = arith.subi %rev3A_670, %rev3A_671 : vector<16xi32>
        %rev3A_673 = tpu.dynamic_gather %get3A_652[%rev3A_672] in [0] : vector<16xf32>, vector<16xi32> -> vector<16xf32>
        %swap3A_674 = arith.index_cast %select_n3A_570 : i32 to index
        %swap3A_675 = arith.index_cast %select_n3A_586 : i32 to index
        %swap3A_676 = arith.constant 720 : index
        %swap3A_677 = tpu.vector_load %arg4[%swap3A_674, %swap3A_675, %swap3A_676] {strides = array<i32>} : memref<2x24x768xf32, #tpu.memory_space<vmem>>, vector<1x1x16xf32>,
        %swap3A_678 = vector.shape_cast %swap3A_677 : vector<1x1x16xf32> to vector<16xf32>
        %swap3A_679 = vector.shape_cast %rev3A_673 : vector<16xf32> to vector<1x1x16xf32>
        tpu.vector_store %arg4[%swap3A_674, %swap3A_675, %swap3A_676], %swap3A_679 {strides = array<i32>} : memref<2x24x768xf32, #tpu.memory_space<vmem>>, vector<1x1x16xf32>,
        %get3A_680 = arith.index_cast %select_n3A_570 : i32 to index
        %get3A_681 = arith.index_cast %select_n3A_586 : i32 to index
        %get3A_682 = arith.constant 48 : index
        %get3A_683 = tpu.vector_load %arg4[%get3A_680, %get3A_681, %get3A_682] {strides = array<i32>} : memref<2x24x768xf32, #tpu.memory_space<vmem>>, vector<1x1x16xf32>,
        %get3A_684 = vector.shape_cast %get3A_683 : vector<1x1x16xf32> to vector<16xf32>
        %get3A_685 = arith.index_cast %select_n3A_570 : i32 to index
        %get3A_686 = arith.index_cast %select_n3A_586 : i32 to index
        %get3A_687 = arith.constant 704 : index
        %get3A_688 = tpu.vector_load %arg4[%get3A_685, %get3A_686, %get3A_687] {strides = array<i32>} : memref<2x24x768xf32, #tpu.memory_space<vmem>>, vector<1x1x16xf32>,
        %get3A_689 = vector.shape_cast %get3A_688 : vector<1x1x16xf32> to vector<16xf32>
        %rev3A_690 = arith.constant 15 : i32
        %rev3A_691 = vector.broadcast %rev3A_690 : i32 to vector<16xi32>
        %rev3A_692 = tpu.iota {dimensions = array<i32: 0>} : vector<16xi32>
        %rev3A_693 = arith.subi %rev3A_691, %rev3A_692 : vector<16xi32>
        %rev3A_694 = tpu.dynamic_gather %get3A_689[%rev3A_693] in [0] : vector<16xf32>, vector<16xi32> -> vector<16xf32>
        %swap3A_695 = arith.index_cast %select_n3A_570 : i32 to index
        %swap3A_696 = arith.index_cast %select_n3A_586 : i32 to index
        %swap3A_697 = arith.constant 48 : index
        %swap3A_698 = tpu.vector_load %arg4[%swap3A_695, %swap3A_696, %swap3A_697] {strides = array<i32>} : memref<2x24x768xf32, #tpu.memory_space<vmem>>, vector<1x1x16xf32>,
        %swap3A_699 = vector.shape_cast %swap3A_698 : vector<1x1x16xf32> to vector<16xf32>
        %swap3A_700 = vector.shape_cast %rev3A_694 : vector<16xf32> to vector<1x1x16xf32>
        tpu.vector_store %arg4[%swap3A_695, %swap3A_696, %swap3A_697], %swap3A_700 {strides = array<i32>} : memref<2x24x768xf32, #tpu.memory_space<vmem>>, vector<1x1x16xf32>,
        %rev3A_701 = arith.constant 15 : i32
        %rev3A_702 = vector.broadcast %rev3A_701 : i32 to vector<16xi32>
        %rev3A_703 = tpu.iota {dimensions = array<i32: 0>} : vector<16xi32>
        %rev3A_704 = arith.subi %rev3A_702, %rev3A_703 : vector<16xi32>
        %rev3A_705 = tpu.dynamic_gather %get3A_684[%rev3A_704] in [0] : vector<16xf32>, vector<16xi32> -> vector<16xf32>
        %swap3A_706 = arith.index_cast %select_n3A_570 : i32 to index
        %swap3A_707 = arith.index_cast %select_n3A_586 : i32 to index
        %swap3A_708 = arith.constant 704 : index
        %swap3A_709 = tpu.vector_load %arg4[%swap3A_706, %swap3A_707, %swap3A_708] {strides = array<i32>} : memref<2x24x768xf32, #tpu.memory_space<vmem>>, vector<1x1x16xf32>,
        %swap3A_710 = vector.shape_cast %swap3A_709 : vector<1x1x16xf32> to vector<16xf32>
        %swap3A_711 = vector.shape_cast %rev3A_705 : vector<16xf32> to vector<1x1x16xf32>
        tpu.vector_store %arg4[%swap3A_706, %swap3A_707, %swap3A_708], %swap3A_711 {strides = array<i32>} : memref<2x24x768xf32, #tpu.memory_space<vmem>>, vector<1x1x16xf32>,
        %get3A_712 = arith.index_cast %select_n3A_570 : i32 to index
        %get3A_713 = arith.index_cast %select_n3A_586 : i32 to index
        %get3A_714 = arith.constant 64 : index
        %get3A_715 = tpu.vector_load %arg4[%get3A_712, %get3A_713, %get3A_714] {strides = array<i32>} : memref<2x24x768xf32, #tpu.memory_space<vmem>>, vector<1x1x16xf32>,
        %get3A_716 = vector.shape_cast %get3A_715 : vector<1x1x16xf32> to vector<16xf32>
        %get3A_717 = arith.index_cast %select_n3A_570 : i32 to index
        %get3A_718 = arith.index_cast %select_n3A_586 : i32 to index
        %get3A_719 = arith.constant 688 : index
        %get3A_720 = tpu.vector_load %arg4[%get3A_717, %get3A_718, %get3A_719] {strides = array<i32>} : memref<2x24x768xf32, #tpu.memory_space<vmem>>, vector<1x1x16xf32>,
        %get3A_721 = vector.shape_cast %get3A_720 : vector<1x1x16xf32> to vector<16xf32>
        %rev3A_722 = arith.constant 15 : i32
        %rev3A_723 = vector.broadcast %rev3A_722 : i32 to vector<16xi32>
        %rev3A_724 = tpu.iota {dimensions = array<i32: 0>} : vector<16xi32>
        %rev3A_725 = arith.subi %rev3A_723, %rev3A_724 : vector<16xi32>
        %rev3A_726 = tpu.dynamic_gather %get3A_721[%rev3A_725] in [0] : vector<16xf32>, vector<16xi32> -> vector<16xf32>
        %swap3A_727 = arith.index_cast %select_n3A_570 : i32 to index
        %swap3A_728 = arith.index_cast %select_n3A_586 : i32 to index
        %swap3A_729 = arith.constant 64 : index
        %swap3A_730 = tpu.vector_load %arg4[%swap3A_727, %swap3A_728, %swap3A_729] {strides = array<i32>} : memref<2x24x768xf32, #tpu.memory_space<vmem>>, vector<1x1x16xf32>,
        %swap3A_731 = vector.shape_cast %swap3A_730 : vector<1x1x16xf32> to vector<16xf32>
        %swap3A_732 = vector.shape_cast %rev3A_726 : vector<16xf32> to vector<1x1x16xf32>
        tpu.vector_store %arg4[%swap3A_727, %swap3A_728, %swap3A_729], %swap3A_732 {strides = array<i32>} : memref<2x24x768xf32, #tpu.memory_space<vmem>>, vector<1x1x16xf32>,
        %rev3A_733 = arith.constant 15 : i32
        %rev3A_734 = vector.broadcast %rev3A_733 : i32 to vector<16xi32>
        %rev3A_735 = tpu.iota {dimensions = array<i32: 0>} : vector<16xi32>
        %rev3A_736 = arith.subi %rev3A_734, %rev3A_735 : vector<16xi32>
        %rev3A_737 = tpu.dynamic_gather %get3A_716[%rev3A_736] in [0] : vector<16xf32>, vector<16xi32> -> vector<16xf32>
        %swap3A_738 = arith.index_cast %select_n3A_570 : i32 to index
        %swap3A_739 = arith.index_cast %select_n3A_586 : i32 to index
        %swap3A_740 = arith.constant 688 : index
        %swap3A_741 = tpu.vector_load %arg4[%swap3A_738, %swap3A_739, %swap3A_740] {strides = array<i32>} : memref<2x24x768xf32, #tpu.memory_space<vmem>>, vector<1x1x16xf32>,
        %swap3A_742 = vector.shape_cast %swap3A_741 : vector<1x1x16xf32> to vector<16xf32>
        %swap3A_743 = vector.shape_cast %rev3A_737 : vector<16xf32> to vector<1x1x16xf32>
        tpu.vector_store %arg4[%swap3A_738, %swap3A_739, %swap3A_740], %swap3A_743 {strides = array<i32>} : memref<2x24x768xf32, #tpu.memory_space<vmem>>, vector<1x1x16xf32>,
        %get3A_744 = arith.index_cast %select_n3A_570 : i32 to index
        %get3A_745 = arith.index_cast %select_n3A_586 : i32 to index
        %get3A_746 = arith.constant 80 : index
        %get3A_747 = tpu.vector_load %arg4[%get3A_744, %get3A_745, %get3A_746] {strides = array<i32>} : memref<2x24x768xf32, #tpu.memory_space<vmem>>, vector<1x1x16xf32>,
        %get3A_748 = vector.shape_cast %get3A_747 : vector<1x1x16xf32> to vector<16xf32>
        %get3A_749 = arith.index_cast %select_n3A_570 : i32 to index
        %get3A_750 = arith.index_cast %select_n3A_586 : i32 to index
        %get3A_751 = arith.constant 672 : index
        %get3A_752 = tpu.vector_load %arg4[%get3A_749, %get3A_750, %get3A_751] {strides = array<i32>} : memref<2x24x768xf32, #tpu.memory_space<vmem>>, vector<1x1x16xf32>,
        %get3A_753 = vector.shape_cast %get3A_752 : vector<1x1x16xf32> to vector<16xf32>
        %rev3A_754 = arith.constant 15 : i32
        %rev3A_755 = vector.broadcast %rev3A_754 : i32 to vector<16xi32>
        %rev3A_756 = tpu.iota {dimensions = array<i32: 0>} : vector<16xi32>
        %rev3A_757 = arith.subi %rev3A_755, %rev3A_756 : vector<16xi32>
        %rev3A_758 = tpu.dynamic_gather %get3A_753[%rev3A_757] in [0] : vector<16xf32>, vector<16xi32> -> vector<16xf32>
        %swap3A_759 = arith.index_cast %select_n3A_570 : i32 to index
        %swap3A_760 = arith.index_cast %select_n3A_586 : i32 to index
        %swap3A_761 = arith.constant 80 : index
        %swap3A_762 = tpu.vector_load %arg4[%swap3A_759, %swap3A_760, %swap3A_761] {strides = array<i32>} : memref<2x24x768xf32, #tpu.memory_space<vmem>>, vector<1x1x16xf32>,
        %swap3A_763 = vector.shape_cast %swap3A_762 : vector<1x1x16xf32> to vector<16xf32>
        %swap3A_764 = vector.shape_cast %rev3A_758 : vector<16xf32> to vector<1x1x16xf32>
        tpu.vector_store %arg4[%swap3A_759, %swap3A_760, %swap3A_761], %swap3A_764 {strides = array<i32>} : memref<2x24x768xf32, #tpu.memory_space<vmem>>, vector<1x1x16xf32>,
        %rev3A_765 = arith.constant 15 : i32
        %rev3A_766 = vector.broadcast %rev3A_765 : i32 to vector<16xi32>
        %rev3A_767 = tpu.iota {dimensions = array<i32: 0>} : vector<16xi32>
        %rev3A_768 = arith.subi %rev3A_766, %rev3A_767 : vector<16xi32>
        %rev3A_769 = tpu.dynamic_gather %get3A_748[%rev3A_768] in [0] : vector<16xf32>, vector<16xi32> -> vector<16xf32>
        %swap3A_770 = arith.index_cast %select_n3A_570 : i32 to index
        %swap3A_771 = arith.index_cast %select_n3A_586 : i32 to index
        %swap3A_772 = arith.constant 672 : index
        %swap3A_773 = tpu.vector_load %arg4[%swap3A_770, %swap3A_771, %swap3A_772] {strides = array<i32>} : memref<2x24x768xf32, #tpu.memory_space<vmem>>, vector<1x1x16xf32>,
        %swap3A_774 = vector.shape_cast %swap3A_773 : vector<1x1x16xf32> to vector<16xf32>
        %swap3A_775 = vector.shape_cast %rev3A_769 : vector<16xf32> to vector<1x1x16xf32>
        tpu.vector_store %arg4[%swap3A_770, %swap3A_771, %swap3A_772], %swap3A_775 {strides = array<i32>} : memref<2x24x768xf32, #tpu.memory_space<vmem>>, vector<1x1x16xf32>,
        %get3A_776 = arith.index_cast %select_n3A_570 : i32 to index
        %get3A_777 = arith.index_cast %select_n3A_586 : i32 to index
        %get3A_778 = arith.constant 96 : index
        %get3A_779 = tpu.vector_load %arg4[%get3A_776, %get3A_777, %get3A_778] {strides = array<i32>} : memref<2x24x768xf32, #tpu.memory_space<vmem>>, vector<1x1x16xf32>,
        %get3A_780 = vector.shape_cast %get3A_779 : vector<1x1x16xf32> to vector<16xf32>
        %get3A_781 = arith.index_cast %select_n3A_570 : i32 to index
        %get3A_782 = arith.index_cast %select_n3A_586 : i32 to index
        %get3A_783 = arith.constant 656 : index
        %get3A_784 = tpu.vector_load %arg4[%get3A_781, %get3A_782, %get3A_783] {strides = array<i32>} : memref<2x24x768xf32, #tpu.memory_space<vmem>>, vector<1x1x16xf32>,
        %get3A_785 = vector.shape_cast %get3A_784 : vector<1x1x16xf32> to vector<16xf32>
        %rev3A_786 = arith.constant 15 : i32
        %rev3A_787 = vector.broadcast %rev3A_786 : i32 to vector<16xi32>
        %rev3A_788 = tpu.iota {dimensions = array<i32: 0>} : vector<16xi32>
        %rev3A_789 = arith.subi %rev3A_787, %rev3A_788 : vector<16xi32>
        %rev3A_790 = tpu.dynamic_gather %get3A_785[%rev3A_789] in [0] : vector<16xf32>, vector<16xi32> -> vector<16xf32>
        %swap3A_791 = arith.index_cast %select_n3A_570 : i32 to index
        %swap3A_792 = arith.index_cast %select_n3A_586 : i32 to index
        %swap3A_793 = arith.constant 96 : index
        %swap3A_794 = tpu.vector_load %arg4[%swap3A_791, %swap3A_792, %swap3A_793] {strides = array<i32>} : memref<2x24x768xf32, #tpu.memory_space<vmem>>, vector<1x1x16xf32>,
        %swap3A_795 = vector.shape_cast %swap3A_794 : vector<1x1x16xf32> to vector<16xf32>
        %swap3A_796 = vector.shape_cast %rev3A_790 : vector<16xf32> to vector<1x1x16xf32>
        tpu.vector_store %arg4[%swap3A_791, %swap3A_792, %swap3A_793], %swap3A_796 {strides = array<i32>} : memref<2x24x768xf32, #tpu.memory_space<vmem>>, vector<1x1x16xf32>,
        %rev3A_797 = arith.constant 15 : i32
        %rev3A_798 = vector.broadcast %rev3A_797 : i32 to vector<16xi32>
        %rev3A_799 = tpu.iota {dimensions = array<i32: 0>} : vector<16xi32>
        %rev3A_800 = arith.subi %rev3A_798, %rev3A_799 : vector<16xi32>
        %rev3A_801 = tpu.dynamic_gather %get3A_780[%rev3A_800] in [0] : vector<16xf32>, vector<16xi32> -> vector<16xf32>
        %swap3A_802 = arith.index_cast %select_n3A_570 : i32 to index
        %swap3A_803 = arith.index_cast %select_n3A_586 : i32 to index
        %swap3A_804 = arith.constant 656 : index
        %swap3A_805 = tpu.vector_load %arg4[%swap3A_802, %swap3A_803, %swap3A_804] {strides = array<i32>} : memref<2x24x768xf32, #tpu.memory_space<vmem>>, vector<1x1x16xf32>,
        %swap3A_806 = vector.shape_cast %swap3A_805 : vector<1x1x16xf32> to vector<16xf32>
        %swap3A_807 = vector.shape_cast %rev3A_801 : vector<16xf32> to vector<1x1x16xf32>
        tpu.vector_store %arg4[%swap3A_802, %swap3A_803, %swap3A_804], %swap3A_807 {strides = array<i32>} : memref<2x24x768xf32, #tpu.memory_space<vmem>>, vector<1x1x16xf32>,
        %get3A_808 = arith.index_cast %select_n3A_570 : i32 to index
        %get3A_809 = arith.index_cast %select_n3A_586 : i32 to index
        %get3A_810 = arith.constant 112 : index
        %get3A_811 = tpu.vector_load %arg4[%get3A_808, %get3A_809, %get3A_810] {strides = array<i32>} : memref<2x24x768xf32, #tpu.memory_space<vmem>>, vector<1x1x16xf32>,
        %get3A_812 = vector.shape_cast %get3A_811 : vector<1x1x16xf32> to vector<16xf32>
        %get3A_813 = arith.index_cast %select_n3A_570 : i32 to index
        %get3A_814 = arith.index_cast %select_n3A_586 : i32 to index
        %get3A_815 = arith.constant 640 : index
        %get3A_816 = tpu.vector_load %arg4[%get3A_813, %get3A_814, %get3A_815] {strides = array<i32>} : memref<2x24x768xf32, #tpu.memory_space<vmem>>, vector<1x1x16xf32>,
        %get3A_817 = vector.shape_cast %get3A_816 : vector<1x1x16xf32> to vector<16xf32>
        %rev3A_818 = arith.constant 15 : i32
        %rev3A_819 = vector.broadcast %rev3A_818 : i32 to vector<16xi32>
        %rev3A_820 = tpu.iota {dimensions = array<i32: 0>} : vector<16xi32>
        %rev3A_821 = arith.subi %rev3A_819, %rev3A_820 : vector<16xi32>
        %rev3A_822 = tpu.dynamic_gather %get3A_817[%rev3A_821] in [0] : vector<16xf32>, vector<16xi32> -> vector<16xf32>
        %swap3A_823 = arith.index_cast %select_n3A_570 : i32 to index
        %swap3A_824 = arith.index_cast %select_n3A_586 : i32 to index
        %swap3A_825 = arith.constant 112 : index
        %swap3A_826 = tpu.vector_load %arg4[%swap3A_823, %swap3A_824, %swap3A_825] {strides = array<i32>} : memref<2x24x768xf32, #tpu.memory_space<vmem>>, vector<1x1x16xf32>,
        %swap3A_827 = vector.shape_cast %swap3A_826 : vector<1x1x16xf32> to vector<16xf32>
        %swap3A_828 = vector.shape_cast %rev3A_822 : vector<16xf32> to vector<1x1x16xf32>
        tpu.vector_store %arg4[%swap3A_823, %swap3A_824, %swap3A_825], %swap3A_828 {strides = array<i32>} : memref<2x24x768xf32, #tpu.memory_space<vmem>>, vector<1x1x16xf32>,
        %rev3A_829 = arith.constant 15 : i32
        %rev3A_830 = vector.broadcast %rev3A_829 : i32 to vector<16xi32>
        %rev3A_831 = tpu.iota {dimensions = array<i32: 0>} : vector<16xi32>
        %rev3A_832 = arith.subi %rev3A_830, %rev3A_831 : vector<16xi32>
        %rev3A_833 = tpu.dynamic_gather %get3A_812[%rev3A_832] in [0] : vector<16xf32>, vector<16xi32> -> vector<16xf32>
        %swap3A_834 = arith.index_cast %select_n3A_570 : i32 to index
        %swap3A_835 = arith.index_cast %select_n3A_586 : i32 to index
        %swap3A_836 = arith.constant 640 : index
        %swap3A_837 = tpu.vector_load %arg4[%swap3A_834, %swap3A_835, %swap3A_836] {strides = array<i32>} : memref<2x24x768xf32, #tpu.memory_space<vmem>>, vector<1x1x16xf32>,
        %swap3A_838 = vector.shape_cast %swap3A_837 : vector<1x1x16xf32> to vector<16xf32>
        %swap3A_839 = vector.shape_cast %rev3A_833 : vector<16xf32> to vector<1x1x16xf32>
        tpu.vector_store %arg4[%swap3A_834, %swap3A_835, %swap3A_836], %swap3A_839 {strides = array<i32>} : memref<2x24x768xf32, #tpu.memory_space<vmem>>, vector<1x1x16xf32>,
        %get3A_840 = arith.index_cast %select_n3A_570 : i32 to index
        %get3A_841 = arith.index_cast %select_n3A_586 : i32 to index
        %get3A_842 = arith.constant 128 : index
        %get3A_843 = tpu.vector_load %arg4[%get3A_840, %get3A_841, %get3A_842] {strides = array<i32>} : memref<2x24x768xf32, #tpu.memory_space<vmem>>, vector<1x1x16xf32>,
        %get3A_844 = vector.shape_cast %get3A_843 : vector<1x1x16xf32> to vector<16xf32>
        %get3A_845 = arith.index_cast %select_n3A_570 : i32 to index
        %get3A_846 = arith.index_cast %select_n3A_586 : i32 to index
        %get3A_847 = arith.constant 624 : index
        %get3A_848 = tpu.vector_load %arg4[%get3A_845, %get3A_846, %get3A_847] {strides = array<i32>} : memref<2x24x768xf32, #tpu.memory_space<vmem>>, vector<1x1x16xf32>,
        %get3A_849 = vector.shape_cast %get3A_848 : vector<1x1x16xf32> to vector<16xf32>
        %rev3A_850 = arith.constant 15 : i32
        %rev3A_851 = vector.broadcast %rev3A_850 : i32 to vector<16xi32>
        %rev3A_852 = tpu.iota {dimensions = array<i32: 0>} : vector<16xi32>
        %rev3A_853 = arith.subi %rev3A_851, %rev3A_852 : vector<16xi32>
        %rev3A_854 = tpu.dynamic_gather %get3A_849[%rev3A_853] in [0] : vector<16xf32>, vector<16xi32> -> vector<16xf32>
        %swap3A_855 = arith.index_cast %select_n3A_570 : i32 to index
        %swap3A_856 = arith.index_cast %select_n3A_586 : i32 to index
        %swap3A_857 = arith.constant 128 : index
        %swap3A_858 = tpu.vector_load %arg4[%swap3A_855, %swap3A_856, %swap3A_857] {strides = array<i32>} : memref<2x24x768xf32, #tpu.memory_space<vmem>>, vector<1x1x16xf32>,
        %swap3A_859 = vector.shape_cast %swap3A_858 : vector<1x1x16xf32> to vector<16xf32>
        %swap3A_860 = vector.shape_cast %rev3A_854 : vector<16xf32> to vector<1x1x16xf32>
        tpu.vector_store %arg4[%swap3A_855, %swap3A_856, %swap3A_857], %swap3A_860 {strides = array<i32>} : memref<2x24x768xf32, #tpu.memory_space<vmem>>, vector<1x1x16xf32>,
        %rev3A_861 = arith.constant 15 : i32
        %rev3A_862 = vector.broadcast %rev3A_861 : i32 to vector<16xi32>
        %rev3A_863 = tpu.iota {dimensions = array<i32: 0>} : vector<16xi32>
        %rev3A_864 = arith.subi %rev3A_862, %rev3A_863 : vector<16xi32>
        %rev3A_865 = tpu.dynamic_gather %get3A_844[%rev3A_864] in [0] : vector<16xf32>, vector<16xi32> -> vector<16xf32>
        %swap3A_866 = arith.index_cast %select_n3A_570 : i32 to index
        %swap3A_867 = arith.index_cast %select_n3A_586 : i32 to index
        %swap3A_868 = arith.constant 624 : index
        %swap3A_869 = tpu.vector_load %arg4[%swap3A_866, %swap3A_867, %swap3A_868] {strides = array<i32>} : memref<2x24x768xf32, #tpu.memory_space<vmem>>, vector<1x1x16xf32>,
        %swap3A_870 = vector.shape_cast %swap3A_869 : vector<1x1x16xf32> to vector<16xf32>
        %swap3A_871 = vector.shape_cast %rev3A_865 : vector<16xf32> to vector<1x1x16xf32>
        tpu.vector_store %arg4[%swap3A_866, %swap3A_867, %swap3A_868], %swap3A_871 {strides = array<i32>} : memref<2x24x768xf32, #tpu.memory_space<vmem>>, vector<1x1x16xf32>,
        %get3A_872 = arith.index_cast %select_n3A_570 : i32 to index
        %get3A_873 = arith.index_cast %select_n3A_586 : i32 to index
        %get3A_874 = arith.constant 144 : index
        %get3A_875 = tpu.vector_load %arg4[%get3A_872, %get3A_873, %get3A_874] {strides = array<i32>} : memref<2x24x768xf32, #tpu.memory_space<vmem>>, vector<1x1x16xf32>,
        %get3A_876 = vector.shape_cast %get3A_875 : vector<1x1x16xf32> to vector<16xf32>
        %get3A_877 = arith.index_cast %select_n3A_570 : i32 to index
        %get3A_878 = arith.index_cast %select_n3A_586 : i32 to index
        %get3A_879 = arith.constant 608 : index
        %get3A_880 = tpu.vector_load %arg4[%get3A_877, %get3A_878, %get3A_879] {strides = array<i32>} : memref<2x24x768xf32, #tpu.memory_space<vmem>>, vector<1x1x16xf32>,
        %get3A_881 = vector.shape_cast %get3A_880 : vector<1x1x16xf32> to vector<16xf32>
        %rev3A_882 = arith.constant 15 : i32
        %rev3A_883 = vector.broadcast %rev3A_882 : i32 to vector<16xi32>
        %rev3A_884 = tpu.iota {dimensions = array<i32: 0>} : vector<16xi32>
        %rev3A_885 = arith.subi %rev3A_883, %rev3A_884 : vector<16xi32>
        %rev3A_886 = tpu.dynamic_gather %get3A_881[%rev3A_885] in [0] : vector<16xf32>, vector<16xi32> -> vector<16xf32>
        %swap3A_887 = arith.index_cast %select_n3A_570 : i32 to index
        %swap3A_888 = arith.index_cast %select_n3A_586 : i32 to index
        %swap3A_889 = arith.constant 144 : index
        %swap3A_890 = tpu.vector_load %arg4[%swap3A_887, %swap3A_888, %swap3A_889] {strides = array<i32>} : memref<2x24x768xf32, #tpu.memory_space<vmem>>, vector<1x1x16xf32>,
        %swap3A_891 = vector.shape_cast %swap3A_890 : vector<1x1x16xf32> to vector<16xf32>
        %swap3A_892 = vector.shape_cast %rev3A_886 : vector<16xf32> to vector<1x1x16xf32>
        tpu.vector_store %arg4[%swap3A_887, %swap3A_888, %swap3A_889], %swap3A_892 {strides = array<i32>} : memref<2x24x768xf32, #tpu.memory_space<vmem>>, vector<1x1x16xf32>,
        %rev3A_893 = arith.constant 15 : i32
        %rev3A_894 = vector.broadcast %rev3A_893 : i32 to vector<16xi32>
        %rev3A_895 = tpu.iota {dimensions = array<i32: 0>} : vector<16xi32>
        %rev3A_896 = arith.subi %rev3A_894, %rev3A_895 : vector<16xi32>
        %rev3A_897 = tpu.dynamic_gather %get3A_876[%rev3A_896] in [0] : vector<16xf32>, vector<16xi32> -> vector<16xf32>
        %swap3A_898 = arith.index_cast %select_n3A_570 : i32 to index
        %swap3A_899 = arith.index_cast %select_n3A_586 : i32 to index
        %swap3A_900 = arith.constant 608 : index
        %swap3A_901 = tpu.vector_load %arg4[%swap3A_898, %swap3A_899, %swap3A_900] {strides = array<i32>} : memref<2x24x768xf32, #tpu.memory_space<vmem>>, vector<1x1x16xf32>,
        %swap3A_902 = vector.shape_cast %swap3A_901 : vector<1x1x16xf32> to vector<16xf32>
        %swap3A_903 = vector.shape_cast %rev3A_897 : vector<16xf32> to vector<1x1x16xf32>
        tpu.vector_store %arg4[%swap3A_898, %swap3A_899, %swap3A_900], %swap3A_903 {strides = array<i32>} : memref<2x24x768xf32, #tpu.memory_space<vmem>>, vector<1x1x16xf32>,
        %get3A_904 = arith.index_cast %select_n3A_570 : i32 to index
        %get3A_905 = arith.index_cast %select_n3A_586 : i32 to index
        %get3A_906 = arith.constant 160 : index
        %get3A_907 = tpu.vector_load %arg4[%get3A_904, %get3A_905, %get3A_906] {strides = array<i32>} : memref<2x24x768xf32, #tpu.memory_space<vmem>>, vector<1x1x16xf32>,
        %get3A_908 = vector.shape_cast %get3A_907 : vector<1x1x16xf32> to vector<16xf32>
        %get3A_909 = arith.index_cast %select_n3A_570 : i32 to index
        %get3A_910 = arith.index_cast %select_n3A_586 : i32 to index
        %get3A_911 = arith.constant 592 : index
        %get3A_912 = tpu.vector_load %arg4[%get3A_909, %get3A_910, %get3A_911] {strides = array<i32>} : memref<2x24x768xf32, #tpu.memory_space<vmem>>, vector<1x1x16xf32>,
        %get3A_913 = vector.shape_cast %get3A_912 : vector<1x1x16xf32> to vector<16xf32>
        %rev3A_914 = arith.constant 15 : i32
        %rev3A_915 = vector.broadcast %rev3A_914 : i32 to vector<16xi32>
        %rev3A_916 = tpu.iota {dimensions = array<i32: 0>} : vector<16xi32>
        %rev3A_917 = arith.subi %rev3A_915, %rev3A_916 : vector<16xi32>
        %rev3A_918 = tpu.dynamic_gather %get3A_913[%rev3A_917] in [0] : vector<16xf32>, vector<16xi32> -> vector<16xf32>
        %swap3A_919 = arith.index_cast %select_n3A_570 : i32 to index
        %swap3A_920 = arith.index_cast %select_n3A_586 : i32 to index
        %swap3A_921 = arith.constant 160 : index
        %swap3A_922 = tpu.vector_load %arg4[%swap3A_919, %swap3A_920, %swap3A_921] {strides = array<i32>} : memref<2x24x768xf32, #tpu.memory_space<vmem>>, vector<1x1x16xf32>,
        %swap3A_923 = vector.shape_cast %swap3A_922 : vector<1x1x16xf32> to vector<16xf32>
        %swap3A_924 = vector.shape_cast %rev3A_918 : vector<16xf32> to vector<1x1x16xf32>
        tpu.vector_store %arg4[%swap3A_919, %swap3A_920, %swap3A_921], %swap3A_924 {strides = array<i32>} : memref<2x24x768xf32, #tpu.memory_space<vmem>>, vector<1x1x16xf32>,
        %rev3A_925 = arith.constant 15 : i32
        %rev3A_926 = vector.broadcast %rev3A_925 : i32 to vector<16xi32>
        %rev3A_927 = tpu.iota {dimensions = array<i32: 0>} : vector<16xi32>
        %rev3A_928 = arith.subi %rev3A_926, %rev3A_927 : vector<16xi32>
        %rev3A_929 = tpu.dynamic_gather %get3A_908[%rev3A_928] in [0] : vector<16xf32>, vector<16xi32> -> vector<16xf32>
        %swap3A_930 = arith.index_cast %select_n3A_570 : i32 to index
        %swap3A_931 = arith.index_cast %select_n3A_586 : i32 to index
        %swap3A_932 = arith.constant 592 : index
        %swap3A_933 = tpu.vector_load %arg4[%swap3A_930, %swap3A_931, %swap3A_932] {strides = array<i32>} : memref<2x24x768xf32, #tpu.memory_space<vmem>>, vector<1x1x16xf32>,
        %swap3A_934 = vector.shape_cast %swap3A_933 : vector<1x1x16xf32> to vector<16xf32>
        %swap3A_935 = vector.shape_cast %rev3A_929 : vector<16xf32> to vector<1x1x16xf32>
        tpu.vector_store %arg4[%swap3A_930, %swap3A_931, %swap3A_932], %swap3A_935 {strides = array<i32>} : memref<2x24x768xf32, #tpu.memory_space<vmem>>, vector<1x1x16xf32>,
        %get3A_936 = arith.index_cast %select_n3A_570 : i32 to index
        %get3A_937 = arith.index_cast %select_n3A_586 : i32 to index
        %get3A_938 = arith.constant 176 : index
        %get3A_939 = tpu.vector_load %arg4[%get3A_936, %get3A_937, %get3A_938] {strides = array<i32>} : memref<2x24x768xf32, #tpu.memory_space<vmem>>, vector<1x1x16xf32>,
        %get3A_940 = vector.shape_cast %get3A_939 : vector<1x1x16xf32> to vector<16xf32>
        %get3A_941 = arith.index_cast %select_n3A_570 : i32 to index
        %get3A_942 = arith.index_cast %select_n3A_586 : i32 to index
        %get3A_943 = arith.constant 576 : index
        %get3A_944 = tpu.vector_load %arg4[%get3A_941, %get3A_942, %get3A_943] {strides = array<i32>} : memref<2x24x768xf32, #tpu.memory_space<vmem>>, vector<1x1x16xf32>,
        %get3A_945 = vector.shape_cast %get3A_944 : vector<1x1x16xf32> to vector<16xf32>
        %rev3A_946 = arith.constant 15 : i32
        %rev3A_947 = vector.broadcast %rev3A_946 : i32 to vector<16xi32>
        %rev3A_948 = tpu.iota {dimensions = array<i32: 0>} : vector<16xi32>
        %rev3A_949 = arith.subi %rev3A_947, %rev3A_948 : vector<16xi32>
        %rev3A_950 = tpu.dynamic_gather %get3A_945[%rev3A_949] in [0] : vector<16xf32>, vector<16xi32> -> vector<16xf32>
        %swap3A_951 = arith.index_cast %select_n3A_570 : i32 to index
        %swap3A_952 = arith.index_cast %select_n3A_586 : i32 to index
        %swap3A_953 = arith.constant 176 : index
        %swap3A_954 = tpu.vector_load %arg4[%swap3A_951, %swap3A_952, %swap3A_953] {strides = array<i32>} : memref<2x24x768xf32, #tpu.memory_space<vmem>>, vector<1x1x16xf32>,
        %swap3A_955 = vector.shape_cast %swap3A_954 : vector<1x1x16xf32> to vector<16xf32>
        %swap3A_956 = vector.shape_cast %rev3A_950 : vector<16xf32> to vector<1x1x16xf32>
        tpu.vector_store %arg4[%swap3A_951, %swap3A_952, %swap3A_953], %swap3A_956 {strides = array<i32>} : memref<2x24x768xf32, #tpu.memory_space<vmem>>, vector<1x1x16xf32>,
        %rev3A_957 = arith.constant 15 : i32
        %rev3A_958 = vector.broadcast %rev3A_957 : i32 to vector<16xi32>
        %rev3A_959 = tpu.iota {dimensions = array<i32: 0>} : vector<16xi32>
        %rev3A_960 = arith.subi %rev3A_958, %rev3A_959 : vector<16xi32>
        %rev3A_961 = tpu.dynamic_gather %get3A_940[%rev3A_960] in [0] : vector<16xf32>, vector<16xi32> -> vector<16xf32>
        %swap3A_962 = arith.index_cast %select_n3A_570 : i32 to index
        %swap3A_963 = arith.index_cast %select_n3A_586 : i32 to index
        %swap3A_964 = arith.constant 576 : index
        %swap3A_965 = tpu.vector_load %arg4[%swap3A_962, %swap3A_963, %swap3A_964] {strides = array<i32>} : memref<2x24x768xf32, #tpu.memory_space<vmem>>, vector<1x1x16xf32>,
        %swap3A_966 = vector.shape_cast %swap3A_965 : vector<1x1x16xf32> to vector<16xf32>
        %swap3A_967 = vector.shape_cast %rev3A_961 : vector<16xf32> to vector<1x1x16xf32>
        tpu.vector_store %arg4[%swap3A_962, %swap3A_963, %swap3A_964], %swap3A_967 {strides = array<i32>} : memref<2x24x768xf32, #tpu.memory_space<vmem>>, vector<1x1x16xf32>,
        %get3A_968 = arith.index_cast %select_n3A_570 : i32 to index
        %get3A_969 = arith.index_cast %select_n3A_586 : i32 to index
        %get3A_970 = arith.constant 192 : index
        %get3A_971 = tpu.vector_load %arg4[%get3A_968, %get3A_969, %get3A_970] {strides = array<i32>} : memref<2x24x768xf32, #tpu.memory_space<vmem>>, vector<1x1x16xf32>,
        %get3A_972 = vector.shape_cast %get3A_971 : vector<1x1x16xf32> to vector<16xf32>
        %get3A_973 = arith.index_cast %select_n3A_570 : i32 to index
        %get3A_974 = arith.index_cast %select_n3A_586 : i32 to index
        %get3A_975 = arith.constant 560 : index
        %get3A_976 = tpu.vector_load %arg4[%get3A_973, %get3A_974, %get3A_975] {strides = array<i32>} : memref<2x24x768xf32, #tpu.memory_space<vmem>>, vector<1x1x16xf32>,
        %get3A_977 = vector.shape_cast %get3A_976 : vector<1x1x16xf32> to vector<16xf32>
        %rev3A_978 = arith.constant 15 : i32
        %rev3A_979 = vector.broadcast %rev3A_978 : i32 to vector<16xi32>
        %rev3A_980 = tpu.iota {dimensions = array<i32: 0>} : vector<16xi32>
        %rev3A_981 = arith.subi %rev3A_979, %rev3A_980 : vector<16xi32>
        %rev3A_982 = tpu.dynamic_gather %get3A_977[%rev3A_981] in [0] : vector<16xf32>, vector<16xi32> -> vector<16xf32>
        %swap3A_983 = arith.index_cast %select_n3A_570 : i32 to index
        %swap3A_984 = arith.index_cast %select_n3A_586 : i32 to index
        %swap3A_985 = arith.constant 192 : index
        %swap3A_986 = tpu.vector_load %arg4[%swap3A_983, %swap3A_984, %swap3A_985] {strides = array<i32>} : memref<2x24x768xf32, #tpu.memory_space<vmem>>, vector<1x1x16xf32>,
        %swap3A_987 = vector.shape_cast %swap3A_986 : vector<1x1x16xf32> to vector<16xf32>
        %swap3A_988 = vector.shape_cast %rev3A_982 : vector<16xf32> to vector<1x1x16xf32>
        tpu.vector_store %arg4[%swap3A_983, %swap3A_984, %swap3A_985], %swap3A_988 {strides = array<i32>} : memref<2x24x768xf32, #tpu.memory_space<vmem>>, vector<1x1x16xf32>,
        %rev3A_989 = arith.constant 15 : i32
        %rev3A_990 = vector.broadcast %rev3A_989 : i32 to vector<16xi32>
        %rev3A_991 = tpu.iota {dimensions = array<i32: 0>} : vector<16xi32>
        %rev3A_992 = arith.subi %rev3A_990, %rev3A_991 : vector<16xi32>
        %rev3A_993 = tpu.dynamic_gather %get3A_972[%rev3A_992] in [0] : vector<16xf32>, vector<16xi32> -> vector<16xf32>
        %swap3A_994 = arith.index_cast %select_n3A_570 : i32 to index
        %swap3A_995 = arith.index_cast %select_n3A_586 : i32 to index
        %swap3A_996 = arith.constant 560 : index
        %swap3A_997 = tpu.vector_load %arg4[%swap3A_994, %swap3A_995, %swap3A_996] {strides = array<i32>} : memref<2x24x768xf32, #tpu.memory_space<vmem>>, vector<1x1x16xf32>,
        %swap3A_998 = vector.shape_cast %swap3A_997 : vector<1x1x16xf32> to vector<16xf32>
        %swap3A_999 = vector.shape_cast %rev3A_993 : vector<16xf32> to vector<1x1x16xf32>
        tpu.vector_store %arg4[%swap3A_994, %swap3A_995, %swap3A_996], %swap3A_999 {strides = array<i32>} : memref<2x24x768xf32, #tpu.memory_space<vmem>>, vector<1x1x16xf32>,
        %get3A_1000 = arith.index_cast %select_n3A_570 : i32 to index
        %get3A_1001 = arith.index_cast %select_n3A_586 : i32 to index
        %get3A_1002 = arith.constant 208 : index
        %get3A_1003 = tpu.vector_load %arg4[%get3A_1000, %get3A_1001, %get3A_1002] {strides = array<i32>} : memref<2x24x768xf32, #tpu.memory_space<vmem>>, vector<1x1x16xf32>,
        %get3A_1004 = vector.shape_cast %get3A_1003 : vector<1x1x16xf32> to vector<16xf32>
        %get3A_1005 = arith.index_cast %select_n3A_570 : i32 to index
        %get3A_1006 = arith.index_cast %select_n3A_586 : i32 to index
        %get3A_1007 = arith.constant 544 : index
        %get3A_1008 = tpu.vector_load %arg4[%get3A_1005, %get3A_1006, %get3A_1007] {strides = array<i32>} : memref<2x24x768xf32, #tpu.memory_space<vmem>>, vector<1x1x16xf32>,
        %get3A_1009 = vector.shape_cast %get3A_1008 : vector<1x1x16xf32> to vector<16xf32>
        %rev3A_1010 = arith.constant 15 : i32
        %rev3A_1011 = vector.broadcast %rev3A_1010 : i32 to vector<16xi32>
        %rev3A_1012 = tpu.iota {dimensions = array<i32: 0>} : vector<16xi32>
        %rev3A_1013 = arith.subi %rev3A_1011, %rev3A_1012 : vector<16xi32>
        %rev3A_1014 = tpu.dynamic_gather %get3A_1009[%rev3A_1013] in [0] : vector<16xf32>, vector<16xi32> -> vector<16xf32>
        %swap3A_1015 = arith.index_cast %select_n3A_570 : i32 to index
        %swap3A_1016 = arith.index_cast %select_n3A_586 : i32 to index
        %swap3A_1017 = arith.constant 208 : index
        %swap3A_1018 = tpu.vector_load %arg4[%swap3A_1015, %swap3A_1016, %swap3A_1017] {strides = array<i32>} : memref<2x24x768xf32, #tpu.memory_space<vmem>>, vector<1x1x16xf32>,
        %swap3A_1019 = vector.shape_cast %swap3A_1018 : vector<1x1x16xf32> to vector<16xf32>
        %swap3A_1020 = vector.shape_cast %rev3A_1014 : vector<16xf32> to vector<1x1x16xf32>
        tpu.vector_store %arg4[%swap3A_1015, %swap3A_1016, %swap3A_1017], %swap3A_1020 {strides = array<i32>} : memref<2x24x768xf32, #tpu.memory_space<vmem>>, vector<1x1x16xf32>,
        %rev3A_1021 = arith.constant 15 : i32
        %rev3A_1022 = vector.broadcast %rev3A_1021 : i32 to vector<16xi32>
        %rev3A_1023 = tpu.iota {dimensions = array<i32: 0>} : vector<16xi32>
        %rev3A_1024 = arith.subi %rev3A_1022, %rev3A_1023 : vector<16xi32>
        %rev3A_1025 = tpu.dynamic_gather %get3A_1004[%rev3A_1024] in [0] : vector<16xf32>, vector<16xi32> -> vector<16xf32>
        %swap3A_1026 = arith.index_cast %select_n3A_570 : i32 to index
        %swap3A_1027 = arith.index_cast %select_n3A_586 : i32 to index
        %swap3A_1028 = arith.constant 544 : index
        %swap3A_1029 = tpu.vector_load %arg4[%swap3A_1026, %swap3A_1027, %swap3A_1028] {strides = array<i32>} : memref<2x24x768xf32, #tpu.memory_space<vmem>>, vector<1x1x16xf32>,
        %swap3A_1030 = vector.shape_cast %swap3A_1029 : vector<1x1x16xf32> to vector<16xf32>
        %swap3A_1031 = vector.shape_cast %rev3A_1025 : vector<16xf32> to vector<1x1x16xf32>
        tpu.vector_store %arg4[%swap3A_1026, %swap3A_1027, %swap3A_1028], %swap3A_1031 {strides = array<i32>} : memref<2x24x768xf32, #tpu.memory_space<vmem>>, vector<1x1x16xf32>,
        %get3A_1032 = arith.index_cast %select_n3A_570 : i32 to index
        %get3A_1033 = arith.index_cast %select_n3A_586 : i32 to index
        %get3A_1034 = arith.constant 224 : index
        %get3A_1035 = tpu.vector_load %arg4[%get3A_1032, %get3A_1033, %get3A_1034] {strides = array<i32>} : memref<2x24x768xf32, #tpu.memory_space<vmem>>, vector<1x1x16xf32>,
        %get3A_1036 = vector.shape_cast %get3A_1035 : vector<1x1x16xf32> to vector<16xf32>
        %get3A_1037 = arith.index_cast %select_n3A_570 : i32 to index
        %get3A_1038 = arith.index_cast %select_n3A_586 : i32 to index
        %get3A_1039 = arith.constant 528 : index
        %get3A_1040 = tpu.vector_load %arg4[%get3A_1037, %get3A_1038, %get3A_1039] {strides = array<i32>} : memref<2x24x768xf32, #tpu.memory_space<vmem>>, vector<1x1x16xf32>,
        %get3A_1041 = vector.shape_cast %get3A_1040 : vector<1x1x16xf32> to vector<16xf32>
        %rev3A_1042 = arith.constant 15 : i32
        %rev3A_1043 = vector.broadcast %rev3A_1042 : i32 to vector<16xi32>
        %rev3A_1044 = tpu.iota {dimensions = array<i32: 0>} : vector<16xi32>
        %rev3A_1045 = arith.subi %rev3A_1043, %rev3A_1044 : vector<16xi32>
        %rev3A_1046 = tpu.dynamic_gather %get3A_1041[%rev3A_1045] in [0] : vector<16xf32>, vector<16xi32> -> vector<16xf32>
        %swap3A_1047 = arith.index_cast %select_n3A_570 : i32 to index
        %swap3A_1048 = arith.index_cast %select_n3A_586 : i32 to index
        %swap3A_1049 = arith.constant 224 : index
        %swap3A_1050 = tpu.vector_load %arg4[%swap3A_1047, %swap3A_1048, %swap3A_1049] {strides = array<i32>} : memref<2x24x768xf32, #tpu.memory_space<vmem>>, vector<1x1x16xf32>,
        %swap3A_1051 = vector.shape_cast %swap3A_1050 : vector<1x1x16xf32> to vector<16xf32>
        %swap3A_1052 = vector.shape_cast %rev3A_1046 : vector<16xf32> to vector<1x1x16xf32>
        tpu.vector_store %arg4[%swap3A_1047, %swap3A_1048, %swap3A_1049], %swap3A_1052 {strides = array<i32>} : memref<2x24x768xf32, #tpu.memory_space<vmem>>, vector<1x1x16xf32>,
        %rev3A_1053 = arith.constant 15 : i32
        %rev3A_1054 = vector.broadcast %rev3A_1053 : i32 to vector<16xi32>
        %rev3A_1055 = tpu.iota {dimensions = array<i32: 0>} : vector<16xi32>
        %rev3A_1056 = arith.subi %rev3A_1054, %rev3A_1055 : vector<16xi32>
        %rev3A_1057 = tpu.dynamic_gather %get3A_1036[%rev3A_1056] in [0] : vector<16xf32>, vector<16xi32> -> vector<16xf32>
        %swap3A_1058 = arith.index_cast %select_n3A_570 : i32 to index
        %swap3A_1059 = arith.index_cast %select_n3A_586 : i32 to index
        %swap3A_1060 = arith.constant 528 : index
        %swap3A_1061 = tpu.vector_load %arg4[%swap3A_1058, %swap3A_1059, %swap3A_1060] {strides = array<i32>} : memref<2x24x768xf32, #tpu.memory_space<vmem>>, vector<1x1x16xf32>,
        %swap3A_1062 = vector.shape_cast %swap3A_1061 : vector<1x1x16xf32> to vector<16xf32>
        %swap3A_1063 = vector.shape_cast %rev3A_1057 : vector<16xf32> to vector<1x1x16xf32>
        tpu.vector_store %arg4[%swap3A_1058, %swap3A_1059, %swap3A_1060], %swap3A_1063 {strides = array<i32>} : memref<2x24x768xf32, #tpu.memory_space<vmem>>, vector<1x1x16xf32>,
        %get3A_1064 = arith.index_cast %select_n3A_570 : i32 to index
        %get3A_1065 = arith.index_cast %select_n3A_586 : i32 to index
        %get3A_1066 = arith.constant 240 : index
        %get3A_1067 = tpu.vector_load %arg4[%get3A_1064, %get3A_1065, %get3A_1066] {strides = array<i32>} : memref<2x24x768xf32, #tpu.memory_space<vmem>>, vector<1x1x16xf32>,
        %get3A_1068 = vector.shape_cast %get3A_1067 : vector<1x1x16xf32> to vector<16xf32>
        %get3A_1069 = arith.index_cast %select_n3A_570 : i32 to index
        %get3A_1070 = arith.index_cast %select_n3A_586 : i32 to index
        %get3A_1071 = arith.constant 512 : index
        %get3A_1072 = tpu.vector_load %arg4[%get3A_1069, %get3A_1070, %get3A_1071] {strides = array<i32>} : memref<2x24x768xf32, #tpu.memory_space<vmem>>, vector<1x1x16xf32>,
        %get3A_1073 = vector.shape_cast %get3A_1072 : vector<1x1x16xf32> to vector<16xf32>
        %rev3A_1074 = arith.constant 15 : i32
        %rev3A_1075 = vector.broadcast %rev3A_1074 : i32 to vector<16xi32>
        %rev3A_1076 = tpu.iota {dimensions = array<i32: 0>} : vector<16xi32>
        %rev3A_1077 = arith.subi %rev3A_1075, %rev3A_1076 : vector<16xi32>
        %rev3A_1078 = tpu.dynamic_gather %get3A_1073[%rev3A_1077] in [0] : vector<16xf32>, vector<16xi32> -> vector<16xf32>
        %swap3A_1079 = arith.index_cast %select_n3A_570 : i32 to index
        %swap3A_1080 = arith.index_cast %select_n3A_586 : i32 to index
        %swap3A_1081 = arith.constant 240 : index
        %swap3A_1082 = tpu.vector_load %arg4[%swap3A_1079, %swap3A_1080, %swap3A_1081] {strides = array<i32>} : memref<2x24x768xf32, #tpu.memory_space<vmem>>, vector<1x1x16xf32>,
        %swap3A_1083 = vector.shape_cast %swap3A_1082 : vector<1x1x16xf32> to vector<16xf32>
        %swap3A_1084 = vector.shape_cast %rev3A_1078 : vector<16xf32> to vector<1x1x16xf32>
        tpu.vector_store %arg4[%swap3A_1079, %swap3A_1080, %swap3A_1081], %swap3A_1084 {strides = array<i32>} : memref<2x24x768xf32, #tpu.memory_space<vmem>>, vector<1x1x16xf32>,
        %rev3A_1085 = arith.constant 15 : i32
        %rev3A_1086 = vector.broadcast %rev3A_1085 : i32 to vector<16xi32>
        %rev3A_1087 = tpu.iota {dimensions = array<i32: 0>} : vector<16xi32>
        %rev3A_1088 = arith.subi %rev3A_1086, %rev3A_1087 : vector<16xi32>
        %rev3A_1089 = tpu.dynamic_gather %get3A_1068[%rev3A_1088] in [0] : vector<16xf32>, vector<16xi32> -> vector<16xf32>
        %swap3A_1090 = arith.index_cast %select_n3A_570 : i32 to index
        %swap3A_1091 = arith.index_cast %select_n3A_586 : i32 to index
        %swap3A_1092 = arith.constant 512 : index
        %swap3A_1093 = tpu.vector_load %arg4[%swap3A_1090, %swap3A_1091, %swap3A_1092] {strides = array<i32>} : memref<2x24x768xf32, #tpu.memory_space<vmem>>, vector<1x1x16xf32>,
        %swap3A_1094 = vector.shape_cast %swap3A_1093 : vector<1x1x16xf32> to vector<16xf32>
        %swap3A_1095 = vector.shape_cast %rev3A_1089 : vector<16xf32> to vector<1x1x16xf32>
        tpu.vector_store %arg4[%swap3A_1090, %swap3A_1091, %swap3A_1092], %swap3A_1095 {strides = array<i32>} : memref<2x24x768xf32, #tpu.memory_space<vmem>>, vector<1x1x16xf32>,
        %get3A_1096 = arith.index_cast %select_n3A_570 : i32 to index
        %get3A_1097 = arith.index_cast %select_n3A_586 : i32 to index
        %get3A_1098 = arith.constant 256 : index
        %get3A_1099 = tpu.vector_load %arg4[%get3A_1096, %get3A_1097, %get3A_1098] {strides = array<i32>} : memref<2x24x768xf32, #tpu.memory_space<vmem>>, vector<1x1x16xf32>,
        %get3A_1100 = vector.shape_cast %get3A_1099 : vector<1x1x16xf32> to vector<16xf32>
        %get3A_1101 = arith.index_cast %select_n3A_570 : i32 to index
        %get3A_1102 = arith.index_cast %select_n3A_586 : i32 to index
        %get3A_1103 = arith.constant 496 : index
        %get3A_1104 = tpu.vector_load %arg4[%get3A_1101, %get3A_1102, %get3A_1103] {strides = array<i32>} : memref<2x24x768xf32, #tpu.memory_space<vmem>>, vector<1x1x16xf32>,
        %get3A_1105 = vector.shape_cast %get3A_1104 : vector<1x1x16xf32> to vector<16xf32>
        %rev3A_1106 = arith.constant 15 : i32
        %rev3A_1107 = vector.broadcast %rev3A_1106 : i32 to vector<16xi32>
        %rev3A_1108 = tpu.iota {dimensions = array<i32: 0>} : vector<16xi32>
        %rev3A_1109 = arith.subi %rev3A_1107, %rev3A_1108 : vector<16xi32>
        %rev3A_1110 = tpu.dynamic_gather %get3A_1105[%rev3A_1109] in [0] : vector<16xf32>, vector<16xi32> -> vector<16xf32>
        %swap3A_1111 = arith.index_cast %select_n3A_570 : i32 to index
        %swap3A_1112 = arith.index_cast %select_n3A_586 : i32 to index
        %swap3A_1113 = arith.constant 256 : index
        %swap3A_1114 = tpu.vector_load %arg4[%swap3A_1111, %swap3A_1112, %swap3A_1113] {strides = array<i32>} : memref<2x24x768xf32, #tpu.memory_space<vmem>>, vector<1x1x16xf32>,
        %swap3A_1115 = vector.shape_cast %swap3A_1114 : vector<1x1x16xf32> to vector<16xf32>
        %swap3A_1116 = vector.shape_cast %rev3A_1110 : vector<16xf32> to vector<1x1x16xf32>
        tpu.vector_store %arg4[%swap3A_1111, %swap3A_1112, %swap3A_1113], %swap3A_1116 {strides = array<i32>} : memref<2x24x768xf32, #tpu.memory_space<vmem>>, vector<1x1x16xf32>,
        %rev3A_1117 = arith.constant 15 : i32
        %rev3A_1118 = vector.broadcast %rev3A_1117 : i32 to vector<16xi32>
        %rev3A_1119 = tpu.iota {dimensions = array<i32: 0>} : vector<16xi32>
        %rev3A_1120 = arith.subi %rev3A_1118, %rev3A_1119 : vector<16xi32>
        %rev3A_1121 = tpu.dynamic_gather %get3A_1100[%rev3A_1120] in [0] : vector<16xf32>, vector<16xi32> -> vector<16xf32>
        %swap3A_1122 = arith.index_cast %select_n3A_570 : i32 to index
        %swap3A_1123 = arith.index_cast %select_n3A_586 : i32 to index
        %swap3A_1124 = arith.constant 496 : index
        %swap3A_1125 = tpu.vector_load %arg4[%swap3A_1122, %swap3A_1123, %swap3A_1124] {strides = array<i32>} : memref<2x24x768xf32, #tpu.memory_space<vmem>>, vector<1x1x16xf32>,
        %swap3A_1126 = vector.shape_cast %swap3A_1125 : vector<1x1x16xf32> to vector<16xf32>
        %swap3A_1127 = vector.shape_cast %rev3A_1121 : vector<16xf32> to vector<1x1x16xf32>
        tpu.vector_store %arg4[%swap3A_1122, %swap3A_1123, %swap3A_1124], %swap3A_1127 {strides = array<i32>} : memref<2x24x768xf32, #tpu.memory_space<vmem>>, vector<1x1x16xf32>,
        %get3A_1128 = arith.index_cast %select_n3A_570 : i32 to index
        %get3A_1129 = arith.index_cast %select_n3A_586 : i32 to index
        %get3A_1130 = arith.constant 272 : index
        %get3A_1131 = tpu.vector_load %arg4[%get3A_1128, %get3A_1129, %get3A_1130] {strides = array<i32>} : memref<2x24x768xf32, #tpu.memory_space<vmem>>, vector<1x1x16xf32>,
        %get3A_1132 = vector.shape_cast %get3A_1131 : vector<1x1x16xf32> to vector<16xf32>
        %get3A_1133 = arith.index_cast %select_n3A_570 : i32 to index
        %get3A_1134 = arith.index_cast %select_n3A_586 : i32 to index
        %get3A_1135 = arith.constant 480 : index
        %get3A_1136 = tpu.vector_load %arg4[%get3A_1133, %get3A_1134, %get3A_1135] {strides = array<i32>} : memref<2x24x768xf32, #tpu.memory_space<vmem>>, vector<1x1x16xf32>,
        %get3A_1137 = vector.shape_cast %get3A_1136 : vector<1x1x16xf32> to vector<16xf32>
        %rev3A_1138 = arith.constant 15 : i32
        %rev3A_1139 = vector.broadcast %rev3A_1138 : i32 to vector<16xi32>
        %rev3A_1140 = tpu.iota {dimensions = array<i32: 0>} : vector<16xi32>
        %rev3A_1141 = arith.subi %rev3A_1139, %rev3A_1140 : vector<16xi32>
        %rev3A_1142 = tpu.dynamic_gather %get3A_1137[%rev3A_1141] in [0] : vector<16xf32>, vector<16xi32> -> vector<16xf32>
        %swap3A_1143 = arith.index_cast %select_n3A_570 : i32 to index
        %swap3A_1144 = arith.index_cast %select_n3A_586 : i32 to index
        %swap3A_1145 = arith.constant 272 : index
        %swap3A_1146 = tpu.vector_load %arg4[%swap3A_1143, %swap3A_1144, %swap3A_1145] {strides = array<i32>} : memref<2x24x768xf32, #tpu.memory_space<vmem>>, vector<1x1x16xf32>,
        %swap3A_1147 = vector.shape_cast %swap3A_1146 : vector<1x1x16xf32> to vector<16xf32>
        %swap3A_1148 = vector.shape_cast %rev3A_1142 : vector<16xf32> to vector<1x1x16xf32>
        tpu.vector_store %arg4[%swap3A_1143, %swap3A_1144, %swap3A_1145], %swap3A_1148 {strides = array<i32>} : memref<2x24x768xf32, #tpu.memory_space<vmem>>, vector<1x1x16xf32>,
        %rev3A_1149 = arith.constant 15 : i32
        %rev3A_1150 = vector.broadcast %rev3A_1149 : i32 to vector<16xi32>
        %rev3A_1151 = tpu.iota {dimensions = array<i32: 0>} : vector<16xi32>
        %rev3A_1152 = arith.subi %rev3A_1150, %rev3A_1151 : vector<16xi32>
        %rev3A_1153 = tpu.dynamic_gather %get3A_1132[%rev3A_1152] in [0] : vector<16xf32>, vector<16xi32> -> vector<16xf32>
        %swap3A_1154 = arith.index_cast %select_n3A_570 : i32 to index
        %swap3A_1155 = arith.index_cast %select_n3A_586 : i32 to index
        %swap3A_1156 = arith.constant 480 : index
        %swap3A_1157 = tpu.vector_load %arg4[%swap3A_1154, %swap3A_1155, %swap3A_1156] {strides = array<i32>} : memref<2x24x768xf32, #tpu.memory_space<vmem>>, vector<1x1x16xf32>,
        %swap3A_1158 = vector.shape_cast %swap3A_1157 : vector<1x1x16xf32> to vector<16xf32>
        %swap3A_1159 = vector.shape_cast %rev3A_1153 : vector<16xf32> to vector<1x1x16xf32>
        tpu.vector_store %arg4[%swap3A_1154, %swap3A_1155, %swap3A_1156], %swap3A_1159 {strides = array<i32>} : memref<2x24x768xf32, #tpu.memory_space<vmem>>, vector<1x1x16xf32>,
        %get3A_1160 = arith.index_cast %select_n3A_570 : i32 to index
        %get3A_1161 = arith.index_cast %select_n3A_586 : i32 to index
        %get3A_1162 = arith.constant 288 : index
        %get3A_1163 = tpu.vector_load %arg4[%get3A_1160, %get3A_1161, %get3A_1162] {strides = array<i32>} : memref<2x24x768xf32, #tpu.memory_space<vmem>>, vector<1x1x16xf32>,
        %get3A_1164 = vector.shape_cast %get3A_1163 : vector<1x1x16xf32> to vector<16xf32>
        %get3A_1165 = arith.index_cast %select_n3A_570 : i32 to index
        %get3A_1166 = arith.index_cast %select_n3A_586 : i32 to index
        %get3A_1167 = arith.constant 464 : index
        %get3A_1168 = tpu.vector_load %arg4[%get3A_1165, %get3A_1166, %get3A_1167] {strides = array<i32>} : memref<2x24x768xf32, #tpu.memory_space<vmem>>, vector<1x1x16xf32>,
        %get3A_1169 = vector.shape_cast %get3A_1168 : vector<1x1x16xf32> to vector<16xf32>
        %rev3A_1170 = arith.constant 15 : i32
        %rev3A_1171 = vector.broadcast %rev3A_1170 : i32 to vector<16xi32>
        %rev3A_1172 = tpu.iota {dimensions = array<i32: 0>} : vector<16xi32>
        %rev3A_1173 = arith.subi %rev3A_1171, %rev3A_1172 : vector<16xi32>
        %rev3A_1174 = tpu.dynamic_gather %get3A_1169[%rev3A_1173] in [0] : vector<16xf32>, vector<16xi32> -> vector<16xf32>
        %swap3A_1175 = arith.index_cast %select_n3A_570 : i32 to index
        %swap3A_1176 = arith.index_cast %select_n3A_586 : i32 to index
        %swap3A_1177 = arith.constant 288 : index
        %swap3A_1178 = tpu.vector_load %arg4[%swap3A_1175, %swap3A_1176, %swap3A_1177] {strides = array<i32>} : memref<2x24x768xf32, #tpu.memory_space<vmem>>, vector<1x1x16xf32>,
        %swap3A_1179 = vector.shape_cast %swap3A_1178 : vector<1x1x16xf32> to vector<16xf32>
        %swap3A_1180 = vector.shape_cast %rev3A_1174 : vector<16xf32> to vector<1x1x16xf32>
        tpu.vector_store %arg4[%swap3A_1175, %swap3A_1176, %swap3A_1177], %swap3A_1180 {strides = array<i32>} : memref<2x24x768xf32, #tpu.memory_space<vmem>>, vector<1x1x16xf32>,
        %rev3A_1181 = arith.constant 15 : i32
        %rev3A_1182 = vector.broadcast %rev3A_1181 : i32 to vector<16xi32>
        %rev3A_1183 = tpu.iota {dimensions = array<i32: 0>} : vector<16xi32>
        %rev3A_1184 = arith.subi %rev3A_1182, %rev3A_1183 : vector<16xi32>
        %rev3A_1185 = tpu.dynamic_gather %get3A_1164[%rev3A_1184] in [0] : vector<16xf32>, vector<16xi32> -> vector<16xf32>
        %swap3A_1186 = arith.index_cast %select_n3A_570 : i32 to index
        %swap3A_1187 = arith.index_cast %select_n3A_586 : i32 to index
        %swap3A_1188 = arith.constant 464 : index
        %swap3A_1189 = tpu.vector_load %arg4[%swap3A_1186, %swap3A_1187, %swap3A_1188] {strides = array<i32>} : memref<2x24x768xf32, #tpu.memory_space<vmem>>, vector<1x1x16xf32>,
        %swap3A_1190 = vector.shape_cast %swap3A_1189 : vector<1x1x16xf32> to vector<16xf32>
        %swap3A_1191 = vector.shape_cast %rev3A_1185 : vector<16xf32> to vector<1x1x16xf32>
        tpu.vector_store %arg4[%swap3A_1186, %swap3A_1187, %swap3A_1188], %swap3A_1191 {strides = array<i32>} : memref<2x24x768xf32, #tpu.memory_space<vmem>>, vector<1x1x16xf32>,
        %get3A_1192 = arith.index_cast %select_n3A_570 : i32 to index
        %get3A_1193 = arith.index_cast %select_n3A_586 : i32 to index
        %get3A_1194 = arith.constant 304 : index
        %get3A_1195 = tpu.vector_load %arg4[%get3A_1192, %get3A_1193, %get3A_1194] {strides = array<i32>} : memref<2x24x768xf32, #tpu.memory_space<vmem>>, vector<1x1x16xf32>,
        %get3A_1196 = vector.shape_cast %get3A_1195 : vector<1x1x16xf32> to vector<16xf32>
        %get3A_1197 = arith.index_cast %select_n3A_570 : i32 to index
        %get3A_1198 = arith.index_cast %select_n3A_586 : i32 to index
        %get3A_1199 = arith.constant 448 : index
        %get3A_1200 = tpu.vector_load %arg4[%get3A_1197, %get3A_1198, %get3A_1199] {strides = array<i32>} : memref<2x24x768xf32, #tpu.memory_space<vmem>>, vector<1x1x16xf32>,
        %get3A_1201 = vector.shape_cast %get3A_1200 : vector<1x1x16xf32> to vector<16xf32>
        %rev3A_1202 = arith.constant 15 : i32
        %rev3A_1203 = vector.broadcast %rev3A_1202 : i32 to vector<16xi32>
        %rev3A_1204 = tpu.iota {dimensions = array<i32: 0>} : vector<16xi32>
        %rev3A_1205 = arith.subi %rev3A_1203, %rev3A_1204 : vector<16xi32>
        %rev3A_1206 = tpu.dynamic_gather %get3A_1201[%rev3A_1205] in [0] : vector<16xf32>, vector<16xi32> -> vector<16xf32>
        %swap3A_1207 = arith.index_cast %select_n3A_570 : i32 to index
        %swap3A_1208 = arith.index_cast %select_n3A_586 : i32 to index
        %swap3A_1209 = arith.constant 304 : index
        %swap3A_1210 = tpu.vector_load %arg4[%swap3A_1207, %swap3A_1208, %swap3A_1209] {strides = array<i32>} : memref<2x24x768xf32, #tpu.memory_space<vmem>>, vector<1x1x16xf32>,
        %swap3A_1211 = vector.shape_cast %swap3A_1210 : vector<1x1x16xf32> to vector<16xf32>
        %swap3A_1212 = vector.shape_cast %rev3A_1206 : vector<16xf32> to vector<1x1x16xf32>
        tpu.vector_store %arg4[%swap3A_1207, %swap3A_1208, %swap3A_1209], %swap3A_1212 {strides = array<i32>} : memref<2x24x768xf32, #tpu.memory_space<vmem>>, vector<1x1x16xf32>,
        %rev3A_1213 = arith.constant 15 : i32
        %rev3A_1214 = vector.broadcast %rev3A_1213 : i32 to vector<16xi32>
        %rev3A_1215 = tpu.iota {dimensions = array<i32: 0>} : vector<16xi32>
        %rev3A_1216 = arith.subi %rev3A_1214, %rev3A_1215 : vector<16xi32>
        %rev3A_1217 = tpu.dynamic_gather %get3A_1196[%rev3A_1216] in [0] : vector<16xf32>, vector<16xi32> -> vector<16xf32>
        %swap3A_1218 = arith.index_cast %select_n3A_570 : i32 to index
        %swap3A_1219 = arith.index_cast %select_n3A_586 : i32 to index
        %swap3A_1220 = arith.constant 448 : index
        %swap3A_1221 = tpu.vector_load %arg4[%swap3A_1218, %swap3A_1219, %swap3A_1220] {strides = array<i32>} : memref<2x24x768xf32, #tpu.memory_space<vmem>>, vector<1x1x16xf32>,
        %swap3A_1222 = vector.shape_cast %swap3A_1221 : vector<1x1x16xf32> to vector<16xf32>
        %swap3A_1223 = vector.shape_cast %rev3A_1217 : vector<16xf32> to vector<1x1x16xf32>
        tpu.vector_store %arg4[%swap3A_1218, %swap3A_1219, %swap3A_1220], %swap3A_1223 {strides = array<i32>} : memref<2x24x768xf32, #tpu.memory_space<vmem>>, vector<1x1x16xf32>,
        %get3A_1224 = arith.index_cast %select_n3A_570 : i32 to index
        %get3A_1225 = arith.index_cast %select_n3A_586 : i32 to index
        %get3A_1226 = arith.constant 320 : index
        %get3A_1227 = tpu.vector_load %arg4[%get3A_1224, %get3A_1225, %get3A_1226] {strides = array<i32>} : memref<2x24x768xf32, #tpu.memory_space<vmem>>, vector<1x1x16xf32>,
        %get3A_1228 = vector.shape_cast %get3A_1227 : vector<1x1x16xf32> to vector<16xf32>
        %get3A_1229 = arith.index_cast %select_n3A_570 : i32 to index
        %get3A_1230 = arith.index_cast %select_n3A_586 : i32 to index
        %get3A_1231 = arith.constant 432 : index
        %get3A_1232 = tpu.vector_load %arg4[%get3A_1229, %get3A_1230, %get3A_1231] {strides = array<i32>} : memref<2x24x768xf32, #tpu.memory_space<vmem>>, vector<1x1x16xf32>,
        %get3A_1233 = vector.shape_cast %get3A_1232 : vector<1x1x16xf32> to vector<16xf32>
        %rev3A_1234 = arith.constant 15 : i32
        %rev3A_1235 = vector.broadcast %rev3A_1234 : i32 to vector<16xi32>
        %rev3A_1236 = tpu.iota {dimensions = array<i32: 0>} : vector<16xi32>
        %rev3A_1237 = arith.subi %rev3A_1235, %rev3A_1236 : vector<16xi32>
        %rev3A_1238 = tpu.dynamic_gather %get3A_1233[%rev3A_1237] in [0] : vector<16xf32>, vector<16xi32> -> vector<16xf32>
        %swap3A_1239 = arith.index_cast %select_n3A_570 : i32 to index
        %swap3A_1240 = arith.index_cast %select_n3A_586 : i32 to index
        %swap3A_1241 = arith.constant 320 : index
        %swap3A_1242 = tpu.vector_load %arg4[%swap3A_1239, %swap3A_1240, %swap3A_1241] {strides = array<i32>} : memref<2x24x768xf32, #tpu.memory_space<vmem>>, vector<1x1x16xf32>,
        %swap3A_1243 = vector.shape_cast %swap3A_1242 : vector<1x1x16xf32> to vector<16xf32>
        %swap3A_1244 = vector.shape_cast %rev3A_1238 : vector<16xf32> to vector<1x1x16xf32>
        tpu.vector_store %arg4[%swap3A_1239, %swap3A_1240, %swap3A_1241], %swap3A_1244 {strides = array<i32>} : memref<2x24x768xf32, #tpu.memory_space<vmem>>, vector<1x1x16xf32>,
        %rev3A_1245 = arith.constant 15 : i32
        %rev3A_1246 = vector.broadcast %rev3A_1245 : i32 to vector<16xi32>
        %rev3A_1247 = tpu.iota {dimensions = array<i32: 0>} : vector<16xi32>
        %rev3A_1248 = arith.subi %rev3A_1246, %rev3A_1247 : vector<16xi32>
        %rev3A_1249 = tpu.dynamic_gather %get3A_1228[%rev3A_1248] in [0] : vector<16xf32>, vector<16xi32> -> vector<16xf32>
        %swap3A_1250 = arith.index_cast %select_n3A_570 : i32 to index
        %swap3A_1251 = arith.index_cast %select_n3A_586 : i32 to index
        %swap3A_1252 = arith.constant 432 : index
        %swap3A_1253 = tpu.vector_load %arg4[%swap3A_1250, %swap3A_1251, %swap3A_1252] {strides = array<i32>} : memref<2x24x768xf32, #tpu.memory_space<vmem>>, vector<1x1x16xf32>,
        %swap3A_1254 = vector.shape_cast %swap3A_1253 : vector<1x1x16xf32> to vector<16xf32>
        %swap3A_1255 = vector.shape_cast %rev3A_1249 : vector<16xf32> to vector<1x1x16xf32>
        tpu.vector_store %arg4[%swap3A_1250, %swap3A_1251, %swap3A_1252], %swap3A_1255 {strides = array<i32>} : memref<2x24x768xf32, #tpu.memory_space<vmem>>, vector<1x1x16xf32>,
        %get3A_1256 = arith.index_cast %select_n3A_570 : i32 to index
        %get3A_1257 = arith.index_cast %select_n3A_586 : i32 to index
        %get3A_1258 = arith.constant 336 : index
        %get3A_1259 = tpu.vector_load %arg4[%get3A_1256, %get3A_1257, %get3A_1258] {strides = array<i32>} : memref<2x24x768xf32, #tpu.memory_space<vmem>>, vector<1x1x16xf32>,
        %get3A_1260 = vector.shape_cast %get3A_1259 : vector<1x1x16xf32> to vector<16xf32>
        %get3A_1261 = arith.index_cast %select_n3A_570 : i32 to index
        %get3A_1262 = arith.index_cast %select_n3A_586 : i32 to index
        %get3A_1263 = arith.constant 416 : index
        %get3A_1264 = tpu.vector_load %arg4[%get3A_1261, %get3A_1262, %get3A_1263] {strides = array<i32>} : memref<2x24x768xf32, #tpu.memory_space<vmem>>, vector<1x1x16xf32>,
        %get3A_1265 = vector.shape_cast %get3A_1264 : vector<1x1x16xf32> to vector<16xf32>
        %rev3A_1266 = arith.constant 15 : i32
        %rev3A_1267 = vector.broadcast %rev3A_1266 : i32 to vector<16xi32>
        %rev3A_1268 = tpu.iota {dimensions = array<i32: 0>} : vector<16xi32>
        %rev3A_1269 = arith.subi %rev3A_1267, %rev3A_1268 : vector<16xi32>
        %rev3A_1270 = tpu.dynamic_gather %get3A_1265[%rev3A_1269] in [0] : vector<16xf32>, vector<16xi32> -> vector<16xf32>
        %swap3A_1271 = arith.index_cast %select_n3A_570 : i32 to index
        %swap3A_1272 = arith.index_cast %select_n3A_586 : i32 to index
        %swap3A_1273 = arith.constant 336 : index
        %swap3A_1274 = tpu.vector_load %arg4[%swap3A_1271, %swap3A_1272, %swap3A_1273] {strides = array<i32>} : memref<2x24x768xf32, #tpu.memory_space<vmem>>, vector<1x1x16xf32>,
        %swap3A_1275 = vector.shape_cast %swap3A_1274 : vector<1x1x16xf32> to vector<16xf32>
        %swap3A_1276 = vector.shape_cast %rev3A_1270 : vector<16xf32> to vector<1x1x16xf32>
        tpu.vector_store %arg4[%swap3A_1271, %swap3A_1272, %swap3A_1273], %swap3A_1276 {strides = array<i32>} : memref<2x24x768xf32, #tpu.memory_space<vmem>>, vector<1x1x16xf32>,
        %rev3A_1277 = arith.constant 15 : i32
        %rev3A_1278 = vector.broadcast %rev3A_1277 : i32 to vector<16xi32>
        %rev3A_1279 = tpu.iota {dimensions = array<i32: 0>} : vector<16xi32>
        %rev3A_1280 = arith.subi %rev3A_1278, %rev3A_1279 : vector<16xi32>
        %rev3A_1281 = tpu.dynamic_gather %get3A_1260[%rev3A_1280] in [0] : vector<16xf32>, vector<16xi32> -> vector<16xf32>
        %swap3A_1282 = arith.index_cast %select_n3A_570 : i32 to index
        %swap3A_1283 = arith.index_cast %select_n3A_586 : i32 to index
        %swap3A_1284 = arith.constant 416 : index
        %swap3A_1285 = tpu.vector_load %arg4[%swap3A_1282, %swap3A_1283, %swap3A_1284] {strides = array<i32>} : memref<2x24x768xf32, #tpu.memory_space<vmem>>, vector<1x1x16xf32>,
        %swap3A_1286 = vector.shape_cast %swap3A_1285 : vector<1x1x16xf32> to vector<16xf32>
        %swap3A_1287 = vector.shape_cast %rev3A_1281 : vector<16xf32> to vector<1x1x16xf32>
        tpu.vector_store %arg4[%swap3A_1282, %swap3A_1283, %swap3A_1284], %swap3A_1287 {strides = array<i32>} : memref<2x24x768xf32, #tpu.memory_space<vmem>>, vector<1x1x16xf32>,
        %get3A_1288 = arith.index_cast %select_n3A_570 : i32 to index
        %get3A_1289 = arith.index_cast %select_n3A_586 : i32 to index
        %get3A_1290 = arith.constant 352 : index
        %get3A_1291 = tpu.vector_load %arg4[%get3A_1288, %get3A_1289, %get3A_1290] {strides = array<i32>} : memref<2x24x768xf32, #tpu.memory_space<vmem>>, vector<1x1x16xf32>,
        %get3A_1292 = vector.shape_cast %get3A_1291 : vector<1x1x16xf32> to vector<16xf32>
        %get3A_1293 = arith.index_cast %select_n3A_570 : i32 to index
        %get3A_1294 = arith.index_cast %select_n3A_586 : i32 to index
        %get3A_1295 = arith.constant 400 : index
        %get3A_1296 = tpu.vector_load %arg4[%get3A_1293, %get3A_1294, %get3A_1295] {strides = array<i32>} : memref<2x24x768xf32, #tpu.memory_space<vmem>>, vector<1x1x16xf32>,
        %get3A_1297 = vector.shape_cast %get3A_1296 : vector<1x1x16xf32> to vector<16xf32>
        %rev3A_1298 = arith.constant 15 : i32
        %rev3A_1299 = vector.broadcast %rev3A_1298 : i32 to vector<16xi32>
        %rev3A_1300 = tpu.iota {dimensions = array<i32: 0>} : vector<16xi32>
        %rev3A_1301 = arith.subi %rev3A_1299, %rev3A_1300 : vector<16xi32>
        %rev3A_1302 = tpu.dynamic_gather %get3A_1297[%rev3A_1301] in [0] : vector<16xf32>, vector<16xi32> -> vector<16xf32>
        %swap3A_1303 = arith.index_cast %select_n3A_570 : i32 to index
        %swap3A_1304 = arith.index_cast %select_n3A_586 : i32 to index
        %swap3A_1305 = arith.constant 352 : index
        %swap3A_1306 = tpu.vector_load %arg4[%swap3A_1303, %swap3A_1304, %swap3A_1305] {strides = array<i32>} : memref<2x24x768xf32, #tpu.memory_space<vmem>>, vector<1x1x16xf32>,
        %swap3A_1307 = vector.shape_cast %swap3A_1306 : vector<1x1x16xf32> to vector<16xf32>
        %swap3A_1308 = vector.shape_cast %rev3A_1302 : vector<16xf32> to vector<1x1x16xf32>
        tpu.vector_store %arg4[%swap3A_1303, %swap3A_1304, %swap3A_1305], %swap3A_1308 {strides = array<i32>} : memref<2x24x768xf32, #tpu.memory_space<vmem>>, vector<1x1x16xf32>,
        %rev3A_1309 = arith.constant 15 : i32
        %rev3A_1310 = vector.broadcast %rev3A_1309 : i32 to vector<16xi32>
        %rev3A_1311 = tpu.iota {dimensions = array<i32: 0>} : vector<16xi32>
        %rev3A_1312 = arith.subi %rev3A_1310, %rev3A_1311 : vector<16xi32>
        %rev3A_1313 = tpu.dynamic_gather %get3A_1292[%rev3A_1312] in [0] : vector<16xf32>, vector<16xi32> -> vector<16xf32>
        %swap3A_1314 = arith.index_cast %select_n3A_570 : i32 to index
        %swap3A_1315 = arith.index_cast %select_n3A_586 : i32 to index
        %swap3A_1316 = arith.constant 400 : index
        %swap3A_1317 = tpu.vector_load %arg4[%swap3A_1314, %swap3A_1315, %swap3A_1316] {strides = array<i32>} : memref<2x24x768xf32, #tpu.memory_space<vmem>>, vector<1x1x16xf32>,
        %swap3A_1318 = vector.shape_cast %swap3A_1317 : vector<1x1x16xf32> to vector<16xf32>
        %swap3A_1319 = vector.shape_cast %rev3A_1313 : vector<16xf32> to vector<1x1x16xf32>
        tpu.vector_store %arg4[%swap3A_1314, %swap3A_1315, %swap3A_1316], %swap3A_1319 {strides = array<i32>} : memref<2x24x768xf32, #tpu.memory_space<vmem>>, vector<1x1x16xf32>,
        %get3A_1320 = arith.index_cast %select_n3A_570 : i32 to index
        %get3A_1321 = arith.index_cast %select_n3A_586 : i32 to index
        %get3A_1322 = arith.constant 368 : index
        %get3A_1323 = tpu.vector_load %arg4[%get3A_1320, %get3A_1321, %get3A_1322] {strides = array<i32>} : memref<2x24x768xf32, #tpu.memory_space<vmem>>, vector<1x1x16xf32>,
        %get3A_1324 = vector.shape_cast %get3A_1323 : vector<1x1x16xf32> to vector<16xf32>
        %get3A_1325 = arith.index_cast %select_n3A_570 : i32 to index
        %get3A_1326 = arith.index_cast %select_n3A_586 : i32 to index
        %get3A_1327 = arith.constant 384 : index
        %get3A_1328 = tpu.vector_load %arg4[%get3A_1325, %get3A_1326, %get3A_1327] {strides = array<i32>} : memref<2x24x768xf32, #tpu.memory_space<vmem>>, vector<1x1x16xf32>,
        %get3A_1329 = vector.shape_cast %get3A_1328 : vector<1x1x16xf32> to vector<16xf32>
        %rev3A_1330 = arith.constant 15 : i32
        %rev3A_1331 = vector.broadcast %rev3A_1330 : i32 to vector<16xi32>
        %rev3A_1332 = tpu.iota {dimensions = array<i32: 0>} : vector<16xi32>
        %rev3A_1333 = arith.subi %rev3A_1331, %rev3A_1332 : vector<16xi32>
        %rev3A_1334 = tpu.dynamic_gather %get3A_1329[%rev3A_1333] in [0] : vector<16xf32>, vector<16xi32> -> vector<16xf32>
        %swap3A_1335 = arith.index_cast %select_n3A_570 : i32 to index
        %swap3A_1336 = arith.index_cast %select_n3A_586 : i32 to index
        %swap3A_1337 = arith.constant 368 : index
        %swap3A_1338 = tpu.vector_load %arg4[%swap3A_1335, %swap3A_1336, %swap3A_1337] {strides = array<i32>} : memref<2x24x768xf32, #tpu.memory_space<vmem>>, vector<1x1x16xf32>,
        %swap3A_1339 = vector.shape_cast %swap3A_1338 : vector<1x1x16xf32> to vector<16xf32>
        %swap3A_1340 = vector.shape_cast %rev3A_1334 : vector<16xf32> to vector<1x1x16xf32>
        tpu.vector_store %arg4[%swap3A_1335, %swap3A_1336, %swap3A_1337], %swap3A_1340 {strides = array<i32>} : memref<2x24x768xf32, #tpu.memory_space<vmem>>, vector<1x1x16xf32>,
        %rev3A_1341 = arith.constant 15 : i32
        %rev3A_1342 = vector.broadcast %rev3A_1341 : i32 to vector<16xi32>
        %rev3A_1343 = tpu.iota {dimensions = array<i32: 0>} : vector<16xi32>
        %rev3A_1344 = arith.subi %rev3A_1342, %rev3A_1343 : vector<16xi32>
        %rev3A_1345 = tpu.dynamic_gather %get3A_1324[%rev3A_1344] in [0] : vector<16xf32>, vector<16xi32> -> vector<16xf32>
        %swap3A_1346 = arith.index_cast %select_n3A_570 : i32 to index
        %swap3A_1347 = arith.index_cast %select_n3A_586 : i32 to index
        %swap3A_1348 = arith.constant 384 : index
        %swap3A_1349 = tpu.vector_load %arg4[%swap3A_1346, %swap3A_1347, %swap3A_1348] {strides = array<i32>} : memref<2x24x768xf32, #tpu.memory_space<vmem>>, vector<1x1x16xf32>,
        %swap3A_1350 = vector.shape_cast %swap3A_1349 : vector<1x1x16xf32> to vector<16xf32>
        %swap3A_1351 = vector.shape_cast %rev3A_1345 : vector<16xf32> to vector<1x1x16xf32>
        tpu.vector_store %arg4[%swap3A_1346, %swap3A_1347, %swap3A_1348], %swap3A_1351 {strides = array<i32>} : memref<2x24x768xf32, #tpu.memory_space<vmem>>, vector<1x1x16xf32>,
      }
      %scan3A_270 = arith.constant 48 : i32
      %jit3A_271 = arith.constant 12 : i32
      %div3A_272 = arith.divsi %add3A_213, %jit3A_271 : i32
      %sign3A_273 = arith.constant 0 : i32
      %sign3A_274 = arith.cmpi sgt, %add3A_213, %sign3A_273 : i32
      %sign3A_275 = arith.extui %sign3A_274 : i1 to i32
      %sign3A_276 = arith.constant 0 : i32
      %sign3A_277 = arith.cmpi slt, %add3A_213, %sign3A_276 : i32
      %sign3A_278 = arith.extui %sign3A_277 : i1 to i32
      %sign3A_279 = arith.subi %sign3A_275, %sign3A_278 : i32
      %sign3A_280 = arith.constant 0 : i32
      %sign3A_281 = arith.cmpi sgt, %jit3A_271, %sign3A_280 : i32
      %sign3A_282 = arith.extui %sign3A_281 : i1 to i32
      %sign3A_283 = arith.constant 0 : i32
      %sign3A_284 = arith.cmpi slt, %jit3A_271, %sign3A_283 : i32
      %sign3A_285 = arith.extui %sign3A_284 : i1 to i32
      %sign3A_286 = arith.subi %sign3A_282, %sign3A_285 : i32
      %ne3A_287 = arith.cmpi ne, %sign3A_279, %sign3A_286 : i32
      %rem3A_288 = arith.remsi %add3A_213, %jit3A_271 : i32
      %ne3A_289 = arith.constant 0 : i32
      %ne3A_290 = arith.cmpi ne, %rem3A_288, %ne3A_289 : i32
      %and3A_291 = arith.andi %ne3A_287, %ne3A_290 : i1
      %sub3A_292 = arith.constant 1 : i32
      %sub3A_293 = arith.subi %div3A_272, %sub3A_292 : i32
      %select_n3A_294 = arith.select %and3A_291, %sub3A_293, %div3A_272 : i32
      %add3A_295 = arith.addi %mul3A_2, %select_n3A_294 : i32
      %jit3A_296 = arith.constant 12 : i32
      %eq3A_297 = arith.constant 0 : i32
      %eq3A_298 = arith.cmpi eq, %jit3A_296, %eq3A_297 : i32
      %jit3A_299 = arith.constant 1 : i32
      %select_n3A_300 = arith.select %eq3A_298, %jit3A_299, %jit3A_296 : i32
      %rem3A_301 = arith.remsi %add3A_213, %select_n3A_300 : i32
      %ne3A_302 = arith.constant 0 : i32
      %ne3A_303 = arith.cmpi ne, %rem3A_301, %ne3A_302 : i32
      %lt3A_304 = arith.constant 0 : i32
      %lt3A_305 = arith.cmpi slt, %rem3A_301, %lt3A_304 : i32
      %lt3A_306 = arith.constant 0 : i32
      %lt3A_307 = arith.cmpi slt, %select_n3A_300, %lt3A_306 : i32
      %ne3A_308 = arith.xori %lt3A_305, %lt3A_307 : i1
      %and3A_309 = arith.andi %ne3A_308, %ne3A_303 : i1
      %add3A_310 = arith.addi %rem3A_301, %select_n3A_300 : i32
      %select_n3A_311 = arith.select %and3A_309, %add3A_310, %rem3A_301 : i32
      %mul3A_312 = arith.constant 2 : i32
      %mul3A_313 = arith.muli %select_n3A_311, %mul3A_312 : i32
      %dma_start3A_314 = arith.constant 0 : i32
      %dma_start3A_315 = arith.constant 0 : i32
      %dma_start3A_316 = tpu.memref_slice %arg3[%add3A_295, %mul3A_313, %dma_start3A_314, %dma_start3A_315] : memref<64x24x24x768xf32, #tpu.memory_space<hbm>> -> memref<1x2x24x768xf32, #tpu.memory_space<hbm>>
      %dma_start3A_317 = tpu.memref_squeeze %dma_start3A_316 : memref<1x2x24x768xf32, #tpu.memory_space<hbm>> -> memref<2x24x768xf32, #tpu.memory_space<hbm>>
      %dma_start3A_318 = arith.constant 0 : i32
      %dma_start3A_319 = arith.constant 0 : i32
      %dma_start3A_320 = tpu.memref_slice %arg3[%add3A_295, %mul3A_313, %dma_start3A_318, %dma_start3A_319] : memref<64x24x24x768xf32, #tpu.memory_space<hbm>> -> memref<1x2x24x768xf32, #tpu.memory_space<hbm>>
      %dma_start3A_321 = tpu.memref_squeeze %dma_start3A_320 : memref<1x2x24x768xf32, #tpu.memory_space<hbm>> -> memref<2x24x768xf32, #tpu.memory_space<hbm>>
      tpu.enqueue_dma source(%arg4 : memref<2x24x768xf32, #tpu.memory_space<vmem>>) target(%dma_start3A_321 : memref<2x24x768xf32, #tpu.memory_space<hbm>>) target_semaphore(%arg10 : memref<!tpu.dma_semaphore, #tpu.memory_space<semaphore_mem>>)
      %mul3A_322 = arith.constant 3 : i32
      %mul3A_323 = arith.muli %mul3A_322, %scan3A_43 : i32
      %add3A_324 = arith.constant 1 : i32
      %add3A_325 = arith.addi %mul3A_323, %add3A_324 : i32
      %jit3A_326 = arith.constant 12 : i32
      %div3A_327 = arith.divsi %add3A_325, %jit3A_326 : i32
      %sign3A_328 = arith.constant 0 : i32
      %sign3A_329 = arith.cmpi sgt, %add3A_325, %sign3A_328 : i32
      %sign3A_330 = arith.extui %sign3A_329 : i1 to i32
      %sign3A_331 = arith.constant 0 : i32
      %sign3A_332 = arith.cmpi slt, %add3A_325, %sign3A_331 : i32
      %sign3A_333 = arith.extui %sign3A_332 : i1 to i32
      %sign3A_334 = arith.subi %sign3A_330, %sign3A_333 : i32
      %sign3A_335 = arith.constant 0 : i32
      %sign3A_336 = arith.cmpi sgt, %jit3A_326, %sign3A_335 : i32
      %sign3A_337 = arith.extui %sign3A_336 : i1 to i32
      %sign3A_338 = arith.constant 0 : i32
      %sign3A_339 = arith.cmpi slt, %jit3A_326, %sign3A_338 : i32
      %sign3A_340 = arith.extui %sign3A_339 : i1 to i32
      %sign3A_341 = arith.subi %sign3A_337, %sign3A_340 : i32
      %ne3A_342 = arith.cmpi ne, %sign3A_334, %sign3A_341 : i32
      %rem3A_343 = arith.remsi %add3A_325, %jit3A_326 : i32
      %ne3A_344 = arith.constant 0 : i32
      %ne3A_345 = arith.cmpi ne, %rem3A_343, %ne3A_344 : i32
      %and3A_346 = arith.andi %ne3A_342, %ne3A_345 : i1
      %sub3A_347 = arith.constant 1 : i32
      %sub3A_348 = arith.subi %div3A_327, %sub3A_347 : i32
      %select_n3A_349 = arith.select %and3A_346, %sub3A_348, %div3A_327 : i32
      %add3A_350 = arith.addi %mul3A_2, %select_n3A_349 : i32
      %jit3A_351 = arith.constant 12 : i32
      %eq3A_352 = arith.constant 0 : i32
      %eq3A_353 = arith.cmpi eq, %jit3A_351, %eq3A_352 : i32
      %jit3A_354 = arith.constant 1 : i32
      %select_n3A_355 = arith.select %eq3A_353, %jit3A_354, %jit3A_351 : i32
      %rem3A_356 = arith.remsi %add3A_325, %select_n3A_355 : i32
      %ne3A_357 = arith.constant 0 : i32
      %ne3A_358 = arith.cmpi ne, %rem3A_356, %ne3A_357 : i32
      %lt3A_359 = arith.constant 0 : i32
      %lt3A_360 = arith.cmpi slt, %rem3A_356, %lt3A_359 : i32
      %lt3A_361 = arith.constant 0 : i32
      %lt3A_362 = arith.cmpi slt, %select_n3A_355, %lt3A_361 : i32
      %ne3A_363 = arith.xori %lt3A_360, %lt3A_362 : i1
      %and3A_364 = arith.andi %ne3A_363, %ne3A_358 : i1
      %add3A_365 = arith.addi %rem3A_356, %select_n3A_355 : i32
      %select_n3A_366 = arith.select %and3A_364, %add3A_365, %rem3A_356 : i32
      %mul3A_367 = arith.constant 2 : i32
      %mul3A_368 = arith.muli %select_n3A_366, %mul3A_367 : i32
      %dma_wait3A_369 = arith.constant 0 : i32
      %dma_wait3A_370 = arith.constant 0 : i32
      %dma_wait3A_371 = tpu.memref_slice %arg2[%add3A_350, %mul3A_368, %dma_wait3A_369, %dma_wait3A_370] : memref<64x24x24x768xf32, #tpu.memory_space<hbm>> -> memref<1x2x24x768xf32, #tpu.memory_space<hbm>>
      %dma_wait3A_372 = tpu.memref_squeeze %dma_wait3A_371 : memref<1x2x24x768xf32, #tpu.memory_space<hbm>> -> memref<2x24x768xf32, #tpu.memory_space<hbm>>
      %dma_wait3A_373 = arith.constant 0 : i32
      %dma_wait3A_374 = arith.constant 0 : i32
      %dma_wait3A_375 = tpu.memref_slice %arg2[%add3A_350, %mul3A_368, %dma_wait3A_373, %dma_wait3A_374] : memref<64x24x24x768xf32, #tpu.memory_space<hbm>> -> memref<1x2x24x768xf32, #tpu.memory_space<hbm>>
      %dma_wait3A_376 = tpu.memref_squeeze %dma_wait3A_375 : memref<1x2x24x768xf32, #tpu.memory_space<hbm>> -> memref<2x24x768xf32, #tpu.memory_space<hbm>>
      tpu.wait_dma2 semaphore(%arg8 : memref<!tpu.dma_semaphore, #tpu.memory_space<semaphore_mem>>) src(%dma_wait3A_376 : memref<2x24x768xf32, #tpu.memory_space<hbm>>) dst(%arg5 : memref<2x24x768xf32, #tpu.memory_space<vmem>>)
      %scan3A_377 = arith.constant 0 : i32
      %scan3A_378 = arith.constant 0 : i32
      %scan3A_379 = arith.constant 48 : i32
      %scan3A_380 = arith.addi %scan3A_378, %scan3A_379 : i32
      %scan3A_381 = arith.constant 1 : i32
      scf.for %scan3A_546 = %scan3A_378 to %scan3A_380 step %scan3A_381  : i32 {
        %jit3A_547 = arith.constant 24 : i32
        %div3A_548 = arith.divsi %scan3A_546, %jit3A_547 : i32
        %sign3A_549 = arith.constant 0 : i32
        %sign3A_550 = arith.cmpi sgt, %scan3A_546, %sign3A_549 : i32
        %sign3A_551 = arith.extui %sign3A_550 : i1 to i32
        %sign3A_552 = arith.constant 0 : i32
        %sign3A_553 = arith.cmpi slt, %scan3A_546, %sign3A_552 : i32
        %sign3A_554 = arith.extui %sign3A_553 : i1 to i32
        %sign3A_555 = arith.subi %sign3A_551, %sign3A_554 : i32
        %sign3A_556 = arith.constant 0 : i32
        %sign3A_557 = arith.cmpi sgt, %jit3A_547, %sign3A_556 : i32
        %sign3A_558 = arith.extui %sign3A_557 : i1 to i32
        %sign3A_559 = arith.constant 0 : i32
        %sign3A_560 = arith.cmpi slt, %jit3A_547, %sign3A_559 : i32
        %sign3A_561 = arith.extui %sign3A_560 : i1 to i32
        %sign3A_562 = arith.subi %sign3A_558, %sign3A_561 : i32
        %ne3A_563 = arith.cmpi ne, %sign3A_555, %sign3A_562 : i32
        %rem3A_564 = arith.remsi %scan3A_546, %jit3A_547 : i32
        %ne3A_565 = arith.constant 0 : i32
        %ne3A_566 = arith.cmpi ne, %rem3A_564, %ne3A_565 : i32
        %and3A_567 = arith.andi %ne3A_563, %ne3A_566 : i1
        %sub3A_568 = arith.constant 1 : i32
        %sub3A_569 = arith.subi %div3A_548, %sub3A_568 : i32
        %select_n3A_570 = arith.select %and3A_567, %sub3A_569, %div3A_548 : i32
        %jit3A_571 = arith.constant 24 : i32
        %eq3A_572 = arith.constant 0 : i32
        %eq3A_573 = arith.cmpi eq, %jit3A_571, %eq3A_572 : i32
        %jit3A_574 = arith.constant 1 : i32
        %select_n3A_575 = arith.select %eq3A_573, %jit3A_574, %jit3A_571 : i32
        %rem3A_576 = arith.remsi %scan3A_546, %select_n3A_575 : i32
        %ne3A_577 = arith.constant 0 : i32
        %ne3A_578 = arith.cmpi ne, %rem3A_576, %ne3A_577 : i32
        %lt3A_579 = arith.constant 0 : i32
        %lt3A_580 = arith.cmpi slt, %rem3A_576, %lt3A_579 : i32
        %lt3A_581 = arith.constant 0 : i32
        %lt3A_582 = arith.cmpi slt, %select_n3A_575, %lt3A_581 : i32
        %ne3A_583 = arith.xori %lt3A_580, %lt3A_582 : i1
        %and3A_584 = arith.andi %ne3A_583, %ne3A_578 : i1
        %add3A_585 = arith.addi %rem3A_576, %select_n3A_575 : i32
        %select_n3A_586 = arith.select %and3A_584, %add3A_585, %rem3A_576 : i32
        %get3A = arith.index_cast %select_n3A_570 : i32 to index
        %get3A_587 = arith.index_cast %select_n3A_586 : i32 to index
        %get3A_588 = arith.constant 0 : index
        %get3A_589 = tpu.vector_load %arg5[%get3A, %get3A_587, %get3A_588] {strides = array<i32>} : memref<2x24x768xf32, #tpu.memory_space<vmem>>, vector<1x1x16xf32>,
        %get3A_590 = vector.shape_cast %get3A_589 : vector<1x1x16xf32> to vector<16xf32>
        %get3A_591 = arith.index_cast %select_n3A_570 : i32 to index
        %get3A_592 = arith.index_cast %select_n3A_586 : i32 to index
        %get3A_593 = arith.constant 752 : index
        %get3A_594 = tpu.vector_load %arg5[%get3A_591, %get3A_592, %get3A_593] {strides = array<i32>} : memref<2x24x768xf32, #tpu.memory_space<vmem>>, vector<1x1x16xf32>,
        %get3A_595 = vector.shape_cast %get3A_594 : vector<1x1x16xf32> to vector<16xf32>
        %rev3A = arith.constant 15 : i32
        %rev3A_596 = vector.broadcast %rev3A : i32 to vector<16xi32>
        %rev3A_597 = tpu.iota {dimensions = array<i32: 0>} : vector<16xi32>
        %rev3A_598 = arith.subi %rev3A_596, %rev3A_597 : vector<16xi32>
        %rev3A_599 = tpu.dynamic_gather %get3A_595[%rev3A_598] in [0] : vector<16xf32>, vector<16xi32> -> vector<16xf32>
        %swap3A = arith.index_cast %select_n3A_570 : i32 to index
        %swap3A_600 = arith.index_cast %select_n3A_586 : i32 to index
        %swap3A_601 = arith.constant 0 : index
        %swap3A_602 = tpu.vector_load %arg5[%swap3A, %swap3A_600, %swap3A_601] {strides = array<i32>} : memref<2x24x768xf32, #tpu.memory_space<vmem>>, vector<1x1x16xf32>,
        %swap3A_603 = vector.shape_cast %swap3A_602 : vector<1x1x16xf32> to vector<16xf32>
        %swap3A_604 = vector.shape_cast %rev3A_599 : vector<16xf32> to vector<1x1x16xf32>
        tpu.vector_store %arg5[%swap3A, %swap3A_600, %swap3A_601], %swap3A_604 {strides = array<i32>} : memref<2x24x768xf32, #tpu.memory_space<vmem>>, vector<1x1x16xf32>,
        %rev3A_605 = arith.constant 15 : i32
        %rev3A_606 = vector.broadcast %rev3A_605 : i32 to vector<16xi32>
        %rev3A_607 = tpu.iota {dimensions = array<i32: 0>} : vector<16xi32>
        %rev3A_608 = arith.subi %rev3A_606, %rev3A_607 : vector<16xi32>
        %rev3A_609 = tpu.dynamic_gather %get3A_590[%rev3A_608] in [0] : vector<16xf32>, vector<16xi32> -> vector<16xf32>
        %swap3A_610 = arith.index_cast %select_n3A_570 : i32 to index
        %swap3A_611 = arith.index_cast %select_n3A_586 : i32 to index
        %swap3A_612 = arith.constant 752 : index
        %swap3A_613 = tpu.vector_load %arg5[%swap3A_610, %swap3A_611, %swap3A_612] {strides = array<i32>} : memref<2x24x768xf32, #tpu.memory_space<vmem>>, vector<1x1x16xf32>,
        %swap3A_614 = vector.shape_cast %swap3A_613 : vector<1x1x16xf32> to vector<16xf32>
        %swap3A_615 = vector.shape_cast %rev3A_609 : vector<16xf32> to vector<1x1x16xf32>
        tpu.vector_store %arg5[%swap3A_610, %swap3A_611, %swap3A_612], %swap3A_615 {strides = array<i32>} : memref<2x24x768xf32, #tpu.memory_space<vmem>>, vector<1x1x16xf32>,
        %get3A_616 = arith.index_cast %select_n3A_570 : i32 to index
        %get3A_617 = arith.index_cast %select_n3A_586 : i32 to index
        %get3A_618 = arith.constant 16 : index
        %get3A_619 = tpu.vector_load %arg5[%get3A_616, %get3A_617, %get3A_618] {strides = array<i32>} : memref<2x24x768xf32, #tpu.memory_space<vmem>>, vector<1x1x16xf32>,
        %get3A_620 = vector.shape_cast %get3A_619 : vector<1x1x16xf32> to vector<16xf32>
        %get3A_621 = arith.index_cast %select_n3A_570 : i32 to index
        %get3A_622 = arith.index_cast %select_n3A_586 : i32 to index
        %get3A_623 = arith.constant 736 : index
        %get3A_624 = tpu.vector_load %arg5[%get3A_621, %get3A_622, %get3A_623] {strides = array<i32>} : memref<2x24x768xf32, #tpu.memory_space<vmem>>, vector<1x1x16xf32>,
        %get3A_625 = vector.shape_cast %get3A_624 : vector<1x1x16xf32> to vector<16xf32>
        %rev3A_626 = arith.constant 15 : i32
        %rev3A_627 = vector.broadcast %rev3A_626 : i32 to vector<16xi32>
        %rev3A_628 = tpu.iota {dimensions = array<i32: 0>} : vector<16xi32>
        %rev3A_629 = arith.subi %rev3A_627, %rev3A_628 : vector<16xi32>
        %rev3A_630 = tpu.dynamic_gather %get3A_625[%rev3A_629] in [0] : vector<16xf32>, vector<16xi32> -> vector<16xf32>
        %swap3A_631 = arith.index_cast %select_n3A_570 : i32 to index
        %swap3A_632 = arith.index_cast %select_n3A_586 : i32 to index
        %swap3A_633 = arith.constant 16 : index
        %swap3A_634 = tpu.vector_load %arg5[%swap3A_631, %swap3A_632, %swap3A_633] {strides = array<i32>} : memref<2x24x768xf32, #tpu.memory_space<vmem>>, vector<1x1x16xf32>,
        %swap3A_635 = vector.shape_cast %swap3A_634 : vector<1x1x16xf32> to vector<16xf32>
        %swap3A_636 = vector.shape_cast %rev3A_630 : vector<16xf32> to vector<1x1x16xf32>
        tpu.vector_store %arg5[%swap3A_631, %swap3A_632, %swap3A_633], %swap3A_636 {strides = array<i32>} : memref<2x24x768xf32, #tpu.memory_space<vmem>>, vector<1x1x16xf32>,
        %rev3A_637 = arith.constant 15 : i32
        %rev3A_638 = vector.broadcast %rev3A_637 : i32 to vector<16xi32>
        %rev3A_639 = tpu.iota {dimensions = array<i32: 0>} : vector<16xi32>
        %rev3A_640 = arith.subi %rev3A_638, %rev3A_639 : vector<16xi32>
        %rev3A_641 = tpu.dynamic_gather %get3A_620[%rev3A_640] in [0] : vector<16xf32>, vector<16xi32> -> vector<16xf32>
        %swap3A_642 = arith.index_cast %select_n3A_570 : i32 to index
        %swap3A_643 = arith.index_cast %select_n3A_586 : i32 to index
        %swap3A_644 = arith.constant 736 : index
        %swap3A_645 = tpu.vector_load %arg5[%swap3A_642, %swap3A_643, %swap3A_644] {strides = array<i32>} : memref<2x24x768xf32, #tpu.memory_space<vmem>>, vector<1x1x16xf32>,
        %swap3A_646 = vector.shape_cast %swap3A_645 : vector<1x1x16xf32> to vector<16xf32>
        %swap3A_647 = vector.shape_cast %rev3A_641 : vector<16xf32> to vector<1x1x16xf32>
        tpu.vector_store %arg5[%swap3A_642, %swap3A_643, %swap3A_644], %swap3A_647 {strides = array<i32>} : memref<2x24x768xf32, #tpu.memory_space<vmem>>, vector<1x1x16xf32>,
        %get3A_648 = arith.index_cast %select_n3A_570 : i32 to index
        %get3A_649 = arith.index_cast %select_n3A_586 : i32 to index
        %get3A_650 = arith.constant 32 : index
        %get3A_651 = tpu.vector_load %arg5[%get3A_648, %get3A_649, %get3A_650] {strides = array<i32>} : memref<2x24x768xf32, #tpu.memory_space<vmem>>, vector<1x1x16xf32>,
        %get3A_652 = vector.shape_cast %get3A_651 : vector<1x1x16xf32> to vector<16xf32>
        %get3A_653 = arith.index_cast %select_n3A_570 : i32 to index
        %get3A_654 = arith.index_cast %select_n3A_586 : i32 to index
        %get3A_655 = arith.constant 720 : index
        %get3A_656 = tpu.vector_load %arg5[%get3A_653, %get3A_654, %get3A_655] {strides = array<i32>} : memref<2x24x768xf32, #tpu.memory_space<vmem>>, vector<1x1x16xf32>,
        %get3A_657 = vector.shape_cast %get3A_656 : vector<1x1x16xf32> to vector<16xf32>
        %rev3A_658 = arith.constant 15 : i32
        %rev3A_659 = vector.broadcast %rev3A_658 : i32 to vector<16xi32>
        %rev3A_660 = tpu.iota {dimensions = array<i32: 0>} : vector<16xi32>
        %rev3A_661 = arith.subi %rev3A_659, %rev3A_660 : vector<16xi32>
        %rev3A_662 = tpu.dynamic_gather %get3A_657[%rev3A_661] in [0] : vector<16xf32>, vector<16xi32> -> vector<16xf32>
        %swap3A_663 = arith.index_cast %select_n3A_570 : i32 to index
        %swap3A_664 = arith.index_cast %select_n3A_586 : i32 to index
        %swap3A_665 = arith.constant 32 : index
        %swap3A_666 = tpu.vector_load %arg5[%swap3A_663, %swap3A_664, %swap3A_665] {strides = array<i32>} : memref<2x24x768xf32, #tpu.memory_space<vmem>>, vector<1x1x16xf32>,
        %swap3A_667 = vector.shape_cast %swap3A_666 : vector<1x1x16xf32> to vector<16xf32>
        %swap3A_668 = vector.shape_cast %rev3A_662 : vector<16xf32> to vector<1x1x16xf32>
        tpu.vector_store %arg5[%swap3A_663, %swap3A_664, %swap3A_665], %swap3A_668 {strides = array<i32>} : memref<2x24x768xf32, #tpu.memory_space<vmem>>, vector<1x1x16xf32>,
        %rev3A_669 = arith.constant 15 : i32
        %rev3A_670 = vector.broadcast %rev3A_669 : i32 to vector<16xi32>
        %rev3A_671 = tpu.iota {dimensions = array<i32: 0>} : vector<16xi32>
        %rev3A_672 = arith.subi %rev3A_670, %rev3A_671 : vector<16xi32>
        %rev3A_673 = tpu.dynamic_gather %get3A_652[%rev3A_672] in [0] : vector<16xf32>, vector<16xi32> -> vector<16xf32>
        %swap3A_674 = arith.index_cast %select_n3A_570 : i32 to index
        %swap3A_675 = arith.index_cast %select_n3A_586 : i32 to index
        %swap3A_676 = arith.constant 720 : index
        %swap3A_677 = tpu.vector_load %arg5[%swap3A_674, %swap3A_675, %swap3A_676] {strides = array<i32>} : memref<2x24x768xf32, #tpu.memory_space<vmem>>, vector<1x1x16xf32>,
        %swap3A_678 = vector.shape_cast %swap3A_677 : vector<1x1x16xf32> to vector<16xf32>
        %swap3A_679 = vector.shape_cast %rev3A_673 : vector<16xf32> to vector<1x1x16xf32>
        tpu.vector_store %arg5[%swap3A_674, %swap3A_675, %swap3A_676], %swap3A_679 {strides = array<i32>} : memref<2x24x768xf32, #tpu.memory_space<vmem>>, vector<1x1x16xf32>,
        %get3A_680 = arith.index_cast %select_n3A_570 : i32 to index
        %get3A_681 = arith.index_cast %select_n3A_586 : i32 to index
        %get3A_682 = arith.constant 48 : index
        %get3A_683 = tpu.vector_load %arg5[%get3A_680, %get3A_681, %get3A_682] {strides = array<i32>} : memref<2x24x768xf32, #tpu.memory_space<vmem>>, vector<1x1x16xf32>,
        %get3A_684 = vector.shape_cast %get3A_683 : vector<1x1x16xf32> to vector<16xf32>
        %get3A_685 = arith.index_cast %select_n3A_570 : i32 to index
        %get3A_686 = arith.index_cast %select_n3A_586 : i32 to index
        %get3A_687 = arith.constant 704 : index
        %get3A_688 = tpu.vector_load %arg5[%get3A_685, %get3A_686, %get3A_687] {strides = array<i32>} : memref<2x24x768xf32, #tpu.memory_space<vmem>>, vector<1x1x16xf32>,
        %get3A_689 = vector.shape_cast %get3A_688 : vector<1x1x16xf32> to vector<16xf32>
        %rev3A_690 = arith.constant 15 : i32
        %rev3A_691 = vector.broadcast %rev3A_690 : i32 to vector<16xi32>
        %rev3A_692 = tpu.iota {dimensions = array<i32: 0>} : vector<16xi32>
        %rev3A_693 = arith.subi %rev3A_691, %rev3A_692 : vector<16xi32>
        %rev3A_694 = tpu.dynamic_gather %get3A_689[%rev3A_693] in [0] : vector<16xf32>, vector<16xi32> -> vector<16xf32>
        %swap3A_695 = arith.index_cast %select_n3A_570 : i32 to index
        %swap3A_696 = arith.index_cast %select_n3A_586 : i32 to index
        %swap3A_697 = arith.constant 48 : index
        %swap3A_698 = tpu.vector_load %arg5[%swap3A_695, %swap3A_696, %swap3A_697] {strides = array<i32>} : memref<2x24x768xf32, #tpu.memory_space<vmem>>, vector<1x1x16xf32>,
        %swap3A_699 = vector.shape_cast %swap3A_698 : vector<1x1x16xf32> to vector<16xf32>
        %swap3A_700 = vector.shape_cast %rev3A_694 : vector<16xf32> to vector<1x1x16xf32>
        tpu.vector_store %arg5[%swap3A_695, %swap3A_696, %swap3A_697], %swap3A_700 {strides = array<i32>} : memref<2x24x768xf32, #tpu.memory_space<vmem>>, vector<1x1x16xf32>,
        %rev3A_701 = arith.constant 15 : i32
        %rev3A_702 = vector.broadcast %rev3A_701 : i32 to vector<16xi32>
        %rev3A_703 = tpu.iota {dimensions = array<i32: 0>} : vector<16xi32>
        %rev3A_704 = arith.subi %rev3A_702, %rev3A_703 : vector<16xi32>
        %rev3A_705 = tpu.dynamic_gather %get3A_684[%rev3A_704] in [0] : vector<16xf32>, vector<16xi32> -> vector<16xf32>
        %swap3A_706 = arith.index_cast %select_n3A_570 : i32 to index
        %swap3A_707 = arith.index_cast %select_n3A_586 : i32 to index
        %swap3A_708 = arith.constant 704 : index
        %swap3A_709 = tpu.vector_load %arg5[%swap3A_706, %swap3A_707, %swap3A_708] {strides = array<i32>} : memref<2x24x768xf32, #tpu.memory_space<vmem>>, vector<1x1x16xf32>,
        %swap3A_710 = vector.shape_cast %swap3A_709 : vector<1x1x16xf32> to vector<16xf32>
        %swap3A_711 = vector.shape_cast %rev3A_705 : vector<16xf32> to vector<1x1x16xf32>
        tpu.vector_store %arg5[%swap3A_706, %swap3A_707, %swap3A_708], %swap3A_711 {strides = array<i32>} : memref<2x24x768xf32, #tpu.memory_space<vmem>>, vector<1x1x16xf32>,
        %get3A_712 = arith.index_cast %select_n3A_570 : i32 to index
        %get3A_713 = arith.index_cast %select_n3A_586 : i32 to index
        %get3A_714 = arith.constant 64 : index
        %get3A_715 = tpu.vector_load %arg5[%get3A_712, %get3A_713, %get3A_714] {strides = array<i32>} : memref<2x24x768xf32, #tpu.memory_space<vmem>>, vector<1x1x16xf32>,
        %get3A_716 = vector.shape_cast %get3A_715 : vector<1x1x16xf32> to vector<16xf32>
        %get3A_717 = arith.index_cast %select_n3A_570 : i32 to index
        %get3A_718 = arith.index_cast %select_n3A_586 : i32 to index
        %get3A_719 = arith.constant 688 : index
        %get3A_720 = tpu.vector_load %arg5[%get3A_717, %get3A_718, %get3A_719] {strides = array<i32>} : memref<2x24x768xf32, #tpu.memory_space<vmem>>, vector<1x1x16xf32>,
        %get3A_721 = vector.shape_cast %get3A_720 : vector<1x1x16xf32> to vector<16xf32>
        %rev3A_722 = arith.constant 15 : i32
        %rev3A_723 = vector.broadcast %rev3A_722 : i32 to vector<16xi32>
        %rev3A_724 = tpu.iota {dimensions = array<i32: 0>} : vector<16xi32>
        %rev3A_725 = arith.subi %rev3A_723, %rev3A_724 : vector<16xi32>
        %rev3A_726 = tpu.dynamic_gather %get3A_721[%rev3A_725] in [0] : vector<16xf32>, vector<16xi32> -> vector<16xf32>
        %swap3A_727 = arith.index_cast %select_n3A_570 : i32 to index
        %swap3A_728 = arith.index_cast %select_n3A_586 : i32 to index
        %swap3A_729 = arith.constant 64 : index
        %swap3A_730 = tpu.vector_load %arg5[%swap3A_727, %swap3A_728, %swap3A_729] {strides = array<i32>} : memref<2x24x768xf32, #tpu.memory_space<vmem>>, vector<1x1x16xf32>,
        %swap3A_731 = vector.shape_cast %swap3A_730 : vector<1x1x16xf32> to vector<16xf32>
        %swap3A_732 = vector.shape_cast %rev3A_726 : vector<16xf32> to vector<1x1x16xf32>
        tpu.vector_store %arg5[%swap3A_727, %swap3A_728, %swap3A_729], %swap3A_732 {strides = array<i32>} : memref<2x24x768xf32, #tpu.memory_space<vmem>>, vector<1x1x16xf32>,
        %rev3A_733 = arith.constant 15 : i32
        %rev3A_734 = vector.broadcast %rev3A_733 : i32 to vector<16xi32>
        %rev3A_735 = tpu.iota {dimensions = array<i32: 0>} : vector<16xi32>
        %rev3A_736 = arith.subi %rev3A_734, %rev3A_735 : vector<16xi32>
        %rev3A_737 = tpu.dynamic_gather %get3A_716[%rev3A_736] in [0] : vector<16xf32>, vector<16xi32> -> vector<16xf32>
        %swap3A_738 = arith.index_cast %select_n3A_570 : i32 to index
        %swap3A_739 = arith.index_cast %select_n3A_586 : i32 to index
        %swap3A_740 = arith.constant 688 : index
        %swap3A_741 = tpu.vector_load %arg5[%swap3A_738, %swap3A_739, %swap3A_740] {strides = array<i32>} : memref<2x24x768xf32, #tpu.memory_space<vmem>>, vector<1x1x16xf32>,
        %swap3A_742 = vector.shape_cast %swap3A_741 : vector<1x1x16xf32> to vector<16xf32>
        %swap3A_743 = vector.shape_cast %rev3A_737 : vector<16xf32> to vector<1x1x16xf32>
        tpu.vector_store %arg5[%swap3A_738, %swap3A_739, %swap3A_740], %swap3A_743 {strides = array<i32>} : memref<2x24x768xf32, #tpu.memory_space<vmem>>, vector<1x1x16xf32>,
        %get3A_744 = arith.index_cast %select_n3A_570 : i32 to index
        %get3A_745 = arith.index_cast %select_n3A_586 : i32 to index
        %get3A_746 = arith.constant 80 : index
        %get3A_747 = tpu.vector_load %arg5[%get3A_744, %get3A_745, %get3A_746] {strides = array<i32>} : memref<2x24x768xf32, #tpu.memory_space<vmem>>, vector<1x1x16xf32>,
        %get3A_748 = vector.shape_cast %get3A_747 : vector<1x1x16xf32> to vector<16xf32>
        %get3A_749 = arith.index_cast %select_n3A_570 : i32 to index
        %get3A_750 = arith.index_cast %select_n3A_586 : i32 to index
        %get3A_751 = arith.constant 672 : index
        %get3A_752 = tpu.vector_load %arg5[%get3A_749, %get3A_750, %get3A_751] {strides = array<i32>} : memref<2x24x768xf32, #tpu.memory_space<vmem>>, vector<1x1x16xf32>,
        %get3A_753 = vector.shape_cast %get3A_752 : vector<1x1x16xf32> to vector<16xf32>
        %rev3A_754 = arith.constant 15 : i32
        %rev3A_755 = vector.broadcast %rev3A_754 : i32 to vector<16xi32>
        %rev3A_756 = tpu.iota {dimensions = array<i32: 0>} : vector<16xi32>
        %rev3A_757 = arith.subi %rev3A_755, %rev3A_756 : vector<16xi32>
        %rev3A_758 = tpu.dynamic_gather %get3A_753[%rev3A_757] in [0] : vector<16xf32>, vector<16xi32> -> vector<16xf32>
        %swap3A_759 = arith.index_cast %select_n3A_570 : i32 to index
        %swap3A_760 = arith.index_cast %select_n3A_586 : i32 to index
        %swap3A_761 = arith.constant 80 : index
        %swap3A_762 = tpu.vector_load %arg5[%swap3A_759, %swap3A_760, %swap3A_761] {strides = array<i32>} : memref<2x24x768xf32, #tpu.memory_space<vmem>>, vector<1x1x16xf32>,
        %swap3A_763 = vector.shape_cast %swap3A_762 : vector<1x1x16xf32> to vector<16xf32>
        %swap3A_764 = vector.shape_cast %rev3A_758 : vector<16xf32> to vector<1x1x16xf32>
        tpu.vector_store %arg5[%swap3A_759, %swap3A_760, %swap3A_761], %swap3A_764 {strides = array<i32>} : memref<2x24x768xf32, #tpu.memory_space<vmem>>, vector<1x1x16xf32>,
        %rev3A_765 = arith.constant 15 : i32
        %rev3A_766 = vector.broadcast %rev3A_765 : i32 to vector<16xi32>
        %rev3A_767 = tpu.iota {dimensions = array<i32: 0>} : vector<16xi32>
        %rev3A_768 = arith.subi %rev3A_766, %rev3A_767 : vector<16xi32>
        %rev3A_769 = tpu.dynamic_gather %get3A_748[%rev3A_768] in [0] : vector<16xf32>, vector<16xi32> -> vector<16xf32>
        %swap3A_770 = arith.index_cast %select_n3A_570 : i32 to index
        %swap3A_771 = arith.index_cast %select_n3A_586 : i32 to index
        %swap3A_772 = arith.constant 672 : index
        %swap3A_773 = tpu.vector_load %arg5[%swap3A_770, %swap3A_771, %swap3A_772] {strides = array<i32>} : memref<2x24x768xf32, #tpu.memory_space<vmem>>, vector<1x1x16xf32>,
        %swap3A_774 = vector.shape_cast %swap3A_773 : vector<1x1x16xf32> to vector<16xf32>
        %swap3A_775 = vector.shape_cast %rev3A_769 : vector<16xf32> to vector<1x1x16xf32>
        tpu.vector_store %arg5[%swap3A_770, %swap3A_771, %swap3A_772], %swap3A_775 {strides = array<i32>} : memref<2x24x768xf32, #tpu.memory_space<vmem>>, vector<1x1x16xf32>,
        %get3A_776 = arith.index_cast %select_n3A_570 : i32 to index
        %get3A_777 = arith.index_cast %select_n3A_586 : i32 to index
        %get3A_778 = arith.constant 96 : index
        %get3A_779 = tpu.vector_load %arg5[%get3A_776, %get3A_777, %get3A_778] {strides = array<i32>} : memref<2x24x768xf32, #tpu.memory_space<vmem>>, vector<1x1x16xf32>,
        %get3A_780 = vector.shape_cast %get3A_779 : vector<1x1x16xf32> to vector<16xf32>
        %get3A_781 = arith.index_cast %select_n3A_570 : i32 to index
        %get3A_782 = arith.index_cast %select_n3A_586 : i32 to index
        %get3A_783 = arith.constant 656 : index
        %get3A_784 = tpu.vector_load %arg5[%get3A_781, %get3A_782, %get3A_783] {strides = array<i32>} : memref<2x24x768xf32, #tpu.memory_space<vmem>>, vector<1x1x16xf32>,
        %get3A_785 = vector.shape_cast %get3A_784 : vector<1x1x16xf32> to vector<16xf32>
        %rev3A_786 = arith.constant 15 : i32
        %rev3A_787 = vector.broadcast %rev3A_786 : i32 to vector<16xi32>
        %rev3A_788 = tpu.iota {dimensions = array<i32: 0>} : vector<16xi32>
        %rev3A_789 = arith.subi %rev3A_787, %rev3A_788 : vector<16xi32>
        %rev3A_790 = tpu.dynamic_gather %get3A_785[%rev3A_789] in [0] : vector<16xf32>, vector<16xi32> -> vector<16xf32>
        %swap3A_791 = arith.index_cast %select_n3A_570 : i32 to index
        %swap3A_792 = arith.index_cast %select_n3A_586 : i32 to index
        %swap3A_793 = arith.constant 96 : index
        %swap3A_794 = tpu.vector_load %arg5[%swap3A_791, %swap3A_792, %swap3A_793] {strides = array<i32>} : memref<2x24x768xf32, #tpu.memory_space<vmem>>, vector<1x1x16xf32>,
        %swap3A_795 = vector.shape_cast %swap3A_794 : vector<1x1x16xf32> to vector<16xf32>
        %swap3A_796 = vector.shape_cast %rev3A_790 : vector<16xf32> to vector<1x1x16xf32>
        tpu.vector_store %arg5[%swap3A_791, %swap3A_792, %swap3A_793], %swap3A_796 {strides = array<i32>} : memref<2x24x768xf32, #tpu.memory_space<vmem>>, vector<1x1x16xf32>,
        %rev3A_797 = arith.constant 15 : i32
        %rev3A_798 = vector.broadcast %rev3A_797 : i32 to vector<16xi32>
        %rev3A_799 = tpu.iota {dimensions = array<i32: 0>} : vector<16xi32>
        %rev3A_800 = arith.subi %rev3A_798, %rev3A_799 : vector<16xi32>
        %rev3A_801 = tpu.dynamic_gather %get3A_780[%rev3A_800] in [0] : vector<16xf32>, vector<16xi32> -> vector<16xf32>
        %swap3A_802 = arith.index_cast %select_n3A_570 : i32 to index
        %swap3A_803 = arith.index_cast %select_n3A_586 : i32 to index
        %swap3A_804 = arith.constant 656 : index
        %swap3A_805 = tpu.vector_load %arg5[%swap3A_802, %swap3A_803, %swap3A_804] {strides = array<i32>} : memref<2x24x768xf32, #tpu.memory_space<vmem>>, vector<1x1x16xf32>,
        %swap3A_806 = vector.shape_cast %swap3A_805 : vector<1x1x16xf32> to vector<16xf32>
        %swap3A_807 = vector.shape_cast %rev3A_801 : vector<16xf32> to vector<1x1x16xf32>
        tpu.vector_store %arg5[%swap3A_802, %swap3A_803, %swap3A_804], %swap3A_807 {strides = array<i32>} : memref<2x24x768xf32, #tpu.memory_space<vmem>>, vector<1x1x16xf32>,
        %get3A_808 = arith.index_cast %select_n3A_570 : i32 to index
        %get3A_809 = arith.index_cast %select_n3A_586 : i32 to index
        %get3A_810 = arith.constant 112 : index
        %get3A_811 = tpu.vector_load %arg5[%get3A_808, %get3A_809, %get3A_810] {strides = array<i32>} : memref<2x24x768xf32, #tpu.memory_space<vmem>>, vector<1x1x16xf32>,
        %get3A_812 = vector.shape_cast %get3A_811 : vector<1x1x16xf32> to vector<16xf32>
        %get3A_813 = arith.index_cast %select_n3A_570 : i32 to index
        %get3A_814 = arith.index_cast %select_n3A_586 : i32 to index
        %get3A_815 = arith.constant 640 : index
        %get3A_816 = tpu.vector_load %arg5[%get3A_813, %get3A_814, %get3A_815] {strides = array<i32>} : memref<2x24x768xf32, #tpu.memory_space<vmem>>, vector<1x1x16xf32>,
        %get3A_817 = vector.shape_cast %get3A_816 : vector<1x1x16xf32> to vector<16xf32>
        %rev3A_818 = arith.constant 15 : i32
        %rev3A_819 = vector.broadcast %rev3A_818 : i32 to vector<16xi32>
        %rev3A_820 = tpu.iota {dimensions = array<i32: 0>} : vector<16xi32>
        %rev3A_821 = arith.subi %rev3A_819, %rev3A_820 : vector<16xi32>
        %rev3A_822 = tpu.dynamic_gather %get3A_817[%rev3A_821] in [0] : vector<16xf32>, vector<16xi32> -> vector<16xf32>
        %swap3A_823 = arith.index_cast %select_n3A_570 : i32 to index
        %swap3A_824 = arith.index_cast %select_n3A_586 : i32 to index
        %swap3A_825 = arith.constant 112 : index
        %swap3A_826 = tpu.vector_load %arg5[%swap3A_823, %swap3A_824, %swap3A_825] {strides = array<i32>} : memref<2x24x768xf32, #tpu.memory_space<vmem>>, vector<1x1x16xf32>,
        %swap3A_827 = vector.shape_cast %swap3A_826 : vector<1x1x16xf32> to vector<16xf32>
        %swap3A_828 = vector.shape_cast %rev3A_822 : vector<16xf32> to vector<1x1x16xf32>
        tpu.vector_store %arg5[%swap3A_823, %swap3A_824, %swap3A_825], %swap3A_828 {strides = array<i32>} : memref<2x24x768xf32, #tpu.memory_space<vmem>>, vector<1x1x16xf32>,
        %rev3A_829 = arith.constant 15 : i32
        %rev3A_830 = vector.broadcast %rev3A_829 : i32 to vector<16xi32>
        %rev3A_831 = tpu.iota {dimensions = array<i32: 0>} : vector<16xi32>
        %rev3A_832 = arith.subi %rev3A_830, %rev3A_831 : vector<16xi32>
        %rev3A_833 = tpu.dynamic_gather %get3A_812[%rev3A_832] in [0] : vector<16xf32>, vector<16xi32> -> vector<16xf32>
        %swap3A_834 = arith.index_cast %select_n3A_570 : i32 to index
        %swap3A_835 = arith.index_cast %select_n3A_586 : i32 to index
        %swap3A_836 = arith.constant 640 : index
        %swap3A_837 = tpu.vector_load %arg5[%swap3A_834, %swap3A_835, %swap3A_836] {strides = array<i32>} : memref<2x24x768xf32, #tpu.memory_space<vmem>>, vector<1x1x16xf32>,
        %swap3A_838 = vector.shape_cast %swap3A_837 : vector<1x1x16xf32> to vector<16xf32>
        %swap3A_839 = vector.shape_cast %rev3A_833 : vector<16xf32> to vector<1x1x16xf32>
        tpu.vector_store %arg5[%swap3A_834, %swap3A_835, %swap3A_836], %swap3A_839 {strides = array<i32>} : memref<2x24x768xf32, #tpu.memory_space<vmem>>, vector<1x1x16xf32>,
        %get3A_840 = arith.index_cast %select_n3A_570 : i32 to index
        %get3A_841 = arith.index_cast %select_n3A_586 : i32 to index
        %get3A_842 = arith.constant 128 : index
        %get3A_843 = tpu.vector_load %arg5[%get3A_840, %get3A_841, %get3A_842] {strides = array<i32>} : memref<2x24x768xf32, #tpu.memory_space<vmem>>, vector<1x1x16xf32>,
        %get3A_844 = vector.shape_cast %get3A_843 : vector<1x1x16xf32> to vector<16xf32>
        %get3A_845 = arith.index_cast %select_n3A_570 : i32 to index
        %get3A_846 = arith.index_cast %select_n3A_586 : i32 to index
        %get3A_847 = arith.constant 624 : index
        %get3A_848 = tpu.vector_load %arg5[%get3A_845, %get3A_846, %get3A_847] {strides = array<i32>} : memref<2x24x768xf32, #tpu.memory_space<vmem>>, vector<1x1x16xf32>,
        %get3A_849 = vector.shape_cast %get3A_848 : vector<1x1x16xf32> to vector<16xf32>
        %rev3A_850 = arith.constant 15 : i32
        %rev3A_851 = vector.broadcast %rev3A_850 : i32 to vector<16xi32>
        %rev3A_852 = tpu.iota {dimensions = array<i32: 0>} : vector<16xi32>
        %rev3A_853 = arith.subi %rev3A_851, %rev3A_852 : vector<16xi32>
        %rev3A_854 = tpu.dynamic_gather %get3A_849[%rev3A_853] in [0] : vector<16xf32>, vector<16xi32> -> vector<16xf32>
        %swap3A_855 = arith.index_cast %select_n3A_570 : i32 to index
        %swap3A_856 = arith.index_cast %select_n3A_586 : i32 to index
        %swap3A_857 = arith.constant 128 : index
        %swap3A_858 = tpu.vector_load %arg5[%swap3A_855, %swap3A_856, %swap3A_857] {strides = array<i32>} : memref<2x24x768xf32, #tpu.memory_space<vmem>>, vector<1x1x16xf32>,
        %swap3A_859 = vector.shape_cast %swap3A_858 : vector<1x1x16xf32> to vector<16xf32>
        %swap3A_860 = vector.shape_cast %rev3A_854 : vector<16xf32> to vector<1x1x16xf32>
        tpu.vector_store %arg5[%swap3A_855, %swap3A_856, %swap3A_857], %swap3A_860 {strides = array<i32>} : memref<2x24x768xf32, #tpu.memory_space<vmem>>, vector<1x1x16xf32>,
        %rev3A_861 = arith.constant 15 : i32
        %rev3A_862 = vector.broadcast %rev3A_861 : i32 to vector<16xi32>
        %rev3A_863 = tpu.iota {dimensions = array<i32: 0>} : vector<16xi32>
        %rev3A_864 = arith.subi %rev3A_862, %rev3A_863 : vector<16xi32>
        %rev3A_865 = tpu.dynamic_gather %get3A_844[%rev3A_864] in [0] : vector<16xf32>, vector<16xi32> -> vector<16xf32>
        %swap3A_866 = arith.index_cast %select_n3A_570 : i32 to index
        %swap3A_867 = arith.index_cast %select_n3A_586 : i32 to index
        %swap3A_868 = arith.constant 624 : index
        %swap3A_869 = tpu.vector_load %arg5[%swap3A_866, %swap3A_867, %swap3A_868] {strides = array<i32>} : memref<2x24x768xf32, #tpu.memory_space<vmem>>, vector<1x1x16xf32>,
        %swap3A_870 = vector.shape_cast %swap3A_869 : vector<1x1x16xf32> to vector<16xf32>
        %swap3A_871 = vector.shape_cast %rev3A_865 : vector<16xf32> to vector<1x1x16xf32>
        tpu.vector_store %arg5[%swap3A_866, %swap3A_867, %swap3A_868], %swap3A_871 {strides = array<i32>} : memref<2x24x768xf32, #tpu.memory_space<vmem>>, vector<1x1x16xf32>,
        %get3A_872 = arith.index_cast %select_n3A_570 : i32 to index
        %get3A_873 = arith.index_cast %select_n3A_586 : i32 to index
        %get3A_874 = arith.constant 144 : index
        %get3A_875 = tpu.vector_load %arg5[%get3A_872, %get3A_873, %get3A_874] {strides = array<i32>} : memref<2x24x768xf32, #tpu.memory_space<vmem>>, vector<1x1x16xf32>,
        %get3A_876 = vector.shape_cast %get3A_875 : vector<1x1x16xf32> to vector<16xf32>
        %get3A_877 = arith.index_cast %select_n3A_570 : i32 to index
        %get3A_878 = arith.index_cast %select_n3A_586 : i32 to index
        %get3A_879 = arith.constant 608 : index
        %get3A_880 = tpu.vector_load %arg5[%get3A_877, %get3A_878, %get3A_879] {strides = array<i32>} : memref<2x24x768xf32, #tpu.memory_space<vmem>>, vector<1x1x16xf32>,
        %get3A_881 = vector.shape_cast %get3A_880 : vector<1x1x16xf32> to vector<16xf32>
        %rev3A_882 = arith.constant 15 : i32
        %rev3A_883 = vector.broadcast %rev3A_882 : i32 to vector<16xi32>
        %rev3A_884 = tpu.iota {dimensions = array<i32: 0>} : vector<16xi32>
        %rev3A_885 = arith.subi %rev3A_883, %rev3A_884 : vector<16xi32>
        %rev3A_886 = tpu.dynamic_gather %get3A_881[%rev3A_885] in [0] : vector<16xf32>, vector<16xi32> -> vector<16xf32>
        %swap3A_887 = arith.index_cast %select_n3A_570 : i32 to index
        %swap3A_888 = arith.index_cast %select_n3A_586 : i32 to index
        %swap3A_889 = arith.constant 144 : index
        %swap3A_890 = tpu.vector_load %arg5[%swap3A_887, %swap3A_888, %swap3A_889] {strides = array<i32>} : memref<2x24x768xf32, #tpu.memory_space<vmem>>, vector<1x1x16xf32>,
        %swap3A_891 = vector.shape_cast %swap3A_890 : vector<1x1x16xf32> to vector<16xf32>
        %swap3A_892 = vector.shape_cast %rev3A_886 : vector<16xf32> to vector<1x1x16xf32>
        tpu.vector_store %arg5[%swap3A_887, %swap3A_888, %swap3A_889], %swap3A_892 {strides = array<i32>} : memref<2x24x768xf32, #tpu.memory_space<vmem>>, vector<1x1x16xf32>,
        %rev3A_893 = arith.constant 15 : i32
        %rev3A_894 = vector.broadcast %rev3A_893 : i32 to vector<16xi32>
        %rev3A_895 = tpu.iota {dimensions = array<i32: 0>} : vector<16xi32>
        %rev3A_896 = arith.subi %rev3A_894, %rev3A_895 : vector<16xi32>
        %rev3A_897 = tpu.dynamic_gather %get3A_876[%rev3A_896] in [0] : vector<16xf32>, vector<16xi32> -> vector<16xf32>
        %swap3A_898 = arith.index_cast %select_n3A_570 : i32 to index
        %swap3A_899 = arith.index_cast %select_n3A_586 : i32 to index
        %swap3A_900 = arith.constant 608 : index
        %swap3A_901 = tpu.vector_load %arg5[%swap3A_898, %swap3A_899, %swap3A_900] {strides = array<i32>} : memref<2x24x768xf32, #tpu.memory_space<vmem>>, vector<1x1x16xf32>,
        %swap3A_902 = vector.shape_cast %swap3A_901 : vector<1x1x16xf32> to vector<16xf32>
        %swap3A_903 = vector.shape_cast %rev3A_897 : vector<16xf32> to vector<1x1x16xf32>
        tpu.vector_store %arg5[%swap3A_898, %swap3A_899, %swap3A_900], %swap3A_903 {strides = array<i32>} : memref<2x24x768xf32, #tpu.memory_space<vmem>>, vector<1x1x16xf32>,
        %get3A_904 = arith.index_cast %select_n3A_570 : i32 to index
        %get3A_905 = arith.index_cast %select_n3A_586 : i32 to index
        %get3A_906 = arith.constant 160 : index
        %get3A_907 = tpu.vector_load %arg5[%get3A_904, %get3A_905, %get3A_906] {strides = array<i32>} : memref<2x24x768xf32, #tpu.memory_space<vmem>>, vector<1x1x16xf32>,
        %get3A_908 = vector.shape_cast %get3A_907 : vector<1x1x16xf32> to vector<16xf32>
        %get3A_909 = arith.index_cast %select_n3A_570 : i32 to index
        %get3A_910 = arith.index_cast %select_n3A_586 : i32 to index
        %get3A_911 = arith.constant 592 : index
        %get3A_912 = tpu.vector_load %arg5[%get3A_909, %get3A_910, %get3A_911] {strides = array<i32>} : memref<2x24x768xf32, #tpu.memory_space<vmem>>, vector<1x1x16xf32>,
        %get3A_913 = vector.shape_cast %get3A_912 : vector<1x1x16xf32> to vector<16xf32>
        %rev3A_914 = arith.constant 15 : i32
        %rev3A_915 = vector.broadcast %rev3A_914 : i32 to vector<16xi32>
        %rev3A_916 = tpu.iota {dimensions = array<i32: 0>} : vector<16xi32>
        %rev3A_917 = arith.subi %rev3A_915, %rev3A_916 : vector<16xi32>
        %rev3A_918 = tpu.dynamic_gather %get3A_913[%rev3A_917] in [0] : vector<16xf32>, vector<16xi32> -> vector<16xf32>
        %swap3A_919 = arith.index_cast %select_n3A_570 : i32 to index
        %swap3A_920 = arith.index_cast %select_n3A_586 : i32 to index
        %swap3A_921 = arith.constant 160 : index
        %swap3A_922 = tpu.vector_load %arg5[%swap3A_919, %swap3A_920, %swap3A_921] {strides = array<i32>} : memref<2x24x768xf32, #tpu.memory_space<vmem>>, vector<1x1x16xf32>,
        %swap3A_923 = vector.shape_cast %swap3A_922 : vector<1x1x16xf32> to vector<16xf32>
        %swap3A_924 = vector.shape_cast %rev3A_918 : vector<16xf32> to vector<1x1x16xf32>
        tpu.vector_store %arg5[%swap3A_919, %swap3A_920, %swap3A_921], %swap3A_924 {strides = array<i32>} : memref<2x24x768xf32, #tpu.memory_space<vmem>>, vector<1x1x16xf32>,
        %rev3A_925 = arith.constant 15 : i32
        %rev3A_926 = vector.broadcast %rev3A_925 : i32 to vector<16xi32>
        %rev3A_927 = tpu.iota {dimensions = array<i32: 0>} : vector<16xi32>
        %rev3A_928 = arith.subi %rev3A_926, %rev3A_927 : vector<16xi32>
        %rev3A_929 = tpu.dynamic_gather %get3A_908[%rev3A_928] in [0] : vector<16xf32>, vector<16xi32> -> vector<16xf32>
        %swap3A_930 = arith.index_cast %select_n3A_570 : i32 to index
        %swap3A_931 = arith.index_cast %select_n3A_586 : i32 to index
        %swap3A_932 = arith.constant 592 : index
        %swap3A_933 = tpu.vector_load %arg5[%swap3A_930, %swap3A_931, %swap3A_932] {strides = array<i32>} : memref<2x24x768xf32, #tpu.memory_space<vmem>>, vector<1x1x16xf32>,
        %swap3A_934 = vector.shape_cast %swap3A_933 : vector<1x1x16xf32> to vector<16xf32>
        %swap3A_935 = vector.shape_cast %rev3A_929 : vector<16xf32> to vector<1x1x16xf32>
        tpu.vector_store %arg5[%swap3A_930, %swap3A_931, %swap3A_932], %swap3A_935 {strides = array<i32>} : memref<2x24x768xf32, #tpu.memory_space<vmem>>, vector<1x1x16xf32>,
        %get3A_936 = arith.index_cast %select_n3A_570 : i32 to index
        %get3A_937 = arith.index_cast %select_n3A_586 : i32 to index
        %get3A_938 = arith.constant 176 : index
        %get3A_939 = tpu.vector_load %arg5[%get3A_936, %get3A_937, %get3A_938] {strides = array<i32>} : memref<2x24x768xf32, #tpu.memory_space<vmem>>, vector<1x1x16xf32>,
        %get3A_940 = vector.shape_cast %get3A_939 : vector<1x1x16xf32> to vector<16xf32>
        %get3A_941 = arith.index_cast %select_n3A_570 : i32 to index
        %get3A_942 = arith.index_cast %select_n3A_586 : i32 to index
        %get3A_943 = arith.constant 576 : index
        %get3A_944 = tpu.vector_load %arg5[%get3A_941, %get3A_942, %get3A_943] {strides = array<i32>} : memref<2x24x768xf32, #tpu.memory_space<vmem>>, vector<1x1x16xf32>,
        %get3A_945 = vector.shape_cast %get3A_944 : vector<1x1x16xf32> to vector<16xf32>
        %rev3A_946 = arith.constant 15 : i32
        %rev3A_947 = vector.broadcast %rev3A_946 : i32 to vector<16xi32>
        %rev3A_948 = tpu.iota {dimensions = array<i32: 0>} : vector<16xi32>
        %rev3A_949 = arith.subi %rev3A_947, %rev3A_948 : vector<16xi32>
        %rev3A_950 = tpu.dynamic_gather %get3A_945[%rev3A_949] in [0] : vector<16xf32>, vector<16xi32> -> vector<16xf32>
        %swap3A_951 = arith.index_cast %select_n3A_570 : i32 to index
        %swap3A_952 = arith.index_cast %select_n3A_586 : i32 to index
        %swap3A_953 = arith.constant 176 : index
        %swap3A_954 = tpu.vector_load %arg5[%swap3A_951, %swap3A_952, %swap3A_953] {strides = array<i32>} : memref<2x24x768xf32, #tpu.memory_space<vmem>>, vector<1x1x16xf32>,
        %swap3A_955 = vector.shape_cast %swap3A_954 : vector<1x1x16xf32> to vector<16xf32>
        %swap3A_956 = vector.shape_cast %rev3A_950 : vector<16xf32> to vector<1x1x16xf32>
        tpu.vector_store %arg5[%swap3A_951, %swap3A_952, %swap3A_953], %swap3A_956 {strides = array<i32>} : memref<2x24x768xf32, #tpu.memory_space<vmem>>, vector<1x1x16xf32>,
        %rev3A_957 = arith.constant 15 : i32
        %rev3A_958 = vector.broadcast %rev3A_957 : i32 to vector<16xi32>
        %rev3A_959 = tpu.iota {dimensions = array<i32: 0>} : vector<16xi32>
        %rev3A_960 = arith.subi %rev3A_958, %rev3A_959 : vector<16xi32>
        %rev3A_961 = tpu.dynamic_gather %get3A_940[%rev3A_960] in [0] : vector<16xf32>, vector<16xi32> -> vector<16xf32>
        %swap3A_962 = arith.index_cast %select_n3A_570 : i32 to index
        %swap3A_963 = arith.index_cast %select_n3A_586 : i32 to index
        %swap3A_964 = arith.constant 576 : index
        %swap3A_965 = tpu.vector_load %arg5[%swap3A_962, %swap3A_963, %swap3A_964] {strides = array<i32>} : memref<2x24x768xf32, #tpu.memory_space<vmem>>, vector<1x1x16xf32>,
        %swap3A_966 = vector.shape_cast %swap3A_965 : vector<1x1x16xf32> to vector<16xf32>
        %swap3A_967 = vector.shape_cast %rev3A_961 : vector<16xf32> to vector<1x1x16xf32>
        tpu.vector_store %arg5[%swap3A_962, %swap3A_963, %swap3A_964], %swap3A_967 {strides = array<i32>} : memref<2x24x768xf32, #tpu.memory_space<vmem>>, vector<1x1x16xf32>,
        %get3A_968 = arith.index_cast %select_n3A_570 : i32 to index
        %get3A_969 = arith.index_cast %select_n3A_586 : i32 to index
        %get3A_970 = arith.constant 192 : index
        %get3A_971 = tpu.vector_load %arg5[%get3A_968, %get3A_969, %get3A_970] {strides = array<i32>} : memref<2x24x768xf32, #tpu.memory_space<vmem>>, vector<1x1x16xf32>,
        %get3A_972 = vector.shape_cast %get3A_971 : vector<1x1x16xf32> to vector<16xf32>
        %get3A_973 = arith.index_cast %select_n3A_570 : i32 to index
        %get3A_974 = arith.index_cast %select_n3A_586 : i32 to index
        %get3A_975 = arith.constant 560 : index
        %get3A_976 = tpu.vector_load %arg5[%get3A_973, %get3A_974, %get3A_975] {strides = array<i32>} : memref<2x24x768xf32, #tpu.memory_space<vmem>>, vector<1x1x16xf32>,
        %get3A_977 = vector.shape_cast %get3A_976 : vector<1x1x16xf32> to vector<16xf32>
        %rev3A_978 = arith.constant 15 : i32
        %rev3A_979 = vector.broadcast %rev3A_978 : i32 to vector<16xi32>
        %rev3A_980 = tpu.iota {dimensions = array<i32: 0>} : vector<16xi32>
        %rev3A_981 = arith.subi %rev3A_979, %rev3A_980 : vector<16xi32>
        %rev3A_982 = tpu.dynamic_gather %get3A_977[%rev3A_981] in [0] : vector<16xf32>, vector<16xi32> -> vector<16xf32>
        %swap3A_983 = arith.index_cast %select_n3A_570 : i32 to index
        %swap3A_984 = arith.index_cast %select_n3A_586 : i32 to index
        %swap3A_985 = arith.constant 192 : index
        %swap3A_986 = tpu.vector_load %arg5[%swap3A_983, %swap3A_984, %swap3A_985] {strides = array<i32>} : memref<2x24x768xf32, #tpu.memory_space<vmem>>, vector<1x1x16xf32>,
        %swap3A_987 = vector.shape_cast %swap3A_986 : vector<1x1x16xf32> to vector<16xf32>
        %swap3A_988 = vector.shape_cast %rev3A_982 : vector<16xf32> to vector<1x1x16xf32>
        tpu.vector_store %arg5[%swap3A_983, %swap3A_984, %swap3A_985], %swap3A_988 {strides = array<i32>} : memref<2x24x768xf32, #tpu.memory_space<vmem>>, vector<1x1x16xf32>,
        %rev3A_989 = arith.constant 15 : i32
        %rev3A_990 = vector.broadcast %rev3A_989 : i32 to vector<16xi32>
        %rev3A_991 = tpu.iota {dimensions = array<i32: 0>} : vector<16xi32>
        %rev3A_992 = arith.subi %rev3A_990, %rev3A_991 : vector<16xi32>
        %rev3A_993 = tpu.dynamic_gather %get3A_972[%rev3A_992] in [0] : vector<16xf32>, vector<16xi32> -> vector<16xf32>
        %swap3A_994 = arith.index_cast %select_n3A_570 : i32 to index
        %swap3A_995 = arith.index_cast %select_n3A_586 : i32 to index
        %swap3A_996 = arith.constant 560 : index
        %swap3A_997 = tpu.vector_load %arg5[%swap3A_994, %swap3A_995, %swap3A_996] {strides = array<i32>} : memref<2x24x768xf32, #tpu.memory_space<vmem>>, vector<1x1x16xf32>,
        %swap3A_998 = vector.shape_cast %swap3A_997 : vector<1x1x16xf32> to vector<16xf32>
        %swap3A_999 = vector.shape_cast %rev3A_993 : vector<16xf32> to vector<1x1x16xf32>
        tpu.vector_store %arg5[%swap3A_994, %swap3A_995, %swap3A_996], %swap3A_999 {strides = array<i32>} : memref<2x24x768xf32, #tpu.memory_space<vmem>>, vector<1x1x16xf32>,
        %get3A_1000 = arith.index_cast %select_n3A_570 : i32 to index
        %get3A_1001 = arith.index_cast %select_n3A_586 : i32 to index
        %get3A_1002 = arith.constant 208 : index
        %get3A_1003 = tpu.vector_load %arg5[%get3A_1000, %get3A_1001, %get3A_1002] {strides = array<i32>} : memref<2x24x768xf32, #tpu.memory_space<vmem>>, vector<1x1x16xf32>,
        %get3A_1004 = vector.shape_cast %get3A_1003 : vector<1x1x16xf32> to vector<16xf32>
        %get3A_1005 = arith.index_cast %select_n3A_570 : i32 to index
        %get3A_1006 = arith.index_cast %select_n3A_586 : i32 to index
        %get3A_1007 = arith.constant 544 : index
        %get3A_1008 = tpu.vector_load %arg5[%get3A_1005, %get3A_1006, %get3A_1007] {strides = array<i32>} : memref<2x24x768xf32, #tpu.memory_space<vmem>>, vector<1x1x16xf32>,
        %get3A_1009 = vector.shape_cast %get3A_1008 : vector<1x1x16xf32> to vector<16xf32>
        %rev3A_1010 = arith.constant 15 : i32
        %rev3A_1011 = vector.broadcast %rev3A_1010 : i32 to vector<16xi32>
        %rev3A_1012 = tpu.iota {dimensions = array<i32: 0>} : vector<16xi32>
        %rev3A_1013 = arith.subi %rev3A_1011, %rev3A_1012 : vector<16xi32>
        %rev3A_1014 = tpu.dynamic_gather %get3A_1009[%rev3A_1013] in [0] : vector<16xf32>, vector<16xi32> -> vector<16xf32>
        %swap3A_1015 = arith.index_cast %select_n3A_570 : i32 to index
        %swap3A_1016 = arith.index_cast %select_n3A_586 : i32 to index
        %swap3A_1017 = arith.constant 208 : index
        %swap3A_1018 = tpu.vector_load %arg5[%swap3A_1015, %swap3A_1016, %swap3A_1017] {strides = array<i32>} : memref<2x24x768xf32, #tpu.memory_space<vmem>>, vector<1x1x16xf32>,
        %swap3A_1019 = vector.shape_cast %swap3A_1018 : vector<1x1x16xf32> to vector<16xf32>
        %swap3A_1020 = vector.shape_cast %rev3A_1014 : vector<16xf32> to vector<1x1x16xf32>
        tpu.vector_store %arg5[%swap3A_1015, %swap3A_1016, %swap3A_1017], %swap3A_1020 {strides = array<i32>} : memref<2x24x768xf32, #tpu.memory_space<vmem>>, vector<1x1x16xf32>,
        %rev3A_1021 = arith.constant 15 : i32
        %rev3A_1022 = vector.broadcast %rev3A_1021 : i32 to vector<16xi32>
        %rev3A_1023 = tpu.iota {dimensions = array<i32: 0>} : vector<16xi32>
        %rev3A_1024 = arith.subi %rev3A_1022, %rev3A_1023 : vector<16xi32>
        %rev3A_1025 = tpu.dynamic_gather %get3A_1004[%rev3A_1024] in [0] : vector<16xf32>, vector<16xi32> -> vector<16xf32>
        %swap3A_1026 = arith.index_cast %select_n3A_570 : i32 to index
        %swap3A_1027 = arith.index_cast %select_n3A_586 : i32 to index
        %swap3A_1028 = arith.constant 544 : index
        %swap3A_1029 = tpu.vector_load %arg5[%swap3A_1026, %swap3A_1027, %swap3A_1028] {strides = array<i32>} : memref<2x24x768xf32, #tpu.memory_space<vmem>>, vector<1x1x16xf32>,
        %swap3A_1030 = vector.shape_cast %swap3A_1029 : vector<1x1x16xf32> to vector<16xf32>
        %swap3A_1031 = vector.shape_cast %rev3A_1025 : vector<16xf32> to vector<1x1x16xf32>
        tpu.vector_store %arg5[%swap3A_1026, %swap3A_1027, %swap3A_1028], %swap3A_1031 {strides = array<i32>} : memref<2x24x768xf32, #tpu.memory_space<vmem>>, vector<1x1x16xf32>,
        %get3A_1032 = arith.index_cast %select_n3A_570 : i32 to index
        %get3A_1033 = arith.index_cast %select_n3A_586 : i32 to index
        %get3A_1034 = arith.constant 224 : index
        %get3A_1035 = tpu.vector_load %arg5[%get3A_1032, %get3A_1033, %get3A_1034] {strides = array<i32>} : memref<2x24x768xf32, #tpu.memory_space<vmem>>, vector<1x1x16xf32>,
        %get3A_1036 = vector.shape_cast %get3A_1035 : vector<1x1x16xf32> to vector<16xf32>
        %get3A_1037 = arith.index_cast %select_n3A_570 : i32 to index
        %get3A_1038 = arith.index_cast %select_n3A_586 : i32 to index
        %get3A_1039 = arith.constant 528 : index
        %get3A_1040 = tpu.vector_load %arg5[%get3A_1037, %get3A_1038, %get3A_1039] {strides = array<i32>} : memref<2x24x768xf32, #tpu.memory_space<vmem>>, vector<1x1x16xf32>,
        %get3A_1041 = vector.shape_cast %get3A_1040 : vector<1x1x16xf32> to vector<16xf32>
        %rev3A_1042 = arith.constant 15 : i32
        %rev3A_1043 = vector.broadcast %rev3A_1042 : i32 to vector<16xi32>
        %rev3A_1044 = tpu.iota {dimensions = array<i32: 0>} : vector<16xi32>
        %rev3A_1045 = arith.subi %rev3A_1043, %rev3A_1044 : vector<16xi32>
        %rev3A_1046 = tpu.dynamic_gather %get3A_1041[%rev3A_1045] in [0] : vector<16xf32>, vector<16xi32> -> vector<16xf32>
        %swap3A_1047 = arith.index_cast %select_n3A_570 : i32 to index
        %swap3A_1048 = arith.index_cast %select_n3A_586 : i32 to index
        %swap3A_1049 = arith.constant 224 : index
        %swap3A_1050 = tpu.vector_load %arg5[%swap3A_1047, %swap3A_1048, %swap3A_1049] {strides = array<i32>} : memref<2x24x768xf32, #tpu.memory_space<vmem>>, vector<1x1x16xf32>,
        %swap3A_1051 = vector.shape_cast %swap3A_1050 : vector<1x1x16xf32> to vector<16xf32>
        %swap3A_1052 = vector.shape_cast %rev3A_1046 : vector<16xf32> to vector<1x1x16xf32>
        tpu.vector_store %arg5[%swap3A_1047, %swap3A_1048, %swap3A_1049], %swap3A_1052 {strides = array<i32>} : memref<2x24x768xf32, #tpu.memory_space<vmem>>, vector<1x1x16xf32>,
        %rev3A_1053 = arith.constant 15 : i32
        %rev3A_1054 = vector.broadcast %rev3A_1053 : i32 to vector<16xi32>
        %rev3A_1055 = tpu.iota {dimensions = array<i32: 0>} : vector<16xi32>
        %rev3A_1056 = arith.subi %rev3A_1054, %rev3A_1055 : vector<16xi32>
        %rev3A_1057 = tpu.dynamic_gather %get3A_1036[%rev3A_1056] in [0] : vector<16xf32>, vector<16xi32> -> vector<16xf32>
        %swap3A_1058 = arith.index_cast %select_n3A_570 : i32 to index
        %swap3A_1059 = arith.index_cast %select_n3A_586 : i32 to index
        %swap3A_1060 = arith.constant 528 : index
        %swap3A_1061 = tpu.vector_load %arg5[%swap3A_1058, %swap3A_1059, %swap3A_1060] {strides = array<i32>} : memref<2x24x768xf32, #tpu.memory_space<vmem>>, vector<1x1x16xf32>,
        %swap3A_1062 = vector.shape_cast %swap3A_1061 : vector<1x1x16xf32> to vector<16xf32>
        %swap3A_1063 = vector.shape_cast %rev3A_1057 : vector<16xf32> to vector<1x1x16xf32>
        tpu.vector_store %arg5[%swap3A_1058, %swap3A_1059, %swap3A_1060], %swap3A_1063 {strides = array<i32>} : memref<2x24x768xf32, #tpu.memory_space<vmem>>, vector<1x1x16xf32>,
        %get3A_1064 = arith.index_cast %select_n3A_570 : i32 to index
        %get3A_1065 = arith.index_cast %select_n3A_586 : i32 to index
        %get3A_1066 = arith.constant 240 : index
        %get3A_1067 = tpu.vector_load %arg5[%get3A_1064, %get3A_1065, %get3A_1066] {strides = array<i32>} : memref<2x24x768xf32, #tpu.memory_space<vmem>>, vector<1x1x16xf32>,
        %get3A_1068 = vector.shape_cast %get3A_1067 : vector<1x1x16xf32> to vector<16xf32>
        %get3A_1069 = arith.index_cast %select_n3A_570 : i32 to index
        %get3A_1070 = arith.index_cast %select_n3A_586 : i32 to index
        %get3A_1071 = arith.constant 512 : index
        %get3A_1072 = tpu.vector_load %arg5[%get3A_1069, %get3A_1070, %get3A_1071] {strides = array<i32>} : memref<2x24x768xf32, #tpu.memory_space<vmem>>, vector<1x1x16xf32>,
        %get3A_1073 = vector.shape_cast %get3A_1072 : vector<1x1x16xf32> to vector<16xf32>
        %rev3A_1074 = arith.constant 15 : i32
        %rev3A_1075 = vector.broadcast %rev3A_1074 : i32 to vector<16xi32>
        %rev3A_1076 = tpu.iota {dimensions = array<i32: 0>} : vector<16xi32>
        %rev3A_1077 = arith.subi %rev3A_1075, %rev3A_1076 : vector<16xi32>
        %rev3A_1078 = tpu.dynamic_gather %get3A_1073[%rev3A_1077] in [0] : vector<16xf32>, vector<16xi32> -> vector<16xf32>
        %swap3A_1079 = arith.index_cast %select_n3A_570 : i32 to index
        %swap3A_1080 = arith.index_cast %select_n3A_586 : i32 to index
        %swap3A_1081 = arith.constant 240 : index
        %swap3A_1082 = tpu.vector_load %arg5[%swap3A_1079, %swap3A_1080, %swap3A_1081] {strides = array<i32>} : memref<2x24x768xf32, #tpu.memory_space<vmem>>, vector<1x1x16xf32>,
        %swap3A_1083 = vector.shape_cast %swap3A_1082 : vector<1x1x16xf32> to vector<16xf32>
        %swap3A_1084 = vector.shape_cast %rev3A_1078 : vector<16xf32> to vector<1x1x16xf32>
        tpu.vector_store %arg5[%swap3A_1079, %swap3A_1080, %swap3A_1081], %swap3A_1084 {strides = array<i32>} : memref<2x24x768xf32, #tpu.memory_space<vmem>>, vector<1x1x16xf32>,
        %rev3A_1085 = arith.constant 15 : i32
        %rev3A_1086 = vector.broadcast %rev3A_1085 : i32 to vector<16xi32>
        %rev3A_1087 = tpu.iota {dimensions = array<i32: 0>} : vector<16xi32>
        %rev3A_1088 = arith.subi %rev3A_1086, %rev3A_1087 : vector<16xi32>
        %rev3A_1089 = tpu.dynamic_gather %get3A_1068[%rev3A_1088] in [0] : vector<16xf32>, vector<16xi32> -> vector<16xf32>
        %swap3A_1090 = arith.index_cast %select_n3A_570 : i32 to index
        %swap3A_1091 = arith.index_cast %select_n3A_586 : i32 to index
        %swap3A_1092 = arith.constant 512 : index
        %swap3A_1093 = tpu.vector_load %arg5[%swap3A_1090, %swap3A_1091, %swap3A_1092] {strides = array<i32>} : memref<2x24x768xf32, #tpu.memory_space<vmem>>, vector<1x1x16xf32>,
        %swap3A_1094 = vector.shape_cast %swap3A_1093 : vector<1x1x16xf32> to vector<16xf32>
        %swap3A_1095 = vector.shape_cast %rev3A_1089 : vector<16xf32> to vector<1x1x16xf32>
        tpu.vector_store %arg5[%swap3A_1090, %swap3A_1091, %swap3A_1092], %swap3A_1095 {strides = array<i32>} : memref<2x24x768xf32, #tpu.memory_space<vmem>>, vector<1x1x16xf32>,
        %get3A_1096 = arith.index_cast %select_n3A_570 : i32 to index
        %get3A_1097 = arith.index_cast %select_n3A_586 : i32 to index
        %get3A_1098 = arith.constant 256 : index
        %get3A_1099 = tpu.vector_load %arg5[%get3A_1096, %get3A_1097, %get3A_1098] {strides = array<i32>} : memref<2x24x768xf32, #tpu.memory_space<vmem>>, vector<1x1x16xf32>,
        %get3A_1100 = vector.shape_cast %get3A_1099 : vector<1x1x16xf32> to vector<16xf32>
        %get3A_1101 = arith.index_cast %select_n3A_570 : i32 to index
        %get3A_1102 = arith.index_cast %select_n3A_586 : i32 to index
        %get3A_1103 = arith.constant 496 : index
        %get3A_1104 = tpu.vector_load %arg5[%get3A_1101, %get3A_1102, %get3A_1103] {strides = array<i32>} : memref<2x24x768xf32, #tpu.memory_space<vmem>>, vector<1x1x16xf32>,
        %get3A_1105 = vector.shape_cast %get3A_1104 : vector<1x1x16xf32> to vector<16xf32>
        %rev3A_1106 = arith.constant 15 : i32
        %rev3A_1107 = vector.broadcast %rev3A_1106 : i32 to vector<16xi32>
        %rev3A_1108 = tpu.iota {dimensions = array<i32: 0>} : vector<16xi32>
        %rev3A_1109 = arith.subi %rev3A_1107, %rev3A_1108 : vector<16xi32>
        %rev3A_1110 = tpu.dynamic_gather %get3A_1105[%rev3A_1109] in [0] : vector<16xf32>, vector<16xi32> -> vector<16xf32>
        %swap3A_1111 = arith.index_cast %select_n3A_570 : i32 to index
        %swap3A_1112 = arith.index_cast %select_n3A_586 : i32 to index
        %swap3A_1113 = arith.constant 256 : index
        %swap3A_1114 = tpu.vector_load %arg5[%swap3A_1111, %swap3A_1112, %swap3A_1113] {strides = array<i32>} : memref<2x24x768xf32, #tpu.memory_space<vmem>>, vector<1x1x16xf32>,
        %swap3A_1115 = vector.shape_cast %swap3A_1114 : vector<1x1x16xf32> to vector<16xf32>
        %swap3A_1116 = vector.shape_cast %rev3A_1110 : vector<16xf32> to vector<1x1x16xf32>
        tpu.vector_store %arg5[%swap3A_1111, %swap3A_1112, %swap3A_1113], %swap3A_1116 {strides = array<i32>} : memref<2x24x768xf32, #tpu.memory_space<vmem>>, vector<1x1x16xf32>,
        %rev3A_1117 = arith.constant 15 : i32
        %rev3A_1118 = vector.broadcast %rev3A_1117 : i32 to vector<16xi32>
        %rev3A_1119 = tpu.iota {dimensions = array<i32: 0>} : vector<16xi32>
        %rev3A_1120 = arith.subi %rev3A_1118, %rev3A_1119 : vector<16xi32>
        %rev3A_1121 = tpu.dynamic_gather %get3A_1100[%rev3A_1120] in [0] : vector<16xf32>, vector<16xi32> -> vector<16xf32>
        %swap3A_1122 = arith.index_cast %select_n3A_570 : i32 to index
        %swap3A_1123 = arith.index_cast %select_n3A_586 : i32 to index
        %swap3A_1124 = arith.constant 496 : index
        %swap3A_1125 = tpu.vector_load %arg5[%swap3A_1122, %swap3A_1123, %swap3A_1124] {strides = array<i32>} : memref<2x24x768xf32, #tpu.memory_space<vmem>>, vector<1x1x16xf32>,
        %swap3A_1126 = vector.shape_cast %swap3A_1125 : vector<1x1x16xf32> to vector<16xf32>
        %swap3A_1127 = vector.shape_cast %rev3A_1121 : vector<16xf32> to vector<1x1x16xf32>
        tpu.vector_store %arg5[%swap3A_1122, %swap3A_1123, %swap3A_1124], %swap3A_1127 {strides = array<i32>} : memref<2x24x768xf32, #tpu.memory_space<vmem>>, vector<1x1x16xf32>,
        %get3A_1128 = arith.index_cast %select_n3A_570 : i32 to index
        %get3A_1129 = arith.index_cast %select_n3A_586 : i32 to index
        %get3A_1130 = arith.constant 272 : index
        %get3A_1131 = tpu.vector_load %arg5[%get3A_1128, %get3A_1129, %get3A_1130] {strides = array<i32>} : memref<2x24x768xf32, #tpu.memory_space<vmem>>, vector<1x1x16xf32>,
        %get3A_1132 = vector.shape_cast %get3A_1131 : vector<1x1x16xf32> to vector<16xf32>
        %get3A_1133 = arith.index_cast %select_n3A_570 : i32 to index
        %get3A_1134 = arith.index_cast %select_n3A_586 : i32 to index
        %get3A_1135 = arith.constant 480 : index
        %get3A_1136 = tpu.vector_load %arg5[%get3A_1133, %get3A_1134, %get3A_1135] {strides = array<i32>} : memref<2x24x768xf32, #tpu.memory_space<vmem>>, vector<1x1x16xf32>,
        %get3A_1137 = vector.shape_cast %get3A_1136 : vector<1x1x16xf32> to vector<16xf32>
        %rev3A_1138 = arith.constant 15 : i32
        %rev3A_1139 = vector.broadcast %rev3A_1138 : i32 to vector<16xi32>
        %rev3A_1140 = tpu.iota {dimensions = array<i32: 0>} : vector<16xi32>
        %rev3A_1141 = arith.subi %rev3A_1139, %rev3A_1140 : vector<16xi32>
        %rev3A_1142 = tpu.dynamic_gather %get3A_1137[%rev3A_1141] in [0] : vector<16xf32>, vector<16xi32> -> vector<16xf32>
        %swap3A_1143 = arith.index_cast %select_n3A_570 : i32 to index
        %swap3A_1144 = arith.index_cast %select_n3A_586 : i32 to index
        %swap3A_1145 = arith.constant 272 : index
        %swap3A_1146 = tpu.vector_load %arg5[%swap3A_1143, %swap3A_1144, %swap3A_1145] {strides = array<i32>} : memref<2x24x768xf32, #tpu.memory_space<vmem>>, vector<1x1x16xf32>,
        %swap3A_1147 = vector.shape_cast %swap3A_1146 : vector<1x1x16xf32> to vector<16xf32>
        %swap3A_1148 = vector.shape_cast %rev3A_1142 : vector<16xf32> to vector<1x1x16xf32>
        tpu.vector_store %arg5[%swap3A_1143, %swap3A_1144, %swap3A_1145], %swap3A_1148 {strides = array<i32>} : memref<2x24x768xf32, #tpu.memory_space<vmem>>, vector<1x1x16xf32>,
        %rev3A_1149 = arith.constant 15 : i32
        %rev3A_1150 = vector.broadcast %rev3A_1149 : i32 to vector<16xi32>
        %rev3A_1151 = tpu.iota {dimensions = array<i32: 0>} : vector<16xi32>
        %rev3A_1152 = arith.subi %rev3A_1150, %rev3A_1151 : vector<16xi32>
        %rev3A_1153 = tpu.dynamic_gather %get3A_1132[%rev3A_1152] in [0] : vector<16xf32>, vector<16xi32> -> vector<16xf32>
        %swap3A_1154 = arith.index_cast %select_n3A_570 : i32 to index
        %swap3A_1155 = arith.index_cast %select_n3A_586 : i32 to index
        %swap3A_1156 = arith.constant 480 : index
        %swap3A_1157 = tpu.vector_load %arg5[%swap3A_1154, %swap3A_1155, %swap3A_1156] {strides = array<i32>} : memref<2x24x768xf32, #tpu.memory_space<vmem>>, vector<1x1x16xf32>,
        %swap3A_1158 = vector.shape_cast %swap3A_1157 : vector<1x1x16xf32> to vector<16xf32>
        %swap3A_1159 = vector.shape_cast %rev3A_1153 : vector<16xf32> to vector<1x1x16xf32>
        tpu.vector_store %arg5[%swap3A_1154, %swap3A_1155, %swap3A_1156], %swap3A_1159 {strides = array<i32>} : memref<2x24x768xf32, #tpu.memory_space<vmem>>, vector<1x1x16xf32>,
        %get3A_1160 = arith.index_cast %select_n3A_570 : i32 to index
        %get3A_1161 = arith.index_cast %select_n3A_586 : i32 to index
        %get3A_1162 = arith.constant 288 : index
        %get3A_1163 = tpu.vector_load %arg5[%get3A_1160, %get3A_1161, %get3A_1162] {strides = array<i32>} : memref<2x24x768xf32, #tpu.memory_space<vmem>>, vector<1x1x16xf32>,
        %get3A_1164 = vector.shape_cast %get3A_1163 : vector<1x1x16xf32> to vector<16xf32>
        %get3A_1165 = arith.index_cast %select_n3A_570 : i32 to index
        %get3A_1166 = arith.index_cast %select_n3A_586 : i32 to index
        %get3A_1167 = arith.constant 464 : index
        %get3A_1168 = tpu.vector_load %arg5[%get3A_1165, %get3A_1166, %get3A_1167] {strides = array<i32>} : memref<2x24x768xf32, #tpu.memory_space<vmem>>, vector<1x1x16xf32>,
        %get3A_1169 = vector.shape_cast %get3A_1168 : vector<1x1x16xf32> to vector<16xf32>
        %rev3A_1170 = arith.constant 15 : i32
        %rev3A_1171 = vector.broadcast %rev3A_1170 : i32 to vector<16xi32>
        %rev3A_1172 = tpu.iota {dimensions = array<i32: 0>} : vector<16xi32>
        %rev3A_1173 = arith.subi %rev3A_1171, %rev3A_1172 : vector<16xi32>
        %rev3A_1174 = tpu.dynamic_gather %get3A_1169[%rev3A_1173] in [0] : vector<16xf32>, vector<16xi32> -> vector<16xf32>
        %swap3A_1175 = arith.index_cast %select_n3A_570 : i32 to index
        %swap3A_1176 = arith.index_cast %select_n3A_586 : i32 to index
        %swap3A_1177 = arith.constant 288 : index
        %swap3A_1178 = tpu.vector_load %arg5[%swap3A_1175, %swap3A_1176, %swap3A_1177] {strides = array<i32>} : memref<2x24x768xf32, #tpu.memory_space<vmem>>, vector<1x1x16xf32>,
        %swap3A_1179 = vector.shape_cast %swap3A_1178 : vector<1x1x16xf32> to vector<16xf32>
        %swap3A_1180 = vector.shape_cast %rev3A_1174 : vector<16xf32> to vector<1x1x16xf32>
        tpu.vector_store %arg5[%swap3A_1175, %swap3A_1176, %swap3A_1177], %swap3A_1180 {strides = array<i32>} : memref<2x24x768xf32, #tpu.memory_space<vmem>>, vector<1x1x16xf32>,
        %rev3A_1181 = arith.constant 15 : i32
        %rev3A_1182 = vector.broadcast %rev3A_1181 : i32 to vector<16xi32>
        %rev3A_1183 = tpu.iota {dimensions = array<i32: 0>} : vector<16xi32>
        %rev3A_1184 = arith.subi %rev3A_1182, %rev3A_1183 : vector<16xi32>
        %rev3A_1185 = tpu.dynamic_gather %get3A_1164[%rev3A_1184] in [0] : vector<16xf32>, vector<16xi32> -> vector<16xf32>
        %swap3A_1186 = arith.index_cast %select_n3A_570 : i32 to index
        %swap3A_1187 = arith.index_cast %select_n3A_586 : i32 to index
        %swap3A_1188 = arith.constant 464 : index
        %swap3A_1189 = tpu.vector_load %arg5[%swap3A_1186, %swap3A_1187, %swap3A_1188] {strides = array<i32>} : memref<2x24x768xf32, #tpu.memory_space<vmem>>, vector<1x1x16xf32>,
        %swap3A_1190 = vector.shape_cast %swap3A_1189 : vector<1x1x16xf32> to vector<16xf32>
        %swap3A_1191 = vector.shape_cast %rev3A_1185 : vector<16xf32> to vector<1x1x16xf32>
        tpu.vector_store %arg5[%swap3A_1186, %swap3A_1187, %swap3A_1188], %swap3A_1191 {strides = array<i32>} : memref<2x24x768xf32, #tpu.memory_space<vmem>>, vector<1x1x16xf32>,
        %get3A_1192 = arith.index_cast %select_n3A_570 : i32 to index
        %get3A_1193 = arith.index_cast %select_n3A_586 : i32 to index
        %get3A_1194 = arith.constant 304 : index
        %get3A_1195 = tpu.vector_load %arg5[%get3A_1192, %get3A_1193, %get3A_1194] {strides = array<i32>} : memref<2x24x768xf32, #tpu.memory_space<vmem>>, vector<1x1x16xf32>,
        %get3A_1196 = vector.shape_cast %get3A_1195 : vector<1x1x16xf32> to vector<16xf32>
        %get3A_1197 = arith.index_cast %select_n3A_570 : i32 to index
        %get3A_1198 = arith.index_cast %select_n3A_586 : i32 to index
        %get3A_1199 = arith.constant 448 : index
        %get3A_1200 = tpu.vector_load %arg5[%get3A_1197, %get3A_1198, %get3A_1199] {strides = array<i32>} : memref<2x24x768xf32, #tpu.memory_space<vmem>>, vector<1x1x16xf32>,
        %get3A_1201 = vector.shape_cast %get3A_1200 : vector<1x1x16xf32> to vector<16xf32>
        %rev3A_1202 = arith.constant 15 : i32
        %rev3A_1203 = vector.broadcast %rev3A_1202 : i32 to vector<16xi32>
        %rev3A_1204 = tpu.iota {dimensions = array<i32: 0>} : vector<16xi32>
        %rev3A_1205 = arith.subi %rev3A_1203, %rev3A_1204 : vector<16xi32>
        %rev3A_1206 = tpu.dynamic_gather %get3A_1201[%rev3A_1205] in [0] : vector<16xf32>, vector<16xi32> -> vector<16xf32>
        %swap3A_1207 = arith.index_cast %select_n3A_570 : i32 to index
        %swap3A_1208 = arith.index_cast %select_n3A_586 : i32 to index
        %swap3A_1209 = arith.constant 304 : index
        %swap3A_1210 = tpu.vector_load %arg5[%swap3A_1207, %swap3A_1208, %swap3A_1209] {strides = array<i32>} : memref<2x24x768xf32, #tpu.memory_space<vmem>>, vector<1x1x16xf32>,
        %swap3A_1211 = vector.shape_cast %swap3A_1210 : vector<1x1x16xf32> to vector<16xf32>
        %swap3A_1212 = vector.shape_cast %rev3A_1206 : vector<16xf32> to vector<1x1x16xf32>
        tpu.vector_store %arg5[%swap3A_1207, %swap3A_1208, %swap3A_1209], %swap3A_1212 {strides = array<i32>} : memref<2x24x768xf32, #tpu.memory_space<vmem>>, vector<1x1x16xf32>,
        %rev3A_1213 = arith.constant 15 : i32
        %rev3A_1214 = vector.broadcast %rev3A_1213 : i32 to vector<16xi32>
        %rev3A_1215 = tpu.iota {dimensions = array<i32: 0>} : vector<16xi32>
        %rev3A_1216 = arith.subi %rev3A_1214, %rev3A_1215 : vector<16xi32>
        %rev3A_1217 = tpu.dynamic_gather %get3A_1196[%rev3A_1216] in [0] : vector<16xf32>, vector<16xi32> -> vector<16xf32>
        %swap3A_1218 = arith.index_cast %select_n3A_570 : i32 to index
        %swap3A_1219 = arith.index_cast %select_n3A_586 : i32 to index
        %swap3A_1220 = arith.constant 448 : index
        %swap3A_1221 = tpu.vector_load %arg5[%swap3A_1218, %swap3A_1219, %swap3A_1220] {strides = array<i32>} : memref<2x24x768xf32, #tpu.memory_space<vmem>>, vector<1x1x16xf32>,
        %swap3A_1222 = vector.shape_cast %swap3A_1221 : vector<1x1x16xf32> to vector<16xf32>
        %swap3A_1223 = vector.shape_cast %rev3A_1217 : vector<16xf32> to vector<1x1x16xf32>
        tpu.vector_store %arg5[%swap3A_1218, %swap3A_1219, %swap3A_1220], %swap3A_1223 {strides = array<i32>} : memref<2x24x768xf32, #tpu.memory_space<vmem>>, vector<1x1x16xf32>,
        %get3A_1224 = arith.index_cast %select_n3A_570 : i32 to index
        %get3A_1225 = arith.index_cast %select_n3A_586 : i32 to index
        %get3A_1226 = arith.constant 320 : index
        %get3A_1227 = tpu.vector_load %arg5[%get3A_1224, %get3A_1225, %get3A_1226] {strides = array<i32>} : memref<2x24x768xf32, #tpu.memory_space<vmem>>, vector<1x1x16xf32>,
        %get3A_1228 = vector.shape_cast %get3A_1227 : vector<1x1x16xf32> to vector<16xf32>
        %get3A_1229 = arith.index_cast %select_n3A_570 : i32 to index
        %get3A_1230 = arith.index_cast %select_n3A_586 : i32 to index
        %get3A_1231 = arith.constant 432 : index
        %get3A_1232 = tpu.vector_load %arg5[%get3A_1229, %get3A_1230, %get3A_1231] {strides = array<i32>} : memref<2x24x768xf32, #tpu.memory_space<vmem>>, vector<1x1x16xf32>,
        %get3A_1233 = vector.shape_cast %get3A_1232 : vector<1x1x16xf32> to vector<16xf32>
        %rev3A_1234 = arith.constant 15 : i32
        %rev3A_1235 = vector.broadcast %rev3A_1234 : i32 to vector<16xi32>
        %rev3A_1236 = tpu.iota {dimensions = array<i32: 0>} : vector<16xi32>
        %rev3A_1237 = arith.subi %rev3A_1235, %rev3A_1236 : vector<16xi32>
        %rev3A_1238 = tpu.dynamic_gather %get3A_1233[%rev3A_1237] in [0] : vector<16xf32>, vector<16xi32> -> vector<16xf32>
        %swap3A_1239 = arith.index_cast %select_n3A_570 : i32 to index
        %swap3A_1240 = arith.index_cast %select_n3A_586 : i32 to index
        %swap3A_1241 = arith.constant 320 : index
        %swap3A_1242 = tpu.vector_load %arg5[%swap3A_1239, %swap3A_1240, %swap3A_1241] {strides = array<i32>} : memref<2x24x768xf32, #tpu.memory_space<vmem>>, vector<1x1x16xf32>,
        %swap3A_1243 = vector.shape_cast %swap3A_1242 : vector<1x1x16xf32> to vector<16xf32>
        %swap3A_1244 = vector.shape_cast %rev3A_1238 : vector<16xf32> to vector<1x1x16xf32>
        tpu.vector_store %arg5[%swap3A_1239, %swap3A_1240, %swap3A_1241], %swap3A_1244 {strides = array<i32>} : memref<2x24x768xf32, #tpu.memory_space<vmem>>, vector<1x1x16xf32>,
        %rev3A_1245 = arith.constant 15 : i32
        %rev3A_1246 = vector.broadcast %rev3A_1245 : i32 to vector<16xi32>
        %rev3A_1247 = tpu.iota {dimensions = array<i32: 0>} : vector<16xi32>
        %rev3A_1248 = arith.subi %rev3A_1246, %rev3A_1247 : vector<16xi32>
        %rev3A_1249 = tpu.dynamic_gather %get3A_1228[%rev3A_1248] in [0] : vector<16xf32>, vector<16xi32> -> vector<16xf32>
        %swap3A_1250 = arith.index_cast %select_n3A_570 : i32 to index
        %swap3A_1251 = arith.index_cast %select_n3A_586 : i32 to index
        %swap3A_1252 = arith.constant 432 : index
        %swap3A_1253 = tpu.vector_load %arg5[%swap3A_1250, %swap3A_1251, %swap3A_1252] {strides = array<i32>} : memref<2x24x768xf32, #tpu.memory_space<vmem>>, vector<1x1x16xf32>,
        %swap3A_1254 = vector.shape_cast %swap3A_1253 : vector<1x1x16xf32> to vector<16xf32>
        %swap3A_1255 = vector.shape_cast %rev3A_1249 : vector<16xf32> to vector<1x1x16xf32>
        tpu.vector_store %arg5[%swap3A_1250, %swap3A_1251, %swap3A_1252], %swap3A_1255 {strides = array<i32>} : memref<2x24x768xf32, #tpu.memory_space<vmem>>, vector<1x1x16xf32>,
        %get3A_1256 = arith.index_cast %select_n3A_570 : i32 to index
        %get3A_1257 = arith.index_cast %select_n3A_586 : i32 to index
        %get3A_1258 = arith.constant 336 : index
        %get3A_1259 = tpu.vector_load %arg5[%get3A_1256, %get3A_1257, %get3A_1258] {strides = array<i32>} : memref<2x24x768xf32, #tpu.memory_space<vmem>>, vector<1x1x16xf32>,
        %get3A_1260 = vector.shape_cast %get3A_1259 : vector<1x1x16xf32> to vector<16xf32>
        %get3A_1261 = arith.index_cast %select_n3A_570 : i32 to index
        %get3A_1262 = arith.index_cast %select_n3A_586 : i32 to index
        %get3A_1263 = arith.constant 416 : index
        %get3A_1264 = tpu.vector_load %arg5[%get3A_1261, %get3A_1262, %get3A_1263] {strides = array<i32>} : memref<2x24x768xf32, #tpu.memory_space<vmem>>, vector<1x1x16xf32>,
        %get3A_1265 = vector.shape_cast %get3A_1264 : vector<1x1x16xf32> to vector<16xf32>
        %rev3A_1266 = arith.constant 15 : i32
        %rev3A_1267 = vector.broadcast %rev3A_1266 : i32 to vector<16xi32>
        %rev3A_1268 = tpu.iota {dimensions = array<i32: 0>} : vector<16xi32>
        %rev3A_1269 = arith.subi %rev3A_1267, %rev3A_1268 : vector<16xi32>
        %rev3A_1270 = tpu.dynamic_gather %get3A_1265[%rev3A_1269] in [0] : vector<16xf32>, vector<16xi32> -> vector<16xf32>
        %swap3A_1271 = arith.index_cast %select_n3A_570 : i32 to index
        %swap3A_1272 = arith.index_cast %select_n3A_586 : i32 to index
        %swap3A_1273 = arith.constant 336 : index
        %swap3A_1274 = tpu.vector_load %arg5[%swap3A_1271, %swap3A_1272, %swap3A_1273] {strides = array<i32>} : memref<2x24x768xf32, #tpu.memory_space<vmem>>, vector<1x1x16xf32>,
        %swap3A_1275 = vector.shape_cast %swap3A_1274 : vector<1x1x16xf32> to vector<16xf32>
        %swap3A_1276 = vector.shape_cast %rev3A_1270 : vector<16xf32> to vector<1x1x16xf32>
        tpu.vector_store %arg5[%swap3A_1271, %swap3A_1272, %swap3A_1273], %swap3A_1276 {strides = array<i32>} : memref<2x24x768xf32, #tpu.memory_space<vmem>>, vector<1x1x16xf32>,
        %rev3A_1277 = arith.constant 15 : i32
        %rev3A_1278 = vector.broadcast %rev3A_1277 : i32 to vector<16xi32>
        %rev3A_1279 = tpu.iota {dimensions = array<i32: 0>} : vector<16xi32>
        %rev3A_1280 = arith.subi %rev3A_1278, %rev3A_1279 : vector<16xi32>
        %rev3A_1281 = tpu.dynamic_gather %get3A_1260[%rev3A_1280] in [0] : vector<16xf32>, vector<16xi32> -> vector<16xf32>
        %swap3A_1282 = arith.index_cast %select_n3A_570 : i32 to index
        %swap3A_1283 = arith.index_cast %select_n3A_586 : i32 to index
        %swap3A_1284 = arith.constant 416 : index
        %swap3A_1285 = tpu.vector_load %arg5[%swap3A_1282, %swap3A_1283, %swap3A_1284] {strides = array<i32>} : memref<2x24x768xf32, #tpu.memory_space<vmem>>, vector<1x1x16xf32>,
        %swap3A_1286 = vector.shape_cast %swap3A_1285 : vector<1x1x16xf32> to vector<16xf32>
        %swap3A_1287 = vector.shape_cast %rev3A_1281 : vector<16xf32> to vector<1x1x16xf32>
        tpu.vector_store %arg5[%swap3A_1282, %swap3A_1283, %swap3A_1284], %swap3A_1287 {strides = array<i32>} : memref<2x24x768xf32, #tpu.memory_space<vmem>>, vector<1x1x16xf32>,
        %get3A_1288 = arith.index_cast %select_n3A_570 : i32 to index
        %get3A_1289 = arith.index_cast %select_n3A_586 : i32 to index
        %get3A_1290 = arith.constant 352 : index
        %get3A_1291 = tpu.vector_load %arg5[%get3A_1288, %get3A_1289, %get3A_1290] {strides = array<i32>} : memref<2x24x768xf32, #tpu.memory_space<vmem>>, vector<1x1x16xf32>,
        %get3A_1292 = vector.shape_cast %get3A_1291 : vector<1x1x16xf32> to vector<16xf32>
        %get3A_1293 = arith.index_cast %select_n3A_570 : i32 to index
        %get3A_1294 = arith.index_cast %select_n3A_586 : i32 to index
        %get3A_1295 = arith.constant 400 : index
        %get3A_1296 = tpu.vector_load %arg5[%get3A_1293, %get3A_1294, %get3A_1295] {strides = array<i32>} : memref<2x24x768xf32, #tpu.memory_space<vmem>>, vector<1x1x16xf32>,
        %get3A_1297 = vector.shape_cast %get3A_1296 : vector<1x1x16xf32> to vector<16xf32>
        %rev3A_1298 = arith.constant 15 : i32
        %rev3A_1299 = vector.broadcast %rev3A_1298 : i32 to vector<16xi32>
        %rev3A_1300 = tpu.iota {dimensions = array<i32: 0>} : vector<16xi32>
        %rev3A_1301 = arith.subi %rev3A_1299, %rev3A_1300 : vector<16xi32>
        %rev3A_1302 = tpu.dynamic_gather %get3A_1297[%rev3A_1301] in [0] : vector<16xf32>, vector<16xi32> -> vector<16xf32>
        %swap3A_1303 = arith.index_cast %select_n3A_570 : i32 to index
        %swap3A_1304 = arith.index_cast %select_n3A_586 : i32 to index
        %swap3A_1305 = arith.constant 352 : index
        %swap3A_1306 = tpu.vector_load %arg5[%swap3A_1303, %swap3A_1304, %swap3A_1305] {strides = array<i32>} : memref<2x24x768xf32, #tpu.memory_space<vmem>>, vector<1x1x16xf32>,
        %swap3A_1307 = vector.shape_cast %swap3A_1306 : vector<1x1x16xf32> to vector<16xf32>
        %swap3A_1308 = vector.shape_cast %rev3A_1302 : vector<16xf32> to vector<1x1x16xf32>
        tpu.vector_store %arg5[%swap3A_1303, %swap3A_1304, %swap3A_1305], %swap3A_1308 {strides = array<i32>} : memref<2x24x768xf32, #tpu.memory_space<vmem>>, vector<1x1x16xf32>,
        %rev3A_1309 = arith.constant 15 : i32
        %rev3A_1310 = vector.broadcast %rev3A_1309 : i32 to vector<16xi32>
        %rev3A_1311 = tpu.iota {dimensions = array<i32: 0>} : vector<16xi32>
        %rev3A_1312 = arith.subi %rev3A_1310, %rev3A_1311 : vector<16xi32>
        %rev3A_1313 = tpu.dynamic_gather %get3A_1292[%rev3A_1312] in [0] : vector<16xf32>, vector<16xi32> -> vector<16xf32>
        %swap3A_1314 = arith.index_cast %select_n3A_570 : i32 to index
        %swap3A_1315 = arith.index_cast %select_n3A_586 : i32 to index
        %swap3A_1316 = arith.constant 400 : index
        %swap3A_1317 = tpu.vector_load %arg5[%swap3A_1314, %swap3A_1315, %swap3A_1316] {strides = array<i32>} : memref<2x24x768xf32, #tpu.memory_space<vmem>>, vector<1x1x16xf32>,
        %swap3A_1318 = vector.shape_cast %swap3A_1317 : vector<1x1x16xf32> to vector<16xf32>
        %swap3A_1319 = vector.shape_cast %rev3A_1313 : vector<16xf32> to vector<1x1x16xf32>
        tpu.vector_store %arg5[%swap3A_1314, %swap3A_1315, %swap3A_1316], %swap3A_1319 {strides = array<i32>} : memref<2x24x768xf32, #tpu.memory_space<vmem>>, vector<1x1x16xf32>,
        %get3A_1320 = arith.index_cast %select_n3A_570 : i32 to index
        %get3A_1321 = arith.index_cast %select_n3A_586 : i32 to index
        %get3A_1322 = arith.constant 368 : index
        %get3A_1323 = tpu.vector_load %arg5[%get3A_1320, %get3A_1321, %get3A_1322] {strides = array<i32>} : memref<2x24x768xf32, #tpu.memory_space<vmem>>, vector<1x1x16xf32>,
        %get3A_1324 = vector.shape_cast %get3A_1323 : vector<1x1x16xf32> to vector<16xf32>
        %get3A_1325 = arith.index_cast %select_n3A_570 : i32 to index
        %get3A_1326 = arith.index_cast %select_n3A_586 : i32 to index
        %get3A_1327 = arith.constant 384 : index
        %get3A_1328 = tpu.vector_load %arg5[%get3A_1325, %get3A_1326, %get3A_1327] {strides = array<i32>} : memref<2x24x768xf32, #tpu.memory_space<vmem>>, vector<1x1x16xf32>,
        %get3A_1329 = vector.shape_cast %get3A_1328 : vector<1x1x16xf32> to vector<16xf32>
        %rev3A_1330 = arith.constant 15 : i32
        %rev3A_1331 = vector.broadcast %rev3A_1330 : i32 to vector<16xi32>
        %rev3A_1332 = tpu.iota {dimensions = array<i32: 0>} : vector<16xi32>
        %rev3A_1333 = arith.subi %rev3A_1331, %rev3A_1332 : vector<16xi32>
        %rev3A_1334 = tpu.dynamic_gather %get3A_1329[%rev3A_1333] in [0] : vector<16xf32>, vector<16xi32> -> vector<16xf32>
        %swap3A_1335 = arith.index_cast %select_n3A_570 : i32 to index
        %swap3A_1336 = arith.index_cast %select_n3A_586 : i32 to index
        %swap3A_1337 = arith.constant 368 : index
        %swap3A_1338 = tpu.vector_load %arg5[%swap3A_1335, %swap3A_1336, %swap3A_1337] {strides = array<i32>} : memref<2x24x768xf32, #tpu.memory_space<vmem>>, vector<1x1x16xf32>,
        %swap3A_1339 = vector.shape_cast %swap3A_1338 : vector<1x1x16xf32> to vector<16xf32>
        %swap3A_1340 = vector.shape_cast %rev3A_1334 : vector<16xf32> to vector<1x1x16xf32>
        tpu.vector_store %arg5[%swap3A_1335, %swap3A_1336, %swap3A_1337], %swap3A_1340 {strides = array<i32>} : memref<2x24x768xf32, #tpu.memory_space<vmem>>, vector<1x1x16xf32>,
        %rev3A_1341 = arith.constant 15 : i32
        %rev3A_1342 = vector.broadcast %rev3A_1341 : i32 to vector<16xi32>
        %rev3A_1343 = tpu.iota {dimensions = array<i32: 0>} : vector<16xi32>
        %rev3A_1344 = arith.subi %rev3A_1342, %rev3A_1343 : vector<16xi32>
        %rev3A_1345 = tpu.dynamic_gather %get3A_1324[%rev3A_1344] in [0] : vector<16xf32>, vector<16xi32> -> vector<16xf32>
        %swap3A_1346 = arith.index_cast %select_n3A_570 : i32 to index
        %swap3A_1347 = arith.index_cast %select_n3A_586 : i32 to index
        %swap3A_1348 = arith.constant 384 : index
        %swap3A_1349 = tpu.vector_load %arg5[%swap3A_1346, %swap3A_1347, %swap3A_1348] {strides = array<i32>} : memref<2x24x768xf32, #tpu.memory_space<vmem>>, vector<1x1x16xf32>,
        %swap3A_1350 = vector.shape_cast %swap3A_1349 : vector<1x1x16xf32> to vector<16xf32>
        %swap3A_1351 = vector.shape_cast %rev3A_1345 : vector<16xf32> to vector<1x1x16xf32>
        tpu.vector_store %arg5[%swap3A_1346, %swap3A_1347, %swap3A_1348], %swap3A_1351 {strides = array<i32>} : memref<2x24x768xf32, #tpu.memory_space<vmem>>, vector<1x1x16xf32>,
      }
      %scan3A_382 = arith.constant 48 : i32
      %jit3A_383 = arith.constant 12 : i32
      %div3A_384 = arith.divsi %add3A_325, %jit3A_383 : i32
      %sign3A_385 = arith.constant 0 : i32
      %sign3A_386 = arith.cmpi sgt, %add3A_325, %sign3A_385 : i32
      %sign3A_387 = arith.extui %sign3A_386 : i1 to i32
      %sign3A_388 = arith.constant 0 : i32
      %sign3A_389 = arith.cmpi slt, %add3A_325, %sign3A_388 : i32
      %sign3A_390 = arith.extui %sign3A_389 : i1 to i32
      %sign3A_391 = arith.subi %sign3A_387, %sign3A_390 : i32
      %sign3A_392 = arith.constant 0 : i32
      %sign3A_393 = arith.cmpi sgt, %jit3A_383, %sign3A_392 : i32
      %sign3A_394 = arith.extui %sign3A_393 : i1 to i32
      %sign3A_395 = arith.constant 0 : i32
      %sign3A_396 = arith.cmpi slt, %jit3A_383, %sign3A_395 : i32
      %sign3A_397 = arith.extui %sign3A_396 : i1 to i32
      %sign3A_398 = arith.subi %sign3A_394, %sign3A_397 : i32
      %ne3A_399 = arith.cmpi ne, %sign3A_391, %sign3A_398 : i32
      %rem3A_400 = arith.remsi %add3A_325, %jit3A_383 : i32
      %ne3A_401 = arith.constant 0 : i32
      %ne3A_402 = arith.cmpi ne, %rem3A_400, %ne3A_401 : i32
      %and3A_403 = arith.andi %ne3A_399, %ne3A_402 : i1
      %sub3A_404 = arith.constant 1 : i32
      %sub3A_405 = arith.subi %div3A_384, %sub3A_404 : i32
      %select_n3A_406 = arith.select %and3A_403, %sub3A_405, %div3A_384 : i32
      %add3A_407 = arith.addi %mul3A_2, %select_n3A_406 : i32
      %jit3A_408 = arith.constant 12 : i32
      %eq3A_409 = arith.constant 0 : i32
      %eq3A_410 = arith.cmpi eq, %jit3A_408, %eq3A_409 : i32
      %jit3A_411 = arith.constant 1 : i32
      %select_n3A_412 = arith.select %eq3A_410, %jit3A_411, %jit3A_408 : i32
      %rem3A_413 = arith.remsi %add3A_325, %select_n3A_412 : i32
      %ne3A_414 = arith.constant 0 : i32
      %ne3A_415 = arith.cmpi ne, %rem3A_413, %ne3A_414 : i32
      %lt3A_416 = arith.constant 0 : i32
      %lt3A_417 = arith.cmpi slt, %rem3A_413, %lt3A_416 : i32
      %lt3A_418 = arith.constant 0 : i32
      %lt3A_419 = arith.cmpi slt, %select_n3A_412, %lt3A_418 : i32
      %ne3A_420 = arith.xori %lt3A_417, %lt3A_419 : i1
      %and3A_421 = arith.andi %ne3A_420, %ne3A_415 : i1
      %add3A_422 = arith.addi %rem3A_413, %select_n3A_412 : i32
      %select_n3A_423 = arith.select %and3A_421, %add3A_422, %rem3A_413 : i32
      %mul3A_424 = arith.constant 2 : i32
      %mul3A_425 = arith.muli %select_n3A_423, %mul3A_424 : i32
      %dma_start3A_426 = arith.constant 0 : i32
      %dma_start3A_427 = arith.constant 0 : i32
      %dma_start3A_428 = tpu.memref_slice %arg3[%add3A_407, %mul3A_425, %dma_start3A_426, %dma_start3A_427] : memref<64x24x24x768xf32, #tpu.memory_space<hbm>> -> memref<1x2x24x768xf32, #tpu.memory_space<hbm>>
      %dma_start3A_429 = tpu.memref_squeeze %dma_start3A_428 : memref<1x2x24x768xf32, #tpu.memory_space<hbm>> -> memref<2x24x768xf32, #tpu.memory_space<hbm>>
      %dma_start3A_430 = arith.constant 0 : i32
      %dma_start3A_431 = arith.constant 0 : i32
      %dma_start3A_432 = tpu.memref_slice %arg3[%add3A_407, %mul3A_425, %dma_start3A_430, %dma_start3A_431] : memref<64x24x24x768xf32, #tpu.memory_space<hbm>> -> memref<1x2x24x768xf32, #tpu.memory_space<hbm>>
      %dma_start3A_433 = tpu.memref_squeeze %dma_start3A_432 : memref<1x2x24x768xf32, #tpu.memory_space<hbm>> -> memref<2x24x768xf32, #tpu.memory_space<hbm>>
      tpu.enqueue_dma source(%arg5 : memref<2x24x768xf32, #tpu.memory_space<vmem>>) target(%dma_start3A_433 : memref<2x24x768xf32, #tpu.memory_space<hbm>>) target_semaphore(%arg11 : memref<!tpu.dma_semaphore, #tpu.memory_space<semaphore_mem>>)
      %mul3A_434 = arith.constant 3 : i32
      %mul3A_435 = arith.muli %mul3A_434, %scan3A_43 : i32
      %add3A_436 = arith.constant 2 : i32
      %add3A_437 = arith.addi %mul3A_435, %add3A_436 : i32
      %jit3A_438 = arith.constant 12 : i32
      %div3A_439 = arith.divsi %add3A_437, %jit3A_438 : i32
      %sign3A_440 = arith.constant 0 : i32
      %sign3A_441 = arith.cmpi sgt, %add3A_437, %sign3A_440 : i32
      %sign3A_442 = arith.extui %sign3A_441 : i1 to i32
      %sign3A_443 = arith.constant 0 : i32
      %sign3A_444 = arith.cmpi slt, %add3A_437, %sign3A_443 : i32
      %sign3A_445 = arith.extui %sign3A_444 : i1 to i32
      %sign3A_446 = arith.subi %sign3A_442, %sign3A_445 : i32
      %sign3A_447 = arith.constant 0 : i32
      %sign3A_448 = arith.cmpi sgt, %jit3A_438, %sign3A_447 : i32
      %sign3A_449 = arith.extui %sign3A_448 : i1 to i32
      %sign3A_450 = arith.constant 0 : i32
      %sign3A_451 = arith.cmpi slt, %jit3A_438, %sign3A_450 : i32
      %sign3A_452 = arith.extui %sign3A_451 : i1 to i32
      %sign3A_453 = arith.subi %sign3A_449, %sign3A_452 : i32
      %ne3A_454 = arith.cmpi ne, %sign3A_446, %sign3A_453 : i32
      %rem3A_455 = arith.remsi %add3A_437, %jit3A_438 : i32
      %ne3A_456 = arith.constant 0 : i32
      %ne3A_457 = arith.cmpi ne, %rem3A_455, %ne3A_456 : i32
      %and3A_458 = arith.andi %ne3A_454, %ne3A_457 : i1
      %sub3A_459 = arith.constant 1 : i32
      %sub3A_460 = arith.subi %div3A_439, %sub3A_459 : i32
      %select_n3A_461 = arith.select %and3A_458, %sub3A_460, %div3A_439 : i32
      %add3A_462 = arith.addi %mul3A_2, %select_n3A_461 : i32
      %jit3A_463 = arith.constant 12 : i32
      %eq3A_464 = arith.constant 0 : i32
      %eq3A_465 = arith.cmpi eq, %jit3A_463, %eq3A_464 : i32
      %jit3A_466 = arith.constant 1 : i32
      %select_n3A_467 = arith.select %eq3A_465, %jit3A_466, %jit3A_463 : i32
      %rem3A_468 = arith.remsi %add3A_437, %select_n3A_467 : i32
      %ne3A_469 = arith.constant 0 : i32
      %ne3A_470 = arith.cmpi ne, %rem3A_468, %ne3A_469 : i32
      %lt3A_471 = arith.constant 0 : i32
      %lt3A_472 = arith.cmpi slt, %rem3A_468, %lt3A_471 : i32
      %lt3A_473 = arith.constant 0 : i32
      %lt3A_474 = arith.cmpi slt, %select_n3A_467, %lt3A_473 : i32
      %ne3A_475 = arith.xori %lt3A_472, %lt3A_474 : i1
      %and3A_476 = arith.andi %ne3A_475, %ne3A_470 : i1
      %add3A_477 = arith.addi %rem3A_468, %select_n3A_467 : i32
      %select_n3A_478 = arith.select %and3A_476, %add3A_477, %rem3A_468 : i32
      %mul3A_479 = arith.constant 2 : i32
      %mul3A_480 = arith.muli %select_n3A_478, %mul3A_479 : i32
      %dma_wait3A_481 = arith.constant 0 : i32
      %dma_wait3A_482 = arith.constant 0 : i32
      %dma_wait3A_483 = tpu.memref_slice %arg2[%add3A_462, %mul3A_480, %dma_wait3A_481, %dma_wait3A_482] : memref<64x24x24x768xf32, #tpu.memory_space<hbm>> -> memref<1x2x24x768xf32, #tpu.memory_space<hbm>>
      %dma_wait3A_484 = tpu.memref_squeeze %dma_wait3A_483 : memref<1x2x24x768xf32, #tpu.memory_space<hbm>> -> memref<2x24x768xf32, #tpu.memory_space<hbm>>
      %dma_wait3A_485 = arith.constant 0 : i32
      %dma_wait3A_486 = arith.constant 0 : i32
      %dma_wait3A_487 = tpu.memref_slice %arg2[%add3A_462, %mul3A_480, %dma_wait3A_485, %dma_wait3A_486] : memref<64x24x24x768xf32, #tpu.memory_space<hbm>> -> memref<1x2x24x768xf32, #tpu.memory_space<hbm>>
      %dma_wait3A_488 = tpu.memref_squeeze %dma_wait3A_487 : memref<1x2x24x768xf32, #tpu.memory_space<hbm>> -> memref<2x24x768xf32, #tpu.memory_space<hbm>>
      tpu.wait_dma2 semaphore(%arg9 : memref<!tpu.dma_semaphore, #tpu.memory_space<semaphore_mem>>) src(%dma_wait3A_488 : memref<2x24x768xf32, #tpu.memory_space<hbm>>) dst(%arg6 : memref<2x24x768xf32, #tpu.memory_space<vmem>>)
      %scan3A_489 = arith.constant 0 : i32
      %scan3A_490 = arith.constant 0 : i32
      %scan3A_491 = arith.constant 48 : i32
      %scan3A_492 = arith.addi %scan3A_490, %scan3A_491 : i32
      %scan3A_493 = arith.constant 1 : i32
      scf.for %scan3A_546 = %scan3A_490 to %scan3A_492 step %scan3A_493  : i32 {
        %jit3A_547 = arith.constant 24 : i32
        %div3A_548 = arith.divsi %scan3A_546, %jit3A_547 : i32
        %sign3A_549 = arith.constant 0 : i32
        %sign3A_550 = arith.cmpi sgt, %scan3A_546, %sign3A_549 : i32
        %sign3A_551 = arith.extui %sign3A_550 : i1 to i32
        %sign3A_552 = arith.constant 0 : i32
        %sign3A_553 = arith.cmpi slt, %scan3A_546, %sign3A_552 : i32
        %sign3A_554 = arith.extui %sign3A_553 : i1 to i32
        %sign3A_555 = arith.subi %sign3A_551, %sign3A_554 : i32
        %sign3A_556 = arith.constant 0 : i32
        %sign3A_557 = arith.cmpi sgt, %jit3A_547, %sign3A_556 : i32
        %sign3A_558 = arith.extui %sign3A_557 : i1 to i32
        %sign3A_559 = arith.constant 0 : i32
        %sign3A_560 = arith.cmpi slt, %jit3A_547, %sign3A_559 : i32
        %sign3A_561 = arith.extui %sign3A_560 : i1 to i32
        %sign3A_562 = arith.subi %sign3A_558, %sign3A_561 : i32
        %ne3A_563 = arith.cmpi ne, %sign3A_555, %sign3A_562 : i32
        %rem3A_564 = arith.remsi %scan3A_546, %jit3A_547 : i32
        %ne3A_565 = arith.constant 0 : i32
        %ne3A_566 = arith.cmpi ne, %rem3A_564, %ne3A_565 : i32
        %and3A_567 = arith.andi %ne3A_563, %ne3A_566 : i1
        %sub3A_568 = arith.constant 1 : i32
        %sub3A_569 = arith.subi %div3A_548, %sub3A_568 : i32
        %select_n3A_570 = arith.select %and3A_567, %sub3A_569, %div3A_548 : i32
        %jit3A_571 = arith.constant 24 : i32
        %eq3A_572 = arith.constant 0 : i32
        %eq3A_573 = arith.cmpi eq, %jit3A_571, %eq3A_572 : i32
        %jit3A_574 = arith.constant 1 : i32
        %select_n3A_575 = arith.select %eq3A_573, %jit3A_574, %jit3A_571 : i32
        %rem3A_576 = arith.remsi %scan3A_546, %select_n3A_575 : i32
        %ne3A_577 = arith.constant 0 : i32
        %ne3A_578 = arith.cmpi ne, %rem3A_576, %ne3A_577 : i32
        %lt3A_579 = arith.constant 0 : i32
        %lt3A_580 = arith.cmpi slt, %rem3A_576, %lt3A_579 : i32
        %lt3A_581 = arith.constant 0 : i32
        %lt3A_582 = arith.cmpi slt, %select_n3A_575, %lt3A_581 : i32
        %ne3A_583 = arith.xori %lt3A_580, %lt3A_582 : i1
        %and3A_584 = arith.andi %ne3A_583, %ne3A_578 : i1
        %add3A_585 = arith.addi %rem3A_576, %select_n3A_575 : i32
        %select_n3A_586 = arith.select %and3A_584, %add3A_585, %rem3A_576 : i32
        %get3A = arith.index_cast %select_n3A_570 : i32 to index
        %get3A_587 = arith.index_cast %select_n3A_586 : i32 to index
        %get3A_588 = arith.constant 0 : index
        %get3A_589 = tpu.vector_load %arg6[%get3A, %get3A_587, %get3A_588] {strides = array<i32>} : memref<2x24x768xf32, #tpu.memory_space<vmem>>, vector<1x1x16xf32>,
        %get3A_590 = vector.shape_cast %get3A_589 : vector<1x1x16xf32> to vector<16xf32>
        %get3A_591 = arith.index_cast %select_n3A_570 : i32 to index
        %get3A_592 = arith.index_cast %select_n3A_586 : i32 to index
        %get3A_593 = arith.constant 752 : index
        %get3A_594 = tpu.vector_load %arg6[%get3A_591, %get3A_592, %get3A_593] {strides = array<i32>} : memref<2x24x768xf32, #tpu.memory_space<vmem>>, vector<1x1x16xf32>,
        %get3A_595 = vector.shape_cast %get3A_594 : vector<1x1x16xf32> to vector<16xf32>
        %rev3A = arith.constant 15 : i32
        %rev3A_596 = vector.broadcast %rev3A : i32 to vector<16xi32>
        %rev3A_597 = tpu.iota {dimensions = array<i32: 0>} : vector<16xi32>
        %rev3A_598 = arith.subi %rev3A_596, %rev3A_597 : vector<16xi32>
        %rev3A_599 = tpu.dynamic_gather %get3A_595[%rev3A_598] in [0] : vector<16xf32>, vector<16xi32> -> vector<16xf32>
        %swap3A = arith.index_cast %select_n3A_570 : i32 to index
        %swap3A_600 = arith.index_cast %select_n3A_586 : i32 to index
        %swap3A_601 = arith.constant 0 : index
        %swap3A_602 = tpu.vector_load %arg6[%swap3A, %swap3A_600, %swap3A_601] {strides = array<i32>} : memref<2x24x768xf32, #tpu.memory_space<vmem>>, vector<1x1x16xf32>,
        %swap3A_603 = vector.shape_cast %swap3A_602 : vector<1x1x16xf32> to vector<16xf32>
        %swap3A_604 = vector.shape_cast %rev3A_599 : vector<16xf32> to vector<1x1x16xf32>
        tpu.vector_store %arg6[%swap3A, %swap3A_600, %swap3A_601], %swap3A_604 {strides = array<i32>} : memref<2x24x768xf32, #tpu.memory_space<vmem>>, vector<1x1x16xf32>,
        %rev3A_605 = arith.constant 15 : i32
        %rev3A_606 = vector.broadcast %rev3A_605 : i32 to vector<16xi32>
        %rev3A_607 = tpu.iota {dimensions = array<i32: 0>} : vector<16xi32>
        %rev3A_608 = arith.subi %rev3A_606, %rev3A_607 : vector<16xi32>
        %rev3A_609 = tpu.dynamic_gather %get3A_590[%rev3A_608] in [0] : vector<16xf32>, vector<16xi32> -> vector<16xf32>
        %swap3A_610 = arith.index_cast %select_n3A_570 : i32 to index
        %swap3A_611 = arith.index_cast %select_n3A_586 : i32 to index
        %swap3A_612 = arith.constant 752 : index
        %swap3A_613 = tpu.vector_load %arg6[%swap3A_610, %swap3A_611, %swap3A_612] {strides = array<i32>} : memref<2x24x768xf32, #tpu.memory_space<vmem>>, vector<1x1x16xf32>,
        %swap3A_614 = vector.shape_cast %swap3A_613 : vector<1x1x16xf32> to vector<16xf32>
        %swap3A_615 = vector.shape_cast %rev3A_609 : vector<16xf32> to vector<1x1x16xf32>
        tpu.vector_store %arg6[%swap3A_610, %swap3A_611, %swap3A_612], %swap3A_615 {strides = array<i32>} : memref<2x24x768xf32, #tpu.memory_space<vmem>>, vector<1x1x16xf32>,
        %get3A_616 = arith.index_cast %select_n3A_570 : i32 to index
        %get3A_617 = arith.index_cast %select_n3A_586 : i32 to index
        %get3A_618 = arith.constant 16 : index
        %get3A_619 = tpu.vector_load %arg6[%get3A_616, %get3A_617, %get3A_618] {strides = array<i32>} : memref<2x24x768xf32, #tpu.memory_space<vmem>>, vector<1x1x16xf32>,
        %get3A_620 = vector.shape_cast %get3A_619 : vector<1x1x16xf32> to vector<16xf32>
        %get3A_621 = arith.index_cast %select_n3A_570 : i32 to index
        %get3A_622 = arith.index_cast %select_n3A_586 : i32 to index
        %get3A_623 = arith.constant 736 : index
        %get3A_624 = tpu.vector_load %arg6[%get3A_621, %get3A_622, %get3A_623] {strides = array<i32>} : memref<2x24x768xf32, #tpu.memory_space<vmem>>, vector<1x1x16xf32>,
        %get3A_625 = vector.shape_cast %get3A_624 : vector<1x1x16xf32> to vector<16xf32>
        %rev3A_626 = arith.constant 15 : i32
        %rev3A_627 = vector.broadcast %rev3A_626 : i32 to vector<16xi32>
        %rev3A_628 = tpu.iota {dimensions = array<i32: 0>} : vector<16xi32>
        %rev3A_629 = arith.subi %rev3A_627, %rev3A_628 : vector<16xi32>
        %rev3A_630 = tpu.dynamic_gather %get3A_625[%rev3A_629] in [0] : vector<16xf32>, vector<16xi32> -> vector<16xf32>
        %swap3A_631 = arith.index_cast %select_n3A_570 : i32 to index
        %swap3A_632 = arith.index_cast %select_n3A_586 : i32 to index
        %swap3A_633 = arith.constant 16 : index
        %swap3A_634 = tpu.vector_load %arg6[%swap3A_631, %swap3A_632, %swap3A_633] {strides = array<i32>} : memref<2x24x768xf32, #tpu.memory_space<vmem>>, vector<1x1x16xf32>,
        %swap3A_635 = vector.shape_cast %swap3A_634 : vector<1x1x16xf32> to vector<16xf32>
        %swap3A_636 = vector.shape_cast %rev3A_630 : vector<16xf32> to vector<1x1x16xf32>
        tpu.vector_store %arg6[%swap3A_631, %swap3A_632, %swap3A_633], %swap3A_636 {strides = array<i32>} : memref<2x24x768xf32, #tpu.memory_space<vmem>>, vector<1x1x16xf32>,
        %rev3A_637 = arith.constant 15 : i32
        %rev3A_638 = vector.broadcast %rev3A_637 : i32 to vector<16xi32>
        %rev3A_639 = tpu.iota {dimensions = array<i32: 0>} : vector<16xi32>
        %rev3A_640 = arith.subi %rev3A_638, %rev3A_639 : vector<16xi32>
        %rev3A_641 = tpu.dynamic_gather %get3A_620[%rev3A_640] in [0] : vector<16xf32>, vector<16xi32> -> vector<16xf32>
        %swap3A_642 = arith.index_cast %select_n3A_570 : i32 to index
        %swap3A_643 = arith.index_cast %select_n3A_586 : i32 to index
        %swap3A_644 = arith.constant 736 : index
        %swap3A_645 = tpu.vector_load %arg6[%swap3A_642, %swap3A_643, %swap3A_644] {strides = array<i32>} : memref<2x24x768xf32, #tpu.memory_space<vmem>>, vector<1x1x16xf32>,
        %swap3A_646 = vector.shape_cast %swap3A_645 : vector<1x1x16xf32> to vector<16xf32>
        %swap3A_647 = vector.shape_cast %rev3A_641 : vector<16xf32> to vector<1x1x16xf32>
        tpu.vector_store %arg6[%swap3A_642, %swap3A_643, %swap3A_644], %swap3A_647 {strides = array<i32>} : memref<2x24x768xf32, #tpu.memory_space<vmem>>, vector<1x1x16xf32>,
        %get3A_648 = arith.index_cast %select_n3A_570 : i32 to index
        %get3A_649 = arith.index_cast %select_n3A_586 : i32 to index
        %get3A_650 = arith.constant 32 : index
        %get3A_651 = tpu.vector_load %arg6[%get3A_648, %get3A_649, %get3A_650] {strides = array<i32>} : memref<2x24x768xf32, #tpu.memory_space<vmem>>, vector<1x1x16xf32>,
        %get3A_652 = vector.shape_cast %get3A_651 : vector<1x1x16xf32> to vector<16xf32>
        %get3A_653 = arith.index_cast %select_n3A_570 : i32 to index
        %get3A_654 = arith.index_cast %select_n3A_586 : i32 to index
        %get3A_655 = arith.constant 720 : index
        %get3A_656 = tpu.vector_load %arg6[%get3A_653, %get3A_654, %get3A_655] {strides = array<i32>} : memref<2x24x768xf32, #tpu.memory_space<vmem>>, vector<1x1x16xf32>,
        %get3A_657 = vector.shape_cast %get3A_656 : vector<1x1x16xf32> to vector<16xf32>
        %rev3A_658 = arith.constant 15 : i32
        %rev3A_659 = vector.broadcast %rev3A_658 : i32 to vector<16xi32>
        %rev3A_660 = tpu.iota {dimensions = array<i32: 0>} : vector<16xi32>
        %rev3A_661 = arith.subi %rev3A_659, %rev3A_660 : vector<16xi32>
        %rev3A_662 = tpu.dynamic_gather %get3A_657[%rev3A_661] in [0] : vector<16xf32>, vector<16xi32> -> vector<16xf32>
        %swap3A_663 = arith.index_cast %select_n3A_570 : i32 to index
        %swap3A_664 = arith.index_cast %select_n3A_586 : i32 to index
        %swap3A_665 = arith.constant 32 : index
        %swap3A_666 = tpu.vector_load %arg6[%swap3A_663, %swap3A_664, %swap3A_665] {strides = array<i32>} : memref<2x24x768xf32, #tpu.memory_space<vmem>>, vector<1x1x16xf32>,
        %swap3A_667 = vector.shape_cast %swap3A_666 : vector<1x1x16xf32> to vector<16xf32>
        %swap3A_668 = vector.shape_cast %rev3A_662 : vector<16xf32> to vector<1x1x16xf32>
        tpu.vector_store %arg6[%swap3A_663, %swap3A_664, %swap3A_665], %swap3A_668 {strides = array<i32>} : memref<2x24x768xf32, #tpu.memory_space<vmem>>, vector<1x1x16xf32>,
        %rev3A_669 = arith.constant 15 : i32
        %rev3A_670 = vector.broadcast %rev3A_669 : i32 to vector<16xi32>
        %rev3A_671 = tpu.iota {dimensions = array<i32: 0>} : vector<16xi32>
        %rev3A_672 = arith.subi %rev3A_670, %rev3A_671 : vector<16xi32>
        %rev3A_673 = tpu.dynamic_gather %get3A_652[%rev3A_672] in [0] : vector<16xf32>, vector<16xi32> -> vector<16xf32>
        %swap3A_674 = arith.index_cast %select_n3A_570 : i32 to index
        %swap3A_675 = arith.index_cast %select_n3A_586 : i32 to index
        %swap3A_676 = arith.constant 720 : index
        %swap3A_677 = tpu.vector_load %arg6[%swap3A_674, %swap3A_675, %swap3A_676] {strides = array<i32>} : memref<2x24x768xf32, #tpu.memory_space<vmem>>, vector<1x1x16xf32>,
        %swap3A_678 = vector.shape_cast %swap3A_677 : vector<1x1x16xf32> to vector<16xf32>
        %swap3A_679 = vector.shape_cast %rev3A_673 : vector<16xf32> to vector<1x1x16xf32>
        tpu.vector_store %arg6[%swap3A_674, %swap3A_675, %swap3A_676], %swap3A_679 {strides = array<i32>} : memref<2x24x768xf32, #tpu.memory_space<vmem>>, vector<1x1x16xf32>,
        %get3A_680 = arith.index_cast %select_n3A_570 : i32 to index
        %get3A_681 = arith.index_cast %select_n3A_586 : i32 to index
        %get3A_682 = arith.constant 48 : index
        %get3A_683 = tpu.vector_load %arg6[%get3A_680, %get3A_681, %get3A_682] {strides = array<i32>} : memref<2x24x768xf32, #tpu.memory_space<vmem>>, vector<1x1x16xf32>,
        %get3A_684 = vector.shape_cast %get3A_683 : vector<1x1x16xf32> to vector<16xf32>
        %get3A_685 = arith.index_cast %select_n3A_570 : i32 to index
        %get3A_686 = arith.index_cast %select_n3A_586 : i32 to index
        %get3A_687 = arith.constant 704 : index
        %get3A_688 = tpu.vector_load %arg6[%get3A_685, %get3A_686, %get3A_687] {strides = array<i32>} : memref<2x24x768xf32, #tpu.memory_space<vmem>>, vector<1x1x16xf32>,
        %get3A_689 = vector.shape_cast %get3A_688 : vector<1x1x16xf32> to vector<16xf32>
        %rev3A_690 = arith.constant 15 : i32
        %rev3A_691 = vector.broadcast %rev3A_690 : i32 to vector<16xi32>
        %rev3A_692 = tpu.iota {dimensions = array<i32: 0>} : vector<16xi32>
        %rev3A_693 = arith.subi %rev3A_691, %rev3A_692 : vector<16xi32>
        %rev3A_694 = tpu.dynamic_gather %get3A_689[%rev3A_693] in [0] : vector<16xf32>, vector<16xi32> -> vector<16xf32>
        %swap3A_695 = arith.index_cast %select_n3A_570 : i32 to index
        %swap3A_696 = arith.index_cast %select_n3A_586 : i32 to index
        %swap3A_697 = arith.constant 48 : index
        %swap3A_698 = tpu.vector_load %arg6[%swap3A_695, %swap3A_696, %swap3A_697] {strides = array<i32>} : memref<2x24x768xf32, #tpu.memory_space<vmem>>, vector<1x1x16xf32>,
        %swap3A_699 = vector.shape_cast %swap3A_698 : vector<1x1x16xf32> to vector<16xf32>
        %swap3A_700 = vector.shape_cast %rev3A_694 : vector<16xf32> to vector<1x1x16xf32>
        tpu.vector_store %arg6[%swap3A_695, %swap3A_696, %swap3A_697], %swap3A_700 {strides = array<i32>} : memref<2x24x768xf32, #tpu.memory_space<vmem>>, vector<1x1x16xf32>,
        %rev3A_701 = arith.constant 15 : i32
        %rev3A_702 = vector.broadcast %rev3A_701 : i32 to vector<16xi32>
        %rev3A_703 = tpu.iota {dimensions = array<i32: 0>} : vector<16xi32>
        %rev3A_704 = arith.subi %rev3A_702, %rev3A_703 : vector<16xi32>
        %rev3A_705 = tpu.dynamic_gather %get3A_684[%rev3A_704] in [0] : vector<16xf32>, vector<16xi32> -> vector<16xf32>
        %swap3A_706 = arith.index_cast %select_n3A_570 : i32 to index
        %swap3A_707 = arith.index_cast %select_n3A_586 : i32 to index
        %swap3A_708 = arith.constant 704 : index
        %swap3A_709 = tpu.vector_load %arg6[%swap3A_706, %swap3A_707, %swap3A_708] {strides = array<i32>} : memref<2x24x768xf32, #tpu.memory_space<vmem>>, vector<1x1x16xf32>,
        %swap3A_710 = vector.shape_cast %swap3A_709 : vector<1x1x16xf32> to vector<16xf32>
        %swap3A_711 = vector.shape_cast %rev3A_705 : vector<16xf32> to vector<1x1x16xf32>
        tpu.vector_store %arg6[%swap3A_706, %swap3A_707, %swap3A_708], %swap3A_711 {strides = array<i32>} : memref<2x24x768xf32, #tpu.memory_space<vmem>>, vector<1x1x16xf32>,
        %get3A_712 = arith.index_cast %select_n3A_570 : i32 to index
        %get3A_713 = arith.index_cast %select_n3A_586 : i32 to index
        %get3A_714 = arith.constant 64 : index
        %get3A_715 = tpu.vector_load %arg6[%get3A_712, %get3A_713, %get3A_714] {strides = array<i32>} : memref<2x24x768xf32, #tpu.memory_space<vmem>>, vector<1x1x16xf32>,
        %get3A_716 = vector.shape_cast %get3A_715 : vector<1x1x16xf32> to vector<16xf32>
        %get3A_717 = arith.index_cast %select_n3A_570 : i32 to index
        %get3A_718 = arith.index_cast %select_n3A_586 : i32 to index
        %get3A_719 = arith.constant 688 : index
        %get3A_720 = tpu.vector_load %arg6[%get3A_717, %get3A_718, %get3A_719] {strides = array<i32>} : memref<2x24x768xf32, #tpu.memory_space<vmem>>, vector<1x1x16xf32>,
        %get3A_721 = vector.shape_cast %get3A_720 : vector<1x1x16xf32> to vector<16xf32>
        %rev3A_722 = arith.constant 15 : i32
        %rev3A_723 = vector.broadcast %rev3A_722 : i32 to vector<16xi32>
        %rev3A_724 = tpu.iota {dimensions = array<i32: 0>} : vector<16xi32>
        %rev3A_725 = arith.subi %rev3A_723, %rev3A_724 : vector<16xi32>
        %rev3A_726 = tpu.dynamic_gather %get3A_721[%rev3A_725] in [0] : vector<16xf32>, vector<16xi32> -> vector<16xf32>
        %swap3A_727 = arith.index_cast %select_n3A_570 : i32 to index
        %swap3A_728 = arith.index_cast %select_n3A_586 : i32 to index
        %swap3A_729 = arith.constant 64 : index
        %swap3A_730 = tpu.vector_load %arg6[%swap3A_727, %swap3A_728, %swap3A_729] {strides = array<i32>} : memref<2x24x768xf32, #tpu.memory_space<vmem>>, vector<1x1x16xf32>,
        %swap3A_731 = vector.shape_cast %swap3A_730 : vector<1x1x16xf32> to vector<16xf32>
        %swap3A_732 = vector.shape_cast %rev3A_726 : vector<16xf32> to vector<1x1x16xf32>
        tpu.vector_store %arg6[%swap3A_727, %swap3A_728, %swap3A_729], %swap3A_732 {strides = array<i32>} : memref<2x24x768xf32, #tpu.memory_space<vmem>>, vector<1x1x16xf32>,
        %rev3A_733 = arith.constant 15 : i32
        %rev3A_734 = vector.broadcast %rev3A_733 : i32 to vector<16xi32>
        %rev3A_735 = tpu.iota {dimensions = array<i32: 0>} : vector<16xi32>
        %rev3A_736 = arith.subi %rev3A_734, %rev3A_735 : vector<16xi32>
        %rev3A_737 = tpu.dynamic_gather %get3A_716[%rev3A_736] in [0] : vector<16xf32>, vector<16xi32> -> vector<16xf32>
        %swap3A_738 = arith.index_cast %select_n3A_570 : i32 to index
        %swap3A_739 = arith.index_cast %select_n3A_586 : i32 to index
        %swap3A_740 = arith.constant 688 : index
        %swap3A_741 = tpu.vector_load %arg6[%swap3A_738, %swap3A_739, %swap3A_740] {strides = array<i32>} : memref<2x24x768xf32, #tpu.memory_space<vmem>>, vector<1x1x16xf32>,
        %swap3A_742 = vector.shape_cast %swap3A_741 : vector<1x1x16xf32> to vector<16xf32>
        %swap3A_743 = vector.shape_cast %rev3A_737 : vector<16xf32> to vector<1x1x16xf32>
        tpu.vector_store %arg6[%swap3A_738, %swap3A_739, %swap3A_740], %swap3A_743 {strides = array<i32>} : memref<2x24x768xf32, #tpu.memory_space<vmem>>, vector<1x1x16xf32>,
        %get3A_744 = arith.index_cast %select_n3A_570 : i32 to index
        %get3A_745 = arith.index_cast %select_n3A_586 : i32 to index
        %get3A_746 = arith.constant 80 : index
        %get3A_747 = tpu.vector_load %arg6[%get3A_744, %get3A_745, %get3A_746] {strides = array<i32>} : memref<2x24x768xf32, #tpu.memory_space<vmem>>, vector<1x1x16xf32>,
        %get3A_748 = vector.shape_cast %get3A_747 : vector<1x1x16xf32> to vector<16xf32>
        %get3A_749 = arith.index_cast %select_n3A_570 : i32 to index
        %get3A_750 = arith.index_cast %select_n3A_586 : i32 to index
        %get3A_751 = arith.constant 672 : index
        %get3A_752 = tpu.vector_load %arg6[%get3A_749, %get3A_750, %get3A_751] {strides = array<i32>} : memref<2x24x768xf32, #tpu.memory_space<vmem>>, vector<1x1x16xf32>,
        %get3A_753 = vector.shape_cast %get3A_752 : vector<1x1x16xf32> to vector<16xf32>
        %rev3A_754 = arith.constant 15 : i32
        %rev3A_755 = vector.broadcast %rev3A_754 : i32 to vector<16xi32>
        %rev3A_756 = tpu.iota {dimensions = array<i32: 0>} : vector<16xi32>
        %rev3A_757 = arith.subi %rev3A_755, %rev3A_756 : vector<16xi32>
        %rev3A_758 = tpu.dynamic_gather %get3A_753[%rev3A_757] in [0] : vector<16xf32>, vector<16xi32> -> vector<16xf32>
        %swap3A_759 = arith.index_cast %select_n3A_570 : i32 to index
        %swap3A_760 = arith.index_cast %select_n3A_586 : i32 to index
        %swap3A_761 = arith.constant 80 : index
        %swap3A_762 = tpu.vector_load %arg6[%swap3A_759, %swap3A_760, %swap3A_761] {strides = array<i32>} : memref<2x24x768xf32, #tpu.memory_space<vmem>>, vector<1x1x16xf32>,
        %swap3A_763 = vector.shape_cast %swap3A_762 : vector<1x1x16xf32> to vector<16xf32>
        %swap3A_764 = vector.shape_cast %rev3A_758 : vector<16xf32> to vector<1x1x16xf32>
        tpu.vector_store %arg6[%swap3A_759, %swap3A_760, %swap3A_761], %swap3A_764 {strides = array<i32>} : memref<2x24x768xf32, #tpu.memory_space<vmem>>, vector<1x1x16xf32>,
        %rev3A_765 = arith.constant 15 : i32
        %rev3A_766 = vector.broadcast %rev3A_765 : i32 to vector<16xi32>
        %rev3A_767 = tpu.iota {dimensions = array<i32: 0>} : vector<16xi32>
        %rev3A_768 = arith.subi %rev3A_766, %rev3A_767 : vector<16xi32>
        %rev3A_769 = tpu.dynamic_gather %get3A_748[%rev3A_768] in [0] : vector<16xf32>, vector<16xi32> -> vector<16xf32>
        %swap3A_770 = arith.index_cast %select_n3A_570 : i32 to index
        %swap3A_771 = arith.index_cast %select_n3A_586 : i32 to index
        %swap3A_772 = arith.constant 672 : index
        %swap3A_773 = tpu.vector_load %arg6[%swap3A_770, %swap3A_771, %swap3A_772] {strides = array<i32>} : memref<2x24x768xf32, #tpu.memory_space<vmem>>, vector<1x1x16xf32>,
        %swap3A_774 = vector.shape_cast %swap3A_773 : vector<1x1x16xf32> to vector<16xf32>
        %swap3A_775 = vector.shape_cast %rev3A_769 : vector<16xf32> to vector<1x1x16xf32>
        tpu.vector_store %arg6[%swap3A_770, %swap3A_771, %swap3A_772], %swap3A_775 {strides = array<i32>} : memref<2x24x768xf32, #tpu.memory_space<vmem>>, vector<1x1x16xf32>,
        %get3A_776 = arith.index_cast %select_n3A_570 : i32 to index
        %get3A_777 = arith.index_cast %select_n3A_586 : i32 to index
        %get3A_778 = arith.constant 96 : index
        %get3A_779 = tpu.vector_load %arg6[%get3A_776, %get3A_777, %get3A_778] {strides = array<i32>} : memref<2x24x768xf32, #tpu.memory_space<vmem>>, vector<1x1x16xf32>,
        %get3A_780 = vector.shape_cast %get3A_779 : vector<1x1x16xf32> to vector<16xf32>
        %get3A_781 = arith.index_cast %select_n3A_570 : i32 to index
        %get3A_782 = arith.index_cast %select_n3A_586 : i32 to index
        %get3A_783 = arith.constant 656 : index
        %get3A_784 = tpu.vector_load %arg6[%get3A_781, %get3A_782, %get3A_783] {strides = array<i32>} : memref<2x24x768xf32, #tpu.memory_space<vmem>>, vector<1x1x16xf32>,
        %get3A_785 = vector.shape_cast %get3A_784 : vector<1x1x16xf32> to vector<16xf32>
        %rev3A_786 = arith.constant 15 : i32
        %rev3A_787 = vector.broadcast %rev3A_786 : i32 to vector<16xi32>
        %rev3A_788 = tpu.iota {dimensions = array<i32: 0>} : vector<16xi32>
        %rev3A_789 = arith.subi %rev3A_787, %rev3A_788 : vector<16xi32>
        %rev3A_790 = tpu.dynamic_gather %get3A_785[%rev3A_789] in [0] : vector<16xf32>, vector<16xi32> -> vector<16xf32>
        %swap3A_791 = arith.index_cast %select_n3A_570 : i32 to index
        %swap3A_792 = arith.index_cast %select_n3A_586 : i32 to index
        %swap3A_793 = arith.constant 96 : index
        %swap3A_794 = tpu.vector_load %arg6[%swap3A_791, %swap3A_792, %swap3A_793] {strides = array<i32>} : memref<2x24x768xf32, #tpu.memory_space<vmem>>, vector<1x1x16xf32>,
        %swap3A_795 = vector.shape_cast %swap3A_794 : vector<1x1x16xf32> to vector<16xf32>
        %swap3A_796 = vector.shape_cast %rev3A_790 : vector<16xf32> to vector<1x1x16xf32>
        tpu.vector_store %arg6[%swap3A_791, %swap3A_792, %swap3A_793], %swap3A_796 {strides = array<i32>} : memref<2x24x768xf32, #tpu.memory_space<vmem>>, vector<1x1x16xf32>,
        %rev3A_797 = arith.constant 15 : i32
        %rev3A_798 = vector.broadcast %rev3A_797 : i32 to vector<16xi32>
        %rev3A_799 = tpu.iota {dimensions = array<i32: 0>} : vector<16xi32>
        %rev3A_800 = arith.subi %rev3A_798, %rev3A_799 : vector<16xi32>
        %rev3A_801 = tpu.dynamic_gather %get3A_780[%rev3A_800] in [0] : vector<16xf32>, vector<16xi32> -> vector<16xf32>
        %swap3A_802 = arith.index_cast %select_n3A_570 : i32 to index
        %swap3A_803 = arith.index_cast %select_n3A_586 : i32 to index
        %swap3A_804 = arith.constant 656 : index
        %swap3A_805 = tpu.vector_load %arg6[%swap3A_802, %swap3A_803, %swap3A_804] {strides = array<i32>} : memref<2x24x768xf32, #tpu.memory_space<vmem>>, vector<1x1x16xf32>,
        %swap3A_806 = vector.shape_cast %swap3A_805 : vector<1x1x16xf32> to vector<16xf32>
        %swap3A_807 = vector.shape_cast %rev3A_801 : vector<16xf32> to vector<1x1x16xf32>
        tpu.vector_store %arg6[%swap3A_802, %swap3A_803, %swap3A_804], %swap3A_807 {strides = array<i32>} : memref<2x24x768xf32, #tpu.memory_space<vmem>>, vector<1x1x16xf32>,
        %get3A_808 = arith.index_cast %select_n3A_570 : i32 to index
        %get3A_809 = arith.index_cast %select_n3A_586 : i32 to index
        %get3A_810 = arith.constant 112 : index
        %get3A_811 = tpu.vector_load %arg6[%get3A_808, %get3A_809, %get3A_810] {strides = array<i32>} : memref<2x24x768xf32, #tpu.memory_space<vmem>>, vector<1x1x16xf32>,
        %get3A_812 = vector.shape_cast %get3A_811 : vector<1x1x16xf32> to vector<16xf32>
        %get3A_813 = arith.index_cast %select_n3A_570 : i32 to index
        %get3A_814 = arith.index_cast %select_n3A_586 : i32 to index
        %get3A_815 = arith.constant 640 : index
        %get3A_816 = tpu.vector_load %arg6[%get3A_813, %get3A_814, %get3A_815] {strides = array<i32>} : memref<2x24x768xf32, #tpu.memory_space<vmem>>, vector<1x1x16xf32>,
        %get3A_817 = vector.shape_cast %get3A_816 : vector<1x1x16xf32> to vector<16xf32>
        %rev3A_818 = arith.constant 15 : i32
        %rev3A_819 = vector.broadcast %rev3A_818 : i32 to vector<16xi32>
        %rev3A_820 = tpu.iota {dimensions = array<i32: 0>} : vector<16xi32>
        %rev3A_821 = arith.subi %rev3A_819, %rev3A_820 : vector<16xi32>
        %rev3A_822 = tpu.dynamic_gather %get3A_817[%rev3A_821] in [0] : vector<16xf32>, vector<16xi32> -> vector<16xf32>
        %swap3A_823 = arith.index_cast %select_n3A_570 : i32 to index
        %swap3A_824 = arith.index_cast %select_n3A_586 : i32 to index
        %swap3A_825 = arith.constant 112 : index
        %swap3A_826 = tpu.vector_load %arg6[%swap3A_823, %swap3A_824, %swap3A_825] {strides = array<i32>} : memref<2x24x768xf32, #tpu.memory_space<vmem>>, vector<1x1x16xf32>,
        %swap3A_827 = vector.shape_cast %swap3A_826 : vector<1x1x16xf32> to vector<16xf32>
        %swap3A_828 = vector.shape_cast %rev3A_822 : vector<16xf32> to vector<1x1x16xf32>
        tpu.vector_store %arg6[%swap3A_823, %swap3A_824, %swap3A_825], %swap3A_828 {strides = array<i32>} : memref<2x24x768xf32, #tpu.memory_space<vmem>>, vector<1x1x16xf32>,
        %rev3A_829 = arith.constant 15 : i32
        %rev3A_830 = vector.broadcast %rev3A_829 : i32 to vector<16xi32>
        %rev3A_831 = tpu.iota {dimensions = array<i32: 0>} : vector<16xi32>
        %rev3A_832 = arith.subi %rev3A_830, %rev3A_831 : vector<16xi32>
        %rev3A_833 = tpu.dynamic_gather %get3A_812[%rev3A_832] in [0] : vector<16xf32>, vector<16xi32> -> vector<16xf32>
        %swap3A_834 = arith.index_cast %select_n3A_570 : i32 to index
        %swap3A_835 = arith.index_cast %select_n3A_586 : i32 to index
        %swap3A_836 = arith.constant 640 : index
        %swap3A_837 = tpu.vector_load %arg6[%swap3A_834, %swap3A_835, %swap3A_836] {strides = array<i32>} : memref<2x24x768xf32, #tpu.memory_space<vmem>>, vector<1x1x16xf32>,
        %swap3A_838 = vector.shape_cast %swap3A_837 : vector<1x1x16xf32> to vector<16xf32>
        %swap3A_839 = vector.shape_cast %rev3A_833 : vector<16xf32> to vector<1x1x16xf32>
        tpu.vector_store %arg6[%swap3A_834, %swap3A_835, %swap3A_836], %swap3A_839 {strides = array<i32>} : memref<2x24x768xf32, #tpu.memory_space<vmem>>, vector<1x1x16xf32>,
        %get3A_840 = arith.index_cast %select_n3A_570 : i32 to index
        %get3A_841 = arith.index_cast %select_n3A_586 : i32 to index
        %get3A_842 = arith.constant 128 : index
        %get3A_843 = tpu.vector_load %arg6[%get3A_840, %get3A_841, %get3A_842] {strides = array<i32>} : memref<2x24x768xf32, #tpu.memory_space<vmem>>, vector<1x1x16xf32>,
        %get3A_844 = vector.shape_cast %get3A_843 : vector<1x1x16xf32> to vector<16xf32>
        %get3A_845 = arith.index_cast %select_n3A_570 : i32 to index
        %get3A_846 = arith.index_cast %select_n3A_586 : i32 to index
        %get3A_847 = arith.constant 624 : index
        %get3A_848 = tpu.vector_load %arg6[%get3A_845, %get3A_846, %get3A_847] {strides = array<i32>} : memref<2x24x768xf32, #tpu.memory_space<vmem>>, vector<1x1x16xf32>,
        %get3A_849 = vector.shape_cast %get3A_848 : vector<1x1x16xf32> to vector<16xf32>
        %rev3A_850 = arith.constant 15 : i32
        %rev3A_851 = vector.broadcast %rev3A_850 : i32 to vector<16xi32>
        %rev3A_852 = tpu.iota {dimensions = array<i32: 0>} : vector<16xi32>
        %rev3A_853 = arith.subi %rev3A_851, %rev3A_852 : vector<16xi32>
        %rev3A_854 = tpu.dynamic_gather %get3A_849[%rev3A_853] in [0] : vector<16xf32>, vector<16xi32> -> vector<16xf32>
        %swap3A_855 = arith.index_cast %select_n3A_570 : i32 to index
        %swap3A_856 = arith.index_cast %select_n3A_586 : i32 to index
        %swap3A_857 = arith.constant 128 : index
        %swap3A_858 = tpu.vector_load %arg6[%swap3A_855, %swap3A_856, %swap3A_857] {strides = array<i32>} : memref<2x24x768xf32, #tpu.memory_space<vmem>>, vector<1x1x16xf32>,
        %swap3A_859 = vector.shape_cast %swap3A_858 : vector<1x1x16xf32> to vector<16xf32>
        %swap3A_860 = vector.shape_cast %rev3A_854 : vector<16xf32> to vector<1x1x16xf32>
        tpu.vector_store %arg6[%swap3A_855, %swap3A_856, %swap3A_857], %swap3A_860 {strides = array<i32>} : memref<2x24x768xf32, #tpu.memory_space<vmem>>, vector<1x1x16xf32>,
        %rev3A_861 = arith.constant 15 : i32
        %rev3A_862 = vector.broadcast %rev3A_861 : i32 to vector<16xi32>
        %rev3A_863 = tpu.iota {dimensions = array<i32: 0>} : vector<16xi32>
        %rev3A_864 = arith.subi %rev3A_862, %rev3A_863 : vector<16xi32>
        %rev3A_865 = tpu.dynamic_gather %get3A_844[%rev3A_864] in [0] : vector<16xf32>, vector<16xi32> -> vector<16xf32>
        %swap3A_866 = arith.index_cast %select_n3A_570 : i32 to index
        %swap3A_867 = arith.index_cast %select_n3A_586 : i32 to index
        %swap3A_868 = arith.constant 624 : index
        %swap3A_869 = tpu.vector_load %arg6[%swap3A_866, %swap3A_867, %swap3A_868] {strides = array<i32>} : memref<2x24x768xf32, #tpu.memory_space<vmem>>, vector<1x1x16xf32>,
        %swap3A_870 = vector.shape_cast %swap3A_869 : vector<1x1x16xf32> to vector<16xf32>
        %swap3A_871 = vector.shape_cast %rev3A_865 : vector<16xf32> to vector<1x1x16xf32>
        tpu.vector_store %arg6[%swap3A_866, %swap3A_867, %swap3A_868], %swap3A_871 {strides = array<i32>} : memref<2x24x768xf32, #tpu.memory_space<vmem>>, vector<1x1x16xf32>,
        %get3A_872 = arith.index_cast %select_n3A_570 : i32 to index
        %get3A_873 = arith.index_cast %select_n3A_586 : i32 to index
        %get3A_874 = arith.constant 144 : index
        %get3A_875 = tpu.vector_load %arg6[%get3A_872, %get3A_873, %get3A_874] {strides = array<i32>} : memref<2x24x768xf32, #tpu.memory_space<vmem>>, vector<1x1x16xf32>,
        %get3A_876 = vector.shape_cast %get3A_875 : vector<1x1x16xf32> to vector<16xf32>
        %get3A_877 = arith.index_cast %select_n3A_570 : i32 to index
        %get3A_878 = arith.index_cast %select_n3A_586 : i32 to index
        %get3A_879 = arith.constant 608 : index
        %get3A_880 = tpu.vector_load %arg6[%get3A_877, %get3A_878, %get3A_879] {strides = array<i32>} : memref<2x24x768xf32, #tpu.memory_space<vmem>>, vector<1x1x16xf32>,
        %get3A_881 = vector.shape_cast %get3A_880 : vector<1x1x16xf32> to vector<16xf32>
        %rev3A_882 = arith.constant 15 : i32
        %rev3A_883 = vector.broadcast %rev3A_882 : i32 to vector<16xi32>
        %rev3A_884 = tpu.iota {dimensions = array<i32: 0>} : vector<16xi32>
        %rev3A_885 = arith.subi %rev3A_883, %rev3A_884 : vector<16xi32>
        %rev3A_886 = tpu.dynamic_gather %get3A_881[%rev3A_885] in [0] : vector<16xf32>, vector<16xi32> -> vector<16xf32>
        %swap3A_887 = arith.index_cast %select_n3A_570 : i32 to index
        %swap3A_888 = arith.index_cast %select_n3A_586 : i32 to index
        %swap3A_889 = arith.constant 144 : index
        %swap3A_890 = tpu.vector_load %arg6[%swap3A_887, %swap3A_888, %swap3A_889] {strides = array<i32>} : memref<2x24x768xf32, #tpu.memory_space<vmem>>, vector<1x1x16xf32>,
        %swap3A_891 = vector.shape_cast %swap3A_890 : vector<1x1x16xf32> to vector<16xf32>
        %swap3A_892 = vector.shape_cast %rev3A_886 : vector<16xf32> to vector<1x1x16xf32>
        tpu.vector_store %arg6[%swap3A_887, %swap3A_888, %swap3A_889], %swap3A_892 {strides = array<i32>} : memref<2x24x768xf32, #tpu.memory_space<vmem>>, vector<1x1x16xf32>,
        %rev3A_893 = arith.constant 15 : i32
        %rev3A_894 = vector.broadcast %rev3A_893 : i32 to vector<16xi32>
        %rev3A_895 = tpu.iota {dimensions = array<i32: 0>} : vector<16xi32>
        %rev3A_896 = arith.subi %rev3A_894, %rev3A_895 : vector<16xi32>
        %rev3A_897 = tpu.dynamic_gather %get3A_876[%rev3A_896] in [0] : vector<16xf32>, vector<16xi32> -> vector<16xf32>
        %swap3A_898 = arith.index_cast %select_n3A_570 : i32 to index
        %swap3A_899 = arith.index_cast %select_n3A_586 : i32 to index
        %swap3A_900 = arith.constant 608 : index
        %swap3A_901 = tpu.vector_load %arg6[%swap3A_898, %swap3A_899, %swap3A_900] {strides = array<i32>} : memref<2x24x768xf32, #tpu.memory_space<vmem>>, vector<1x1x16xf32>,
        %swap3A_902 = vector.shape_cast %swap3A_901 : vector<1x1x16xf32> to vector<16xf32>
        %swap3A_903 = vector.shape_cast %rev3A_897 : vector<16xf32> to vector<1x1x16xf32>
        tpu.vector_store %arg6[%swap3A_898, %swap3A_899, %swap3A_900], %swap3A_903 {strides = array<i32>} : memref<2x24x768xf32, #tpu.memory_space<vmem>>, vector<1x1x16xf32>,
        %get3A_904 = arith.index_cast %select_n3A_570 : i32 to index
        %get3A_905 = arith.index_cast %select_n3A_586 : i32 to index
        %get3A_906 = arith.constant 160 : index
        %get3A_907 = tpu.vector_load %arg6[%get3A_904, %get3A_905, %get3A_906] {strides = array<i32>} : memref<2x24x768xf32, #tpu.memory_space<vmem>>, vector<1x1x16xf32>,
        %get3A_908 = vector.shape_cast %get3A_907 : vector<1x1x16xf32> to vector<16xf32>
        %get3A_909 = arith.index_cast %select_n3A_570 : i32 to index
        %get3A_910 = arith.index_cast %select_n3A_586 : i32 to index
        %get3A_911 = arith.constant 592 : index
        %get3A_912 = tpu.vector_load %arg6[%get3A_909, %get3A_910, %get3A_911] {strides = array<i32>} : memref<2x24x768xf32, #tpu.memory_space<vmem>>, vector<1x1x16xf32>,
        %get3A_913 = vector.shape_cast %get3A_912 : vector<1x1x16xf32> to vector<16xf32>
        %rev3A_914 = arith.constant 15 : i32
        %rev3A_915 = vector.broadcast %rev3A_914 : i32 to vector<16xi32>
        %rev3A_916 = tpu.iota {dimensions = array<i32: 0>} : vector<16xi32>
        %rev3A_917 = arith.subi %rev3A_915, %rev3A_916 : vector<16xi32>
        %rev3A_918 = tpu.dynamic_gather %get3A_913[%rev3A_917] in [0] : vector<16xf32>, vector<16xi32> -> vector<16xf32>
        %swap3A_919 = arith.index_cast %select_n3A_570 : i32 to index
        %swap3A_920 = arith.index_cast %select_n3A_586 : i32 to index
        %swap3A_921 = arith.constant 160 : index
        %swap3A_922 = tpu.vector_load %arg6[%swap3A_919, %swap3A_920, %swap3A_921] {strides = array<i32>} : memref<2x24x768xf32, #tpu.memory_space<vmem>>, vector<1x1x16xf32>,
        %swap3A_923 = vector.shape_cast %swap3A_922 : vector<1x1x16xf32> to vector<16xf32>
        %swap3A_924 = vector.shape_cast %rev3A_918 : vector<16xf32> to vector<1x1x16xf32>
        tpu.vector_store %arg6[%swap3A_919, %swap3A_920, %swap3A_921], %swap3A_924 {strides = array<i32>} : memref<2x24x768xf32, #tpu.memory_space<vmem>>, vector<1x1x16xf32>,
        %rev3A_925 = arith.constant 15 : i32
        %rev3A_926 = vector.broadcast %rev3A_925 : i32 to vector<16xi32>
        %rev3A_927 = tpu.iota {dimensions = array<i32: 0>} : vector<16xi32>
        %rev3A_928 = arith.subi %rev3A_926, %rev3A_927 : vector<16xi32>
        %rev3A_929 = tpu.dynamic_gather %get3A_908[%rev3A_928] in [0] : vector<16xf32>, vector<16xi32> -> vector<16xf32>
        %swap3A_930 = arith.index_cast %select_n3A_570 : i32 to index
        %swap3A_931 = arith.index_cast %select_n3A_586 : i32 to index
        %swap3A_932 = arith.constant 592 : index
        %swap3A_933 = tpu.vector_load %arg6[%swap3A_930, %swap3A_931, %swap3A_932] {strides = array<i32>} : memref<2x24x768xf32, #tpu.memory_space<vmem>>, vector<1x1x16xf32>,
        %swap3A_934 = vector.shape_cast %swap3A_933 : vector<1x1x16xf32> to vector<16xf32>
        %swap3A_935 = vector.shape_cast %rev3A_929 : vector<16xf32> to vector<1x1x16xf32>
        tpu.vector_store %arg6[%swap3A_930, %swap3A_931, %swap3A_932], %swap3A_935 {strides = array<i32>} : memref<2x24x768xf32, #tpu.memory_space<vmem>>, vector<1x1x16xf32>,
        %get3A_936 = arith.index_cast %select_n3A_570 : i32 to index
        %get3A_937 = arith.index_cast %select_n3A_586 : i32 to index
        %get3A_938 = arith.constant 176 : index
        %get3A_939 = tpu.vector_load %arg6[%get3A_936, %get3A_937, %get3A_938] {strides = array<i32>} : memref<2x24x768xf32, #tpu.memory_space<vmem>>, vector<1x1x16xf32>,
        %get3A_940 = vector.shape_cast %get3A_939 : vector<1x1x16xf32> to vector<16xf32>
        %get3A_941 = arith.index_cast %select_n3A_570 : i32 to index
        %get3A_942 = arith.index_cast %select_n3A_586 : i32 to index
        %get3A_943 = arith.constant 576 : index
        %get3A_944 = tpu.vector_load %arg6[%get3A_941, %get3A_942, %get3A_943] {strides = array<i32>} : memref<2x24x768xf32, #tpu.memory_space<vmem>>, vector<1x1x16xf32>,
        %get3A_945 = vector.shape_cast %get3A_944 : vector<1x1x16xf32> to vector<16xf32>
        %rev3A_946 = arith.constant 15 : i32
        %rev3A_947 = vector.broadcast %rev3A_946 : i32 to vector<16xi32>
        %rev3A_948 = tpu.iota {dimensions = array<i32: 0>} : vector<16xi32>
        %rev3A_949 = arith.subi %rev3A_947, %rev3A_948 : vector<16xi32>
        %rev3A_950 = tpu.dynamic_gather %get3A_945[%rev3A_949] in [0] : vector<16xf32>, vector<16xi32> -> vector<16xf32>
        %swap3A_951 = arith.index_cast %select_n3A_570 : i32 to index
        %swap3A_952 = arith.index_cast %select_n3A_586 : i32 to index
        %swap3A_953 = arith.constant 176 : index
        %swap3A_954 = tpu.vector_load %arg6[%swap3A_951, %swap3A_952, %swap3A_953] {strides = array<i32>} : memref<2x24x768xf32, #tpu.memory_space<vmem>>, vector<1x1x16xf32>,
        %swap3A_955 = vector.shape_cast %swap3A_954 : vector<1x1x16xf32> to vector<16xf32>
        %swap3A_956 = vector.shape_cast %rev3A_950 : vector<16xf32> to vector<1x1x16xf32>
        tpu.vector_store %arg6[%swap3A_951, %swap3A_952, %swap3A_953], %swap3A_956 {strides = array<i32>} : memref<2x24x768xf32, #tpu.memory_space<vmem>>, vector<1x1x16xf32>,
        %rev3A_957 = arith.constant 15 : i32
        %rev3A_958 = vector.broadcast %rev3A_957 : i32 to vector<16xi32>
        %rev3A_959 = tpu.iota {dimensions = array<i32: 0>} : vector<16xi32>
        %rev3A_960 = arith.subi %rev3A_958, %rev3A_959 : vector<16xi32>
        %rev3A_961 = tpu.dynamic_gather %get3A_940[%rev3A_960] in [0] : vector<16xf32>, vector<16xi32> -> vector<16xf32>
        %swap3A_962 = arith.index_cast %select_n3A_570 : i32 to index
        %swap3A_963 = arith.index_cast %select_n3A_586 : i32 to index
        %swap3A_964 = arith.constant 576 : index
        %swap3A_965 = tpu.vector_load %arg6[%swap3A_962, %swap3A_963, %swap3A_964] {strides = array<i32>} : memref<2x24x768xf32, #tpu.memory_space<vmem>>, vector<1x1x16xf32>,
        %swap3A_966 = vector.shape_cast %swap3A_965 : vector<1x1x16xf32> to vector<16xf32>
        %swap3A_967 = vector.shape_cast %rev3A_961 : vector<16xf32> to vector<1x1x16xf32>
        tpu.vector_store %arg6[%swap3A_962, %swap3A_963, %swap3A_964], %swap3A_967 {strides = array<i32>} : memref<2x24x768xf32, #tpu.memory_space<vmem>>, vector<1x1x16xf32>,
        %get3A_968 = arith.index_cast %select_n3A_570 : i32 to index
        %get3A_969 = arith.index_cast %select_n3A_586 : i32 to index
        %get3A_970 = arith.constant 192 : index
        %get3A_971 = tpu.vector_load %arg6[%get3A_968, %get3A_969, %get3A_970] {strides = array<i32>} : memref<2x24x768xf32, #tpu.memory_space<vmem>>, vector<1x1x16xf32>,
        %get3A_972 = vector.shape_cast %get3A_971 : vector<1x1x16xf32> to vector<16xf32>
        %get3A_973 = arith.index_cast %select_n3A_570 : i32 to index
        %get3A_974 = arith.index_cast %select_n3A_586 : i32 to index
        %get3A_975 = arith.constant 560 : index
        %get3A_976 = tpu.vector_load %arg6[%get3A_973, %get3A_974, %get3A_975] {strides = array<i32>} : memref<2x24x768xf32, #tpu.memory_space<vmem>>, vector<1x1x16xf32>,
        %get3A_977 = vector.shape_cast %get3A_976 : vector<1x1x16xf32> to vector<16xf32>
        %rev3A_978 = arith.constant 15 : i32
        %rev3A_979 = vector.broadcast %rev3A_978 : i32 to vector<16xi32>
        %rev3A_980 = tpu.iota {dimensions = array<i32: 0>} : vector<16xi32>
        %rev3A_981 = arith.subi %rev3A_979, %rev3A_980 : vector<16xi32>
        %rev3A_982 = tpu.dynamic_gather %get3A_977[%rev3A_981] in [0] : vector<16xf32>, vector<16xi32> -> vector<16xf32>
        %swap3A_983 = arith.index_cast %select_n3A_570 : i32 to index
        %swap3A_984 = arith.index_cast %select_n3A_586 : i32 to index
        %swap3A_985 = arith.constant 192 : index
        %swap3A_986 = tpu.vector_load %arg6[%swap3A_983, %swap3A_984, %swap3A_985] {strides = array<i32>} : memref<2x24x768xf32, #tpu.memory_space<vmem>>, vector<1x1x16xf32>,
        %swap3A_987 = vector.shape_cast %swap3A_986 : vector<1x1x16xf32> to vector<16xf32>
        %swap3A_988 = vector.shape_cast %rev3A_982 : vector<16xf32> to vector<1x1x16xf32>
        tpu.vector_store %arg6[%swap3A_983, %swap3A_984, %swap3A_985], %swap3A_988 {strides = array<i32>} : memref<2x24x768xf32, #tpu.memory_space<vmem>>, vector<1x1x16xf32>,
        %rev3A_989 = arith.constant 15 : i32
        %rev3A_990 = vector.broadcast %rev3A_989 : i32 to vector<16xi32>
        %rev3A_991 = tpu.iota {dimensions = array<i32: 0>} : vector<16xi32>
        %rev3A_992 = arith.subi %rev3A_990, %rev3A_991 : vector<16xi32>
        %rev3A_993 = tpu.dynamic_gather %get3A_972[%rev3A_992] in [0] : vector<16xf32>, vector<16xi32> -> vector<16xf32>
        %swap3A_994 = arith.index_cast %select_n3A_570 : i32 to index
        %swap3A_995 = arith.index_cast %select_n3A_586 : i32 to index
        %swap3A_996 = arith.constant 560 : index
        %swap3A_997 = tpu.vector_load %arg6[%swap3A_994, %swap3A_995, %swap3A_996] {strides = array<i32>} : memref<2x24x768xf32, #tpu.memory_space<vmem>>, vector<1x1x16xf32>,
        %swap3A_998 = vector.shape_cast %swap3A_997 : vector<1x1x16xf32> to vector<16xf32>
        %swap3A_999 = vector.shape_cast %rev3A_993 : vector<16xf32> to vector<1x1x16xf32>
        tpu.vector_store %arg6[%swap3A_994, %swap3A_995, %swap3A_996], %swap3A_999 {strides = array<i32>} : memref<2x24x768xf32, #tpu.memory_space<vmem>>, vector<1x1x16xf32>,
        %get3A_1000 = arith.index_cast %select_n3A_570 : i32 to index
        %get3A_1001 = arith.index_cast %select_n3A_586 : i32 to index
        %get3A_1002 = arith.constant 208 : index
        %get3A_1003 = tpu.vector_load %arg6[%get3A_1000, %get3A_1001, %get3A_1002] {strides = array<i32>} : memref<2x24x768xf32, #tpu.memory_space<vmem>>, vector<1x1x16xf32>,
        %get3A_1004 = vector.shape_cast %get3A_1003 : vector<1x1x16xf32> to vector<16xf32>
        %get3A_1005 = arith.index_cast %select_n3A_570 : i32 to index
        %get3A_1006 = arith.index_cast %select_n3A_586 : i32 to index
        %get3A_1007 = arith.constant 544 : index
        %get3A_1008 = tpu.vector_load %arg6[%get3A_1005, %get3A_1006, %get3A_1007] {strides = array<i32>} : memref<2x24x768xf32, #tpu.memory_space<vmem>>, vector<1x1x16xf32>,
        %get3A_1009 = vector.shape_cast %get3A_1008 : vector<1x1x16xf32> to vector<16xf32>
        %rev3A_1010 = arith.constant 15 : i32
        %rev3A_1011 = vector.broadcast %rev3A_1010 : i32 to vector<16xi32>
        %rev3A_1012 = tpu.iota {dimensions = array<i32: 0>} : vector<16xi32>
        %rev3A_1013 = arith.subi %rev3A_1011, %rev3A_1012 : vector<16xi32>
        %rev3A_1014 = tpu.dynamic_gather %get3A_1009[%rev3A_1013] in [0] : vector<16xf32>, vector<16xi32> -> vector<16xf32>
        %swap3A_1015 = arith.index_cast %select_n3A_570 : i32 to index
        %swap3A_1016 = arith.index_cast %select_n3A_586 : i32 to index
        %swap3A_1017 = arith.constant 208 : index
        %swap3A_1018 = tpu.vector_load %arg6[%swap3A_1015, %swap3A_1016, %swap3A_1017] {strides = array<i32>} : memref<2x24x768xf32, #tpu.memory_space<vmem>>, vector<1x1x16xf32>,
        %swap3A_1019 = vector.shape_cast %swap3A_1018 : vector<1x1x16xf32> to vector<16xf32>
        %swap3A_1020 = vector.shape_cast %rev3A_1014 : vector<16xf32> to vector<1x1x16xf32>
        tpu.vector_store %arg6[%swap3A_1015, %swap3A_1016, %swap3A_1017], %swap3A_1020 {strides = array<i32>} : memref<2x24x768xf32, #tpu.memory_space<vmem>>, vector<1x1x16xf32>,
        %rev3A_1021 = arith.constant 15 : i32
        %rev3A_1022 = vector.broadcast %rev3A_1021 : i32 to vector<16xi32>
        %rev3A_1023 = tpu.iota {dimensions = array<i32: 0>} : vector<16xi32>
        %rev3A_1024 = arith.subi %rev3A_1022, %rev3A_1023 : vector<16xi32>
        %rev3A_1025 = tpu.dynamic_gather %get3A_1004[%rev3A_1024] in [0] : vector<16xf32>, vector<16xi32> -> vector<16xf32>
        %swap3A_1026 = arith.index_cast %select_n3A_570 : i32 to index
        %swap3A_1027 = arith.index_cast %select_n3A_586 : i32 to index
        %swap3A_1028 = arith.constant 544 : index
        %swap3A_1029 = tpu.vector_load %arg6[%swap3A_1026, %swap3A_1027, %swap3A_1028] {strides = array<i32>} : memref<2x24x768xf32, #tpu.memory_space<vmem>>, vector<1x1x16xf32>,
        %swap3A_1030 = vector.shape_cast %swap3A_1029 : vector<1x1x16xf32> to vector<16xf32>
        %swap3A_1031 = vector.shape_cast %rev3A_1025 : vector<16xf32> to vector<1x1x16xf32>
        tpu.vector_store %arg6[%swap3A_1026, %swap3A_1027, %swap3A_1028], %swap3A_1031 {strides = array<i32>} : memref<2x24x768xf32, #tpu.memory_space<vmem>>, vector<1x1x16xf32>,
        %get3A_1032 = arith.index_cast %select_n3A_570 : i32 to index
        %get3A_1033 = arith.index_cast %select_n3A_586 : i32 to index
        %get3A_1034 = arith.constant 224 : index
        %get3A_1035 = tpu.vector_load %arg6[%get3A_1032, %get3A_1033, %get3A_1034] {strides = array<i32>} : memref<2x24x768xf32, #tpu.memory_space<vmem>>, vector<1x1x16xf32>,
        %get3A_1036 = vector.shape_cast %get3A_1035 : vector<1x1x16xf32> to vector<16xf32>
        %get3A_1037 = arith.index_cast %select_n3A_570 : i32 to index
        %get3A_1038 = arith.index_cast %select_n3A_586 : i32 to index
        %get3A_1039 = arith.constant 528 : index
        %get3A_1040 = tpu.vector_load %arg6[%get3A_1037, %get3A_1038, %get3A_1039] {strides = array<i32>} : memref<2x24x768xf32, #tpu.memory_space<vmem>>, vector<1x1x16xf32>,
        %get3A_1041 = vector.shape_cast %get3A_1040 : vector<1x1x16xf32> to vector<16xf32>
        %rev3A_1042 = arith.constant 15 : i32
        %rev3A_1043 = vector.broadcast %rev3A_1042 : i32 to vector<16xi32>
        %rev3A_1044 = tpu.iota {dimensions = array<i32: 0>} : vector<16xi32>
        %rev3A_1045 = arith.subi %rev3A_1043, %rev3A_1044 : vector<16xi32>
        %rev3A_1046 = tpu.dynamic_gather %get3A_1041[%rev3A_1045] in [0] : vector<16xf32>, vector<16xi32> -> vector<16xf32>
        %swap3A_1047 = arith.index_cast %select_n3A_570 : i32 to index
        %swap3A_1048 = arith.index_cast %select_n3A_586 : i32 to index
        %swap3A_1049 = arith.constant 224 : index
        %swap3A_1050 = tpu.vector_load %arg6[%swap3A_1047, %swap3A_1048, %swap3A_1049] {strides = array<i32>} : memref<2x24x768xf32, #tpu.memory_space<vmem>>, vector<1x1x16xf32>,
        %swap3A_1051 = vector.shape_cast %swap3A_1050 : vector<1x1x16xf32> to vector<16xf32>
        %swap3A_1052 = vector.shape_cast %rev3A_1046 : vector<16xf32> to vector<1x1x16xf32>
        tpu.vector_store %arg6[%swap3A_1047, %swap3A_1048, %swap3A_1049], %swap3A_1052 {strides = array<i32>} : memref<2x24x768xf32, #tpu.memory_space<vmem>>, vector<1x1x16xf32>,
        %rev3A_1053 = arith.constant 15 : i32
        %rev3A_1054 = vector.broadcast %rev3A_1053 : i32 to vector<16xi32>
        %rev3A_1055 = tpu.iota {dimensions = array<i32: 0>} : vector<16xi32>
        %rev3A_1056 = arith.subi %rev3A_1054, %rev3A_1055 : vector<16xi32>
        %rev3A_1057 = tpu.dynamic_gather %get3A_1036[%rev3A_1056] in [0] : vector<16xf32>, vector<16xi32> -> vector<16xf32>
        %swap3A_1058 = arith.index_cast %select_n3A_570 : i32 to index
        %swap3A_1059 = arith.index_cast %select_n3A_586 : i32 to index
        %swap3A_1060 = arith.constant 528 : index
        %swap3A_1061 = tpu.vector_load %arg6[%swap3A_1058, %swap3A_1059, %swap3A_1060] {strides = array<i32>} : memref<2x24x768xf32, #tpu.memory_space<vmem>>, vector<1x1x16xf32>,
        %swap3A_1062 = vector.shape_cast %swap3A_1061 : vector<1x1x16xf32> to vector<16xf32>
        %swap3A_1063 = vector.shape_cast %rev3A_1057 : vector<16xf32> to vector<1x1x16xf32>
        tpu.vector_store %arg6[%swap3A_1058, %swap3A_1059, %swap3A_1060], %swap3A_1063 {strides = array<i32>} : memref<2x24x768xf32, #tpu.memory_space<vmem>>, vector<1x1x16xf32>,
        %get3A_1064 = arith.index_cast %select_n3A_570 : i32 to index
        %get3A_1065 = arith.index_cast %select_n3A_586 : i32 to index
        %get3A_1066 = arith.constant 240 : index
        %get3A_1067 = tpu.vector_load %arg6[%get3A_1064, %get3A_1065, %get3A_1066] {strides = array<i32>} : memref<2x24x768xf32, #tpu.memory_space<vmem>>, vector<1x1x16xf32>,
        %get3A_1068 = vector.shape_cast %get3A_1067 : vector<1x1x16xf32> to vector<16xf32>
        %get3A_1069 = arith.index_cast %select_n3A_570 : i32 to index
        %get3A_1070 = arith.index_cast %select_n3A_586 : i32 to index
        %get3A_1071 = arith.constant 512 : index
        %get3A_1072 = tpu.vector_load %arg6[%get3A_1069, %get3A_1070, %get3A_1071] {strides = array<i32>} : memref<2x24x768xf32, #tpu.memory_space<vmem>>, vector<1x1x16xf32>,
        %get3A_1073 = vector.shape_cast %get3A_1072 : vector<1x1x16xf32> to vector<16xf32>
        %rev3A_1074 = arith.constant 15 : i32
        %rev3A_1075 = vector.broadcast %rev3A_1074 : i32 to vector<16xi32>
        %rev3A_1076 = tpu.iota {dimensions = array<i32: 0>} : vector<16xi32>
        %rev3A_1077 = arith.subi %rev3A_1075, %rev3A_1076 : vector<16xi32>
        %rev3A_1078 = tpu.dynamic_gather %get3A_1073[%rev3A_1077] in [0] : vector<16xf32>, vector<16xi32> -> vector<16xf32>
        %swap3A_1079 = arith.index_cast %select_n3A_570 : i32 to index
        %swap3A_1080 = arith.index_cast %select_n3A_586 : i32 to index
        %swap3A_1081 = arith.constant 240 : index
        %swap3A_1082 = tpu.vector_load %arg6[%swap3A_1079, %swap3A_1080, %swap3A_1081] {strides = array<i32>} : memref<2x24x768xf32, #tpu.memory_space<vmem>>, vector<1x1x16xf32>,
        %swap3A_1083 = vector.shape_cast %swap3A_1082 : vector<1x1x16xf32> to vector<16xf32>
        %swap3A_1084 = vector.shape_cast %rev3A_1078 : vector<16xf32> to vector<1x1x16xf32>
        tpu.vector_store %arg6[%swap3A_1079, %swap3A_1080, %swap3A_1081], %swap3A_1084 {strides = array<i32>} : memref<2x24x768xf32, #tpu.memory_space<vmem>>, vector<1x1x16xf32>,
        %rev3A_1085 = arith.constant 15 : i32
        %rev3A_1086 = vector.broadcast %rev3A_1085 : i32 to vector<16xi32>
        %rev3A_1087 = tpu.iota {dimensions = array<i32: 0>} : vector<16xi32>
        %rev3A_1088 = arith.subi %rev3A_1086, %rev3A_1087 : vector<16xi32>
        %rev3A_1089 = tpu.dynamic_gather %get3A_1068[%rev3A_1088] in [0] : vector<16xf32>, vector<16xi32> -> vector<16xf32>
        %swap3A_1090 = arith.index_cast %select_n3A_570 : i32 to index
        %swap3A_1091 = arith.index_cast %select_n3A_586 : i32 to index
        %swap3A_1092 = arith.constant 512 : index
        %swap3A_1093 = tpu.vector_load %arg6[%swap3A_1090, %swap3A_1091, %swap3A_1092] {strides = array<i32>} : memref<2x24x768xf32, #tpu.memory_space<vmem>>, vector<1x1x16xf32>,
        %swap3A_1094 = vector.shape_cast %swap3A_1093 : vector<1x1x16xf32> to vector<16xf32>
        %swap3A_1095 = vector.shape_cast %rev3A_1089 : vector<16xf32> to vector<1x1x16xf32>
        tpu.vector_store %arg6[%swap3A_1090, %swap3A_1091, %swap3A_1092], %swap3A_1095 {strides = array<i32>} : memref<2x24x768xf32, #tpu.memory_space<vmem>>, vector<1x1x16xf32>,
        %get3A_1096 = arith.index_cast %select_n3A_570 : i32 to index
        %get3A_1097 = arith.index_cast %select_n3A_586 : i32 to index
        %get3A_1098 = arith.constant 256 : index
        %get3A_1099 = tpu.vector_load %arg6[%get3A_1096, %get3A_1097, %get3A_1098] {strides = array<i32>} : memref<2x24x768xf32, #tpu.memory_space<vmem>>, vector<1x1x16xf32>,
        %get3A_1100 = vector.shape_cast %get3A_1099 : vector<1x1x16xf32> to vector<16xf32>
        %get3A_1101 = arith.index_cast %select_n3A_570 : i32 to index
        %get3A_1102 = arith.index_cast %select_n3A_586 : i32 to index
        %get3A_1103 = arith.constant 496 : index
        %get3A_1104 = tpu.vector_load %arg6[%get3A_1101, %get3A_1102, %get3A_1103] {strides = array<i32>} : memref<2x24x768xf32, #tpu.memory_space<vmem>>, vector<1x1x16xf32>,
        %get3A_1105 = vector.shape_cast %get3A_1104 : vector<1x1x16xf32> to vector<16xf32>
        %rev3A_1106 = arith.constant 15 : i32
        %rev3A_1107 = vector.broadcast %rev3A_1106 : i32 to vector<16xi32>
        %rev3A_1108 = tpu.iota {dimensions = array<i32: 0>} : vector<16xi32>
        %rev3A_1109 = arith.subi %rev3A_1107, %rev3A_1108 : vector<16xi32>
        %rev3A_1110 = tpu.dynamic_gather %get3A_1105[%rev3A_1109] in [0] : vector<16xf32>, vector<16xi32> -> vector<16xf32>
        %swap3A_1111 = arith.index_cast %select_n3A_570 : i32 to index
        %swap3A_1112 = arith.index_cast %select_n3A_586 : i32 to index
        %swap3A_1113 = arith.constant 256 : index
        %swap3A_1114 = tpu.vector_load %arg6[%swap3A_1111, %swap3A_1112, %swap3A_1113] {strides = array<i32>} : memref<2x24x768xf32, #tpu.memory_space<vmem>>, vector<1x1x16xf32>,
        %swap3A_1115 = vector.shape_cast %swap3A_1114 : vector<1x1x16xf32> to vector<16xf32>
        %swap3A_1116 = vector.shape_cast %rev3A_1110 : vector<16xf32> to vector<1x1x16xf32>
        tpu.vector_store %arg6[%swap3A_1111, %swap3A_1112, %swap3A_1113], %swap3A_1116 {strides = array<i32>} : memref<2x24x768xf32, #tpu.memory_space<vmem>>, vector<1x1x16xf32>,
        %rev3A_1117 = arith.constant 15 : i32
        %rev3A_1118 = vector.broadcast %rev3A_1117 : i32 to vector<16xi32>
        %rev3A_1119 = tpu.iota {dimensions = array<i32: 0>} : vector<16xi32>
        %rev3A_1120 = arith.subi %rev3A_1118, %rev3A_1119 : vector<16xi32>
        %rev3A_1121 = tpu.dynamic_gather %get3A_1100[%rev3A_1120] in [0] : vector<16xf32>, vector<16xi32> -> vector<16xf32>
        %swap3A_1122 = arith.index_cast %select_n3A_570 : i32 to index
        %swap3A_1123 = arith.index_cast %select_n3A_586 : i32 to index
        %swap3A_1124 = arith.constant 496 : index
        %swap3A_1125 = tpu.vector_load %arg6[%swap3A_1122, %swap3A_1123, %swap3A_1124] {strides = array<i32>} : memref<2x24x768xf32, #tpu.memory_space<vmem>>, vector<1x1x16xf32>,
        %swap3A_1126 = vector.shape_cast %swap3A_1125 : vector<1x1x16xf32> to vector<16xf32>
        %swap3A_1127 = vector.shape_cast %rev3A_1121 : vector<16xf32> to vector<1x1x16xf32>
        tpu.vector_store %arg6[%swap3A_1122, %swap3A_1123, %swap3A_1124], %swap3A_1127 {strides = array<i32>} : memref<2x24x768xf32, #tpu.memory_space<vmem>>, vector<1x1x16xf32>,
        %get3A_1128 = arith.index_cast %select_n3A_570 : i32 to index
        %get3A_1129 = arith.index_cast %select_n3A_586 : i32 to index
        %get3A_1130 = arith.constant 272 : index
        %get3A_1131 = tpu.vector_load %arg6[%get3A_1128, %get3A_1129, %get3A_1130] {strides = array<i32>} : memref<2x24x768xf32, #tpu.memory_space<vmem>>, vector<1x1x16xf32>,
        %get3A_1132 = vector.shape_cast %get3A_1131 : vector<1x1x16xf32> to vector<16xf32>
        %get3A_1133 = arith.index_cast %select_n3A_570 : i32 to index
        %get3A_1134 = arith.index_cast %select_n3A_586 : i32 to index
        %get3A_1135 = arith.constant 480 : index
        %get3A_1136 = tpu.vector_load %arg6[%get3A_1133, %get3A_1134, %get3A_1135] {strides = array<i32>} : memref<2x24x768xf32, #tpu.memory_space<vmem>>, vector<1x1x16xf32>,
        %get3A_1137 = vector.shape_cast %get3A_1136 : vector<1x1x16xf32> to vector<16xf32>
        %rev3A_1138 = arith.constant 15 : i32
        %rev3A_1139 = vector.broadcast %rev3A_1138 : i32 to vector<16xi32>
        %rev3A_1140 = tpu.iota {dimensions = array<i32: 0>} : vector<16xi32>
        %rev3A_1141 = arith.subi %rev3A_1139, %rev3A_1140 : vector<16xi32>
        %rev3A_1142 = tpu.dynamic_gather %get3A_1137[%rev3A_1141] in [0] : vector<16xf32>, vector<16xi32> -> vector<16xf32>
        %swap3A_1143 = arith.index_cast %select_n3A_570 : i32 to index
        %swap3A_1144 = arith.index_cast %select_n3A_586 : i32 to index
        %swap3A_1145 = arith.constant 272 : index
        %swap3A_1146 = tpu.vector_load %arg6[%swap3A_1143, %swap3A_1144, %swap3A_1145] {strides = array<i32>} : memref<2x24x768xf32, #tpu.memory_space<vmem>>, vector<1x1x16xf32>,
        %swap3A_1147 = vector.shape_cast %swap3A_1146 : vector<1x1x16xf32> to vector<16xf32>
        %swap3A_1148 = vector.shape_cast %rev3A_1142 : vector<16xf32> to vector<1x1x16xf32>
        tpu.vector_store %arg6[%swap3A_1143, %swap3A_1144, %swap3A_1145], %swap3A_1148 {strides = array<i32>} : memref<2x24x768xf32, #tpu.memory_space<vmem>>, vector<1x1x16xf32>,
        %rev3A_1149 = arith.constant 15 : i32
        %rev3A_1150 = vector.broadcast %rev3A_1149 : i32 to vector<16xi32>
        %rev3A_1151 = tpu.iota {dimensions = array<i32: 0>} : vector<16xi32>
        %rev3A_1152 = arith.subi %rev3A_1150, %rev3A_1151 : vector<16xi32>
        %rev3A_1153 = tpu.dynamic_gather %get3A_1132[%rev3A_1152] in [0] : vector<16xf32>, vector<16xi32> -> vector<16xf32>
        %swap3A_1154 = arith.index_cast %select_n3A_570 : i32 to index
        %swap3A_1155 = arith.index_cast %select_n3A_586 : i32 to index
        %swap3A_1156 = arith.constant 480 : index
        %swap3A_1157 = tpu.vector_load %arg6[%swap3A_1154, %swap3A_1155, %swap3A_1156] {strides = array<i32>} : memref<2x24x768xf32, #tpu.memory_space<vmem>>, vector<1x1x16xf32>,
        %swap3A_1158 = vector.shape_cast %swap3A_1157 : vector<1x1x16xf32> to vector<16xf32>
        %swap3A_1159 = vector.shape_cast %rev3A_1153 : vector<16xf32> to vector<1x1x16xf32>
        tpu.vector_store %arg6[%swap3A_1154, %swap3A_1155, %swap3A_1156], %swap3A_1159 {strides = array<i32>} : memref<2x24x768xf32, #tpu.memory_space<vmem>>, vector<1x1x16xf32>,
        %get3A_1160 = arith.index_cast %select_n3A_570 : i32 to index
        %get3A_1161 = arith.index_cast %select_n3A_586 : i32 to index
        %get3A_1162 = arith.constant 288 : index
        %get3A_1163 = tpu.vector_load %arg6[%get3A_1160, %get3A_1161, %get3A_1162] {strides = array<i32>} : memref<2x24x768xf32, #tpu.memory_space<vmem>>, vector<1x1x16xf32>,
        %get3A_1164 = vector.shape_cast %get3A_1163 : vector<1x1x16xf32> to vector<16xf32>
        %get3A_1165 = arith.index_cast %select_n3A_570 : i32 to index
        %get3A_1166 = arith.index_cast %select_n3A_586 : i32 to index
        %get3A_1167 = arith.constant 464 : index
        %get3A_1168 = tpu.vector_load %arg6[%get3A_1165, %get3A_1166, %get3A_1167] {strides = array<i32>} : memref<2x24x768xf32, #tpu.memory_space<vmem>>, vector<1x1x16xf32>,
        %get3A_1169 = vector.shape_cast %get3A_1168 : vector<1x1x16xf32> to vector<16xf32>
        %rev3A_1170 = arith.constant 15 : i32
        %rev3A_1171 = vector.broadcast %rev3A_1170 : i32 to vector<16xi32>
        %rev3A_1172 = tpu.iota {dimensions = array<i32: 0>} : vector<16xi32>
        %rev3A_1173 = arith.subi %rev3A_1171, %rev3A_1172 : vector<16xi32>
        %rev3A_1174 = tpu.dynamic_gather %get3A_1169[%rev3A_1173] in [0] : vector<16xf32>, vector<16xi32> -> vector<16xf32>
        %swap3A_1175 = arith.index_cast %select_n3A_570 : i32 to index
        %swap3A_1176 = arith.index_cast %select_n3A_586 : i32 to index
        %swap3A_1177 = arith.constant 288 : index
        %swap3A_1178 = tpu.vector_load %arg6[%swap3A_1175, %swap3A_1176, %swap3A_1177] {strides = array<i32>} : memref<2x24x768xf32, #tpu.memory_space<vmem>>, vector<1x1x16xf32>,
        %swap3A_1179 = vector.shape_cast %swap3A_1178 : vector<1x1x16xf32> to vector<16xf32>
        %swap3A_1180 = vector.shape_cast %rev3A_1174 : vector<16xf32> to vector<1x1x16xf32>
        tpu.vector_store %arg6[%swap3A_1175, %swap3A_1176, %swap3A_1177], %swap3A_1180 {strides = array<i32>} : memref<2x24x768xf32, #tpu.memory_space<vmem>>, vector<1x1x16xf32>,
        %rev3A_1181 = arith.constant 15 : i32
        %rev3A_1182 = vector.broadcast %rev3A_1181 : i32 to vector<16xi32>
        %rev3A_1183 = tpu.iota {dimensions = array<i32: 0>} : vector<16xi32>
        %rev3A_1184 = arith.subi %rev3A_1182, %rev3A_1183 : vector<16xi32>
        %rev3A_1185 = tpu.dynamic_gather %get3A_1164[%rev3A_1184] in [0] : vector<16xf32>, vector<16xi32> -> vector<16xf32>
        %swap3A_1186 = arith.index_cast %select_n3A_570 : i32 to index
        %swap3A_1187 = arith.index_cast %select_n3A_586 : i32 to index
        %swap3A_1188 = arith.constant 464 : index
        %swap3A_1189 = tpu.vector_load %arg6[%swap3A_1186, %swap3A_1187, %swap3A_1188] {strides = array<i32>} : memref<2x24x768xf32, #tpu.memory_space<vmem>>, vector<1x1x16xf32>,
        %swap3A_1190 = vector.shape_cast %swap3A_1189 : vector<1x1x16xf32> to vector<16xf32>
        %swap3A_1191 = vector.shape_cast %rev3A_1185 : vector<16xf32> to vector<1x1x16xf32>
        tpu.vector_store %arg6[%swap3A_1186, %swap3A_1187, %swap3A_1188], %swap3A_1191 {strides = array<i32>} : memref<2x24x768xf32, #tpu.memory_space<vmem>>, vector<1x1x16xf32>,
        %get3A_1192 = arith.index_cast %select_n3A_570 : i32 to index
        %get3A_1193 = arith.index_cast %select_n3A_586 : i32 to index
        %get3A_1194 = arith.constant 304 : index
        %get3A_1195 = tpu.vector_load %arg6[%get3A_1192, %get3A_1193, %get3A_1194] {strides = array<i32>} : memref<2x24x768xf32, #tpu.memory_space<vmem>>, vector<1x1x16xf32>,
        %get3A_1196 = vector.shape_cast %get3A_1195 : vector<1x1x16xf32> to vector<16xf32>
        %get3A_1197 = arith.index_cast %select_n3A_570 : i32 to index
        %get3A_1198 = arith.index_cast %select_n3A_586 : i32 to index
        %get3A_1199 = arith.constant 448 : index
        %get3A_1200 = tpu.vector_load %arg6[%get3A_1197, %get3A_1198, %get3A_1199] {strides = array<i32>} : memref<2x24x768xf32, #tpu.memory_space<vmem>>, vector<1x1x16xf32>,
        %get3A_1201 = vector.shape_cast %get3A_1200 : vector<1x1x16xf32> to vector<16xf32>
        %rev3A_1202 = arith.constant 15 : i32
        %rev3A_1203 = vector.broadcast %rev3A_1202 : i32 to vector<16xi32>
        %rev3A_1204 = tpu.iota {dimensions = array<i32: 0>} : vector<16xi32>
        %rev3A_1205 = arith.subi %rev3A_1203, %rev3A_1204 : vector<16xi32>
        %rev3A_1206 = tpu.dynamic_gather %get3A_1201[%rev3A_1205] in [0] : vector<16xf32>, vector<16xi32> -> vector<16xf32>
        %swap3A_1207 = arith.index_cast %select_n3A_570 : i32 to index
        %swap3A_1208 = arith.index_cast %select_n3A_586 : i32 to index
        %swap3A_1209 = arith.constant 304 : index
        %swap3A_1210 = tpu.vector_load %arg6[%swap3A_1207, %swap3A_1208, %swap3A_1209] {strides = array<i32>} : memref<2x24x768xf32, #tpu.memory_space<vmem>>, vector<1x1x16xf32>,
        %swap3A_1211 = vector.shape_cast %swap3A_1210 : vector<1x1x16xf32> to vector<16xf32>
        %swap3A_1212 = vector.shape_cast %rev3A_1206 : vector<16xf32> to vector<1x1x16xf32>
        tpu.vector_store %arg6[%swap3A_1207, %swap3A_1208, %swap3A_1209], %swap3A_1212 {strides = array<i32>} : memref<2x24x768xf32, #tpu.memory_space<vmem>>, vector<1x1x16xf32>,
        %rev3A_1213 = arith.constant 15 : i32
        %rev3A_1214 = vector.broadcast %rev3A_1213 : i32 to vector<16xi32>
        %rev3A_1215 = tpu.iota {dimensions = array<i32: 0>} : vector<16xi32>
        %rev3A_1216 = arith.subi %rev3A_1214, %rev3A_1215 : vector<16xi32>
        %rev3A_1217 = tpu.dynamic_gather %get3A_1196[%rev3A_1216] in [0] : vector<16xf32>, vector<16xi32> -> vector<16xf32>
        %swap3A_1218 = arith.index_cast %select_n3A_570 : i32 to index
        %swap3A_1219 = arith.index_cast %select_n3A_586 : i32 to index
        %swap3A_1220 = arith.constant 448 : index
        %swap3A_1221 = tpu.vector_load %arg6[%swap3A_1218, %swap3A_1219, %swap3A_1220] {strides = array<i32>} : memref<2x24x768xf32, #tpu.memory_space<vmem>>, vector<1x1x16xf32>,
        %swap3A_1222 = vector.shape_cast %swap3A_1221 : vector<1x1x16xf32> to vector<16xf32>
        %swap3A_1223 = vector.shape_cast %rev3A_1217 : vector<16xf32> to vector<1x1x16xf32>
        tpu.vector_store %arg6[%swap3A_1218, %swap3A_1219, %swap3A_1220], %swap3A_1223 {strides = array<i32>} : memref<2x24x768xf32, #tpu.memory_space<vmem>>, vector<1x1x16xf32>,
        %get3A_1224 = arith.index_cast %select_n3A_570 : i32 to index
        %get3A_1225 = arith.index_cast %select_n3A_586 : i32 to index
        %get3A_1226 = arith.constant 320 : index
        %get3A_1227 = tpu.vector_load %arg6[%get3A_1224, %get3A_1225, %get3A_1226] {strides = array<i32>} : memref<2x24x768xf32, #tpu.memory_space<vmem>>, vector<1x1x16xf32>,
        %get3A_1228 = vector.shape_cast %get3A_1227 : vector<1x1x16xf32> to vector<16xf32>
        %get3A_1229 = arith.index_cast %select_n3A_570 : i32 to index
        %get3A_1230 = arith.index_cast %select_n3A_586 : i32 to index
        %get3A_1231 = arith.constant 432 : index
        %get3A_1232 = tpu.vector_load %arg6[%get3A_1229, %get3A_1230, %get3A_1231] {strides = array<i32>} : memref<2x24x768xf32, #tpu.memory_space<vmem>>, vector<1x1x16xf32>,
        %get3A_1233 = vector.shape_cast %get3A_1232 : vector<1x1x16xf32> to vector<16xf32>
        %rev3A_1234 = arith.constant 15 : i32
        %rev3A_1235 = vector.broadcast %rev3A_1234 : i32 to vector<16xi32>
        %rev3A_1236 = tpu.iota {dimensions = array<i32: 0>} : vector<16xi32>
        %rev3A_1237 = arith.subi %rev3A_1235, %rev3A_1236 : vector<16xi32>
        %rev3A_1238 = tpu.dynamic_gather %get3A_1233[%rev3A_1237] in [0] : vector<16xf32>, vector<16xi32> -> vector<16xf32>
        %swap3A_1239 = arith.index_cast %select_n3A_570 : i32 to index
        %swap3A_1240 = arith.index_cast %select_n3A_586 : i32 to index
        %swap3A_1241 = arith.constant 320 : index
        %swap3A_1242 = tpu.vector_load %arg6[%swap3A_1239, %swap3A_1240, %swap3A_1241] {strides = array<i32>} : memref<2x24x768xf32, #tpu.memory_space<vmem>>, vector<1x1x16xf32>,
        %swap3A_1243 = vector.shape_cast %swap3A_1242 : vector<1x1x16xf32> to vector<16xf32>
        %swap3A_1244 = vector.shape_cast %rev3A_1238 : vector<16xf32> to vector<1x1x16xf32>
        tpu.vector_store %arg6[%swap3A_1239, %swap3A_1240, %swap3A_1241], %swap3A_1244 {strides = array<i32>} : memref<2x24x768xf32, #tpu.memory_space<vmem>>, vector<1x1x16xf32>,
        %rev3A_1245 = arith.constant 15 : i32
        %rev3A_1246 = vector.broadcast %rev3A_1245 : i32 to vector<16xi32>
        %rev3A_1247 = tpu.iota {dimensions = array<i32: 0>} : vector<16xi32>
        %rev3A_1248 = arith.subi %rev3A_1246, %rev3A_1247 : vector<16xi32>
        %rev3A_1249 = tpu.dynamic_gather %get3A_1228[%rev3A_1248] in [0] : vector<16xf32>, vector<16xi32> -> vector<16xf32>
        %swap3A_1250 = arith.index_cast %select_n3A_570 : i32 to index
        %swap3A_1251 = arith.index_cast %select_n3A_586 : i32 to index
        %swap3A_1252 = arith.constant 432 : index
        %swap3A_1253 = tpu.vector_load %arg6[%swap3A_1250, %swap3A_1251, %swap3A_1252] {strides = array<i32>} : memref<2x24x768xf32, #tpu.memory_space<vmem>>, vector<1x1x16xf32>,
        %swap3A_1254 = vector.shape_cast %swap3A_1253 : vector<1x1x16xf32> to vector<16xf32>
        %swap3A_1255 = vector.shape_cast %rev3A_1249 : vector<16xf32> to vector<1x1x16xf32>
        tpu.vector_store %arg6[%swap3A_1250, %swap3A_1251, %swap3A_1252], %swap3A_1255 {strides = array<i32>} : memref<2x24x768xf32, #tpu.memory_space<vmem>>, vector<1x1x16xf32>,
        %get3A_1256 = arith.index_cast %select_n3A_570 : i32 to index
        %get3A_1257 = arith.index_cast %select_n3A_586 : i32 to index
        %get3A_1258 = arith.constant 336 : index
        %get3A_1259 = tpu.vector_load %arg6[%get3A_1256, %get3A_1257, %get3A_1258] {strides = array<i32>} : memref<2x24x768xf32, #tpu.memory_space<vmem>>, vector<1x1x16xf32>,
        %get3A_1260 = vector.shape_cast %get3A_1259 : vector<1x1x16xf32> to vector<16xf32>
        %get3A_1261 = arith.index_cast %select_n3A_570 : i32 to index
        %get3A_1262 = arith.index_cast %select_n3A_586 : i32 to index
        %get3A_1263 = arith.constant 416 : index
        %get3A_1264 = tpu.vector_load %arg6[%get3A_1261, %get3A_1262, %get3A_1263] {strides = array<i32>} : memref<2x24x768xf32, #tpu.memory_space<vmem>>, vector<1x1x16xf32>,
        %get3A_1265 = vector.shape_cast %get3A_1264 : vector<1x1x16xf32> to vector<16xf32>
        %rev3A_1266 = arith.constant 15 : i32
        %rev3A_1267 = vector.broadcast %rev3A_1266 : i32 to vector<16xi32>
        %rev3A_1268 = tpu.iota {dimensions = array<i32: 0>} : vector<16xi32>
        %rev3A_1269 = arith.subi %rev3A_1267, %rev3A_1268 : vector<16xi32>
        %rev3A_1270 = tpu.dynamic_gather %get3A_1265[%rev3A_1269] in [0] : vector<16xf32>, vector<16xi32> -> vector<16xf32>
        %swap3A_1271 = arith.index_cast %select_n3A_570 : i32 to index
        %swap3A_1272 = arith.index_cast %select_n3A_586 : i32 to index
        %swap3A_1273 = arith.constant 336 : index
        %swap3A_1274 = tpu.vector_load %arg6[%swap3A_1271, %swap3A_1272, %swap3A_1273] {strides = array<i32>} : memref<2x24x768xf32, #tpu.memory_space<vmem>>, vector<1x1x16xf32>,
        %swap3A_1275 = vector.shape_cast %swap3A_1274 : vector<1x1x16xf32> to vector<16xf32>
        %swap3A_1276 = vector.shape_cast %rev3A_1270 : vector<16xf32> to vector<1x1x16xf32>
        tpu.vector_store %arg6[%swap3A_1271, %swap3A_1272, %swap3A_1273], %swap3A_1276 {strides = array<i32>} : memref<2x24x768xf32, #tpu.memory_space<vmem>>, vector<1x1x16xf32>,
        %rev3A_1277 = arith.constant 15 : i32
        %rev3A_1278 = vector.broadcast %rev3A_1277 : i32 to vector<16xi32>
        %rev3A_1279 = tpu.iota {dimensions = array<i32: 0>} : vector<16xi32>
        %rev3A_1280 = arith.subi %rev3A_1278, %rev3A_1279 : vector<16xi32>
        %rev3A_1281 = tpu.dynamic_gather %get3A_1260[%rev3A_1280] in [0] : vector<16xf32>, vector<16xi32> -> vector<16xf32>
        %swap3A_1282 = arith.index_cast %select_n3A_570 : i32 to index
        %swap3A_1283 = arith.index_cast %select_n3A_586 : i32 to index
        %swap3A_1284 = arith.constant 416 : index
        %swap3A_1285 = tpu.vector_load %arg6[%swap3A_1282, %swap3A_1283, %swap3A_1284] {strides = array<i32>} : memref<2x24x768xf32, #tpu.memory_space<vmem>>, vector<1x1x16xf32>,
        %swap3A_1286 = vector.shape_cast %swap3A_1285 : vector<1x1x16xf32> to vector<16xf32>
        %swap3A_1287 = vector.shape_cast %rev3A_1281 : vector<16xf32> to vector<1x1x16xf32>
        tpu.vector_store %arg6[%swap3A_1282, %swap3A_1283, %swap3A_1284], %swap3A_1287 {strides = array<i32>} : memref<2x24x768xf32, #tpu.memory_space<vmem>>, vector<1x1x16xf32>,
        %get3A_1288 = arith.index_cast %select_n3A_570 : i32 to index
        %get3A_1289 = arith.index_cast %select_n3A_586 : i32 to index
        %get3A_1290 = arith.constant 352 : index
        %get3A_1291 = tpu.vector_load %arg6[%get3A_1288, %get3A_1289, %get3A_1290] {strides = array<i32>} : memref<2x24x768xf32, #tpu.memory_space<vmem>>, vector<1x1x16xf32>,
        %get3A_1292 = vector.shape_cast %get3A_1291 : vector<1x1x16xf32> to vector<16xf32>
        %get3A_1293 = arith.index_cast %select_n3A_570 : i32 to index
        %get3A_1294 = arith.index_cast %select_n3A_586 : i32 to index
        %get3A_1295 = arith.constant 400 : index
        %get3A_1296 = tpu.vector_load %arg6[%get3A_1293, %get3A_1294, %get3A_1295] {strides = array<i32>} : memref<2x24x768xf32, #tpu.memory_space<vmem>>, vector<1x1x16xf32>,
        %get3A_1297 = vector.shape_cast %get3A_1296 : vector<1x1x16xf32> to vector<16xf32>
        %rev3A_1298 = arith.constant 15 : i32
        %rev3A_1299 = vector.broadcast %rev3A_1298 : i32 to vector<16xi32>
        %rev3A_1300 = tpu.iota {dimensions = array<i32: 0>} : vector<16xi32>
        %rev3A_1301 = arith.subi %rev3A_1299, %rev3A_1300 : vector<16xi32>
        %rev3A_1302 = tpu.dynamic_gather %get3A_1297[%rev3A_1301] in [0] : vector<16xf32>, vector<16xi32> -> vector<16xf32>
        %swap3A_1303 = arith.index_cast %select_n3A_570 : i32 to index
        %swap3A_1304 = arith.index_cast %select_n3A_586 : i32 to index
        %swap3A_1305 = arith.constant 352 : index
        %swap3A_1306 = tpu.vector_load %arg6[%swap3A_1303, %swap3A_1304, %swap3A_1305] {strides = array<i32>} : memref<2x24x768xf32, #tpu.memory_space<vmem>>, vector<1x1x16xf32>,
        %swap3A_1307 = vector.shape_cast %swap3A_1306 : vector<1x1x16xf32> to vector<16xf32>
        %swap3A_1308 = vector.shape_cast %rev3A_1302 : vector<16xf32> to vector<1x1x16xf32>
        tpu.vector_store %arg6[%swap3A_1303, %swap3A_1304, %swap3A_1305], %swap3A_1308 {strides = array<i32>} : memref<2x24x768xf32, #tpu.memory_space<vmem>>, vector<1x1x16xf32>,
        %rev3A_1309 = arith.constant 15 : i32
        %rev3A_1310 = vector.broadcast %rev3A_1309 : i32 to vector<16xi32>
        %rev3A_1311 = tpu.iota {dimensions = array<i32: 0>} : vector<16xi32>
        %rev3A_1312 = arith.subi %rev3A_1310, %rev3A_1311 : vector<16xi32>
        %rev3A_1313 = tpu.dynamic_gather %get3A_1292[%rev3A_1312] in [0] : vector<16xf32>, vector<16xi32> -> vector<16xf32>
        %swap3A_1314 = arith.index_cast %select_n3A_570 : i32 to index
        %swap3A_1315 = arith.index_cast %select_n3A_586 : i32 to index
        %swap3A_1316 = arith.constant 400 : index
        %swap3A_1317 = tpu.vector_load %arg6[%swap3A_1314, %swap3A_1315, %swap3A_1316] {strides = array<i32>} : memref<2x24x768xf32, #tpu.memory_space<vmem>>, vector<1x1x16xf32>,
        %swap3A_1318 = vector.shape_cast %swap3A_1317 : vector<1x1x16xf32> to vector<16xf32>
        %swap3A_1319 = vector.shape_cast %rev3A_1313 : vector<16xf32> to vector<1x1x16xf32>
        tpu.vector_store %arg6[%swap3A_1314, %swap3A_1315, %swap3A_1316], %swap3A_1319 {strides = array<i32>} : memref<2x24x768xf32, #tpu.memory_space<vmem>>, vector<1x1x16xf32>,
        %get3A_1320 = arith.index_cast %select_n3A_570 : i32 to index
        %get3A_1321 = arith.index_cast %select_n3A_586 : i32 to index
        %get3A_1322 = arith.constant 368 : index
        %get3A_1323 = tpu.vector_load %arg6[%get3A_1320, %get3A_1321, %get3A_1322] {strides = array<i32>} : memref<2x24x768xf32, #tpu.memory_space<vmem>>, vector<1x1x16xf32>,
        %get3A_1324 = vector.shape_cast %get3A_1323 : vector<1x1x16xf32> to vector<16xf32>
        %get3A_1325 = arith.index_cast %select_n3A_570 : i32 to index
        %get3A_1326 = arith.index_cast %select_n3A_586 : i32 to index
        %get3A_1327 = arith.constant 384 : index
        %get3A_1328 = tpu.vector_load %arg6[%get3A_1325, %get3A_1326, %get3A_1327] {strides = array<i32>} : memref<2x24x768xf32, #tpu.memory_space<vmem>>, vector<1x1x16xf32>,
        %get3A_1329 = vector.shape_cast %get3A_1328 : vector<1x1x16xf32> to vector<16xf32>
        %rev3A_1330 = arith.constant 15 : i32
        %rev3A_1331 = vector.broadcast %rev3A_1330 : i32 to vector<16xi32>
        %rev3A_1332 = tpu.iota {dimensions = array<i32: 0>} : vector<16xi32>
        %rev3A_1333 = arith.subi %rev3A_1331, %rev3A_1332 : vector<16xi32>
        %rev3A_1334 = tpu.dynamic_gather %get3A_1329[%rev3A_1333] in [0] : vector<16xf32>, vector<16xi32> -> vector<16xf32>
        %swap3A_1335 = arith.index_cast %select_n3A_570 : i32 to index
        %swap3A_1336 = arith.index_cast %select_n3A_586 : i32 to index
        %swap3A_1337 = arith.constant 368 : index
        %swap3A_1338 = tpu.vector_load %arg6[%swap3A_1335, %swap3A_1336, %swap3A_1337] {strides = array<i32>} : memref<2x24x768xf32, #tpu.memory_space<vmem>>, vector<1x1x16xf32>,
        %swap3A_1339 = vector.shape_cast %swap3A_1338 : vector<1x1x16xf32> to vector<16xf32>
        %swap3A_1340 = vector.shape_cast %rev3A_1334 : vector<16xf32> to vector<1x1x16xf32>
        tpu.vector_store %arg6[%swap3A_1335, %swap3A_1336, %swap3A_1337], %swap3A_1340 {strides = array<i32>} : memref<2x24x768xf32, #tpu.memory_space<vmem>>, vector<1x1x16xf32>,
        %rev3A_1341 = arith.constant 15 : i32
        %rev3A_1342 = vector.broadcast %rev3A_1341 : i32 to vector<16xi32>
        %rev3A_1343 = tpu.iota {dimensions = array<i32: 0>} : vector<16xi32>
        %rev3A_1344 = arith.subi %rev3A_1342, %rev3A_1343 : vector<16xi32>
        %rev3A_1345 = tpu.dynamic_gather %get3A_1324[%rev3A_1344] in [0] : vector<16xf32>, vector<16xi32> -> vector<16xf32>
        %swap3A_1346 = arith.index_cast %select_n3A_570 : i32 to index
        %swap3A_1347 = arith.index_cast %select_n3A_586 : i32 to index
        %swap3A_1348 = arith.constant 384 : index
        %swap3A_1349 = tpu.vector_load %arg6[%swap3A_1346, %swap3A_1347, %swap3A_1348] {strides = array<i32>} : memref<2x24x768xf32, #tpu.memory_space<vmem>>, vector<1x1x16xf32>,
        %swap3A_1350 = vector.shape_cast %swap3A_1349 : vector<1x1x16xf32> to vector<16xf32>
        %swap3A_1351 = vector.shape_cast %rev3A_1345 : vector<16xf32> to vector<1x1x16xf32>
        tpu.vector_store %arg6[%swap3A_1346, %swap3A_1347, %swap3A_1348], %swap3A_1351 {strides = array<i32>} : memref<2x24x768xf32, #tpu.memory_space<vmem>>, vector<1x1x16xf32>,
      }
      %scan3A_494 = arith.constant 48 : i32
      %jit3A_495 = arith.constant 12 : i32
      %div3A_496 = arith.divsi %add3A_437, %jit3A_495 : i32
      %sign3A_497 = arith.constant 0 : i32
      %sign3A_498 = arith.cmpi sgt, %add3A_437, %sign3A_497 : i32
      %sign3A_499 = arith.extui %sign3A_498 : i1 to i32
      %sign3A_500 = arith.constant 0 : i32
      %sign3A_501 = arith.cmpi slt, %add3A_437, %sign3A_500 : i32
      %sign3A_502 = arith.extui %sign3A_501 : i1 to i32
      %sign3A_503 = arith.subi %sign3A_499, %sign3A_502 : i32
      %sign3A_504 = arith.constant 0 : i32
      %sign3A_505 = arith.cmpi sgt, %jit3A_495, %sign3A_504 : i32
      %sign3A_506 = arith.extui %sign3A_505 : i1 to i32
      %sign3A_507 = arith.constant 0 : i32
      %sign3A_508 = arith.cmpi slt, %jit3A_495, %sign3A_507 : i32
      %sign3A_509 = arith.extui %sign3A_508 : i1 to i32
      %sign3A_510 = arith.subi %sign3A_506, %sign3A_509 : i32
      %ne3A_511 = arith.cmpi ne, %sign3A_503, %sign3A_510 : i32
      %rem3A_512 = arith.remsi %add3A_437, %jit3A_495 : i32
      %ne3A_513 = arith.constant 0 : i32
      %ne3A_514 = arith.cmpi ne, %rem3A_512, %ne3A_513 : i32
      %and3A_515 = arith.andi %ne3A_511, %ne3A_514 : i1
      %sub3A_516 = arith.constant 1 : i32
      %sub3A_517 = arith.subi %div3A_496, %sub3A_516 : i32
      %select_n3A_518 = arith.select %and3A_515, %sub3A_517, %div3A_496 : i32
      %add3A_519 = arith.addi %mul3A_2, %select_n3A_518 : i32
      %jit3A_520 = arith.constant 12 : i32
      %eq3A_521 = arith.constant 0 : i32
      %eq3A_522 = arith.cmpi eq, %jit3A_520, %eq3A_521 : i32
      %jit3A_523 = arith.constant 1 : i32
      %select_n3A_524 = arith.select %eq3A_522, %jit3A_523, %jit3A_520 : i32
      %rem3A_525 = arith.remsi %add3A_437, %select_n3A_524 : i32
      %ne3A_526 = arith.constant 0 : i32
      %ne3A_527 = arith.cmpi ne, %rem3A_525, %ne3A_526 : i32
      %lt3A_528 = arith.constant 0 : i32
      %lt3A_529 = arith.cmpi slt, %rem3A_525, %lt3A_528 : i32
      %lt3A_530 = arith.constant 0 : i32
      %lt3A_531 = arith.cmpi slt, %select_n3A_524, %lt3A_530 : i32
      %ne3A_532 = arith.xori %lt3A_529, %lt3A_531 : i1
      %and3A_533 = arith.andi %ne3A_532, %ne3A_527 : i1
      %add3A_534 = arith.addi %rem3A_525, %select_n3A_524 : i32
      %select_n3A_535 = arith.select %and3A_533, %add3A_534, %rem3A_525 : i32
      %mul3A_536 = arith.constant 2 : i32
      %mul3A_537 = arith.muli %select_n3A_535, %mul3A_536 : i32
      %dma_start3A_538 = arith.constant 0 : i32
      %dma_start3A_539 = arith.constant 0 : i32
      %dma_start3A_540 = tpu.memref_slice %arg3[%add3A_519, %mul3A_537, %dma_start3A_538, %dma_start3A_539] : memref<64x24x24x768xf32, #tpu.memory_space<hbm>> -> memref<1x2x24x768xf32, #tpu.memory_space<hbm>>
      %dma_start3A_541 = tpu.memref_squeeze %dma_start3A_540 : memref<1x2x24x768xf32, #tpu.memory_space<hbm>> -> memref<2x24x768xf32, #tpu.memory_space<hbm>>
      %dma_start3A_542 = arith.constant 0 : i32
      %dma_start3A_543 = arith.constant 0 : i32
      %dma_start3A_544 = tpu.memref_slice %arg3[%add3A_519, %mul3A_537, %dma_start3A_542, %dma_start3A_543] : memref<64x24x24x768xf32, #tpu.memory_space<hbm>> -> memref<1x2x24x768xf32, #tpu.memory_space<hbm>>
      %dma_start3A_545 = tpu.memref_squeeze %dma_start3A_544 : memref<1x2x24x768xf32, #tpu.memory_space<hbm>> -> memref<2x24x768xf32, #tpu.memory_space<hbm>>
      tpu.enqueue_dma source(%arg6 : memref<2x24x768xf32, #tpu.memory_space<vmem>>) target(%dma_start3A_545 : memref<2x24x768xf32, #tpu.memory_space<hbm>>) target_semaphore(%arg12 : memref<!tpu.dma_semaphore, #tpu.memory_space<semaphore_mem>>)
    }
    %scan3A_7 = arith.constant 8 : i32
    %add3A_8 = arith.constant 1 : i32
    %add3A_9 = arith.addi %mul3A_2, %add3A_8 : i32
    %dma_wait3A = arith.constant 18 : i32
    %dma_wait3A_10 = arith.constant 0 : i32
    %dma_wait3A_11 = arith.constant 0 : i32
    %dma_wait3A_12 = tpu.memref_slice %arg3[%add3A_9, %dma_wait3A, %dma_wait3A_10, %dma_wait3A_11] : memref<64x24x24x768xf32, #tpu.memory_space<hbm>> -> memref<1x2x24x768xf32, #tpu.memory_space<hbm>>
    %dma_wait3A_13 = tpu.memref_squeeze %dma_wait3A_12 : memref<1x2x24x768xf32, #tpu.memory_space<hbm>> -> memref<2x24x768xf32, #tpu.memory_space<hbm>>
    %dma_wait3A_14 = arith.constant 18 : i32
    %dma_wait3A_15 = arith.constant 0 : i32
    %dma_wait3A_16 = arith.constant 0 : i32
    %dma_wait3A_17 = tpu.memref_slice %arg3[%add3A_9, %dma_wait3A_14, %dma_wait3A_15, %dma_wait3A_16] : memref<64x24x24x768xf32, #tpu.memory_space<hbm>> -> memref<1x2x24x768xf32, #tpu.memory_space<hbm>>
    %dma_wait3A_18 = tpu.memref_squeeze %dma_wait3A_17 : memref<1x2x24x768xf32, #tpu.memory_space<hbm>> -> memref<2x24x768xf32, #tpu.memory_space<hbm>>
    tpu.wait_dma2 semaphore(%arg10 : memref<!tpu.dma_semaphore, #tpu.memory_space<semaphore_mem>>) src(%arg4 : memref<2x24x768xf32, #tpu.memory_space<vmem>>) dst(%dma_wait3A_18 : memref<2x24x768xf32, #tpu.memory_space<hbm>>)
    %add3A_19 = arith.constant 1 : i32
    %add3A_20 = arith.addi %mul3A_2, %add3A_19 : i32
    %dma_wait3A_21 = arith.constant 20 : i32
    %dma_wait3A_22 = arith.constant 0 : i32
    %dma_wait3A_23 = arith.constant 0 : i32
    %dma_wait3A_24 = tpu.memref_slice %arg3[%add3A_20, %dma_wait3A_21, %dma_wait3A_22, %dma_wait3A_23] : memref<64x24x24x768xf32, #tpu.memory_space<hbm>> -> memref<1x2x24x768xf32, #tpu.memory_space<hbm>>
    %dma_wait3A_25 = tpu.memref_squeeze %dma_wait3A_24 : memref<1x2x24x768xf32, #tpu.memory_space<hbm>> -> memref<2x24x768xf32, #tpu.memory_space<hbm>>
    %dma_wait3A_26 = arith.constant 20 : i32
    %dma_wait3A_27 = arith.constant 0 : i32
    %dma_wait3A_28 = arith.constant 0 : i32
    %dma_wait3A_29 = tpu.memref_slice %arg3[%add3A_20, %dma_wait3A_26, %dma_wait3A_27, %dma_wait3A_28] : memref<64x24x24x768xf32, #tpu.memory_space<hbm>> -> memref<1x2x24x768xf32, #tpu.memory_space<hbm>>
    %dma_wait3A_30 = tpu.memref_squeeze %dma_wait3A_29 : memref<1x2x24x768xf32, #tpu.memory_space<hbm>> -> memref<2x24x768xf32, #tpu.memory_space<hbm>>
    tpu.wait_dma2 semaphore(%arg11 : memref<!tpu.dma_semaphore, #tpu.memory_space<semaphore_mem>>) src(%arg5 : memref<2x24x768xf32, #tpu.memory_space<vmem>>) dst(%dma_wait3A_30 : memref<2x24x768xf32, #tpu.memory_space<hbm>>)
    %add3A_31 = arith.constant 1 : i32
    %add3A_32 = arith.addi %mul3A_2, %add3A_31 : i32
    %dma_wait3A_33 = arith.constant 22 : i32
    %dma_wait3A_34 = arith.constant 0 : i32
    %dma_wait3A_35 = arith.constant 0 : i32
    %dma_wait3A_36 = tpu.memref_slice %arg3[%add3A_32, %dma_wait3A_33, %dma_wait3A_34, %dma_wait3A_35] : memref<64x24x24x768xf32, #tpu.memory_space<hbm>> -> memref<1x2x24x768xf32, #tpu.memory_space<hbm>>
    %dma_wait3A_37 = tpu.memref_squeeze %dma_wait3A_36 : memref<1x2x24x768xf32, #tpu.memory_space<hbm>> -> memref<2x24x768xf32, #tpu.memory_space<hbm>>
    %dma_wait3A_38 = arith.constant 22 : i32
    %dma_wait3A_39 = arith.constant 0 : i32
    %dma_wait3A_40 = arith.constant 0 : i32
    %dma_wait3A_41 = tpu.memref_slice %arg3[%add3A_32, %dma_wait3A_38, %dma_wait3A_39, %dma_wait3A_40] : memref<64x24x24x768xf32, #tpu.memory_space<hbm>> -> memref<1x2x24x768xf32, #tpu.memory_space<hbm>>
    %dma_wait3A_42 = tpu.memref_squeeze %dma_wait3A_41 : memref<1x2x24x768xf32, #tpu.memory_space<hbm>> -> memref<2x24x768xf32, #tpu.memory_space<hbm>>
    tpu.wait_dma2 semaphore(%arg12 : memref<!tpu.dma_semaphore, #tpu.memory_space<semaphore_mem>>) src(%arg6 : memref<2x24x768xf32, #tpu.memory_space<vmem>>) dst(%dma_wait3A_42 : memref<2x24x768xf32, #tpu.memory_space<hbm>>)
    return
  }
}

</mosaic_0001>

<sc_bundles>
// kernel: kernel.3.cloned.1.call-start
scs
__scs_entry_jumppad:
0x0: {  	(pc) =	sbr.rel $0x88, $3  }
0x1: {  	(tag) =	ssettag $0x0;
	lr =	simm.s32 $0x1  }
0x2: {  	[smem:$0x3FA0] =	sst lr;
	_ =	strace $0xD0000000  }
0x3: {  	_ = 	snop  }
0x4: {  	_ = 	snop  }
0x5: {  	_ = 	snop  }
0x6: {  	_ = 	snop  }
0x7: {  	_ = 	snop  }
__scs_overlays_trampoline_lowered:
0x8: {  	[smem:$0x3FAF] =	sst s0  }
0x9: {  	[smem:$0x3FB0] =	sst s1  }
0xa: {  	[smem:$0x3FB1] =	sst s2  }
0xb: {  	[smem:$0x3FB2] =	sst s3  }
0xc: {  	[smem:$0x3FB3] =	sst s4  }
0xd: {  	[smem:$0x3FB4] =	sst s5  }
0xe: {  	[smem:$0x3FB5] =	sst s6  }
0xf: {  	[smem:$0x3FB6] =	sst s7  }
0x10: {  	[smem:$0x3FB7] =	sst s8  }
0x11: {  	[smem:$0x3FB8] =	sst s9;
	s0 =	simm.s32 @!p0 $0x0  }
0x12: {  	s1 =	sld [smem:$0x3F9E];
	s0 =	simm.s32 @p0 $0x1  }
0x13: {  	[smem:$0x3FB9] =	sst s0;
	s0 =	simm.s32 @!p1 $0x0  }
0x14: {  	s2 =	sld [smem:$0x3F9D];
	s0 =	simm.s32 @p1 $0x1  }
0x15: {  	[smem:$0x3FBA] =	sst s0;
	s0 =	simm.s32 @!p2 $0x0  }
0x16: {  	s3 =	sld [smem:$0x3FDB];
	s0 =	simm.s32 @p2 $0x1  }
0x17: {  	s4 =	simm.s32 $0x1BF5;
	[smem:$0x3FBC] =	sst s0  }
0x18: {  	s0 =	sld [smem:$0x3F9F];
	_ =	swait.ge [sflag:s4], $0x0  }
0x19: {  	s7 =	sld [smem:$0x3FA0]  }
0x1a: {  	s8 =	sadd.s32 $0xFFFFE003, lr  }
0x1b: {  	s9 =	sadd.s32 $0xFFFFFEF7, lr;
	s5 =	simm.s32 $0xFFFFFFFF;
	p2 =	slt.u32 s8, $0xFFFFF086  }
0x1c: {  	p1 =	slt.u32 s9, $0xF7A;
	s5 =	simm.s32 @!p2 $0x0  }
0x1d: {  	s5 =	simm.s32 @p1 $0x1;
	p0 =	seq.s32 s7, s2  }
0x1e: {  	s7 =	smul.u32 @!p0 $0xF7A, s2;
	p2 =	seq.s32 @!p0 s5, $0x0  }
0x1f: {  	s9 =	smul.u32 $0xF7A, s1;
	s8 =	simm.s32 @!p0 $0x1BF5;
	p2 =	por !p2, p0  }
0x20: {  	[sflag:s8] =	ssyncset.s32 @!p0 $0xFFFFF086;
	s6 =	sadd.s32 @!p0 s3, s7;
	s7 =	simm.s32 @!p0 $0x108  }
0x21: {  	s3 =	sadd.s32 s3, s9;
	s6 =	sadd.s32 @!p0 $0x88, s6;
	s7 =	simm.s32 @p2 $0x1082  }
0x22: {  	[simem:s7], [sflag:s8] =	dma.local @!p0 [hbm:s6], $0xF7A  }
0x23: {  	s9 =	sor.u32 $0xD0000000, s2;
	s6 =	simm.s32 $0x108;
	_ =	swait.ge @!p0 [sflag:s8], $0x0  }
0x24: {  	s3 =	sadd.s32 $0x88, s3;
	s6 =	simm.s32 @!p1 $0x1082;
	[sflag:s4] =	ssyncset.s32 $0xFFFFF086  }
0x25: {  	[simem:s6], [sflag:s4] =	dma.local [hbm:s3], $0xF7A  }
0x26: {  	[smem:$0x3FA0] =	sst s1;
	(tag) =	ssettag s2;
	_ =	strace s9  }
0x27: {  	s1 =	sld [smem:$0x3FB0]  }
0x28: {  	s2 =	sld [smem:$0x3FB1]  }
0x29: {  	s4 =	sld [smem:$0x3FB3]  }
0x2a: {  	p0 =	seq.s32 s5, $0x0;
	s5 =	sld [smem:$0x3FB4]  }
0x2b: {  	s6 =	sld [smem:$0x3FB5]  }
0x2c: {  	s7 =	sld [smem:$0x3FB6]  }
0x2d: {  	s3 =	simm.s32 $0x108;
	s8 =	sld [smem:$0x3FB7]  }
0x2e: {  	s3 =	simm.s32 @!p0 $0x1082;
	s9 =	sld [smem:$0x3FB8]  }
0x2f: {  	lr =	sadd.s32 s0, s3;
	s0 =	sld [smem:$0x3FAF]  }
0x30: {  	s3 =	sld [smem:$0x3FB2]  }
0x31: {  	[smem:$0x3FBB] =	sst s10  }
0x32: {  	s10 =	sld [smem:$0x3FB9];
	_ =	sdelay $0x3  }
0x33: {  	p0 =	seq.s32 s10, $0x1;
	s10 =	sld [smem:$0x3FBB];
	_ =	sdelay $0x3  }
0x34: {  	[smem:$0x3FBB] =	sst s10  }
0x35: {  	s10 =	sld [smem:$0x3FBA];
	_ =	sdelay $0x3  }
0x36: {  	p1 =	seq.s32 s10, $0x1;
	s10 =	sld [smem:$0x3FBB];
	_ =	sdelay $0x3  }
0x37: {  	[smem:$0x3FBB] =	sst s10  }
0x38: {  	s10 =	sld [smem:$0x3FBC]  }
0x39: {  	_ = 	snop;
	(pc) =	sbr.ind lr, $3  }
0x3a: {  	_ = 	snop  }
0x3b: {  	_ = 	snop  }
0x3c: {  	p2 =	seq.s32 s10, $0x1;
	s10 =	sld [smem:$0x3FBB]  }
0x3d: {  	_ =	shalt  }
0x3e: {  	_ =	shalt  }
0x3f: {  	_ =	shalt  }
0x40: {  	_ =	shalt  }
0x41: {  	_ =	shalt  }
0x42: {  	_ =	shalt  }
0x43: {  	_ =	shalt  }
0x44: {  	_ =	shalt  }
0x45: {  	_ =	shalt  }
0x46: {  	_ =	shalt  }
0x47: {  	_ =	shalt  }
0x48: {  	_ =	shalt  }
0x49: {  	_ =	shalt  }
0x4a: {  	_ =	shalt  }
0x4b: {  	_ =	shalt  }
0x4c: {  	_ =	shalt  }
0x4d: {  	_ =	shalt  }
0x4e: {  	_ =	shalt  }
0x4f: {  	_ =	shalt  }
0x50: {  	_ =	shalt  }
0x51: {  	_ =	shalt  }
0x52: {  	_ =	shalt  }
0x53: {  	_ =	shalt  }
0x54: {  	_ =	shalt  }
0x55: {  	_ =	shalt  }
0x56: {  	_ =	shalt  }
0x57: {  	_ =	shalt  }
0x58: {  	_ =	shalt  }
0x59: {  	_ =	shalt  }
0x5a: {  	_ =	shalt  }
0x5b: {  	_ =	shalt  }
0x5c: {  	_ =	shalt  }
0x5d: {  	_ =	shalt  }
0x5e: {  	_ =	shalt  }
0x5f: {  	_ =	shalt  }
0x60: {  	_ =	shalt  }
0x61: {  	_ =	shalt  }
0x62: {  	_ =	shalt  }
0x63: {  	_ =	shalt  }
0x64: {  	_ =	shalt  }
0x65: {  	_ =	shalt  }
0x66: {  	_ =	shalt  }
0x67: {  	_ =	shalt  }
0x68: {  	_ =	shalt  }
0x69: {  	_ =	shalt  }
0x6a: {  	_ =	shalt  }
0x6b: {  	_ =	shalt  }
0x6c: {  	_ =	shalt  }
0x6d: {  	_ =	shalt  }
0x6e: {  	_ =	shalt  }
0x6f: {  	_ =	shalt  }
0x70: {  	_ =	shalt  }
0x71: {  	_ =	shalt  }
0x72: {  	_ =	shalt  }
0x73: {  	_ =	shalt  }
0x74: {  	_ =	shalt  }
0x75: {  	_ =	shalt  }
0x76: {  	_ =	shalt  }
0x77: {  	_ =	shalt  }
0x78: {  	_ =	shalt  }
0x79: {  	_ =	shalt  }
0x7a: {  	_ =	shalt  }
0x7b: {  	_ =	shalt  }
0x7c: {  	_ =	shalt  }
0x7d: {  	_ =	shalt  }
0x7e: {  	_ =	shalt  }
0x7f: {  	_ =	shalt  }
0x80: {  	_ =	shalt  }
0x81: {  	_ =	shalt  }
0x82: {  	_ =	shalt  }
0x83: {  	_ =	shalt  }
0x84: {  	_ =	shalt  }
0x85: {  	_ =	shalt  }
0x86: {  	_ =	shalt  }
0x87: {  	_ =	shalt  }
.Lfunc_end0:
.L_simem_size_0:
called_computation_lowered:
.L_overlay_start_0:
0x88: {  	s2 =	sld [smem:$0x3FD9]  }
0x89: {  	s3 =	sld [smem:$0x3FFE];
	_ =	sdelay $0x1  }
0x8a: {  	s1 =	srdreg.scid  }
0x8b: {  	s0 =	sand.u32 $0x1, s1  }
0x8c: {  	s18 =	sshll.u32 s0, $0xA;
	s2 =	sadd.s32 s3, s2  }
0x8d: {  	s2 =	sadd.s32 s2, s18  }
0x8e: {  	[smem:$0x3FC7] =	sst s2  }
0x8f: {  	_ = 	snop  }
0x90: {  	s2 =	sld [smem:$0x3FC9]  }
0x91: {  	s19 =	sld [smem:$0x3FD0];
	(tm) =	ssettm $0x1  }
0x92: {  	s4 =	sld [smem:$0x3FFB];
	_ =	sdelay $0x3  }
0x93: {  	_ =	strace s4  }
0x94: {  	s4 =	sld [smem:$0x3FFC];
	_ =	sdelay $0x3  }
0x95: {  	_ =	strace s4  }
0x96: {  	s4 =	sld [smem:$0x3FFD];
	_ =	sdelay $0x3  }
0x97: {  	_ =	strace s4  }
0x98: {  	_ =	strace $0x8FFFFFFF  }
0x99: {  	s20 =	sld [smem:$0x3FDB];
	_ =	sdelay $0x1  }
0x9a: {  	s5 =	simm.s32 $_scs_section_size  }
0x9b: {  	s6 =	simm.s32 $_size__tile_overlayer_lowered;
	s7 =	simm.s32 $_tile_overlayer_lowered  }
0x9c: {  	s23 =	simm.s32 $0x1BFF;
	s22 =	sshll.u32 s7, $0x1;
	s4 =	sadd.s32 s5, s20  }
0x9d: {  	s8 =	simm.s32 $0x0;
	s21 =	sshll.u32 s6, $0x1;
	s6 =	sadd.s32 s22, s4  }
0x9e: {  	[timem:s8], [sflag:s23] =	dma.local [hbm:s6], s21  }
0x9f: {  	_ =	swait.ge [sflag:s23], s21  }
0xa0: {  	s5 =	ssub.s32 $0x0, s21;
	[sflag:s23] =	ssyncset.done $0x0  }
0xa1: {  	[sflag:s23] =	ssyncadd.s32 s5;
	_ =	sdelay $0x1  }
0xa2: {  	s24 =	simm.s32 $0x1B8B  }
0xa3: {  	_ =	swait.ge [sflag:s24], $0x1  }
0xa4: {  	[sflag:s24] =	ssyncset.done $0x0  }
0xa5: {  	s25 =	simm.s32 $0x1B8E;
	[sflag:s24] =	ssyncadd.s32 $0xFFFFFFFF  }
0xa6: {  	s26 =	simm.s32 $execute0_lowered;
	[smem:$0x3FD2] =	sst s25  }
0xa7: {  	s5 =	sshll.u32 s26, $0x1;
	_ =	strace $0x80000046;
	[dreg:$0x1] =	wrdreg $0xFFFFFFFF  }
0xa8: {  	s28 =	simm.s32 $_size_execute0_lowered;
	s4 =	sadd.s32 s4, s5;
	[dreg:$0x0] =	wrdreg $0x0  }
0xa9: {  	s5 =	sshll.u32 s28, $0x1;
	[dreg:$0x2] =	wrdreg s4  }
0xaa: {  	[dreg:$0x3] =	wrdreg s5  }
0xab: {  	[dreg:$0x4] =	wrdreg $0xC0  }
0xac: {  	_ =	task [dreg:s8], $0x5FFFF  }
0xad: {  	[dreg:$0x1] =	wrdreg $0xFFFFFFFF  }
0xae: {  	[dreg:$0x0] =	wrdreg $0x60  }
0xaf: {  	[dreg:$0x2] =	wrdreg s2  }
0xb0: {  	[dreg:$0x3] =	wrdreg s19  }
0xb1: {  	[dreg:$0x4] =	wrdreg $0x9  }
0xb2: {  	_ =	task.clear_ibuf [dreg:s8], $0x5FFFF;
	_ =	strace $0x90000046  }
0xb3: {  	s29 =	simm.s32 $0x9;
	_ =	strace $0x80000048  }
0xb4: {  	_ =	swait.ge [sflag:s29], $0x1  }
0xb5: {  	[sflag:s29] =	ssyncadd.s32 $0xFFFFFFFF  }
0xb6: {  	_ =	strace $0x90000048  }
0xb7: {  	_ =	sfence  }
0xb8: {  	s30 =	sld [smem:$0x0];
	_ =	sdelay $0x2  }
0xb9: {  	s31 =	sshll.u32 s1, $0xD;
	s1 =	sshrl.u32 s1, $0x2  }
0xba: {  	s3 =	sand.u32 $0x4000, s31;
	s1 =	sadd.s32 s1, s30  }
0xbb: {  	s0 =	sor.u32 s3, s0;
	s1 =	sshll.u32 s1, $0x11  }
0xbc: {  	s0 =	sor.u32 s1, s0  }
0xbd: {  	s0 =	sadd.s32 $0x8F2B, s0  }
0xbe: {  	[sflag:s0] =	ssyncadd.remote.s32 $0x1  }
0xbf: {  	_ =	sfence.sel $0xFFFF  }
0xc0: {  	[dreg:$0x0] =	wrdreg $0xFFFFFFFF;
	(pc) =	sbr.abs _section_cstart, $3  }
0xc1: {  	[dreg:$0x1] =	wrdreg $0xFFFFFFFF  }
0xc2: {  	_ =	task.clear_ibuf [dreg:s8], $0x2FFFF;
	_ =	strace $0x9FFFFFFF  }
0xc3: {  	(tm) =	ssettm $0x7FFFFFFF  }
tec
execute0_lowered:
.L_overlay_start_1:
0x0: {  	(tag) =	ssettag $0x1  }
0x1: {  	s1 =	rddreg [dreg:$0x0]  }
0x2: {  	s0 =	srdreg.scid;
	s2 =	rddreg [dreg:$0x1];
	s4 =	simm.s32 $0x0  }
0x3: {  	s3 =	stileid.u32;
	s8 =	simm.s32 $0x9000;
	s9 =	simm.s32 $0x2  }
0x4: {  	s10 =	simm.s32 $0x12000;
	s11 =	simm.s32 $0x3;
	s12 =	simm.s32 $0x4  }
0x5: {  	s13 =	simm.s32 $0x5;
	s14 =	simm.s32 $0x6;
	s5 =	sand.u32 $0x1, s0  }
0x6: {  	v0 =	vlaneseq.u32;
	s15 =	simm.s32 $0x0;
	s0 =	rddreg [dreg:$0x2];
	s6 =	ssub.s32 $0x2, s5  }
0x7: {  	[smem:$0x7FF] =	sst s4;
	s31 =	sshll.u32 s3, $0x2;
	v0 =	vmul.u32 $0xFFFFFFFF, v0;
	s7 =	sshrl.u32 s6, $0x1  }
0x8: {  	s5 =	sshll.u32 s5, $0x1;
	_ =	strace $0x80000047;
	s6 =	ssub.s32 s6, s7  }
0x9: {  	s5 =	sor.u32 s5, s31;
	v0 =	vadd.s32 $0xF, v0;
	s7 =	simm.s32 $0x1;
	s6 =	smax.u32 s6, $0x1  }
.LBB2_1:
0xa: {  	s16 =	simm.s32 $0x0  }
.LBB2_2:
0xb: {  	s17 =	smul.u32 $0x3, s16  }
0xc: {  	s18 =	sshrl.u32 s16, $0x2  }
0xd: {  	p1 =	slt.u32 s16, $0x4;
	s18 =	sadd.s32 s5, s18;
	s19 =	sadd.s32 $0xFFFFFFF4, s17  }
0xe: {  	s18 =	smul.u32 $0x6C000, s18;
	s19 =	smov.u32 @p1 s17  }
0xf: {  	p0 =	seq.s32 s16, $0x0;
	s19 =	smul.u32 $0x9000, s19  }
0x10: {  	s20 =	simm.s32 @!p0 $0x4  }
0x11: {  	_ =	swait.ge @!p0 [sflag:s20], $0x9000;
	s18 =	sadd.s32 s18, s19  }
0x12: {  	[sflag:s20] =	ssyncset.done @!p0 $0x0;
	s19 =	sshrl.u32 s18, $0x3  }
0x13: {  	[sflag:s20] =	ssyncadd.s32 @!p0 $0xFFFF7000;
	s18 =	sadd.s32 s1, s19  }
0x14: {  	[tilespmem:s4], [sflag:$0x1] =	stream.linear.gather [hbm4b:s18+s4], $0x9000, $0x38;
	[tilespmem:$0x1B000] =	vst v63  }
0x15: {  	p2 =	sgt.u32 s16, $0x3;
	s20 =	simm.s32 $0x1;
	s18 =	simm.s32 $0x1  }
0x16: {  	s20 =	simm.s32 @!p1 $0xFFFFFFF5;
	s18 =	simm.s32 @!p2 $0x0  }
0x17: {  	s26 =	sadd.s32 s17, s20;
	s20 =	simm.s32 @!p0 $0x5;
	s18 =	sor.u32 s18, s5  }
0x18: {  	_ =	swait.ge @!p0 [sflag:s20], $0x9000;
	s21 =	smul.u32 $0x6C000, s18  }
0x19: {  	[sflag:s20] =	ssyncset.done @!p0 $0x0;
	s18 =	smul.u32 $0x9000, s26  }
0x1a: {  	[sflag:s20] =	ssyncadd.s32 @!p0 $0xFFFF7000;
	s20 =	simm.s32 $0x2  }
0x1b: {  	s20 =	simm.s32 @!p1 $0xFFFFFFF6;
	s18 =	sadd.s32 s18, s21  }
0x1c: {  	s17 =	sadd.s32 s17, s20;
	s18 =	sshrl.u32 s18, $0x3  }
0x1d: {  	s20 =	simm.s32 @!p0 $0x6;
	s17 =	smul.u32 $0x9000, s17;
	s28 =	sadd.s32 s1, s18  }
0x1e: {  	[tilespmem:s8], [sflag:$0x2] =	stream.linear.gather [hbm4b:s28+s4], $0x9000, $0x38;
	[tilespmem:$0x1B000] =	vst v63  }
0x1f: {  	s30 =	simm.s32 $0x0;
	s17 =	sadd.s32 s17, s21;
	_ =	swait.ge @!p0 [sflag:s20], $0x9000  }
0x20: {  	s31 =	simm.s32 $0xFFFFFFE8;
	s17 =	sshrl.u32 s17, $0x3;
	[sflag:s20] =	ssyncset.done @!p0 $0x0  }
0x21: {  	s29 =	sadd.s32 s1, s17;
	[sflag:s20] =	ssyncadd.s32 @!p0 $0xFFFF7000;
	s20 =	smin.u32 s30, s31  }
0x22: {  	[tilespmem:s10], [sflag:$0x3] =	stream.linear.gather [hbm4b:s29+s30], $0x9000, $0x38;
	[tilespmem:$0x1B000] =	vst v63  }
0x23: {  	s21 =	sshrl.u32 s20, $0x3  }
0x24: {  	s22 =	simm.s32 $0x4800;
	p0 =	por $0x0, $0x0;
	s21 =	smul.u32 $0x6000, s21  }
0x25: {  	s22 =	simm.s32 @!p0 $0x0  }
0x26: {  	s20 =	sshll.u32 s20, $0x7;
	_ =	swait.ge [sflag:s7], $0x9000;
	s21 =	sshra.s32 s21, $0x2  }
0x27: {  	s20 =	sand.u32 $0x380, s20;
	[sflag:s7] =	ssyncset.done $0x0;
	s21 =	sadd.s32 s22, s21  }
0x28: {  	[sflag:s7] =	ssyncadd.s32 $0xFFFF7000;
	s20 =	sor.u32 s20, s21  }
0x29: {  	v1 =	vld [tilespmem:s20+$0x0]  }
0x2a: {  	v2 =	vld [tilespmem:s20+$0x1470]  }
0x2b: {  	v3 =	vld [tilespmem:s20+$0x10]  }
0x2c: {  	v4 =	vld [tilespmem:s20+$0x1460]  }
0x2d: {  	v5 =	vld [tilespmem:s20+$0x20]  }
0x2e: {  	v6 =	vld [tilespmem:s20+$0x1450]  }
0x2f: {  	v7 =	vld [tilespmem:s20+$0x30];
	v2 =	vperm.xlane v2, v0  }
0x30: {  	v8 =	vld [tilespmem:s20+$0x1440];
	v1 =	vperm.xlane v1, v0  }
0x31: {  	v9 =	vld [tilespmem:s20+$0x1020];
	[tilespmem:s20+$0x0] =	vst v2;
	v2 =	vperm.xlane v4, v0  }
0x32: {  	[tilespmem:s20+$0x1470] =	vst v1;
	v1 =	vperm.xlane v3, v0;
	v3 =	vld [tilespmem:s20+$0x1430]  }
0x33: {  	v4 =	vld [tilespmem:s20+$0x40];
	[tilespmem:s20+$0x10] =	vst v2;
	v2 =	vperm.xlane v6, v0  }
0x34: {  	[tilespmem:s20+$0x1460] =	vst v1;
	v1 =	vperm.xlane v5, v0;
	v5 =	vld [tilespmem:s20+$0x1420]  }
0x35: {  	v6 =	vld [tilespmem:s20+$0x50];
	[tilespmem:s20+$0x20] =	vst v2;
	v2 =	vperm.xlane v8, v0  }
0x36: {  	[tilespmem:s20+$0x1450] =	vst v1;
	v1 =	vperm.xlane v7, v0;
	v7 =	vld [tilespmem:s20+$0x1410]  }
0x37: {  	v8 =	vld [tilespmem:s20+$0x60];
	[tilespmem:s20+$0x30] =	vst v2;
	v2 =	vperm.xlane v3, v0  }
0x38: {  	[tilespmem:s20+$0x1440] =	vst v1;
	v1 =	vperm.xlane v4, v0;
	v4 =	vld [tilespmem:s20+$0x1400]  }
0x39: {  	v3 =	vld [tilespmem:s20+$0x70];
	[tilespmem:s20+$0x40] =	vst v2;
	v2 =	vperm.xlane v5, v0  }
0x3a: {  	[tilespmem:s20+$0x1430] =	vst v1;
	v1 =	vperm.xlane v6, v0;
	v6 =	vld [tilespmem:s20+$0x1070]  }
0x3b: {  	v5 =	vld [tilespmem:s20+$0x400];
	[tilespmem:s20+$0x50] =	vst v2;
	v2 =	vperm.xlane v7, v0  }
0x3c: {  	[tilespmem:s20+$0x1420] =	vst v1;
	v1 =	vperm.xlane v8, v0;
	v8 =	vld [tilespmem:s20+$0x1060]  }
0x3d: {  	v7 =	vld [tilespmem:s20+$0x410];
	[tilespmem:s20+$0x60] =	vst v2;
	v2 =	vperm.xlane v4, v0  }
0x3e: {  	[tilespmem:s20+$0x1410] =	vst v1;
	v1 =	vperm.xlane v3, v0;
	v3 =	vld [tilespmem:s20+$0x1050]  }
0x3f: {  	v4 =	vld [tilespmem:s20+$0x420];
	[tilespmem:s20+$0x70] =	vst v2;
	v2 =	vperm.xlane v6, v0  }
0x40: {  	[tilespmem:s20+$0x1400] =	vst v1;
	v1 =	vperm.xlane v5, v0;
	v5 =	vld [tilespmem:s20+$0x1040]  }
0x41: {  	v6 =	vld [tilespmem:s20+$0x430];
	[tilespmem:s20+$0x400] =	vst v2;
	v2 =	vperm.xlane v8, v0  }
0x42: {  	[tilespmem:s20+$0x1070] =	vst v1;
	v1 =	vperm.xlane v7, v0;
	v7 =	vld [tilespmem:s20+$0x1030]  }
0x43: {  	v8 =	vld [tilespmem:s20+$0x440];
	[tilespmem:s20+$0x410] =	vst v2;
	v2 =	vperm.xlane v3, v0  }
0x44: {  	v3 =	vld [tilespmem:s20+$0x450];
	[tilespmem:s20+$0x1060] =	vst v1;
	v1 =	vperm.xlane v4, v0  }
0x45: {  	v4 =	vperm.xlane v5, v0;
	v5 =	vld [tilespmem:s20+$0x1010];
	[tilespmem:s20+$0x420] =	vst v2  }
0x46: {  	v6 =	vperm.xlane v6, v0;
	v2 =	vld [tilespmem:s20+$0x460];
	[tilespmem:s20+$0x1050] =	vst v1  }
0x47: {  	v1 =	vld [tilespmem:s20+$0x470];
	[tilespmem:s20+$0x430] =	vst v4;
	v7 =	vperm.xlane v7, v0  }
0x48: {  	[tilespmem:s20+$0x1040] =	vst v6;
	v4 =	vld [tilespmem:s20+$0x1000];
	v8 =	vperm.xlane v8, v0  }
0x49: {  	s21 =	simm.s32 $0x1;
	v6 =	vld [tilespmem:s20+$0x800];
	[tilespmem:s20+$0x440] =	vst v7;
	v7 =	vperm.xlane v9, v0  }
.LBB2_3:
0x4a: {  	p0 =	sne.s32 s21, $0x2F;
	[tilespmem:s20+$0x1030] =	vst v8;
	v3 =	vperm.xlane v3, v0;
	v8 =	vld [tilespmem:s20+$0xC70]  }
0x4b: {  	[tilespmem:s20+$0x450] =	vst v7;
	v5 =	vperm.xlane v5, v0;
	v7 =	vld [tilespmem:s20+$0x810]  }
0x4c: {  	v2 =	vperm.xlane v2, v0;
	[tilespmem:s20+$0x1020] =	vst v3;
	v3 =	vld [tilespmem:s20+$0x820]  }
0x4d: {  	[tilespmem:s20+$0x460] =	vst v5;
	v4 =	vperm.xlane v4, v0;
	v5 =	vld [tilespmem:s20+$0x830]  }
0x4e: {  	v1 =	vperm.xlane v1, v0;
	[tilespmem:s20+$0x1010] =	vst v2;
	v2 =	vld [tilespmem:s20+$0x840]  }
0x4f: {  	v6 =	vperm.xlane v6, v0;
	[tilespmem:s20+$0x470] =	vst v4;
	v4 =	vperm.xlane v8, v0;
	v8 =	vld [tilespmem:s20+$0x850]  }
0x50: {  	[tilespmem:s20+$0x1000] =	vst v1;
	v1 =	vperm.xlane v7, v0;
	v7 =	vld [tilespmem:s20+$0x860]  }
0x51: {  	s22 =	sadd.s32 $0xFFFFFFE8, s21;
	[tilespmem:s20+$0xC70] =	vst v6;
	v3 =	vperm.xlane v3, v0;
	v6 =	vld [tilespmem:s20+$0x870]  }
0x52: {  	s22 =	smin.u32 s21, s22;
	v9 =	vld [tilespmem:s20+$0xC60];
	[tilespmem:s20+$0xC60] =	vst v1;
	v1 =	vperm.xlane v5, v0  }
0x53: {  	s23 =	sshrl.u32 s22, $0x3;
	v5 =	vld [tilespmem:s20+$0xC50];
	[tilespmem:s20+$0xC50] =	vst v3;
	v2 =	vperm.xlane v2, v0  }
0x54: {  	s23 =	smul.u32 $0x6000, s23;
	v3 =	vld [tilespmem:s20+$0xC40];
	[tilespmem:s20+$0xC40] =	vst v1;
	v1 =	vperm.xlane v8, v0  }
0x55: {  	p1 =	sgt.u32 s21, $0x17;
	s24 =	simm.s32 $0x4800;
	v8 =	vld [tilespmem:s20+$0xC30];
	[tilespmem:s20+$0xC30] =	vst v2;
	v2 =	vperm.xlane v7, v0  }
0x56: {  	s24 =	simm.s32 @!p1 $0x0;
	s22 =	sshll.u32 s22, $0x7;
	s23 =	sshra.s32 s23, $0x2;
	v7 =	vld [tilespmem:s20+$0xC20];
	[tilespmem:s20+$0xC20] =	vst v1;
	v1 =	vperm.xlane v6, v0  }
0x57: {  	s22 =	sand.u32 $0x380, s22;
	s23 =	sadd.s32 s24, s23;
	v6 =	vperm.xlane v9, v0;
	v9 =	vld [tilespmem:s20+$0xC10];
	[tilespmem:s20+$0xC10] =	vst v2  }
0x58: {  	s22 =	sor.u32 s22, s23;
	v2 =	vperm.xlane v5, v0;
	v5 =	vld [tilespmem:s20+$0xC00];
	[tilespmem:s20+$0xC00] =	vst v1  }
0x59: {  	v1 =	vld [tilespmem:s22+$0x0];
	[tilespmem:s20+$0x810] =	vst v6;
	v3 =	vperm.xlane v3, v0  }
0x5a: {  	v6 =	vld [tilespmem:s22+$0x1470];
	[tilespmem:s20+$0x820] =	vst v2;
	v2 =	vperm.xlane v8, v0  }
0x5b: {  	v8 =	vld [tilespmem:s22+$0x10];
	[tilespmem:s20+$0x830] =	vst v3;
	v3 =	vperm.xlane v7, v0  }
0x5c: {  	v7 =	vld [tilespmem:s22+$0x1460];
	[tilespmem:s20+$0x840] =	vst v2;
	v2 =	vperm.xlane v9, v0  }
0x5d: {  	v9 =	vld [tilespmem:s22+$0x20];
	[tilespmem:s20+$0x850] =	vst v3;
	v3 =	vperm.xlane v5, v0  }
0x5e: {  	v5 =	vld [tilespmem:s22+$0x1450];
	[tilespmem:s20+$0x860] =	vst v2  }
0x5f: {  	v2 =	vperm.xlane v6, v0;
	v6 =	vld [tilespmem:s22+$0x30];
	[tilespmem:s20+$0x870] =	vst v3  }
0x60: {  	v1 =	vperm.xlane v1, v0;
	v3 =	vld [tilespmem:s22+$0x1440];
	[tilespmem:s20+$0x800] =	vst v4;
	s20 =	smov.u32 s22  }
0x61: {  	[tilespmem:s20+$0x0] =	vst v2;
	v2 =	vperm.xlane v7, v0;
	v4 =	vld [tilespmem:s20+$0x40]  }
0x62: {  	[tilespmem:s20+$0x1470] =	vst v1;
	v1 =	vperm.xlane v8, v0;
	v7 =	vld [tilespmem:s20+$0x1430]  }
0x63: {  	[tilespmem:s20+$0x10] =	vst v2;
	v2 =	vperm.xlane v5, v0;
	v5 =	vld [tilespmem:s20+$0x50]  }
0x64: {  	[tilespmem:s20+$0x1460] =	vst v1;
	v1 =	vperm.xlane v9, v0;
	v8 =	vld [tilespmem:s20+$0x1420]  }
0x65: {  	[tilespmem:s20+$0x20] =	vst v2;
	v2 =	vperm.xlane v3, v0;
	v3 =	vld [tilespmem:s20+$0x60]  }
0x66: {  	[tilespmem:s20+$0x1450] =	vst v1;
	v1 =	vperm.xlane v6, v0;
	v6 =	vld [tilespmem:s20+$0x1410]  }
0x67: {  	[tilespmem:s20+$0x30] =	vst v2;
	v2 =	vperm.xlane v7, v0;
	v7 =	vld [tilespmem:s20+$0x70]  }
0x68: {  	[tilespmem:s20+$0x1440] =	vst v1;
	v1 =	vperm.xlane v4, v0;
	v4 =	vld [tilespmem:s20+$0x1400]  }
0x69: {  	[tilespmem:s20+$0x40] =	vst v2;
	v2 =	vperm.xlane v8, v0;
	v8 =	vld [tilespmem:s20+$0x400]  }
0x6a: {  	[tilespmem:s20+$0x1430] =	vst v1;
	v1 =	vperm.xlane v5, v0;
	v5 =	vld [tilespmem:s20+$0x1070]  }
0x6b: {  	[tilespmem:s20+$0x50] =	vst v2;
	v2 =	vperm.xlane v6, v0;
	v6 =	vld [tilespmem:s20+$0x410]  }
0x6c: {  	[tilespmem:s20+$0x1420] =	vst v1;
	v1 =	vperm.xlane v3, v0;
	v3 =	vld [tilespmem:s20+$0x1060]  }
0x6d: {  	[tilespmem:s20+$0x60] =	vst v2;
	v2 =	vperm.xlane v4, v0;
	v4 =	vld [tilespmem:s20+$0x420]  }
0x6e: {  	[tilespmem:s20+$0x1410] =	vst v1;
	v1 =	vperm.xlane v7, v0;
	v7 =	vld [tilespmem:s20+$0x1050]  }
0x6f: {  	[tilespmem:s20+$0x70] =	vst v2;
	v2 =	vperm.xlane v5, v0;
	v5 =	vld [tilespmem:s20+$0x430]  }
0x70: {  	[tilespmem:s20+$0x1400] =	vst v1;
	v1 =	vperm.xlane v8, v0;
	v8 =	vld [tilespmem:s20+$0x1040]  }
0x71: {  	[tilespmem:s20+$0x400] =	vst v2;
	v2 =	vperm.xlane v3, v0;
	v9 =	vld [tilespmem:s20+$0x440]  }
0x72: {  	[tilespmem:s20+$0x1070] =	vst v1;
	v1 =	vperm.xlane v6, v0;
	v6 =	vld [tilespmem:s20+$0x1030]  }
0x73: {  	[tilespmem:s20+$0x410] =	vst v2;
	v2 =	vperm.xlane v7, v0;
	v3 =	vld [tilespmem:s20+$0x450]  }
0x74: {  	[tilespmem:s20+$0x1060] =	vst v1;
	v1 =	vperm.xlane v4, v0;
	v7 =	vld [tilespmem:s20+$0x1020]  }
.Ltmp0:
0x75: {  	[tilespmem:s20+$0x420] =	vst v2;
	v4 =	vperm.xlane v8, v0;
	v2 =	vld [tilespmem:s20+$0x460];
	(pc) =	sbr.rel @p0 .LBB2_3-.Ltmp0, $4  }
0x76: {  	v8 =	vperm.xlane v5, v0;
	[tilespmem:s20+$0x1050] =	vst v1;
	v5 =	vld [tilespmem:s20+$0x1010]  }
0x77: {  	[tilespmem:s20+$0x430] =	vst v4;
	v6 =	vperm.xlane v6, v0;
	v1 =	vld [tilespmem:s20+$0x470]  }
0x78: {  	[tilespmem:s20+$0x1040] =	vst v8;
	v8 =	vperm.xlane v9, v0;
	v4 =	vld [tilespmem:s20+$0x1000]  }
0x79: {  	s21 =	sadd.s32 $0x1, s21;
	[tilespmem:s20+$0x440] =	vst v6;
	v7 =	vperm.xlane v7, v0;
	v6 =	vld [tilespmem:s20+$0x800]  }
0x7a: {  	v9 =	vld [tilespmem:s20+$0x810];
	[tilespmem:s20+$0x1030] =	vst v8;
	v3 =	vperm.xlane v3, v0  }
0x7b: {  	v10 =	vld [tilespmem:s20+$0x820];
	v2 =	vperm.xlane v2, v0;
	[tilespmem:s20+$0x450] =	vst v7  }
0x7c: {  	v11 =	vld [tilespmem:s20+$0xC70];
	v5 =	vperm.xlane v5, v0;
	[tilespmem:s20+$0x1020] =	vst v3  }
0x7d: {  	v12 =	vld [tilespmem:s20+$0x830];
	[tilespmem:s20+$0x1010] =	vst v2;
	v1 =	vperm.xlane v1, v0  }
0x7e: {  	v8 =	vld [tilespmem:s20+$0xC60];
	[tilespmem:s20+$0x460] =	vst v5;
	v4 =	vperm.xlane v4, v0  }
0x7f: {  	v7 =	vld [tilespmem:s20+$0xC50];
	v6 =	vperm.xlane v6, v0;
	[tilespmem:s20+$0x1000] =	vst v1  }
0x80: {  	v3 =	vld [tilespmem:s20+$0xC40];
	v9 =	vperm.xlane v9, v0;
	[tilespmem:s20+$0x470] =	vst v4  }
0x81: {  	v5 =	vld [tilespmem:s20+$0xC30];
	v10 =	vperm.xlane v10, v0;
	[tilespmem:s20+$0xC70] =	vst v6  }
0x82: {  	v2 =	vld [tilespmem:s20+$0xC20];
	v12 =	vperm.xlane v12, v0;
	[tilespmem:s20+$0xC60] =	vst v9  }
0x83: {  	v1 =	vperm.xlane v8, v0;
	v6 =	vld [tilespmem:s20+$0x840];
	[tilespmem:s20+$0xC50] =	vst v10  }
0x84: {  	v4 =	vld [tilespmem:s20+$0xC10];
	v7 =	vperm.xlane v7, v0;
	[tilespmem:s20+$0xC40] =	vst v12  }
0x85: {  	v9 =	vld [tilespmem:s20+$0x850];
	[tilespmem:s20+$0x810] =	vst v1;
	v1 =	vperm.xlane v3, v0  }
0x86: {  	[tilespmem:s20+$0x820] =	vst v7;
	v3 =	vperm.xlane v5, v0  }
0x87: {  	v10 =	vld [tilespmem:s20+$0x860];
	[tilespmem:s20+$0x830] =	vst v1;
	v1 =	vperm.xlane v2, v0  }
0x88: {  	v8 =	vld [tilespmem:s20+$0xC00];
	[tilespmem:s20+$0x840] =	vst v3;
	v6 =	vperm.xlane v6, v0  }
0x89: {  	v63 =	vld [tilespmem:s20+$0x870];
	v2 =	vperm.xlane v4, v0;
	[tilespmem:s20+$0x850] =	vst v1  }
0x8a: {  	[tilespmem:s20+$0xC30] =	vst v6;
	v6 =	vperm.xlane v9, v0  }
0x8b: {  	v3 =	vperm.xlane v11, v0;
	[tilespmem:s20+$0x860] =	vst v2  }
0x8c: {  	[tilespmem:s20+$0xC20] =	vst v6;
	v6 =	vperm.xlane v10, v0  }
0x8d: {  	v1 =	vperm.xlane v8, v0;
	[tilespmem:s20+$0x800] =	vst v3  }
0x8e: {  	[tilespmem:s20+$0xC10] =	vst v6;
	v6 =	vperm.xlane v63, v0  }
0x8f: {  	[tilespmem:s20+$0x870] =	vst v1  }
0x90: {  	s19 =	sadd.s32 s2, s19;
	s30 =	simm.s32 $0x0;
	s31 =	simm.s32 $0xFFFFFFE8;
	[tilespmem:s20+$0xC00] =	vst v6  }
0x91: {  	[hbm4b:s19+s30] =	stream.linear.scatter [tilespmem:s30], [sflag:$0x4], $0x9000, $0x38;
	[tilespmem:$0x1B000] =	vst v63  }
0x92: {  	s19 =	smin.u32 s30, s31  }
0x93: {  	s20 =	sshrl.u32 s19, $0x3  }
0x94: {  	p0 =	por $0x0, $0x0;
	s21 =	simm.s32 $0x4800;
	s20 =	smul.u32 $0x6000, s20  }
0x95: {  	s21 =	simm.s32 @!p0 $0x0  }
0x96: {  	_ =	swait.ge [sflag:s9], $0x9000;
	s19 =	sshll.u32 s19, $0x7;
	s20 =	sshra.s32 s20, $0x2  }
0x97: {  	[sflag:s9] =	ssyncset.done $0x0;
	s19 =	sand.u32 $0x380, s19;
	s20 =	sadd.s32 s21, s20  }
0x98: {  	[sflag:s9] =	ssyncadd.s32 $0xFFFF7000;
	s19 =	sor.u32 s19, s20  }
0x99: {  	v1 =	vld [tilespmem:s19+$0x9000]  }
0x9a: {  	v2 =	vld [tilespmem:s19+$0xA470]  }
0x9b: {  	v3 =	vld [tilespmem:s19+$0x9010]  }
0x9c: {  	v4 =	vld [tilespmem:s19+$0xA460]  }
0x9d: {  	v5 =	vld [tilespmem:s19+$0x9020]  }
0x9e: {  	v6 =	vld [tilespmem:s19+$0xA450]  }
0x9f: {  	v7 =	vld [tilespmem:s19+$0x9030];
	v2 =	vperm.xlane v2, v0  }
0xa0: {  	v8 =	vld [tilespmem:s19+$0xA440];
	v1 =	vperm.xlane v1, v0  }
0xa1: {  	v9 =	vld [tilespmem:s19+$0xA020];
	[tilespmem:s19+$0x9000] =	vst v2;
	v2 =	vperm.xlane v4, v0  }
0xa2: {  	[tilespmem:s19+$0xA470] =	vst v1;
	v1 =	vperm.xlane v3, v0;
	v3 =	vld [tilespmem:s19+$0xA430]  }
0xa3: {  	v4 =	vld [tilespmem:s19+$0x9040];
	[tilespmem:s19+$0x9010] =	vst v2;
	v2 =	vperm.xlane v6, v0  }
0xa4: {  	[tilespmem:s19+$0xA460] =	vst v1;
	v1 =	vperm.xlane v5, v0;
	v5 =	vld [tilespmem:s19+$0xA420]  }
0xa5: {  	v6 =	vld [tilespmem:s19+$0x9050];
	[tilespmem:s19+$0x9020] =	vst v2;
	v2 =	vperm.xlane v8, v0  }
0xa6: {  	[tilespmem:s19+$0xA450] =	vst v1;
	v1 =	vperm.xlane v7, v0;
	v7 =	vld [tilespmem:s19+$0xA410]  }
0xa7: {  	v8 =	vld [tilespmem:s19+$0x9060];
	[tilespmem:s19+$0x9030] =	vst v2;
	v2 =	vperm.xlane v3, v0  }
0xa8: {  	[tilespmem:s19+$0xA440] =	vst v1;
	v1 =	vperm.xlane v4, v0;
	v4 =	vld [tilespmem:s19+$0xA400]  }
0xa9: {  	v3 =	vld [tilespmem:s19+$0x9070];
	[tilespmem:s19+$0x9040] =	vst v2;
	v2 =	vperm.xlane v5, v0  }
0xaa: {  	[tilespmem:s19+$0xA430] =	vst v1;
	v1 =	vperm.xlane v6, v0;
	v6 =	vld [tilespmem:s19+$0xA070]  }
0xab: {  	v5 =	vld [tilespmem:s19+$0x9400];
	[tilespmem:s19+$0x9050] =	vst v2;
	v2 =	vperm.xlane v7, v0  }
0xac: {  	[tilespmem:s19+$0xA420] =	vst v1;
	v1 =	vperm.xlane v8, v0;
	v8 =	vld [tilespmem:s19+$0xA060]  }
0xad: {  	v7 =	vld [tilespmem:s19+$0x9410];
	[tilespmem:s19+$0x9060] =	vst v2;
	v2 =	vperm.xlane v4, v0  }
0xae: {  	[tilespmem:s19+$0xA410] =	vst v1;
	v1 =	vperm.xlane v3, v0;
	v3 =	vld [tilespmem:s19+$0xA050]  }
0xaf: {  	v4 =	vld [tilespmem:s19+$0x9420];
	[tilespmem:s19+$0x9070] =	vst v2;
	v2 =	vperm.xlane v6, v0  }
0xb0: {  	[tilespmem:s19+$0xA400] =	vst v1;
	v1 =	vperm.xlane v5, v0;
	v5 =	vld [tilespmem:s19+$0xA040]  }
0xb1: {  	v6 =	vld [tilespmem:s19+$0x9430];
	[tilespmem:s19+$0x9400] =	vst v2;
	v2 =	vperm.xlane v8, v0  }
0xb2: {  	[tilespmem:s19+$0xA070] =	vst v1;
	v1 =	vperm.xlane v7, v0;
	v7 =	vld [tilespmem:s19+$0xA030]  }
0xb3: {  	v8 =	vld [tilespmem:s19+$0x9440];
	[tilespmem:s19+$0x9410] =	vst v2;
	v2 =	vperm.xlane v3, v0  }
0xb4: {  	v3 =	vld [tilespmem:s19+$0x9450];
	[tilespmem:s19+$0xA060] =	vst v1;
	v1 =	vperm.xlane v4, v0  }
0xb5: {  	v4 =	vperm.xlane v5, v0;
	v5 =	vld [tilespmem:s19+$0xA010];
	[tilespmem:s19+$0x9420] =	vst v2  }
0xb6: {  	v6 =	vperm.xlane v6, v0;
	v2 =	vld [tilespmem:s19+$0x9460];
	[tilespmem:s19+$0xA050] =	vst v1  }
0xb7: {  	v1 =	vld [tilespmem:s19+$0x9470];
	[tilespmem:s19+$0x9430] =	vst v4;
	v7 =	vperm.xlane v7, v0  }
0xb8: {  	[tilespmem:s19+$0xA040] =	vst v6;
	v4 =	vld [tilespmem:s19+$0xA000];
	v8 =	vperm.xlane v8, v0  }
0xb9: {  	s20 =	simm.s32 $0x1;
	v6 =	vld [tilespmem:s19+$0x9800];
	[tilespmem:s19+$0x9440] =	vst v7;
	v7 =	vperm.xlane v9, v0  }
.LBB2_5:
0xba: {  	p0 =	sne.s32 s20, $0x2F;
	[tilespmem:s19+$0xA030] =	vst v8;
	v3 =	vperm.xlane v3, v0;
	v8 =	vld [tilespmem:s19+$0x9C70]  }
0xbb: {  	[tilespmem:s19+$0x9450] =	vst v7;
	v5 =	vperm.xlane v5, v0;
	v7 =	vld [tilespmem:s19+$0x9810]  }
0xbc: {  	v2 =	vperm.xlane v2, v0;
	[tilespmem:s19+$0xA020] =	vst v3;
	v3 =	vld [tilespmem:s19+$0x9820]  }
0xbd: {  	[tilespmem:s19+$0x9460] =	vst v5;
	v4 =	vperm.xlane v4, v0;
	v5 =	vld [tilespmem:s19+$0x9830]  }
0xbe: {  	v1 =	vperm.xlane v1, v0;
	[tilespmem:s19+$0xA010] =	vst v2;
	v2 =	vld [tilespmem:s19+$0x9840]  }
0xbf: {  	v6 =	vperm.xlane v6, v0;
	[tilespmem:s19+$0x9470] =	vst v4;
	v4 =	vperm.xlane v8, v0;
	v8 =	vld [tilespmem:s19+$0x9850]  }
0xc0: {  	[tilespmem:s19+$0xA000] =	vst v1;
	v1 =	vperm.xlane v7, v0;
	v7 =	vld [tilespmem:s19+$0x9860]  }
0xc1: {  	s21 =	sadd.s32 $0xFFFFFFE8, s20;
	[tilespmem:s19+$0x9C70] =	vst v6;
	v3 =	vperm.xlane v3, v0;
	v6 =	vld [tilespmem:s19+$0x9870]  }
0xc2: {  	s21 =	smin.u32 s20, s21;
	v9 =	vld [tilespmem:s19+$0x9C60];
	[tilespmem:s19+$0x9C60] =	vst v1;
	v1 =	vperm.xlane v5, v0  }
0xc3: {  	s22 =	sshrl.u32 s21, $0x3;
	v5 =	vld [tilespmem:s19+$0x9C50];
	[tilespmem:s19+$0x9C50] =	vst v3;
	v2 =	vperm.xlane v2, v0  }
0xc4: {  	s22 =	smul.u32 $0x6000, s22;
	v3 =	vld [tilespmem:s19+$0x9C40];
	[tilespmem:s19+$0x9C40] =	vst v1;
	v1 =	vperm.xlane v8, v0  }
0xc5: {  	p1 =	sgt.u32 s20, $0x17;
	s23 =	simm.s32 $0x4800;
	v8 =	vld [tilespmem:s19+$0x9C30];
	[tilespmem:s19+$0x9C30] =	vst v2;
	v2 =	vperm.xlane v7, v0  }
0xc6: {  	s23 =	simm.s32 @!p1 $0x0;
	s21 =	sshll.u32 s21, $0x7;
	s22 =	sshra.s32 s22, $0x2;
	v7 =	vld [tilespmem:s19+$0x9C20];
	[tilespmem:s19+$0x9C20] =	vst v1;
	v1 =	vperm.xlane v6, v0  }
0xc7: {  	s21 =	sand.u32 $0x380, s21;
	s22 =	sadd.s32 s23, s22;
	v6 =	vperm.xlane v9, v0;
	v9 =	vld [tilespmem:s19+$0x9C10];
	[tilespmem:s19+$0x9C10] =	vst v2  }
0xc8: {  	s21 =	sor.u32 s21, s22;
	v2 =	vperm.xlane v5, v0;
	v5 =	vld [tilespmem:s19+$0x9C00];
	[tilespmem:s19+$0x9C00] =	vst v1  }
0xc9: {  	v1 =	vld [tilespmem:s21+$0x9000];
	[tilespmem:s19+$0x9810] =	vst v6;
	v3 =	vperm.xlane v3, v0  }
0xca: {  	v6 =	vld [tilespmem:s21+$0xA470];
	[tilespmem:s19+$0x9820] =	vst v2;
	v2 =	vperm.xlane v8, v0  }
0xcb: {  	v8 =	vld [tilespmem:s21+$0x9010];
	[tilespmem:s19+$0x9830] =	vst v3;
	v3 =	vperm.xlane v7, v0  }
0xcc: {  	v7 =	vld [tilespmem:s21+$0xA460];
	[tilespmem:s19+$0x9840] =	vst v2;
	v2 =	vperm.xlane v9, v0  }
0xcd: {  	v9 =	vld [tilespmem:s21+$0x9020];
	[tilespmem:s19+$0x9850] =	vst v3;
	v3 =	vperm.xlane v5, v0  }
0xce: {  	v5 =	vld [tilespmem:s21+$0xA450];
	[tilespmem:s19+$0x9860] =	vst v2  }
0xcf: {  	v2 =	vperm.xlane v6, v0;
	v6 =	vld [tilespmem:s21+$0x9030];
	[tilespmem:s19+$0x9870] =	vst v3  }
0xd0: {  	v1 =	vperm.xlane v1, v0;
	v3 =	vld [tilespmem:s21+$0xA440];
	[tilespmem:s19+$0x9800] =	vst v4;
	s19 =	smov.u32 s21  }
0xd1: {  	[tilespmem:s19+$0x9000] =	vst v2;
	v2 =	vperm.xlane v7, v0;
	v4 =	vld [tilespmem:s19+$0x9040]  }
0xd2: {  	[tilespmem:s19+$0xA470] =	vst v1;
	v1 =	vperm.xlane v8, v0;
	v7 =	vld [tilespmem:s19+$0xA430]  }
0xd3: {  	[tilespmem:s19+$0x9010] =	vst v2;
	v2 =	vperm.xlane v5, v0;
	v5 =	vld [tilespmem:s19+$0x9050]  }
0xd4: {  	[tilespmem:s19+$0xA460] =	vst v1;
	v1 =	vperm.xlane v9, v0;
	v8 =	vld [tilespmem:s19+$0xA420]  }
0xd5: {  	[tilespmem:s19+$0x9020] =	vst v2;
	v2 =	vperm.xlane v3, v0;
	v3 =	vld [tilespmem:s19+$0x9060]  }
0xd6: {  	[tilespmem:s19+$0xA450] =	vst v1;
	v1 =	vperm.xlane v6, v0;
	v6 =	vld [tilespmem:s19+$0xA410]  }
0xd7: {  	[tilespmem:s19+$0x9030] =	vst v2;
	v2 =	vperm.xlane v7, v0;
	v7 =	vld [tilespmem:s19+$0x9070]  }
0xd8: {  	[tilespmem:s19+$0xA440] =	vst v1;
	v1 =	vperm.xlane v4, v0;
	v4 =	vld [tilespmem:s19+$0xA400]  }
0xd9: {  	[tilespmem:s19+$0x9040] =	vst v2;
	v2 =	vperm.xlane v8, v0;
	v8 =	vld [tilespmem:s19+$0x9400]  }
0xda: {  	[tilespmem:s19+$0xA430] =	vst v1;
	v1 =	vperm.xlane v5, v0;
	v5 =	vld [tilespmem:s19+$0xA070]  }
0xdb: {  	[tilespmem:s19+$0x9050] =	vst v2;
	v2 =	vperm.xlane v6, v0;
	v6 =	vld [tilespmem:s19+$0x9410]  }
0xdc: {  	[tilespmem:s19+$0xA420] =	vst v1;
	v1 =	vperm.xlane v3, v0;
	v3 =	vld [tilespmem:s19+$0xA060]  }
0xdd: {  	[tilespmem:s19+$0x9060] =	vst v2;
	v2 =	vperm.xlane v4, v0;
	v4 =	vld [tilespmem:s19+$0x9420]  }
0xde: {  	[tilespmem:s19+$0xA410] =	vst v1;
	v1 =	vperm.xlane v7, v0;
	v7 =	vld [tilespmem:s19+$0xA050]  }
0xdf: {  	[tilespmem:s19+$0x9070] =	vst v2;
	v2 =	vperm.xlane v5, v0;
	v5 =	vld [tilespmem:s19+$0x9430]  }
0xe0: {  	[tilespmem:s19+$0xA400] =	vst v1;
	v1 =	vperm.xlane v8, v0;
	v8 =	vld [tilespmem:s19+$0xA040]  }
0xe1: {  	[tilespmem:s19+$0x9400] =	vst v2;
	v2 =	vperm.xlane v3, v0;
	v9 =	vld [tilespmem:s19+$0x9440]  }
0xe2: {  	[tilespmem:s19+$0xA070] =	vst v1;
	v1 =	vperm.xlane v6, v0;
	v6 =	vld [tilespmem:s19+$0xA030]  }
0xe3: {  	[tilespmem:s19+$0x9410] =	vst v2;
	v2 =	vperm.xlane v7, v0;
	v3 =	vld [tilespmem:s19+$0x9450]  }
0xe4: {  	[tilespmem:s19+$0xA060] =	vst v1;
	v1 =	vperm.xlane v4, v0;
	v7 =	vld [tilespmem:s19+$0xA020]  }
.Ltmp1:
0xe5: {  	[tilespmem:s19+$0x9420] =	vst v2;
	v4 =	vperm.xlane v8, v0;
	v2 =	vld [tilespmem:s19+$0x9460];
	(pc) =	sbr.rel @p0 .LBB2_5-.Ltmp1, $4  }
0xe6: {  	v8 =	vperm.xlane v5, v0;
	[tilespmem:s19+$0xA050] =	vst v1;
	v5 =	vld [tilespmem:s19+$0xA010]  }
0xe7: {  	[tilespmem:s19+$0x9430] =	vst v4;
	v6 =	vperm.xlane v6, v0;
	v1 =	vld [tilespmem:s19+$0x9470]  }
0xe8: {  	[tilespmem:s19+$0xA040] =	vst v8;
	v8 =	vperm.xlane v9, v0;
	v4 =	vld [tilespmem:s19+$0xA000]  }
0xe9: {  	s20 =	sadd.s32 $0x1, s20;
	[tilespmem:s19+$0x9440] =	vst v6;
	v7 =	vperm.xlane v7, v0;
	v6 =	vld [tilespmem:s19+$0x9800]  }
0xea: {  	v9 =	vld [tilespmem:s19+$0x9810];
	[tilespmem:s19+$0xA030] =	vst v8;
	v3 =	vperm.xlane v3, v0  }
0xeb: {  	v10 =	vld [tilespmem:s19+$0x9820];
	v2 =	vperm.xlane v2, v0;
	[tilespmem:s19+$0x9450] =	vst v7  }
0xec: {  	v11 =	vld [tilespmem:s19+$0x9C70];
	v5 =	vperm.xlane v5, v0;
	[tilespmem:s19+$0xA020] =	vst v3  }
0xed: {  	v12 =	vld [tilespmem:s19+$0x9830];
	[tilespmem:s19+$0xA010] =	vst v2;
	v1 =	vperm.xlane v1, v0  }
0xee: {  	v8 =	vld [tilespmem:s19+$0x9C60];
	[tilespmem:s19+$0x9460] =	vst v5;
	v4 =	vperm.xlane v4, v0  }
0xef: {  	v7 =	vld [tilespmem:s19+$0x9C50];
	v6 =	vperm.xlane v6, v0;
	[tilespmem:s19+$0xA000] =	vst v1  }
0xf0: {  	v3 =	vld [tilespmem:s19+$0x9C40];
	v9 =	vperm.xlane v9, v0;
	[tilespmem:s19+$0x9470] =	vst v4  }
0xf1: {  	v5 =	vld [tilespmem:s19+$0x9C30];
	v10 =	vperm.xlane v10, v0;
	[tilespmem:s19+$0x9C70] =	vst v6  }
0xf2: {  	v2 =	vld [tilespmem:s19+$0x9C20];
	v12 =	vperm.xlane v12, v0;
	[tilespmem:s19+$0x9C60] =	vst v9  }
0xf3: {  	v1 =	vperm.xlane v8, v0;
	v6 =	vld [tilespmem:s19+$0x9840];
	[tilespmem:s19+$0x9C50] =	vst v10  }
0xf4: {  	v4 =	vld [tilespmem:s19+$0x9C10];
	v7 =	vperm.xlane v7, v0;
	[tilespmem:s19+$0x9C40] =	vst v12  }
0xf5: {  	v9 =	vld [tilespmem:s19+$0x9850];
	[tilespmem:s19+$0x9810] =	vst v1;
	v1 =	vperm.xlane v3, v0  }
0xf6: {  	[tilespmem:s19+$0x9820] =	vst v7;
	v3 =	vperm.xlane v5, v0  }
0xf7: {  	v10 =	vld [tilespmem:s19+$0x9860];
	[tilespmem:s19+$0x9830] =	vst v1;
	v1 =	vperm.xlane v2, v0  }
0xf8: {  	v8 =	vld [tilespmem:s19+$0x9C00];
	[tilespmem:s19+$0x9840] =	vst v3;
	v6 =	vperm.xlane v6, v0  }
0xf9: {  	v63 =	vld [tilespmem:s19+$0x9870];
	v2 =	vperm.xlane v4, v0;
	[tilespmem:s19+$0x9850] =	vst v1  }
0xfa: {  	[tilespmem:s19+$0x9C30] =	vst v6;
	v6 =	vperm.xlane v9, v0  }
0xfb: {  	v3 =	vperm.xlane v11, v0;
	[tilespmem:s19+$0x9860] =	vst v2  }
0xfc: {  	[tilespmem:s19+$0x9C20] =	vst v6;
	v6 =	vperm.xlane v10, v0  }
0xfd: {  	v1 =	vperm.xlane v8, v0;
	[tilespmem:s19+$0x9800] =	vst v3  }
0xfe: {  	[tilespmem:s19+$0x9C10] =	vst v6;
	v6 =	vperm.xlane v63, v0  }
0xff: {  	[tilespmem:s19+$0x9870] =	vst v1  }
0x100: {  	s18 =	sadd.s32 s2, s18;
	s30 =	simm.s32 $0x0;
	s31 =	simm.s32 $0xFFFFFFE8;
	[tilespmem:s19+$0x9C00] =	vst v6  }
0x101: {  	[hbm4b:s18+s30] =	stream.linear.scatter [tilespmem:s8], [sflag:$0x5], $0x9000, $0x38;
	[tilespmem:$0x1B000] =	vst v63  }
0x102: {  	s18 =	smin.u32 s30, s31  }
0x103: {  	s19 =	sshrl.u32 s18, $0x3  }
0x104: {  	s19 =	smul.u32 $0x6000, s19  }
0x105: {  	p0 =	por $0x0, $0x0;
	s20 =	simm.s32 $0x4800  }
0x106: {  	s20 =	simm.s32 @!p0 $0x0;
	s18 =	sshll.u32 s18, $0x7;
	s19 =	sshra.s32 s19, $0x2  }
0x107: {  	_ =	swait.ge [sflag:s11], $0x9000;
	s18 =	sand.u32 $0x380, s18;
	s19 =	sadd.s32 s20, s19  }
0x108: {  	[sflag:s11] =	ssyncset.done $0x0;
	s19 =	sor.u32 s18, s19  }
0x109: {  	[sflag:s11] =	ssyncadd.s32 $0xFFFF7000;
	s18 =	sadd.s32 $0x12000, s19  }
0x10a: {  	v1 =	vld [tilespmem:s18+$0x40]  }
0x10b: {  	v2 =	vld [tilespmem:s18+$0x1430]  }
0x10c: {  	v3 =	vld [tilespmem:s18+$0x50]  }
0x10d: {  	v4 =	vld [tilespmem:s18+$0x1420]  }
0x10e: {  	v5 =	vld [tilespmem:s18+$0x60]  }
0x10f: {  	v6 =	vld [tilespmem:s18+$0x1410]  }
0x110: {  	v7 =	vld [tilespmem:s18+$0x70];
	v2 =	vperm.xlane v2, v0  }
0x111: {  	v8 =	vld [tilespmem:s18+$0x1400];
	v1 =	vperm.xlane v1, v0  }
0x112: {  	v9 =	vld [tilespmem:s18+$0x430];
	[tilespmem:s18+$0x40] =	vst v2;
	v2 =	vperm.xlane v4, v0  }
0x113: {  	[tilespmem:s18+$0x1430] =	vst v1;
	v1 =	vperm.xlane v3, v0;
	v3 =	vld [tilespmem:s18+$0x1070]  }
0x114: {  	v4 =	vld [tilespmem:s18+$0x400];
	[tilespmem:s18+$0x50] =	vst v2;
	v2 =	vperm.xlane v6, v0  }
0x115: {  	[tilespmem:s18+$0x1420] =	vst v1;
	v1 =	vperm.xlane v5, v0;
	v5 =	vld [tilespmem:s18+$0x1060]  }
0x116: {  	v6 =	vld [tilespmem:s18+$0x410];
	[tilespmem:s18+$0x60] =	vst v2;
	v2 =	vperm.xlane v8, v0  }
0x117: {  	[tilespmem:s18+$0x1410] =	vst v1;
	v1 =	vperm.xlane v7, v0;
	v7 =	vld [tilespmem:s18+$0x1050]  }
0x118: {  	v8 =	vld [tilespmem:s18+$0x420];
	[tilespmem:s18+$0x70] =	vst v2;
	v2 =	vperm.xlane v3, v0  }
0x119: {  	[tilespmem:s18+$0x1400] =	vst v1;
	v1 =	vperm.xlane v4, v0;
	v3 =	vld [tilespmem:s18+$0x1040]  }
0x11a: {  	v10 =	vld [tilespmem:s18+$0x440];
	[tilespmem:s18+$0x400] =	vst v2;
	v2 =	vperm.xlane v5, v0  }
0x11b: {  	v4 =	vld [tilespmem:s18+$0x1030];
	[tilespmem:s18+$0x1070] =	vst v1;
	v1 =	vperm.xlane v6, v0  }
0x11c: {  	v6 =	vld [tilespmem:s18+$0x1010];
	v5 =	vperm.xlane v7, v0;
	[tilespmem:s18+$0x410] =	vst v2  }
0x11d: {  	v7 =	vld [tilespmem:s18+$0x1020];
	[tilespmem:s18+$0x1060] =	vst v1;
	v1 =	vperm.xlane v8, v0  }
0x11e: {  	v2 =	vld [tilespmem:s18+$0x450];
	[tilespmem:s18+$0x420] =	vst v5;
	v5 =	vperm.xlane v3, v0  }
0x11f: {  	v3 =	vld [tilespmem:s18+$0x460];
	[tilespmem:s18+$0x1050] =	vst v1;
	v1 =	vperm.xlane v9, v0  }
0x120: {  	v9 =	vperm.xlane v4, v0;
	v4 =	vld [tilespmem:s18+$0x470];
	[tilespmem:s18+$0x430] =	vst v5  }
0x121: {  	v8 =	vperm.xlane v10, v0;
	v5 =	vld [tilespmem:s18+$0x1000];
	[tilespmem:s18+$0x1040] =	vst v1  }
0x122: {  	s20 =	simm.s32 $0x1;
	[tilespmem:s18+$0x440] =	vst v9;
	v7 =	vperm.xlane v7, v0;
	v1 =	vld [tilespmem:s18+$0x800]  }
.LBB2_7:
0x123: {  	p0 =	sne.s32 s20, $0x2F;
	[tilespmem:s18+$0x1030] =	vst v8;
	v2 =	vperm.xlane v2, v0;
	v8 =	vld [tilespmem:s18+$0xC70]  }
0x124: {  	[tilespmem:s18+$0x450] =	vst v7;
	v6 =	vperm.xlane v6, v0;
	v7 =	vld [tilespmem:s18+$0x810]  }
0x125: {  	[tilespmem:s18+$0x1020] =	vst v2;
	v2 =	vperm.xlane v3, v0;
	v3 =	vld [tilespmem:s18+$0xC60]  }
0x126: {  	[tilespmem:s18+$0x460] =	vst v6;
	v5 =	vperm.xlane v5, v0;
	v6 =	vld [tilespmem:s18+$0x820]  }
0x127: {  	[tilespmem:s18+$0x1010] =	vst v2;
	v2 =	vperm.xlane v4, v0;
	v4 =	vld [tilespmem:s18+$0xC50]  }
0x128: {  	[tilespmem:s18+$0x470] =	vst v5;
	v5 =	vperm.xlane v8, v0;
	v8 =	vld [tilespmem:s18+$0x830]  }
0x129: {  	v1 =	vperm.xlane v1, v0;
	[tilespmem:s18+$0x1000] =	vst v2;
	v2 =	vld [tilespmem:s18+$0xC40]  }
0x12a: {  	[tilespmem:s18+$0x800] =	vst v5;
	v3 =	vperm.xlane v3, v0;
	v5 =	vld [tilespmem:s18+$0x840]  }
0x12b: {  	v9 =	vld [tilespmem:s18+$0x1470];
	[tilespmem:s18+$0xC70] =	vst v1;
	v1 =	vperm.xlane v7, v0  }
0x12c: {  	[tilespmem:s18+$0x810] =	vst v3;
	v3 =	vperm.xlane v4, v0;
	v4 =	vld [tilespmem:s18+$0xC30]  }
0x12d: {  	v7 =	vld [tilespmem:s18+$0x1450];
	[tilespmem:s18+$0xC60] =	vst v1;
	v1 =	vperm.xlane v6, v0  }
0x12e: {  	v6 =	vld [tilespmem:s18+$0x1440];
	[tilespmem:s18+$0x820] =	vst v3;
	v2 =	vperm.xlane v2, v0  }
0x12f: {  	[tilespmem:s18+$0xC50] =	vst v1;
	v1 =	vperm.xlane v8, v0;
	v3 =	vld [tilespmem:s18+$0x850]  }
0x130: {  	s21 =	sadd.s32 $0xFFFFFFE8, s20;
	v8 =	vperm.xlane v9, v0;
	[tilespmem:s18+$0x830] =	vst v2;
	v2 =	vld [tilespmem:s18+$0x860]  }
0x131: {  	s21 =	smin.u32 s20, s21;
	[tilespmem:s18+$0xC40] =	vst v1;
	v1 =	vperm.xlane v4, v0;
	v4 =	vperm.xlane v5, v0;
	v5 =	vld [tilespmem:s18+$0x870]  }
0x132: {  	s22 =	sshrl.u32 s21, $0x3;
	v9 =	vld [tilespmem:s19+$0x12000];
	[tilespmem:s19+$0x12000] =	vst v8;
	v7 =	vperm.xlane v7, v0  }
0x133: {  	s19 =	smul.u32 $0x6000, s22;
	v8 =	vld [tilespmem:s18+$0x10];
	v6 =	vperm.xlane v6, v0;
	[tilespmem:s18+$0xC30] =	vst v4  }
0x134: {  	p1 =	sgt.u32 s20, $0x17;
	s22 =	simm.s32 $0x4800;
	v4 =	vld [tilespmem:s18+$0x20];
	[tilespmem:s18+$0x20] =	vst v7;
	v3 =	vperm.xlane v3, v0  }
0x135: {  	s21 =	sshll.u32 s21, $0x7;
	s22 =	simm.s32 @!p1 $0x0;
	s19 =	sshra.s32 s19, $0x2;
	v7 =	vld [tilespmem:s18+$0x30];
	[tilespmem:s18+$0x30] =	vst v6;
	v2 =	vperm.xlane v2, v0  }
0x136: {  	s21 =	sand.u32 $0x380, s21;
	s19 =	sadd.s32 s22, s19;
	v6 =	vld [tilespmem:s18+$0xC20];
	[tilespmem:s18+$0xC20] =	vst v3;
	v3 =	vperm.xlane v5, v0  }
0x137: {  	s19 =	sor.u32 s21, s19;
	v5 =	vperm.xlane v9, v0;
	v9 =	vld [tilespmem:s18+$0xC10];
	[tilespmem:s18+$0xC10] =	vst v2  }
0x138: {  	s21 =	sadd.s32 $0x12000, s19;
	v2 =	vperm.xlane v8, v0;
	v8 =	vld [tilespmem:s18+$0xC00];
	[tilespmem:s18+$0xC00] =	vst v3  }
0x139: {  	v3 =	vld [tilespmem:s21+$0x40];
	[tilespmem:s18+$0x1470] =	vst v5;
	v4 =	vperm.xlane v4, v0  }
0x13a: {  	v5 =	vld [tilespmem:s18+$0x1460];
	[tilespmem:s18+$0x1460] =	vst v2;
	v2 =	vperm.xlane v7, v0  }
0x13b: {  	v7 =	vld [tilespmem:s21+$0x1430];
	[tilespmem:s18+$0x1450] =	vst v4;
	v4 =	vperm.xlane v6, v0  }
0x13c: {  	v6 =	vld [tilespmem:s21+$0x50];
	[tilespmem:s18+$0x1440] =	vst v2;
	v2 =	vperm.xlane v9, v0  }
0x13d: {  	v9 =	vld [tilespmem:s21+$0x1420];
	[tilespmem:s18+$0x850] =	vst v4;
	v4 =	vperm.xlane v8, v0  }
0x13e: {  	v8 =	vld [tilespmem:s21+$0x60];
	[tilespmem:s18+$0x860] =	vst v2  }
0x13f: {  	v2 =	vld [tilespmem:s21+$0x1410];
	v5 =	vperm.xlane v5, v0;
	[tilespmem:s18+$0x870] =	vst v4  }
0x140: {  	v4 =	vperm.xlane v7, v0;
	v7 =	vld [tilespmem:s21+$0x70];
	[tilespmem:s18+$0x840] =	vst v1  }
0x141: {  	v1 =	vperm.xlane v3, v0;
	v3 =	vld [tilespmem:s21+$0x1400];
	[tilespmem:s18+$0x10] =	vst v5;
	s18 =	smov.u32 s21  }
0x142: {  	[tilespmem:s18+$0x40] =	vst v4;
	v4 =	vperm.xlane v9, v0;
	v5 =	vld [tilespmem:s18+$0x400]  }
0x143: {  	[tilespmem:s18+$0x1430] =	vst v1;
	v1 =	vperm.xlane v6, v0;
	v6 =	vld [tilespmem:s18+$0x1070]  }
0x144: {  	[tilespmem:s18+$0x50] =	vst v4;
	v2 =	vperm.xlane v2, v0;
	v4 =	vld [tilespmem:s18+$0x410]  }
0x145: {  	[tilespmem:s18+$0x1420] =	vst v1;
	v1 =	vperm.xlane v8, v0;
	v8 =	vld [tilespmem:s18+$0x1060]  }
0x146: {  	[tilespmem:s18+$0x60] =	vst v2;
	v2 =	vperm.xlane v3, v0;
	v3 =	vld [tilespmem:s18+$0x420]  }
0x147: {  	[tilespmem:s18+$0x1410] =	vst v1;
	v1 =	vperm.xlane v7, v0;
	v7 =	vld [tilespmem:s18+$0x1050]  }
0x148: {  	[tilespmem:s18+$0x70] =	vst v2;
	v2 =	vperm.xlane v6, v0;
	v6 =	vld [tilespmem:s18+$0x430]  }
0x149: {  	[tilespmem:s18+$0x1400] =	vst v1;
	v1 =	vperm.xlane v5, v0;
	v5 =	vld [tilespmem:s18+$0x1040]  }
0x14a: {  	[tilespmem:s18+$0x400] =	vst v2;
	v2 =	vperm.xlane v8, v0;
	v8 =	vld [tilespmem:s18+$0x440]  }
0x14b: {  	[tilespmem:s18+$0x1070] =	vst v1;
	v1 =	vperm.xlane v4, v0;
	v4 =	vld [tilespmem:s18+$0x1030]  }
0x14c: {  	[tilespmem:s18+$0x410] =	vst v2;
	v7 =	vperm.xlane v7, v0;
	v2 =	vld [tilespmem:s18+$0x450]  }
0x14d: {  	[tilespmem:s18+$0x1060] =	vst v1;
	v1 =	vperm.xlane v3, v0;
	v9 =	vld [tilespmem:s18+$0x1020]  }
.Ltmp2:
0x14e: {  	[tilespmem:s18+$0x420] =	vst v7;
	v5 =	vperm.xlane v5, v0;
	v3 =	vld [tilespmem:s18+$0x460];
	(pc) =	sbr.rel @p0 .LBB2_7-.Ltmp2, $4  }
0x14f: {  	[tilespmem:s18+$0x1050] =	vst v1;
	v1 =	vperm.xlane v6, v0;
	v6 =	vld [tilespmem:s18+$0x1010]  }
0x150: {  	[tilespmem:s18+$0x430] =	vst v5;
	v7 =	vperm.xlane v4, v0;
	v4 =	vld [tilespmem:s18+$0x470]  }
0x151: {  	v8 =	vperm.xlane v8, v0;
	[tilespmem:s18+$0x1040] =	vst v1;
	v5 =	vld [tilespmem:s18+$0x1000]  }
0x152: {  	s20 =	sadd.s32 $0x1, s20;
	[tilespmem:s18+$0x440] =	vst v7;
	v7 =	vperm.xlane v9, v0;
	v1 =	vld [tilespmem:s18+$0x800]  }
0x153: {  	v9 =	vld [tilespmem:s18+$0xC70];
	[tilespmem:s18+$0x1030] =	vst v8;
	v2 =	vperm.xlane v2, v0  }
0x154: {  	v42 =	vld [tilespmem:s18+$0x810];
	[tilespmem:s18+$0x450] =	vst v7;
	v6 =	vperm.xlane v6, v0  }
0x155: {  	v45 =	vld [tilespmem:s18+$0xC40];
	[tilespmem:s18+$0x1020] =	vst v2;
	v2 =	vperm.xlane v3, v0  }
0x156: {  	v44 =	vld [tilespmem:s18+$0x820];
	[tilespmem:s18+$0x460] =	vst v6;
	v5 =	vperm.xlane v5, v0  }
0x157: {  	v47 =	vld [tilespmem:s18+$0x830];
	[tilespmem:s18+$0x1010] =	vst v2;
	v2 =	vperm.xlane v4, v0  }
0x158: {  	v43 =	vld [tilespmem:s18+$0xC60];
	v1 =	vperm.xlane v1, v0;
	[tilespmem:s18+$0x470] =	vst v5  }
0x159: {  	v3 =	vld [tilespmem:s18+$0xC50];
	v46 =	vperm.xlane v9, v0;
	[tilespmem:s18+$0x1000] =	vst v2  }
0x15a: {  	v48 =	vld [tilespmem:s18+$0x840];
	v4 =	vperm.xlane v45, v0;
	[tilespmem:s18+$0xC70] =	vst v1  }
0x15b: {  	v52 =	vld [tilespmem:s18+$0x860];
	v6 =	vperm.xlane v44, v0;
	[tilespmem:s18+$0x800] =	vst v46  }
0x15c: {  	v49 =	vld [tilespmem:s18+$0x1470];
	v53 =	vperm.xlane v47, v0;
	[tilespmem:s18+$0x830] =	vst v4  }
0x15d: {  	v54 =	vld [tilespmem:s19+$0x12000];
	v2 =	vperm.xlane v43, v0;
	[tilespmem:s18+$0xC50] =	vst v6  }
0x15e: {  	v50 =	vld [tilespmem:s18+$0x850];
	v3 =	vperm.xlane v3, v0;
	[tilespmem:s18+$0xC40] =	vst v53  }
0x15f: {  	v51 =	vld [tilespmem:s18+$0x1440];
	v1 =	vperm.xlane v42, v0;
	[tilespmem:s18+$0x810] =	vst v2  }
0x160: {  	v5 =	vperm.xlane v52, v0;
	[tilespmem:s18+$0x820] =	vst v3;
	v3 =	vld [tilespmem:s18+$0x1450]  }
0x161: {  	v2 =	vld [tilespmem:s18+$0xC30];
	[tilespmem:s18+$0xC60] =	vst v1;
	v1 =	vperm.xlane v49, v0  }
0x162: {  	v59 =	vld [tilespmem:s18+$0xC10];
	v58 =	vperm.xlane v54, v0;
	[tilespmem:s18+$0xC10] =	vst v5  }
0x163: {  	v7 =	vperm.xlane v48, v0;
	[tilespmem:s19+$0x12000] =	vst v1;
	v1 =	vld [tilespmem:s18+$0x870]  }
0x164: {  	v4 =	vperm.xlane v51, v0;
	[tilespmem:s18+$0x1470] =	vst v58;
	v55 =	vld [tilespmem:s18+$0x10]  }
0x165: {  	[tilespmem:s18+$0xC30] =	vst v7;
	v56 =	vld [tilespmem:s18+$0x20];
	v3 =	vperm.xlane v3, v0  }
0x166: {  	v57 =	vld [tilespmem:s18+$0x30];
	[tilespmem:s18+$0x30] =	vst v4;
	v2 =	vperm.xlane v2, v0  }
0x167: {  	v8 =	vperm.xlane v50, v0;
	[tilespmem:s18+$0x20] =	vst v3;
	v3 =	vld [tilespmem:s18+$0xC20]  }
0x168: {  	v1 =	vperm.xlane v1, v0;
	[tilespmem:s18+$0x840] =	vst v2  }
0x169: {  	v61 =	vld [tilespmem:s18+$0xC00];
	[tilespmem:s18+$0xC20] =	vst v8;
	v60 =	vperm.xlane v55, v0  }
0x16a: {  	v62 =	vld [tilespmem:s18+$0x1460];
	[tilespmem:s18+$0xC00] =	vst v1;
	v1 =	vperm.xlane v56, v0  }
0x16b: {  	v63 =	vperm.xlane v57, v0;
	[tilespmem:s18+$0x1460] =	vst v60  }
0x16c: {  	s16 =	sadd.s32 $0x1, s16;
	[tilespmem:s18+$0x1450] =	vst v1;
	v1 =	vperm.xlane v3, v0  }
0x16d: {  	p0 =	sne.s32 s16, $0x8;
	[tilespmem:s18+$0x1440] =	vst v63;
	v3 =	vperm.xlane v59, v0  }
.Ltmp3:
0x16e: {  	[tilespmem:s18+$0x850] =	vst v1;
	v1 =	vperm.xlane v61, v0;
	(pc) =	sbr.rel @p0 .LBB2_2-.Ltmp3, $4  }
0x16f: {  	[tilespmem:s18+$0x860] =	vst v3;
	v3 =	vperm.xlane v62, v0  }
0x170: {  	[tilespmem:s18+$0x870] =	vst v1  }
0x171: {  	s17 =	sadd.s32 s2, s17;
	[tilespmem:s18+$0x10] =	vst v3  }
0x172: {  	[hbm4b:s17+s4] =	stream.linear.scatter [tilespmem:s10], [sflag:$0x6], $0x9000, $0x38;
	[tilespmem:$0x1B000] =	vst v63  }
0x173: {  	_ =	swait.ge [sflag:s12], $0x9000  }
0x174: {  	[sflag:s12] =	ssyncset.done $0x0  }
0x175: {  	s15 =	sadd.s32 $0x1, s15;
	[sflag:s12] =	ssyncadd.s32 $0xFFFF7000  }
0x176: {  	p0 =	sne.s32 s15, s6;
	_ =	swait.ge [sflag:s13], $0x9000  }
.Ltmp4:
0x177: {  	[sflag:s13] =	ssyncset.done $0x0;
	(pc) =	sbr.rel @p0 .LBB2_1-.Ltmp4, $4  }
0x178: {  	[sflag:s13] =	ssyncadd.s32 $0xFFFF7000  }
0x179: {  	_ =	swait.ge [sflag:s14], $0x9000  }
0x17a: {  	[sflag:s14] =	ssyncset.done $0x0  }
0x17b: {  	[sflag:s14] =	ssyncadd.s32 $0xFFFF7000  }
0x17c: {  	_ =	sfence.sel $0x180000  }
0x17d: {  	[bflag:$0x0] =	sbarrier.arrive $0xFFFF  }
0x17e: {  	p0 =	sne.s32 s3, $0x0;
	_ =	strace $0x90000047  }
0x17f: {  	s0 =	sadd.s32 @!p0 $0x100000, s0;
	[bflag:$0x2] =	sbarrier.arrive $0xFFFF  }
0x180: {  	[sflag:s0] =	ssyncadd.tile.s32 @!p0 $0x1;
	_ =	shalt  }
.Lfunc_end2:
_tile_overlayer_lowered:
.L_overlay_start_2:
0x181: {  	(tag) =	ssettag $0x2  }
0x182: {  	s0 =	rddreg [dreg:$0x0];
	s2 =	stileid.u32  }
0x183: {  	s1 =	rddreg [dreg:$0x1];
	p0 =	sne.s32 s2, $0x0  }
0x184: {  	s3 =	rddreg [dreg:$0x2];
	[bflag:$0x3] =	sbarrier.arrive $0xFFFF;
	s2 =	simm.s32 @!p0 $0x1C07  }
0x185: {  	[timem:s3], [sflag:s2] =	dma.local @!p0 [hbm:s0], s1  }
0x186: {  	s0 =	simm.s32 @!p0 $0x7  }
0x187: {  	_ =	swait.ge @!p0 [sflag:s0], s1  }
0x188: {  	s1 =	ssub.s32 @!p0 $0x0, s1;
	[sflag:s0] =	ssyncset.done @!p0 $0x0  }
0x189: {  	[sflag:s0] =	ssyncadd.s32 @!p0 s1  }
0x18a: {  	[bflag:$0x3] =	sbarrier.arrive $0xFFFF  }
0x18b: {  	_ =	shalt  }

</sc_bundles>
